<compile_context>
chip_gen: v7x
topology: tpu7x:2x2x1
jax: 0.10.2.dev20260603
libtpu: 0.0.44.dev20260713+nightly
codegen_flags: <defaults>
</compile_context>

<pallas_src>
import functools

import jax
import jax.numpy as jnp
from jax import lax
from jax.experimental import pallas as pl
from jax.experimental.pallas import tpu as pltpu
from jax.experimental.pallas import tpu_sc as plsc

F32 = jnp.float32



def _edge_proj_body(ea_ref, we_ref, be_ref, out_ref):
  out_ref[...] = (
      jnp.dot(ea_ref[...], we_ref[...], preferred_element_type=F32)
      + be_ref[...]
  )


def _edge_proj(edge_attr, We_l, be_l):
  E, K = edge_attr.shape
  H = We_l.shape[1]
  BE = 3072
  assert E % BE == 0
  grid = E // BE
  return pl.pallas_call(
      _edge_proj_body,
      grid=(grid,),
      in_specs=[
          pl.BlockSpec((BE, K), lambda i: (i, 0)),
          pl.BlockSpec((K, H), lambda i: (0, 0)),
          pl.BlockSpec((1, H), lambda i: (0, 0)),
      ],
      out_specs=pl.BlockSpec((BE, H), lambda i: (i, 0)),
      out_shape=jax.ShapeDtypeStruct((E, H), F32),
  )(edge_attr, We_l, be_l.reshape(1, H))


def _node_update_body(relu_out, h_ref, a0_ref, a1_ref, w1_ref, b1_ref,
                      w2_ref, b2_ref, out_ref):
  z = h_ref[...] + a0_ref[...] + a1_ref[...]
  z = jnp.maximum(
      jnp.dot(z, w1_ref[...], preferred_element_type=F32) + b1_ref[...], 0.0)
  z = jnp.dot(z, w2_ref[...], preferred_element_type=F32) + b2_ref[...]
  if relu_out:
    z = jnp.maximum(z, 0.0)
  out_ref[...] = z


def _node_update(h, a0, a1, W1_l, b1_l, W2_l, b2_l, relu_out):
  N, H = h.shape
  BN = 2000
  grid = N // BN
  row_spec = pl.BlockSpec((BN, H), lambda i: (i, 0))
  mat_spec = pl.BlockSpec((H, H), lambda i: (0, 0))
  vec_spec = pl.BlockSpec((1, H), lambda i: (0, 0))
  return pl.pallas_call(
      functools.partial(_node_update_body, relu_out),
      grid=(grid,),
      in_specs=[row_spec, row_spec, row_spec, mat_spec, vec_spec,
                mat_spec, vec_spec],
      out_specs=row_spec,
      out_shape=jax.ShapeDtypeStruct((N, H), F32),
  )(h, a0, a1, W1_l, b1_l.reshape(1, H), W2_l, b2_l.reshape(1, H))



_NC, _NS = 2, 16
_NW = _NC * _NS
_CHUNK = 96


def _make_sc_edge_pass(N, E_pad, H, NCH):
  EW = NCH * _CHUNK
  assert EW * _NW == E_pad and NCH % 2 == 0
  rows_per_tile = ((N + _NS - 1) // _NS + 7) // 8 * 8
  N_pad = rows_per_tile * _NS
  assert N_pad >= N + 1
  NP2 = NCH // 2

  def body(h_hbm, e_hbm, idx_hbm, zeros_hbm, out_hbm,
           acc_sh, rows0, rows1, ev0, ev1,
           idxl0, idxl1, dsts0, dsts1,
           sem_i0, sem_i1, sem_g0, sem_g1, sem_e0, sem_e1, sem_s0, sem_s1):
    c = lax.axis_index("c")
    s = lax.axis_index("s")
    wid = s * _NC + c
    ebase = wid * EW

    rows = (rows0, rows1)
    ev = (ev0, ev1)
    idxl = (idxl0, idxl1)
    dsts = (dsts0, dsts1)
    sem_i = (sem_i0, sem_i1)
    sem_g = (sem_g0, sem_g1)
    sem_e = (sem_e0, sem_e1)
    sem_s = (sem_s0, sem_s1)

    pltpu.sync_copy(zeros_hbm.at[pl.ds(s * rows_per_tile, rows_per_tile)],
                    acc_sh.at[pl.ds(s * rows_per_tile, rows_per_tile)])
    plsc.subcore_barrier()

    def issue_idx(j, p):
      base = (wid * NCH + j) * (2 * _CHUNK)
      pltpu.async_copy(idx_hbm.at[pl.ds(base, 2 * _CHUNK)], idxl[p], sem_i[p])

    def wait_idx(p):
      pltpu.make_async_copy(idx_hbm.at[pl.ds(0, 2 * _CHUNK)], idxl[p],
                            sem_i[p]).wait()

    _HC = _CHUNK // 2

    def issue_inputs(j, p):
      pltpu.async_copy(h_hbm.at[idxl[p].at[pl.ds(0, _HC)]],
                       rows[p].at[pl.ds(0, _HC)], sem_g[p])
      pltpu.async_copy(h_hbm.at[idxl[p].at[pl.ds(_HC, _HC)]],
                       rows[p].at[pl.ds(_HC, _HC)], sem_g[p])
      pltpu.async_copy(e_hbm.at[pl.ds(ebase + j * _CHUNK, _CHUNK)],
                       ev[p], sem_e[p])

    def wait_inputs(p):
      pltpu.make_async_copy(e_hbm.at[pl.ds(0, _CHUNK)], rows[p],
                            sem_g[p]).wait()
      pltpu.make_async_copy(e_hbm.at[pl.ds(0, _CHUNK)], ev[p],
                            sem_e[p]).wait()

    def compute(p):
      rp, ep = rows[p], ev[p]

      @plsc.parallel_loop(0, _CHUNK, step=1, unroll=4)
      def _(b):
        for jj in range(H // 16):
          sl = pl.ds(jj * 16, 16)
          rp[b, sl] = jnp.maximum(rp[b, sl] + ep[b, sl], 0.0)

    def save_dst(p):
      for g in range(_CHUNK // 16):
        dsts[p][pl.ds(g * 16, 16)] = idxl[p][pl.ds(_CHUNK + g * 16, 16)]

    def issue_scatter(p):
      pltpu.async_copy(rows[p], acc_sh.at[dsts[p]], sem_s[p], add=True)

    def wait_scatter(p):
      pltpu.make_async_copy(rows[p], acc_sh.at[dsts[p]], sem_s[p]).wait()

    def step(j0, it, p):
      q = 1 - p
      j = j0 + p
      wait_inputs(p)
      save_dst(p)

      def _idx2():
        issue_idx(j + 2, p)
      pl.when(it < NP2 - 1)(_idx2)
      compute(p)
      if p == 0:
        pl.when(it > 0)(lambda: wait_scatter(q))
      else:
        wait_scatter(q)

      def _next_inputs():
        wait_idx(q)
        issue_inputs(j + 1, q)
      if p == 0:
        _next_inputs()
      else:
        pl.when(it < NP2 - 1)(_next_inputs)
      issue_scatter(p)

    issue_idx(0, 0)
    issue_idx(1, 1)
    wait_idx(0)
    issue_inputs(0, 0)

    def pair(it, carry):
      j0 = 2 * it
      step(j0, it, 0)
      step(j0, it, 1)
      return carry
    lax.fori_loop(0, NP2, pair, 0)
    wait_scatter(1)

    plsc.subcore_barrier()
    pltpu.sync_copy(acc_sh.at[pl.ds(s * rows_per_tile, rows_per_tile)],
                    out_hbm.at[c, pl.ds(s * rows_per_tile, rows_per_tile)])

  mesh = plsc.VectorSubcoreMesh(core_axis_name="c", subcore_axis_name="s")
  scratch = [
      pltpu.VMEM_SHARED((N_pad, H), F32),
      pltpu.VMEM((_CHUNK, H), F32),
      pltpu.VMEM((_CHUNK, H), F32),
      pltpu.VMEM((_CHUNK, H), F32),
      pltpu.VMEM((_CHUNK, H), F32),
      pltpu.VMEM((2 * _CHUNK,), jnp.int32),
      pltpu.VMEM((2 * _CHUNK,), jnp.int32),
      pltpu.VMEM((_CHUNK,), jnp.int32),
      pltpu.VMEM((_CHUNK,), jnp.int32),
  ] + [pltpu.SemaphoreType.DMA] * 8
  return pl.kernel(
      body,
      out_type=jax.ShapeDtypeStruct((_NC, N_pad, H), F32),
      mesh=mesh,
      scratch_types=scratch,
  ), N_pad



def kernel(x, edge_index, edge_attr, We, be, W1, b1, W2, b2):
  N, H = x.shape[0], We.shape[2]
  E, K = edge_attr.shape
  grain = _NW * _CHUNK * 2
  E_pad = (E + grain - 1) // grain * grain
  NCH = E_pad // (_NW * _CHUNK)
  n_extra = E_pad - E

  sc_edge_pass, N_pad = _make_sc_edge_pass(N, E_pad, H, NCH)

  src = edge_index[0].astype(jnp.int32)
  dst = edge_index[1].astype(jnp.int32)
  if n_extra:
    trash = N + jnp.arange(n_extra, dtype=jnp.int32) % (N_pad - N)
    src = jnp.concatenate([src, jnp.zeros((n_extra,), jnp.int32)])
    dst = jnp.concatenate([dst, trash])
    edge_attr = jnp.concatenate(
        [edge_attr, jnp.zeros((n_extra, K), edge_attr.dtype)])
  nchunks_tot = E_pad // _CHUNK
  idx_il = jnp.stack([src.reshape(nchunks_tot, _CHUNK),
                      dst.reshape(nchunks_tot, _CHUNK)], axis=1).reshape(-1)
  zeros = jnp.zeros((N_pad, H), dtype=F32)

  num_layers = We.shape[0]
  h = x
  e = _edge_proj(edge_attr, We[0], be[0])
  for l in range(num_layers):
    agg = sc_edge_pass(h, e, idx_il, zeros)
    if l + 1 < num_layers:
      e = _edge_proj(edge_attr, We[l + 1], be[l + 1])
    h = _node_update(h, agg[0, :N], agg[1, :N], W1[l], b1[l], W2[l], b2[l],
                     relu_out=(l < num_layers - 1))
  return h

# --- scband reference (transcript-rebuilt; emitter-appended) ---
"""Pipeline reference for scband-subgraph-gnnencoder-71433896067561 (READ-ONLY COPY).

The authoritative reference and input builder live on the scoring server;
editing this copy changes nothing except your own understanding.
"""

import jax, jax.numpy as jnp
import numpy as np

N, E, D_IN, D_EDGE, H, L = 10000, 320000, 128, 16, 128, 3

def setup_inputs(seed: int = 0) -> dict:
    key = jax.random.key(seed)
    ks = jax.random.split(key, 9)
    x = jax.random.normal(ks[0], (N, D_IN), dtype=jnp.float32)
    edge_index = jax.random.randint(ks[1], (2, E), 0, N)
    edge_attr = jax.random.normal(ks[2], (E, D_EDGE), dtype=jnp.float32)
    # learned params: per-layer edge projection + 2-layer node MLP (mlp_layers=2)
    We = 0.1 * jax.random.normal(ks[3], (L, D_EDGE, H), dtype=jnp.float32)
    be = jnp.zeros((L, H), dtype=jnp.float32)
    W1 = 0.1 * jax.random.normal(ks[4], (L, H, H), dtype=jnp.float32)
    b1 = jnp.zeros((L, H), dtype=jnp.float32)
    W2 = 0.1 * jax.random.normal(ks[5], (L, H, H), dtype=jnp.float32)
    b2 = jnp.zeros((L, H), dtype=jnp.float32)
    return {"x": x, "edge_index": edge_index, "edge_attr": edge_attr,
            "We": We, "be": be, "W1": W1, "b1": b1, "W2": W2, "b2": b2}

def reference(x, edge_index, edge_attr, We, be, W1, b1, W2, b2):
    # GINE-style symmetric message passing encoder: [N, in_dim] -> [N, out_dim]
    src = edge_index[0]
    dst = edge_index[1]
    h = x
    num_layers = We.shape[0]
    for l in range(num_layers):
        e = edge_attr @ We[l] + be[l]                      # edge feature projection [E, H]
        m = jax.nn.relu(h[src] + e)                        # gather source node states + edge emb
        agg = jax.ops.segment_sum(m, dst, num_segments=h.shape[0])  # scatter-add to dst nodes
        z = h + agg                                        # GIN update with eps=0
        z = jax.nn.relu(z @ W1[l] + b1[l])                 # node MLP layer 1
        z = z @ W2[l] + b2[l]                              # node MLP layer 2
        if l < num_layers - 1:
            h = jax.nn.relu(z)                             # dropout=0.0 -> identity
        else:
            h = z
    return h

if __name__ == "__main__":
    import jax
    _d = setup_inputs()
    print(jax.jit(kernel)(*tuple(_d.values())))

</pallas_src>

<mosaic_0001>
#map = affine_map<(d0, d1) -> (0, 0)>
#map1 = affine_map<(d0, d1) -> (0)>
#map2 = affine_map<(d0, d1) -> (0, 0, 0)>
module attributes {stable_mosaic.version = 14 : i64} {
  func.func @body(%arg0: i32, %arg1: i32, %arg2: memref<10000x128xf32, #tpu.memory_space<hbm>>, %arg3: memref<325632x128xf32, #tpu.memory_space<hbm>>, %arg4: memref<651264xi32, #tpu.memory_space<hbm>>, %arg5: memref<10112x128xf32, #tpu.memory_space<hbm>>, %arg6: memref<2x10112x128xf32, #tpu.memory_space<hbm>>, %arg7: memref<10112x128xf32, #tpu.memory_space<vmem_shared>>, %arg8: memref<96x128xf32, #tpu.memory_space<vmem>>, %arg9: memref<96x128xf32, #tpu.memory_space<vmem>>, %arg10: memref<96x128xf32, #tpu.memory_space<vmem>>, %arg11: memref<96x128xf32, #tpu.memory_space<vmem>>, %arg12: memref<192xi32, #tpu.memory_space<vmem>>, %arg13: memref<192xi32, #tpu.memory_space<vmem>>, %arg14: memref<96xi32, #tpu.memory_space<vmem>>, %arg15: memref<96xi32, #tpu.memory_space<vmem>>, %arg16: memref<!tpu.dma_semaphore, #tpu.memory_space<semaphore_mem>>, %arg17: memref<!tpu.dma_semaphore, #tpu.memory_space<semaphore_mem>>, %arg18: memref<!tpu.dma_semaphore, #tpu.memory_space<semaphore_mem>>, %arg19: memref<!tpu.dma_semaphore, #tpu.memory_space<semaphore_mem>>, %arg20: memref<!tpu.dma_semaphore, #tpu.memory_space<semaphore_mem>>, %arg21: memref<!tpu.dma_semaphore, #tpu.memory_space<semaphore_mem>>, %arg22: memref<!tpu.dma_semaphore, #tpu.memory_space<semaphore_mem>>, %arg23: memref<!tpu.dma_semaphore, #tpu.memory_space<semaphore_mem>>) attributes {dimension_semantics = [#tpu.dimension_semantics<core_parallel>, #tpu.dimension_semantics<subcore_parallel>], iteration_bounds = array<i64: 2, 16>, scalar_prefetch = 0 : i64, scratch_operands = 17 : i64, tpu.core_type = #tpu.core_type<sc_vector_subcore>, window_params = [{transform_indices = #map}, {transform_indices = #map}, {transform_indices = #map1}, {transform_indices = #map}, {transform_indices = #map2}]} {
    %mul3A = arith.constant 2 : i32
    %mul3A_0 = arith.muli %arg1, %mul3A : i32
    %add3A = arith.addi %mul3A_0, %arg0 : i32
    %mul3A_1 = arith.constant 10176 : i32
    %mul3A_2 = arith.muli %add3A, %mul3A_1 : i32
    %mul3A_3 = arith.constant 632 : i32
    %mul3A_4 = arith.muli %arg1, %mul3A_3 : i32
    %mul3A_5 = arith.constant 632 : i32
    %mul3A_6 = arith.muli %arg1, %mul3A_5 : i32
    "tpu.region"() ({
      %run_scoped3A = tpu.sem_alloc : memref<!tpu.dma_semaphore, #tpu.memory_space<semaphore_mem>>
      %dma_start3A_60 = arith.constant 0 : i32
      %dma_start3A_61 = tpu.memref_slice %arg7[%mul3A_6, %dma_start3A_60] : memref<10112x128xf32, #tpu.memory_space<vmem_shared>> -> memref<632x128xf32, #tpu.memory_space<vmem_shared>>
      %dma_start3A_62 = arith.constant 0 : i32
      %dma_start3A_63 = tpu.memref_slice %arg5[%mul3A_4, %dma_start3A_62] : memref<10112x128xf32, #tpu.memory_space<hbm>> -> memref<632x128xf32, #tpu.memory_space<hbm>>
      tpu.enqueue_dma source(%dma_start3A_63 : memref<632x128xf32, #tpu.memory_space<hbm>>) target(%dma_start3A_61 : memref<632x128xf32, #tpu.memory_space<vmem_shared>>) target_semaphore(%run_scoped3A : memref<!tpu.dma_semaphore, #tpu.memory_space<semaphore_mem>>)
      %dma_wait3A_64 = arith.constant 0 : i32
      %dma_wait3A_65 = tpu.memref_slice %arg7[%mul3A_6, %dma_wait3A_64] : memref<10112x128xf32, #tpu.memory_space<vmem_shared>> -> memref<632x128xf32, #tpu.memory_space<vmem_shared>>
      %dma_wait3A_66 = arith.constant 0 : i32
      %dma_wait3A_67 = tpu.memref_slice %arg5[%mul3A_4, %dma_wait3A_66] : memref<10112x128xf32, #tpu.memory_space<hbm>> -> memref<632x128xf32, #tpu.memory_space<hbm>>
      tpu.wait_dma2 semaphore(%run_scoped3A : memref<!tpu.dma_semaphore, #tpu.memory_space<semaphore_mem>>) src(%dma_wait3A_67 : memref<632x128xf32, #tpu.memory_space<hbm>>) dst(%dma_wait3A_65 : memref<632x128xf32, #tpu.memory_space<vmem_shared>>)
      tpu.yield
    }) : () -> ()
    %barrier3A = arith.constant 0 : index
    tpu.barrier barrier_id(%barrier3A)
    %mul3A_7 = arith.constant 106 : i32
    %mul3A_8 = arith.muli %add3A, %mul3A_7 : i32
    %add3A_9 = arith.constant 0 : i32
    %add3A_10 = arith.addi %mul3A_8, %add3A_9 : i32
    %mul3A_11 = arith.constant 192 : i32
    %mul3A_12 = arith.muli %add3A_10, %mul3A_11 : i32
    %dma_start3A = tpu.memref_slice %arg4[%mul3A_12] : memref<651264xi32, #tpu.memory_space<hbm>> -> memref<192xi32, #tpu.memory_space<hbm>>
    %dma_start3A_13 = tpu.memref_slice %arg4[%mul3A_12] : memref<651264xi32, #tpu.memory_space<hbm>> -> memref<192xi32, #tpu.memory_space<hbm>>
    tpu.enqueue_dma source(%dma_start3A_13 : memref<192xi32, #tpu.memory_space<hbm>>) target(%arg12 : memref<192xi32, #tpu.memory_space<vmem>>) target_semaphore(%arg16 : memref<!tpu.dma_semaphore, #tpu.memory_space<semaphore_mem>>)
    %mul3A_14 = arith.constant 106 : i32
    %mul3A_15 = arith.muli %add3A, %mul3A_14 : i32
    %add3A_16 = arith.constant 1 : i32
    %add3A_17 = arith.addi %mul3A_15, %add3A_16 : i32
    %mul3A_18 = arith.constant 192 : i32
    %mul3A_19 = arith.muli %add3A_17, %mul3A_18 : i32
    %dma_start3A_20 = tpu.memref_slice %arg4[%mul3A_19] : memref<651264xi32, #tpu.memory_space<hbm>> -> memref<192xi32, #tpu.memory_space<hbm>>
    %dma_start3A_21 = tpu.memref_slice %arg4[%mul3A_19] : memref<651264xi32, #tpu.memory_space<hbm>> -> memref<192xi32, #tpu.memory_space<hbm>>
    tpu.enqueue_dma source(%dma_start3A_21 : memref<192xi32, #tpu.memory_space<hbm>>) target(%arg13 : memref<192xi32, #tpu.memory_space<vmem>>) target_semaphore(%arg17 : memref<!tpu.dma_semaphore, #tpu.memory_space<semaphore_mem>>)
    %dma_wait3A = arith.constant 0 : i32
    %dma_wait3A_22 = tpu.memref_slice %arg4[%dma_wait3A] : memref<651264xi32, #tpu.memory_space<hbm>> -> memref<192xi32, #tpu.memory_space<hbm>>
    %dma_wait3A_23 = arith.constant 0 : i32
    %dma_wait3A_24 = tpu.memref_slice %arg4[%dma_wait3A_23] : memref<651264xi32, #tpu.memory_space<hbm>> -> memref<192xi32, #tpu.memory_space<hbm>>
    tpu.wait_dma2 semaphore(%arg16 : memref<!tpu.dma_semaphore, #tpu.memory_space<semaphore_mem>>) src(%dma_wait3A_24 : memref<192xi32, #tpu.memory_space<hbm>>) dst(%arg12 : memref<192xi32, #tpu.memory_space<vmem>>)
    %dma_start3A_25 = arith.constant 0 : i32
    %dma_start3A_26 = arith.constant 0 : i32
    %dma_start3A_27 = tpu.memref_slice %arg8[%dma_start3A_25, %dma_start3A_26] : memref<96x128xf32, #tpu.memory_space<vmem>> -> memref<48x128xf32, #tpu.memory_space<vmem>>
    %dma_start3A_28 = arith.constant 0 : i32
    %dma_start3A_29 = tpu.memref_slice %arg12[%dma_start3A_28] : memref<192xi32, #tpu.memory_space<vmem>> -> memref<48xi32, #tpu.memory_space<vmem>>
    %dma_start3A_30 = arith.constant 0 : i32
    %dma_start3A_31 = arith.constant 0 : i32
    %dma_start3A_32 = tpu.memref_slice %arg2[%dma_start3A_30, %dma_start3A_31] : memref<10000x128xf32, #tpu.memory_space<hbm>> -> memref<10000x128xf32, #tpu.memory_space<hbm>>
    tpu.enqueue_indirect_dma source(%dma_start3A_32 : memref<10000x128xf32, #tpu.memory_space<hbm>>) target(%dma_start3A_27 : memref<48x128xf32, #tpu.memory_space<vmem>>) offsets(%dma_start3A_29 : memref<48xi32, #tpu.memory_space<vmem>>) semaphore(%arg18 : memref<!tpu.dma_semaphore, #tpu.memory_space<semaphore_mem>>)
    %dma_start3A_33 = arith.constant 48 : i32
    %dma_start3A_34 = arith.constant 0 : i32
    %dma_start3A_35 = tpu.memref_slice %arg8[%dma_start3A_33, %dma_start3A_34] : memref<96x128xf32, #tpu.memory_space<vmem>> -> memref<48x128xf32, #tpu.memory_space<vmem>>
    %dma_start3A_36 = arith.constant 48 : i32
    %dma_start3A_37 = tpu.memref_slice %arg12[%dma_start3A_36] : memref<192xi32, #tpu.memory_space<vmem>> -> memref<48xi32, #tpu.memory_space<vmem>>
    %dma_start3A_38 = arith.constant 0 : i32
    %dma_start3A_39 = arith.constant 0 : i32
    %dma_start3A_40 = tpu.memref_slice %arg2[%dma_start3A_38, %dma_start3A_39] : memref<10000x128xf32, #tpu.memory_space<hbm>> -> memref<10000x128xf32, #tpu.memory_space<hbm>>
    tpu.enqueue_indirect_dma source(%dma_start3A_40 : memref<10000x128xf32, #tpu.memory_space<hbm>>) target(%dma_start3A_35 : memref<48x128xf32, #tpu.memory_space<vmem>>) offsets(%dma_start3A_37 : memref<48xi32, #tpu.memory_space<vmem>>) semaphore(%arg18 : memref<!tpu.dma_semaphore, #tpu.memory_space<semaphore_mem>>)
    %add3A_41 = arith.constant 0 : i32
    %add3A_42 = arith.addi %mul3A_2, %add3A_41 : i32
    %dma_start3A_43 = arith.constant 0 : i32
    %dma_start3A_44 = tpu.memref_slice %arg3[%add3A_42, %dma_start3A_43] : memref<325632x128xf32, #tpu.memory_space<hbm>> -> memref<96x128xf32, #tpu.memory_space<hbm>>
    %dma_start3A_45 = arith.constant 0 : i32
    %dma_start3A_46 = tpu.memref_slice %arg3[%add3A_42, %dma_start3A_45] : memref<325632x128xf32, #tpu.memory_space<hbm>> -> memref<96x128xf32, #tpu.memory_space<hbm>>
    tpu.enqueue_dma source(%dma_start3A_46 : memref<96x128xf32, #tpu.memory_space<hbm>>) target(%arg10 : memref<96x128xf32, #tpu.memory_space<vmem>>) target_semaphore(%arg20 : memref<!tpu.dma_semaphore, #tpu.memory_space<semaphore_mem>>)
    %scan3A = arith.constant 0 : i32
    %scan3A_47 = arith.constant 0 : i32
    %scan3A_48 = arith.constant 53 : i32
    %scan3A_49 = arith.addi %scan3A_47, %scan3A_48 : i32
    %scan3A_50 = arith.constant 1 : i32
    scf.for %scan3A_60 = %scan3A_47 to %scan3A_49 step %scan3A_50  : i32 {
      %mul3A_61 = arith.constant 2 : i32
      %mul3A_62 = arith.muli %mul3A_61, %scan3A_60 : i32
      %add3A_63 = arith.constant 0 : i32
      %add3A_64 = arith.addi %mul3A_62, %add3A_63 : i32
      %dma_wait3A_65 = arith.constant 0 : i32
      %dma_wait3A_66 = arith.constant 0 : i32
      %dma_wait3A_67 = tpu.memref_slice %arg3[%dma_wait3A_65, %dma_wait3A_66] : memref<325632x128xf32, #tpu.memory_space<hbm>> -> memref<96x128xf32, #tpu.memory_space<hbm>>
      %dma_wait3A_68 = arith.constant 0 : i32
      %dma_wait3A_69 = arith.constant 0 : i32
      %dma_wait3A_70 = tpu.memref_slice %arg3[%dma_wait3A_68, %dma_wait3A_69] : memref<325632x128xf32, #tpu.memory_space<hbm>> -> memref<96x128xf32, #tpu.memory_space<hbm>>
      tpu.wait_dma2 semaphore(%arg18 : memref<!tpu.dma_semaphore, #tpu.memory_space<semaphore_mem>>) src(%dma_wait3A_70 : memref<96x128xf32, #tpu.memory_space<hbm>>) dst(%arg8 : memref<96x128xf32, #tpu.memory_space<vmem>>)
      %dma_wait3A_71 = arith.constant 0 : i32
      %dma_wait3A_72 = arith.constant 0 : i32
      %dma_wait3A_73 = tpu.memref_slice %arg3[%dma_wait3A_71, %dma_wait3A_72] : memref<325632x128xf32, #tpu.memory_space<hbm>> -> memref<96x128xf32, #tpu.memory_space<hbm>>
      %dma_wait3A_74 = arith.constant 0 : i32
      %dma_wait3A_75 = arith.constant 0 : i32
      %dma_wait3A_76 = tpu.memref_slice %arg3[%dma_wait3A_74, %dma_wait3A_75] : memref<325632x128xf32, #tpu.memory_space<hbm>> -> memref<96x128xf32, #tpu.memory_space<hbm>>
      tpu.wait_dma2 semaphore(%arg20 : memref<!tpu.dma_semaphore, #tpu.memory_space<semaphore_mem>>) src(%dma_wait3A_76 : memref<96x128xf32, #tpu.memory_space<hbm>>) dst(%arg10 : memref<96x128xf32, #tpu.memory_space<vmem>>)
      %get3A = arith.constant 96 : index
      %get3A_77 = tpu.vector_load %arg12[%get3A] {strides = array<i32>} : memref<192xi32, #tpu.memory_space<vmem>>, vector<16xi32>,
      %get3A_78 = vector.shape_cast %get3A_77 : vector<16xi32> to vector<16xi32>
      %swap3A = arith.constant 0 : index
      %swap3A_79 = tpu.vector_load %arg14[%swap3A] {strides = array<i32>} : memref<96xi32, #tpu.memory_space<vmem>>, vector<16xi32>,
      %swap3A_80 = vector.shape_cast %swap3A_79 : vector<16xi32> to vector<16xi32>
      %swap3A_81 = vector.shape_cast %get3A_78 : vector<16xi32> to vector<16xi32>
      tpu.vector_store %arg14[%swap3A], %swap3A_81 {strides = array<i32>} : memref<96xi32, #tpu.memory_space<vmem>>, vector<16xi32>,
      %get3A_82 = arith.constant 112 : index
      %get3A_83 = tpu.vector_load %arg12[%get3A_82] {strides = array<i32>} : memref<192xi32, #tpu.memory_space<vmem>>, vector<16xi32>,
      %get3A_84 = vector.shape_cast %get3A_83 : vector<16xi32> to vector<16xi32>
      %swap3A_85 = arith.constant 16 : index
      %swap3A_86 = tpu.vector_load %arg14[%swap3A_85] {strides = array<i32>} : memref<96xi32, #tpu.memory_space<vmem>>, vector<16xi32>,
      %swap3A_87 = vector.shape_cast %swap3A_86 : vector<16xi32> to vector<16xi32>
      %swap3A_88 = vector.shape_cast %get3A_84 : vector<16xi32> to vector<16xi32>
      tpu.vector_store %arg14[%swap3A_85], %swap3A_88 {strides = array<i32>} : memref<96xi32, #tpu.memory_space<vmem>>, vector<16xi32>,
      %get3A_89 = arith.constant 128 : index
      %get3A_90 = tpu.vector_load %arg12[%get3A_89] {strides = array<i32>} : memref<192xi32, #tpu.memory_space<vmem>>, vector<16xi32>,
      %get3A_91 = vector.shape_cast %get3A_90 : vector<16xi32> to vector<16xi32>
      %swap3A_92 = arith.constant 32 : index
      %swap3A_93 = tpu.vector_load %arg14[%swap3A_92] {strides = array<i32>} : memref<96xi32, #tpu.memory_space<vmem>>, vector<16xi32>,
      %swap3A_94 = vector.shape_cast %swap3A_93 : vector<16xi32> to vector<16xi32>
      %swap3A_95 = vector.shape_cast %get3A_91 : vector<16xi32> to vector<16xi32>
      tpu.vector_store %arg14[%swap3A_92], %swap3A_95 {strides = array<i32>} : memref<96xi32, #tpu.memory_space<vmem>>, vector<16xi32>,
      %get3A_96 = arith.constant 144 : index
      %get3A_97 = tpu.vector_load %arg12[%get3A_96] {strides = array<i32>} : memref<192xi32, #tpu.memory_space<vmem>>, vector<16xi32>,
      %get3A_98 = vector.shape_cast %get3A_97 : vector<16xi32> to vector<16xi32>
      %swap3A_99 = arith.constant 48 : index
      %swap3A_100 = tpu.vector_load %arg14[%swap3A_99] {strides = array<i32>} : memref<96xi32, #tpu.memory_space<vmem>>, vector<16xi32>,
      %swap3A_101 = vector.shape_cast %swap3A_100 : vector<16xi32> to vector<16xi32>
      %swap3A_102 = vector.shape_cast %get3A_98 : vector<16xi32> to vector<16xi32>
      tpu.vector_store %arg14[%swap3A_99], %swap3A_102 {strides = array<i32>} : memref<96xi32, #tpu.memory_space<vmem>>, vector<16xi32>,
      %get3A_103 = arith.constant 160 : index
      %get3A_104 = tpu.vector_load %arg12[%get3A_103] {strides = array<i32>} : memref<192xi32, #tpu.memory_space<vmem>>, vector<16xi32>,
      %get3A_105 = vector.shape_cast %get3A_104 : vector<16xi32> to vector<16xi32>
      %swap3A_106 = arith.constant 64 : index
      %swap3A_107 = tpu.vector_load %arg14[%swap3A_106] {strides = array<i32>} : memref<96xi32, #tpu.memory_space<vmem>>, vector<16xi32>,
      %swap3A_108 = vector.shape_cast %swap3A_107 : vector<16xi32> to vector<16xi32>
      %swap3A_109 = vector.shape_cast %get3A_105 : vector<16xi32> to vector<16xi32>
      tpu.vector_store %arg14[%swap3A_106], %swap3A_109 {strides = array<i32>} : memref<96xi32, #tpu.memory_space<vmem>>, vector<16xi32>,
      %get3A_110 = arith.constant 176 : index
      %get3A_111 = tpu.vector_load %arg12[%get3A_110] {strides = array<i32>} : memref<192xi32, #tpu.memory_space<vmem>>, vector<16xi32>,
      %get3A_112 = vector.shape_cast %get3A_111 : vector<16xi32> to vector<16xi32>
      %swap3A_113 = arith.constant 80 : index
      %swap3A_114 = tpu.vector_load %arg14[%swap3A_113] {strides = array<i32>} : memref<96xi32, #tpu.memory_space<vmem>>, vector<16xi32>,
      %swap3A_115 = vector.shape_cast %swap3A_114 : vector<16xi32> to vector<16xi32>
      %swap3A_116 = vector.shape_cast %get3A_112 : vector<16xi32> to vector<16xi32>
      tpu.vector_store %arg14[%swap3A_113], %swap3A_116 {strides = array<i32>} : memref<96xi32, #tpu.memory_space<vmem>>, vector<16xi32>,
      %lt3A = arith.constant 52 : i32
      %lt3A_117 = arith.cmpi slt, %scan3A_60, %lt3A : i32
      %convert_element_type3A = arith.extui %lt3A_117 : i1 to i32
      %cond3A = arith.constant 0 : i32
      %cond3A_118 = arith.cmpi ne, %convert_element_type3A, %cond3A : i32
      scf.if %cond3A_118 {
        %add3A_232 = arith.constant 2 : i32
        %add3A_233 = arith.addi %add3A_64, %add3A_232 : i32
        %mul3A_234 = arith.constant 106 : i32
        %mul3A_235 = arith.muli %add3A, %mul3A_234 : i32
        %add3A_236 = arith.addi %mul3A_235, %add3A_233 : i32
        %mul3A_237 = arith.constant 192 : i32
        %mul3A_238 = arith.muli %add3A_236, %mul3A_237 : i32
        %dma_start3A_239 = tpu.memref_slice %arg4[%mul3A_238] : memref<651264xi32, #tpu.memory_space<hbm>> -> memref<192xi32, #tpu.memory_space<hbm>>
        %dma_start3A_240 = tpu.memref_slice %arg4[%mul3A_238] : memref<651264xi32, #tpu.memory_space<hbm>> -> memref<192xi32, #tpu.memory_space<hbm>>
        tpu.enqueue_dma source(%dma_start3A_240 : memref<192xi32, #tpu.memory_space<hbm>>) target(%arg12 : memref<192xi32, #tpu.memory_space<vmem>>) target_semaphore(%arg16 : memref<!tpu.dma_semaphore, #tpu.memory_space<semaphore_mem>>)
      } else {
      }
      %parallel_loop3A = arith.constant 0 : i32
      %parallel_loop3A_119 = arith.constant 96 : i32
      %parallel_loop3A_120 = arith.constant 1 : i32
      scf.for %parallel_loop3A_232 = %parallel_loop3A to %parallel_loop3A_119 step %parallel_loop3A_120  : i32 {
        %parallel_loop3A_233 = arith.index_cast %parallel_loop3A_232 : i32 to index
        %parallel_loop3A_234 = arith.constant 0 : index
        %parallel_loop3A_235 = tpu.vector_load %arg8[%parallel_loop3A_233, %parallel_loop3A_234] {strides = array<i32>} : memref<96x128xf32, #tpu.memory_space<vmem>>, vector<1x16xf32>,
        %parallel_loop3A_236 = vector.shape_cast %parallel_loop3A_235 : vector<1x16xf32> to vector<16xf32>
        %parallel_loop3A_237 = arith.index_cast %parallel_loop3A_232 : i32 to index
        %parallel_loop3A_238 = arith.constant 0 : index
        %parallel_loop3A_239 = tpu.vector_load %arg10[%parallel_loop3A_237, %parallel_loop3A_238] {strides = array<i32>} : memref<96x128xf32, #tpu.memory_space<vmem>>, vector<1x16xf32>,
        %parallel_loop3A_240 = vector.shape_cast %parallel_loop3A_239 : vector<1x16xf32> to vector<16xf32>
        %parallel_loop3A_241 = arith.addf %parallel_loop3A_236, %parallel_loop3A_240 : vector<16xf32>
        %parallel_loop3A_242 = arith.constant 0.000000e+00 : f32
        %parallel_loop3A_243 = vector.broadcast %parallel_loop3A_242 : f32 to vector<16xf32>
        %parallel_loop3A_244 = arith.maximumf %parallel_loop3A_241, %parallel_loop3A_243 : vector<16xf32>
        %parallel_loop3A_245 = arith.index_cast %parallel_loop3A_232 : i32 to index
        %parallel_loop3A_246 = arith.constant 0 : index
        %parallel_loop3A_247 = tpu.vector_load %arg8[%parallel_loop3A_245, %parallel_loop3A_246] {strides = array<i32>} : memref<96x128xf32, #tpu.memory_space<vmem>>, vector<1x16xf32>,
        %parallel_loop3A_248 = vector.shape_cast %parallel_loop3A_247 : vector<1x16xf32> to vector<16xf32>
        %parallel_loop3A_249 = vector.shape_cast %parallel_loop3A_244 : vector<16xf32> to vector<1x16xf32>
        tpu.vector_store %arg8[%parallel_loop3A_245, %parallel_loop3A_246], %parallel_loop3A_249 {strides = array<i32>} : memref<96x128xf32, #tpu.memory_space<vmem>>, vector<1x16xf32>,
        %parallel_loop3A_250 = arith.index_cast %parallel_loop3A_232 : i32 to index
        %parallel_loop3A_251 = arith.constant 16 : index
        %parallel_loop3A_252 = tpu.vector_load %arg8[%parallel_loop3A_250, %parallel_loop3A_251] {strides = array<i32>} : memref<96x128xf32, #tpu.memory_space<vmem>>, vector<1x16xf32>,
        %parallel_loop3A_253 = vector.shape_cast %parallel_loop3A_252 : vector<1x16xf32> to vector<16xf32>
        %parallel_loop3A_254 = arith.index_cast %parallel_loop3A_232 : i32 to index
        %parallel_loop3A_255 = arith.constant 16 : index
        %parallel_loop3A_256 = tpu.vector_load %arg10[%parallel_loop3A_254, %parallel_loop3A_255] {strides = array<i32>} : memref<96x128xf32, #tpu.memory_space<vmem>>, vector<1x16xf32>,
        %parallel_loop3A_257 = vector.shape_cast %parallel_loop3A_256 : vector<1x16xf32> to vector<16xf32>
        %parallel_loop3A_258 = arith.addf %parallel_loop3A_253, %parallel_loop3A_257 : vector<16xf32>
        %parallel_loop3A_259 = arith.constant 0.000000e+00 : f32
        %parallel_loop3A_260 = vector.broadcast %parallel_loop3A_259 : f32 to vector<16xf32>
        %parallel_loop3A_261 = arith.maximumf %parallel_loop3A_258, %parallel_loop3A_260 : vector<16xf32>
        %parallel_loop3A_262 = arith.index_cast %parallel_loop3A_232 : i32 to index
        %parallel_loop3A_263 = arith.constant 16 : index
        %parallel_loop3A_264 = tpu.vector_load %arg8[%parallel_loop3A_262, %parallel_loop3A_263] {strides = array<i32>} : memref<96x128xf32, #tpu.memory_space<vmem>>, vector<1x16xf32>,
        %parallel_loop3A_265 = vector.shape_cast %parallel_loop3A_264 : vector<1x16xf32> to vector<16xf32>
        %parallel_loop3A_266 = vector.shape_cast %parallel_loop3A_261 : vector<16xf32> to vector<1x16xf32>
        tpu.vector_store %arg8[%parallel_loop3A_262, %parallel_loop3A_263], %parallel_loop3A_266 {strides = array<i32>} : memref<96x128xf32, #tpu.memory_space<vmem>>, vector<1x16xf32>,
        %parallel_loop3A_267 = arith.index_cast %parallel_loop3A_232 : i32 to index
        %parallel_loop3A_268 = arith.constant 32 : index
        %parallel_loop3A_269 = tpu.vector_load %arg8[%parallel_loop3A_267, %parallel_loop3A_268] {strides = array<i32>} : memref<96x128xf32, #tpu.memory_space<vmem>>, vector<1x16xf32>,
        %parallel_loop3A_270 = vector.shape_cast %parallel_loop3A_269 : vector<1x16xf32> to vector<16xf32>
        %parallel_loop3A_271 = arith.index_cast %parallel_loop3A_232 : i32 to index
        %parallel_loop3A_272 = arith.constant 32 : index
        %parallel_loop3A_273 = tpu.vector_load %arg10[%parallel_loop3A_271, %parallel_loop3A_272] {strides = array<i32>} : memref<96x128xf32, #tpu.memory_space<vmem>>, vector<1x16xf32>,
        %parallel_loop3A_274 = vector.shape_cast %parallel_loop3A_273 : vector<1x16xf32> to vector<16xf32>
        %parallel_loop3A_275 = arith.addf %parallel_loop3A_270, %parallel_loop3A_274 : vector<16xf32>
        %parallel_loop3A_276 = arith.constant 0.000000e+00 : f32
        %parallel_loop3A_277 = vector.broadcast %parallel_loop3A_276 : f32 to vector<16xf32>
        %parallel_loop3A_278 = arith.maximumf %parallel_loop3A_275, %parallel_loop3A_277 : vector<16xf32>
        %parallel_loop3A_279 = arith.index_cast %parallel_loop3A_232 : i32 to index
        %parallel_loop3A_280 = arith.constant 32 : index
        %parallel_loop3A_281 = tpu.vector_load %arg8[%parallel_loop3A_279, %parallel_loop3A_280] {strides = array<i32>} : memref<96x128xf32, #tpu.memory_space<vmem>>, vector<1x16xf32>,
        %parallel_loop3A_282 = vector.shape_cast %parallel_loop3A_281 : vector<1x16xf32> to vector<16xf32>
        %parallel_loop3A_283 = vector.shape_cast %parallel_loop3A_278 : vector<16xf32> to vector<1x16xf32>
        tpu.vector_store %arg8[%parallel_loop3A_279, %parallel_loop3A_280], %parallel_loop3A_283 {strides = array<i32>} : memref<96x128xf32, #tpu.memory_space<vmem>>, vector<1x16xf32>,
        %parallel_loop3A_284 = arith.index_cast %parallel_loop3A_232 : i32 to index
        %parallel_loop3A_285 = arith.constant 48 : index
        %parallel_loop3A_286 = tpu.vector_load %arg8[%parallel_loop3A_284, %parallel_loop3A_285] {strides = array<i32>} : memref<96x128xf32, #tpu.memory_space<vmem>>, vector<1x16xf32>,
        %parallel_loop3A_287 = vector.shape_cast %parallel_loop3A_286 : vector<1x16xf32> to vector<16xf32>
        %parallel_loop3A_288 = arith.index_cast %parallel_loop3A_232 : i32 to index
        %parallel_loop3A_289 = arith.constant 48 : index
        %parallel_loop3A_290 = tpu.vector_load %arg10[%parallel_loop3A_288, %parallel_loop3A_289] {strides = array<i32>} : memref<96x128xf32, #tpu.memory_space<vmem>>, vector<1x16xf32>,
        %parallel_loop3A_291 = vector.shape_cast %parallel_loop3A_290 : vector<1x16xf32> to vector<16xf32>
        %parallel_loop3A_292 = arith.addf %parallel_loop3A_287, %parallel_loop3A_291 : vector<16xf32>
        %parallel_loop3A_293 = arith.constant 0.000000e+00 : f32
        %parallel_loop3A_294 = vector.broadcast %parallel_loop3A_293 : f32 to vector<16xf32>
        %parallel_loop3A_295 = arith.maximumf %parallel_loop3A_292, %parallel_loop3A_294 : vector<16xf32>
        %parallel_loop3A_296 = arith.index_cast %parallel_loop3A_232 : i32 to index
        %parallel_loop3A_297 = arith.constant 48 : index
        %parallel_loop3A_298 = tpu.vector_load %arg8[%parallel_loop3A_296, %parallel_loop3A_297] {strides = array<i32>} : memref<96x128xf32, #tpu.memory_space<vmem>>, vector<1x16xf32>,
        %parallel_loop3A_299 = vector.shape_cast %parallel_loop3A_298 : vector<1x16xf32> to vector<16xf32>
        %parallel_loop3A_300 = vector.shape_cast %parallel_loop3A_295 : vector<16xf32> to vector<1x16xf32>
        tpu.vector_store %arg8[%parallel_loop3A_296, %parallel_loop3A_297], %parallel_loop3A_300 {strides = array<i32>} : memref<96x128xf32, #tpu.memory_space<vmem>>, vector<1x16xf32>,
        %parallel_loop3A_301 = arith.index_cast %parallel_loop3A_232 : i32 to index
        %parallel_loop3A_302 = arith.constant 64 : index
        %parallel_loop3A_303 = tpu.vector_load %arg8[%parallel_loop3A_301, %parallel_loop3A_302] {strides = array<i32>} : memref<96x128xf32, #tpu.memory_space<vmem>>, vector<1x16xf32>,
        %parallel_loop3A_304 = vector.shape_cast %parallel_loop3A_303 : vector<1x16xf32> to vector<16xf32>
        %parallel_loop3A_305 = arith.index_cast %parallel_loop3A_232 : i32 to index
        %parallel_loop3A_306 = arith.constant 64 : index
        %parallel_loop3A_307 = tpu.vector_load %arg10[%parallel_loop3A_305, %parallel_loop3A_306] {strides = array<i32>} : memref<96x128xf32, #tpu.memory_space<vmem>>, vector<1x16xf32>,
        %parallel_loop3A_308 = vector.shape_cast %parallel_loop3A_307 : vector<1x16xf32> to vector<16xf32>
        %parallel_loop3A_309 = arith.addf %parallel_loop3A_304, %parallel_loop3A_308 : vector<16xf32>
        %parallel_loop3A_310 = arith.constant 0.000000e+00 : f32
        %parallel_loop3A_311 = vector.broadcast %parallel_loop3A_310 : f32 to vector<16xf32>
        %parallel_loop3A_312 = arith.maximumf %parallel_loop3A_309, %parallel_loop3A_311 : vector<16xf32>
        %parallel_loop3A_313 = arith.index_cast %parallel_loop3A_232 : i32 to index
        %parallel_loop3A_314 = arith.constant 64 : index
        %parallel_loop3A_315 = tpu.vector_load %arg8[%parallel_loop3A_313, %parallel_loop3A_314] {strides = array<i32>} : memref<96x128xf32, #tpu.memory_space<vmem>>, vector<1x16xf32>,
        %parallel_loop3A_316 = vector.shape_cast %parallel_loop3A_315 : vector<1x16xf32> to vector<16xf32>
        %parallel_loop3A_317 = vector.shape_cast %parallel_loop3A_312 : vector<16xf32> to vector<1x16xf32>
        tpu.vector_store %arg8[%parallel_loop3A_313, %parallel_loop3A_314], %parallel_loop3A_317 {strides = array<i32>} : memref<96x128xf32, #tpu.memory_space<vmem>>, vector<1x16xf32>,
        %parallel_loop3A_318 = arith.index_cast %parallel_loop3A_232 : i32 to index
        %parallel_loop3A_319 = arith.constant 80 : index
        %parallel_loop3A_320 = tpu.vector_load %arg8[%parallel_loop3A_318, %parallel_loop3A_319] {strides = array<i32>} : memref<96x128xf32, #tpu.memory_space<vmem>>, vector<1x16xf32>,
        %parallel_loop3A_321 = vector.shape_cast %parallel_loop3A_320 : vector<1x16xf32> to vector<16xf32>
        %parallel_loop3A_322 = arith.index_cast %parallel_loop3A_232 : i32 to index
        %parallel_loop3A_323 = arith.constant 80 : index
        %parallel_loop3A_324 = tpu.vector_load %arg10[%parallel_loop3A_322, %parallel_loop3A_323] {strides = array<i32>} : memref<96x128xf32, #tpu.memory_space<vmem>>, vector<1x16xf32>,
        %parallel_loop3A_325 = vector.shape_cast %parallel_loop3A_324 : vector<1x16xf32> to vector<16xf32>
        %parallel_loop3A_326 = arith.addf %parallel_loop3A_321, %parallel_loop3A_325 : vector<16xf32>
        %parallel_loop3A_327 = arith.constant 0.000000e+00 : f32
        %parallel_loop3A_328 = vector.broadcast %parallel_loop3A_327 : f32 to vector<16xf32>
        %parallel_loop3A_329 = arith.maximumf %parallel_loop3A_326, %parallel_loop3A_328 : vector<16xf32>
        %parallel_loop3A_330 = arith.index_cast %parallel_loop3A_232 : i32 to index
        %parallel_loop3A_331 = arith.constant 80 : index
        %parallel_loop3A_332 = tpu.vector_load %arg8[%parallel_loop3A_330, %parallel_loop3A_331] {strides = array<i32>} : memref<96x128xf32, #tpu.memory_space<vmem>>, vector<1x16xf32>,
        %parallel_loop3A_333 = vector.shape_cast %parallel_loop3A_332 : vector<1x16xf32> to vector<16xf32>
        %parallel_loop3A_334 = vector.shape_cast %parallel_loop3A_329 : vector<16xf32> to vector<1x16xf32>
        tpu.vector_store %arg8[%parallel_loop3A_330, %parallel_loop3A_331], %parallel_loop3A_334 {strides = array<i32>} : memref<96x128xf32, #tpu.memory_space<vmem>>, vector<1x16xf32>,
        %parallel_loop3A_335 = arith.index_cast %parallel_loop3A_232 : i32 to index
        %parallel_loop3A_336 = arith.constant 96 : index
        %parallel_loop3A_337 = tpu.vector_load %arg8[%parallel_loop3A_335, %parallel_loop3A_336] {strides = array<i32>} : memref<96x128xf32, #tpu.memory_space<vmem>>, vector<1x16xf32>,
        %parallel_loop3A_338 = vector.shape_cast %parallel_loop3A_337 : vector<1x16xf32> to vector<16xf32>
        %parallel_loop3A_339 = arith.index_cast %parallel_loop3A_232 : i32 to index
        %parallel_loop3A_340 = arith.constant 96 : index
        %parallel_loop3A_341 = tpu.vector_load %arg10[%parallel_loop3A_339, %parallel_loop3A_340] {strides = array<i32>} : memref<96x128xf32, #tpu.memory_space<vmem>>, vector<1x16xf32>,
        %parallel_loop3A_342 = vector.shape_cast %parallel_loop3A_341 : vector<1x16xf32> to vector<16xf32>
        %parallel_loop3A_343 = arith.addf %parallel_loop3A_338, %parallel_loop3A_342 : vector<16xf32>
        %parallel_loop3A_344 = arith.constant 0.000000e+00 : f32
        %parallel_loop3A_345 = vector.broadcast %parallel_loop3A_344 : f32 to vector<16xf32>
        %parallel_loop3A_346 = arith.maximumf %parallel_loop3A_343, %parallel_loop3A_345 : vector<16xf32>
        %parallel_loop3A_347 = arith.index_cast %parallel_loop3A_232 : i32 to index
        %parallel_loop3A_348 = arith.constant 96 : index
        %parallel_loop3A_349 = tpu.vector_load %arg8[%parallel_loop3A_347, %parallel_loop3A_348] {strides = array<i32>} : memref<96x128xf32, #tpu.memory_space<vmem>>, vector<1x16xf32>,
        %parallel_loop3A_350 = vector.shape_cast %parallel_loop3A_349 : vector<1x16xf32> to vector<16xf32>
        %parallel_loop3A_351 = vector.shape_cast %parallel_loop3A_346 : vector<16xf32> to vector<1x16xf32>
        tpu.vector_store %arg8[%parallel_loop3A_347, %parallel_loop3A_348], %parallel_loop3A_351 {strides = array<i32>} : memref<96x128xf32, #tpu.memory_space<vmem>>, vector<1x16xf32>,
        %parallel_loop3A_352 = arith.index_cast %parallel_loop3A_232 : i32 to index
        %parallel_loop3A_353 = arith.constant 112 : index
        %parallel_loop3A_354 = tpu.vector_load %arg8[%parallel_loop3A_352, %parallel_loop3A_353] {strides = array<i32>} : memref<96x128xf32, #tpu.memory_space<vmem>>, vector<1x16xf32>,
        %parallel_loop3A_355 = vector.shape_cast %parallel_loop3A_354 : vector<1x16xf32> to vector<16xf32>
        %parallel_loop3A_356 = arith.index_cast %parallel_loop3A_232 : i32 to index
        %parallel_loop3A_357 = arith.constant 112 : index
        %parallel_loop3A_358 = tpu.vector_load %arg10[%parallel_loop3A_356, %parallel_loop3A_357] {strides = array<i32>} : memref<96x128xf32, #tpu.memory_space<vmem>>, vector<1x16xf32>,
        %parallel_loop3A_359 = vector.shape_cast %parallel_loop3A_358 : vector<1x16xf32> to vector<16xf32>
        %parallel_loop3A_360 = arith.addf %parallel_loop3A_355, %parallel_loop3A_359 : vector<16xf32>
        %parallel_loop3A_361 = arith.constant 0.000000e+00 : f32
        %parallel_loop3A_362 = vector.broadcast %parallel_loop3A_361 : f32 to vector<16xf32>
        %parallel_loop3A_363 = arith.maximumf %parallel_loop3A_360, %parallel_loop3A_362 : vector<16xf32>
        %parallel_loop3A_364 = arith.index_cast %parallel_loop3A_232 : i32 to index
        %parallel_loop3A_365 = arith.constant 112 : index
        %parallel_loop3A_366 = tpu.vector_load %arg8[%parallel_loop3A_364, %parallel_loop3A_365] {strides = array<i32>} : memref<96x128xf32, #tpu.memory_space<vmem>>, vector<1x16xf32>,
        %parallel_loop3A_367 = vector.shape_cast %parallel_loop3A_366 : vector<1x16xf32> to vector<16xf32>
        %parallel_loop3A_368 = vector.shape_cast %parallel_loop3A_363 : vector<16xf32> to vector<1x16xf32>
        tpu.vector_store %arg8[%parallel_loop3A_364, %parallel_loop3A_365], %parallel_loop3A_368 {strides = array<i32>} : memref<96x128xf32, #tpu.memory_space<vmem>>, vector<1x16xf32>,
      } {sc.loop_unroll_factor = 4 : i64, sc.parallel_access}
      %gt3A = arith.constant 0 : i32
      %gt3A_121 = arith.cmpi sgt, %scan3A_60, %gt3A : i32
      %convert_element_type3A_122 = arith.extui %gt3A_121 : i1 to i32
      %cond3A_123 = arith.constant 0 : i32
      %cond3A_124 = arith.cmpi ne, %convert_element_type3A_122, %cond3A_123 : i32
      scf.if %cond3A_124 {
        %dma_wait3A_232 = arith.constant 0 : i32
        %dma_wait3A_233 = arith.constant 0 : i32
        %dma_wait3A_234 = tpu.memref_slice %arg7[%dma_wait3A_232, %dma_wait3A_233] : memref<10112x128xf32, #tpu.memory_space<vmem_shared>> -> memref<10112x128xf32, #tpu.memory_space<vmem_shared>>
        tpu.wait_indirect_dma semaphore(%arg23 : memref<!tpu.dma_semaphore, #tpu.memory_space<semaphore_mem>>) src(%arg9 : memref<96x128xf32, #tpu.memory_space<vmem>>) dst(%dma_wait3A_234 : memref<10112x128xf32, #tpu.memory_space<vmem_shared>>)
      } else {
      }
      %dma_wait3A_125 = arith.constant 0 : i32
      %dma_wait3A_126 = tpu.memref_slice %arg4[%dma_wait3A_125] : memref<651264xi32, #tpu.memory_space<hbm>> -> memref<192xi32, #tpu.memory_space<hbm>>
      %dma_wait3A_127 = arith.constant 0 : i32
      %dma_wait3A_128 = tpu.memref_slice %arg4[%dma_wait3A_127] : memref<651264xi32, #tpu.memory_space<hbm>> -> memref<192xi32, #tpu.memory_space<hbm>>
      tpu.wait_dma2 semaphore(%arg17 : memref<!tpu.dma_semaphore, #tpu.memory_space<semaphore_mem>>) src(%dma_wait3A_128 : memref<192xi32, #tpu.memory_space<hbm>>) dst(%arg13 : memref<192xi32, #tpu.memory_space<vmem>>)
      %add3A_129 = arith.constant 1 : i32
      %add3A_130 = arith.addi %add3A_64, %add3A_129 : i32
      %dma_start3A_131 = arith.constant 0 : i32
      %dma_start3A_132 = arith.constant 0 : i32
      %dma_start3A_133 = tpu.memref_slice %arg9[%dma_start3A_131, %dma_start3A_132] : memref<96x128xf32, #tpu.memory_space<vmem>> -> memref<48x128xf32, #tpu.memory_space<vmem>>
      %dma_start3A_134 = arith.constant 0 : i32
      %dma_start3A_135 = tpu.memref_slice %arg13[%dma_start3A_134] : memref<192xi32, #tpu.memory_space<vmem>> -> memref<48xi32, #tpu.memory_space<vmem>>
      %dma_start3A_136 = arith.constant 0 : i32
      %dma_start3A_137 = arith.constant 0 : i32
      %dma_start3A_138 = tpu.memref_slice %arg2[%dma_start3A_136, %dma_start3A_137] : memref<10000x128xf32, #tpu.memory_space<hbm>> -> memref<10000x128xf32, #tpu.memory_space<hbm>>
      tpu.enqueue_indirect_dma source(%dma_start3A_138 : memref<10000x128xf32, #tpu.memory_space<hbm>>) target(%dma_start3A_133 : memref<48x128xf32, #tpu.memory_space<vmem>>) offsets(%dma_start3A_135 : memref<48xi32, #tpu.memory_space<vmem>>) semaphore(%arg19 : memref<!tpu.dma_semaphore, #tpu.memory_space<semaphore_mem>>)
      %dma_start3A_139 = arith.constant 48 : i32
      %dma_start3A_140 = arith.constant 0 : i32
      %dma_start3A_141 = tpu.memref_slice %arg9[%dma_start3A_139, %dma_start3A_140] : memref<96x128xf32, #tpu.memory_space<vmem>> -> memref<48x128xf32, #tpu.memory_space<vmem>>
      %dma_start3A_142 = arith.constant 48 : i32
      %dma_start3A_143 = tpu.memref_slice %arg13[%dma_start3A_142] : memref<192xi32, #tpu.memory_space<vmem>> -> memref<48xi32, #tpu.memory_space<vmem>>
      %dma_start3A_144 = arith.constant 0 : i32
      %dma_start3A_145 = arith.constant 0 : i32
      %dma_start3A_146 = tpu.memref_slice %arg2[%dma_start3A_144, %dma_start3A_145] : memref<10000x128xf32, #tpu.memory_space<hbm>> -> memref<10000x128xf32, #tpu.memory_space<hbm>>
      tpu.enqueue_indirect_dma source(%dma_start3A_146 : memref<10000x128xf32, #tpu.memory_space<hbm>>) target(%dma_start3A_141 : memref<48x128xf32, #tpu.memory_space<vmem>>) offsets(%dma_start3A_143 : memref<48xi32, #tpu.memory_space<vmem>>) semaphore(%arg19 : memref<!tpu.dma_semaphore, #tpu.memory_space<semaphore_mem>>)
      %mul3A_147 = arith.constant 96 : i32
      %mul3A_148 = arith.muli %add3A_130, %mul3A_147 : i32
      %add3A_149 = arith.addi %mul3A_2, %mul3A_148 : i32
      %dma_start3A_150 = arith.constant 0 : i32
      %dma_start3A_151 = tpu.memref_slice %arg3[%add3A_149, %dma_start3A_150] : memref<325632x128xf32, #tpu.memory_space<hbm>> -> memref<96x128xf32, #tpu.memory_space<hbm>>
      %dma_start3A_152 = arith.constant 0 : i32
      %dma_start3A_153 = tpu.memref_slice %arg3[%add3A_149, %dma_start3A_152] : memref<325632x128xf32, #tpu.memory_space<hbm>> -> memref<96x128xf32, #tpu.memory_space<hbm>>
      tpu.enqueue_dma source(%dma_start3A_153 : memref<96x128xf32, #tpu.memory_space<hbm>>) target(%arg11 : memref<96x128xf32, #tpu.memory_space<vmem>>) target_semaphore(%arg21 : memref<!tpu.dma_semaphore, #tpu.memory_space<semaphore_mem>>)
      %dma_start3A_154 = arith.constant 0 : i32
      %dma_start3A_155 = arith.constant 0 : i32
      %dma_start3A_156 = tpu.memref_slice %arg7[%dma_start3A_154, %dma_start3A_155] : memref<10112x128xf32, #tpu.memory_space<vmem_shared>> -> memref<10112x128xf32, #tpu.memory_space<vmem_shared>>
      tpu.enqueue_indirect_dma source(%arg8 : memref<96x128xf32, #tpu.memory_space<vmem>>) target(%dma_start3A_156 : memref<10112x128xf32, #tpu.memory_space<vmem_shared>>) offsets(%arg14 : memref<96xi32, #tpu.memory_space<vmem>>) semaphore(%arg22 : memref<!tpu.dma_semaphore, #tpu.memory_space<semaphore_mem>>) {add = true}
      %add3A_157 = arith.constant 1 : i32
      %add3A_158 = arith.addi %mul3A_62, %add3A_157 : i32
      %dma_wait3A_159 = arith.constant 0 : i32
      %dma_wait3A_160 = arith.constant 0 : i32
      %dma_wait3A_161 = tpu.memref_slice %arg3[%dma_wait3A_159, %dma_wait3A_160] : memref<325632x128xf32, #tpu.memory_space<hbm>> -> memref<96x128xf32, #tpu.memory_space<hbm>>
      %dma_wait3A_162 = arith.constant 0 : i32
      %dma_wait3A_163 = arith.constant 0 : i32
      %dma_wait3A_164 = tpu.memref_slice %arg3[%dma_wait3A_162, %dma_wait3A_163] : memref<325632x128xf32, #tpu.memory_space<hbm>> -> memref<96x128xf32, #tpu.memory_space<hbm>>
      tpu.wait_dma2 semaphore(%arg19 : memref<!tpu.dma_semaphore, #tpu.memory_space<semaphore_mem>>) src(%dma_wait3A_164 : memref<96x128xf32, #tpu.memory_space<hbm>>) dst(%arg9 : memref<96x128xf32, #tpu.memory_space<vmem>>)
      %dma_wait3A_165 = arith.constant 0 : i32
      %dma_wait3A_166 = arith.constant 0 : i32
      %dma_wait3A_167 = tpu.memref_slice %arg3[%dma_wait3A_165, %dma_wait3A_166] : memref<325632x128xf32, #tpu.memory_space<hbm>> -> memref<96x128xf32, #tpu.memory_space<hbm>>
      %dma_wait3A_168 = arith.constant 0 : i32
      %dma_wait3A_169 = arith.constant 0 : i32
      %dma_wait3A_170 = tpu.memref_slice %arg3[%dma_wait3A_168, %dma_wait3A_169] : memref<325632x128xf32, #tpu.memory_space<hbm>> -> memref<96x128xf32, #tpu.memory_space<hbm>>
      tpu.wait_dma2 semaphore(%arg21 : memref<!tpu.dma_semaphore, #tpu.memory_space<semaphore_mem>>) src(%dma_wait3A_170 : memref<96x128xf32, #tpu.memory_space<hbm>>) dst(%arg11 : memref<96x128xf32, #tpu.memory_space<vmem>>)
      %get3A_171 = arith.constant 96 : index
      %get3A_172 = tpu.vector_load %arg13[%get3A_171] {strides = array<i32>} : memref<192xi32, #tpu.memory_space<vmem>>, vector<16xi32>,
      %get3A_173 = vector.shape_cast %get3A_172 : vector<16xi32> to vector<16xi32>
      %swap3A_174 = arith.constant 0 : index
      %swap3A_175 = tpu.vector_load %arg15[%swap3A_174] {strides = array<i32>} : memref<96xi32, #tpu.memory_space<vmem>>, vector<16xi32>,
      %swap3A_176 = vector.shape_cast %swap3A_175 : vector<16xi32> to vector<16xi32>
      %swap3A_177 = vector.shape_cast %get3A_173 : vector<16xi32> to vector<16xi32>
      tpu.vector_store %arg15[%swap3A_174], %swap3A_177 {strides = array<i32>} : memref<96xi32, #tpu.memory_space<vmem>>, vector<16xi32>,
      %get3A_178 = arith.constant 112 : index
      %get3A_179 = tpu.vector_load %arg13[%get3A_178] {strides = array<i32>} : memref<192xi32, #tpu.memory_space<vmem>>, vector<16xi32>,
      %get3A_180 = vector.shape_cast %get3A_179 : vector<16xi32> to vector<16xi32>
      %swap3A_181 = arith.constant 16 : index
      %swap3A_182 = tpu.vector_load %arg15[%swap3A_181] {strides = array<i32>} : memref<96xi32, #tpu.memory_space<vmem>>, vector<16xi32>,
      %swap3A_183 = vector.shape_cast %swap3A_182 : vector<16xi32> to vector<16xi32>
      %swap3A_184 = vector.shape_cast %get3A_180 : vector<16xi32> to vector<16xi32>
      tpu.vector_store %arg15[%swap3A_181], %swap3A_184 {strides = array<i32>} : memref<96xi32, #tpu.memory_space<vmem>>, vector<16xi32>,
      %get3A_185 = arith.constant 128 : index
      %get3A_186 = tpu.vector_load %arg13[%get3A_185] {strides = array<i32>} : memref<192xi32, #tpu.memory_space<vmem>>, vector<16xi32>,
      %get3A_187 = vector.shape_cast %get3A_186 : vector<16xi32> to vector<16xi32>
      %swap3A_188 = arith.constant 32 : index
      %swap3A_189 = tpu.vector_load %arg15[%swap3A_188] {strides = array<i32>} : memref<96xi32, #tpu.memory_space<vmem>>, vector<16xi32>,
      %swap3A_190 = vector.shape_cast %swap3A_189 : vector<16xi32> to vector<16xi32>
      %swap3A_191 = vector.shape_cast %get3A_187 : vector<16xi32> to vector<16xi32>
      tpu.vector_store %arg15[%swap3A_188], %swap3A_191 {strides = array<i32>} : memref<96xi32, #tpu.memory_space<vmem>>, vector<16xi32>,
      %get3A_192 = arith.constant 144 : index
      %get3A_193 = tpu.vector_load %arg13[%get3A_192] {strides = array<i32>} : memref<192xi32, #tpu.memory_space<vmem>>, vector<16xi32>,
      %get3A_194 = vector.shape_cast %get3A_193 : vector<16xi32> to vector<16xi32>
      %swap3A_195 = arith.constant 48 : index
      %swap3A_196 = tpu.vector_load %arg15[%swap3A_195] {strides = array<i32>} : memref<96xi32, #tpu.memory_space<vmem>>, vector<16xi32>,
      %swap3A_197 = vector.shape_cast %swap3A_196 : vector<16xi32> to vector<16xi32>
      %swap3A_198 = vector.shape_cast %get3A_194 : vector<16xi32> to vector<16xi32>
      tpu.vector_store %arg15[%swap3A_195], %swap3A_198 {strides = array<i32>} : memref<96xi32, #tpu.memory_space<vmem>>, vector<16xi32>,
      %get3A_199 = arith.constant 160 : index
      %get3A_200 = tpu.vector_load %arg13[%get3A_199] {strides = array<i32>} : memref<192xi32, #tpu.memory_space<vmem>>, vector<16xi32>,
      %get3A_201 = vector.shape_cast %get3A_200 : vector<16xi32> to vector<16xi32>
      %swap3A_202 = arith.constant 64 : index
      %swap3A_203 = tpu.vector_load %arg15[%swap3A_202] {strides = array<i32>} : memref<96xi32, #tpu.memory_space<vmem>>, vector<16xi32>,
      %swap3A_204 = vector.shape_cast %swap3A_203 : vector<16xi32> to vector<16xi32>
      %swap3A_205 = vector.shape_cast %get3A_201 : vector<16xi32> to vector<16xi32>
      tpu.vector_store %arg15[%swap3A_202], %swap3A_205 {strides = array<i32>} : memref<96xi32, #tpu.memory_space<vmem>>, vector<16xi32>,
      %get3A_206 = arith.constant 176 : index
      %get3A_207 = tpu.vector_load %arg13[%get3A_206] {strides = array<i32>} : memref<192xi32, #tpu.memory_space<vmem>>, vector<16xi32>,
      %get3A_208 = vector.shape_cast %get3A_207 : vector<16xi32> to vector<16xi32>
      %swap3A_209 = arith.constant 80 : index
      %swap3A_210 = tpu.vector_load %arg15[%swap3A_209] {strides = array<i32>} : memref<96xi32, #tpu.memory_space<vmem>>, vector<16xi32>,
      %swap3A_211 = vector.shape_cast %swap3A_210 : vector<16xi32> to vector<16xi32>
      %swap3A_212 = vector.shape_cast %get3A_208 : vector<16xi32> to vector<16xi32>
      tpu.vector_store %arg15[%swap3A_209], %swap3A_212 {strides = array<i32>} : memref<96xi32, #tpu.memory_space<vmem>>, vector<16xi32>,
      %lt3A_213 = arith.constant 52 : i32
      %lt3A_214 = arith.cmpi slt, %scan3A_60, %lt3A_213 : i32
      %convert_element_type3A_215 = arith.extui %lt3A_214 : i1 to i32
      %cond3A_216 = arith.constant 0 : i32
      %cond3A_217 = arith.cmpi ne, %convert_element_type3A_215, %cond3A_216 : i32
      scf.if %cond3A_217 {
        %add3A_232 = arith.constant 2 : i32
        %add3A_233 = arith.addi %add3A_158, %add3A_232 : i32
        %mul3A_234 = arith.constant 106 : i32
        %mul3A_235 = arith.muli %add3A, %mul3A_234 : i32
        %add3A_236 = arith.addi %mul3A_235, %add3A_233 : i32
        %mul3A_237 = arith.constant 192 : i32
        %mul3A_238 = arith.muli %add3A_236, %mul3A_237 : i32
        %dma_start3A_239 = tpu.memref_slice %arg4[%mul3A_238] : memref<651264xi32, #tpu.memory_space<hbm>> -> memref<192xi32, #tpu.memory_space<hbm>>
        %dma_start3A_240 = tpu.memref_slice %arg4[%mul3A_238] : memref<651264xi32, #tpu.memory_space<hbm>> -> memref<192xi32, #tpu.memory_space<hbm>>
        tpu.enqueue_dma source(%dma_start3A_240 : memref<192xi32, #tpu.memory_space<hbm>>) target(%arg13 : memref<192xi32, #tpu.memory_space<vmem>>) target_semaphore(%arg17 : memref<!tpu.dma_semaphore, #tpu.memory_space<semaphore_mem>>)
      } else {
      }
      %parallel_loop3A_218 = arith.constant 0 : i32
      %parallel_loop3A_219 = arith.constant 96 : i32
      %parallel_loop3A_220 = arith.constant 1 : i32
      scf.for %parallel_loop3A_232 = %parallel_loop3A_218 to %parallel_loop3A_219 step %parallel_loop3A_220  : i32 {
        %parallel_loop3A_233 = arith.index_cast %parallel_loop3A_232 : i32 to index
        %parallel_loop3A_234 = arith.constant 0 : index
        %parallel_loop3A_235 = tpu.vector_load %arg9[%parallel_loop3A_233, %parallel_loop3A_234] {strides = array<i32>} : memref<96x128xf32, #tpu.memory_space<vmem>>, vector<1x16xf32>,
        %parallel_loop3A_236 = vector.shape_cast %parallel_loop3A_235 : vector<1x16xf32> to vector<16xf32>
        %parallel_loop3A_237 = arith.index_cast %parallel_loop3A_232 : i32 to index
        %parallel_loop3A_238 = arith.constant 0 : index
        %parallel_loop3A_239 = tpu.vector_load %arg11[%parallel_loop3A_237, %parallel_loop3A_238] {strides = array<i32>} : memref<96x128xf32, #tpu.memory_space<vmem>>, vector<1x16xf32>,
        %parallel_loop3A_240 = vector.shape_cast %parallel_loop3A_239 : vector<1x16xf32> to vector<16xf32>
        %parallel_loop3A_241 = arith.addf %parallel_loop3A_236, %parallel_loop3A_240 : vector<16xf32>
        %parallel_loop3A_242 = arith.constant 0.000000e+00 : f32
        %parallel_loop3A_243 = vector.broadcast %parallel_loop3A_242 : f32 to vector<16xf32>
        %parallel_loop3A_244 = arith.maximumf %parallel_loop3A_241, %parallel_loop3A_243 : vector<16xf32>
        %parallel_loop3A_245 = arith.index_cast %parallel_loop3A_232 : i32 to index
        %parallel_loop3A_246 = arith.constant 0 : index
        %parallel_loop3A_247 = tpu.vector_load %arg9[%parallel_loop3A_245, %parallel_loop3A_246] {strides = array<i32>} : memref<96x128xf32, #tpu.memory_space<vmem>>, vector<1x16xf32>,
        %parallel_loop3A_248 = vector.shape_cast %parallel_loop3A_247 : vector<1x16xf32> to vector<16xf32>
        %parallel_loop3A_249 = vector.shape_cast %parallel_loop3A_244 : vector<16xf32> to vector<1x16xf32>
        tpu.vector_store %arg9[%parallel_loop3A_245, %parallel_loop3A_246], %parallel_loop3A_249 {strides = array<i32>} : memref<96x128xf32, #tpu.memory_space<vmem>>, vector<1x16xf32>,
        %parallel_loop3A_250 = arith.index_cast %parallel_loop3A_232 : i32 to index
        %parallel_loop3A_251 = arith.constant 16 : index
        %parallel_loop3A_252 = tpu.vector_load %arg9[%parallel_loop3A_250, %parallel_loop3A_251] {strides = array<i32>} : memref<96x128xf32, #tpu.memory_space<vmem>>, vector<1x16xf32>,
        %parallel_loop3A_253 = vector.shape_cast %parallel_loop3A_252 : vector<1x16xf32> to vector<16xf32>
        %parallel_loop3A_254 = arith.index_cast %parallel_loop3A_232 : i32 to index
        %parallel_loop3A_255 = arith.constant 16 : index
        %parallel_loop3A_256 = tpu.vector_load %arg11[%parallel_loop3A_254, %parallel_loop3A_255] {strides = array<i32>} : memref<96x128xf32, #tpu.memory_space<vmem>>, vector<1x16xf32>,
        %parallel_loop3A_257 = vector.shape_cast %parallel_loop3A_256 : vector<1x16xf32> to vector<16xf32>
        %parallel_loop3A_258 = arith.addf %parallel_loop3A_253, %parallel_loop3A_257 : vector<16xf32>
        %parallel_loop3A_259 = arith.constant 0.000000e+00 : f32
        %parallel_loop3A_260 = vector.broadcast %parallel_loop3A_259 : f32 to vector<16xf32>
        %parallel_loop3A_261 = arith.maximumf %parallel_loop3A_258, %parallel_loop3A_260 : vector<16xf32>
        %parallel_loop3A_262 = arith.index_cast %parallel_loop3A_232 : i32 to index
        %parallel_loop3A_263 = arith.constant 16 : index
        %parallel_loop3A_264 = tpu.vector_load %arg9[%parallel_loop3A_262, %parallel_loop3A_263] {strides = array<i32>} : memref<96x128xf32, #tpu.memory_space<vmem>>, vector<1x16xf32>,
        %parallel_loop3A_265 = vector.shape_cast %parallel_loop3A_264 : vector<1x16xf32> to vector<16xf32>
        %parallel_loop3A_266 = vector.shape_cast %parallel_loop3A_261 : vector<16xf32> to vector<1x16xf32>
        tpu.vector_store %arg9[%parallel_loop3A_262, %parallel_loop3A_263], %parallel_loop3A_266 {strides = array<i32>} : memref<96x128xf32, #tpu.memory_space<vmem>>, vector<1x16xf32>,
        %parallel_loop3A_267 = arith.index_cast %parallel_loop3A_232 : i32 to index
        %parallel_loop3A_268 = arith.constant 32 : index
        %parallel_loop3A_269 = tpu.vector_load %arg9[%parallel_loop3A_267, %parallel_loop3A_268] {strides = array<i32>} : memref<96x128xf32, #tpu.memory_space<vmem>>, vector<1x16xf32>,
        %parallel_loop3A_270 = vector.shape_cast %parallel_loop3A_269 : vector<1x16xf32> to vector<16xf32>
        %parallel_loop3A_271 = arith.index_cast %parallel_loop3A_232 : i32 to index
        %parallel_loop3A_272 = arith.constant 32 : index
        %parallel_loop3A_273 = tpu.vector_load %arg11[%parallel_loop3A_271, %parallel_loop3A_272] {strides = array<i32>} : memref<96x128xf32, #tpu.memory_space<vmem>>, vector<1x16xf32>,
        %parallel_loop3A_274 = vector.shape_cast %parallel_loop3A_273 : vector<1x16xf32> to vector<16xf32>
        %parallel_loop3A_275 = arith.addf %parallel_loop3A_270, %parallel_loop3A_274 : vector<16xf32>
        %parallel_loop3A_276 = arith.constant 0.000000e+00 : f32
        %parallel_loop3A_277 = vector.broadcast %parallel_loop3A_276 : f32 to vector<16xf32>
        %parallel_loop3A_278 = arith.maximumf %parallel_loop3A_275, %parallel_loop3A_277 : vector<16xf32>
        %parallel_loop3A_279 = arith.index_cast %parallel_loop3A_232 : i32 to index
        %parallel_loop3A_280 = arith.constant 32 : index
        %parallel_loop3A_281 = tpu.vector_load %arg9[%parallel_loop3A_279, %parallel_loop3A_280] {strides = array<i32>} : memref<96x128xf32, #tpu.memory_space<vmem>>, vector<1x16xf32>,
        %parallel_loop3A_282 = vector.shape_cast %parallel_loop3A_281 : vector<1x16xf32> to vector<16xf32>
        %parallel_loop3A_283 = vector.shape_cast %parallel_loop3A_278 : vector<16xf32> to vector<1x16xf32>
        tpu.vector_store %arg9[%parallel_loop3A_279, %parallel_loop3A_280], %parallel_loop3A_283 {strides = array<i32>} : memref<96x128xf32, #tpu.memory_space<vmem>>, vector<1x16xf32>,
        %parallel_loop3A_284 = arith.index_cast %parallel_loop3A_232 : i32 to index
        %parallel_loop3A_285 = arith.constant 48 : index
        %parallel_loop3A_286 = tpu.vector_load %arg9[%parallel_loop3A_284, %parallel_loop3A_285] {strides = array<i32>} : memref<96x128xf32, #tpu.memory_space<vmem>>, vector<1x16xf32>,
        %parallel_loop3A_287 = vector.shape_cast %parallel_loop3A_286 : vector<1x16xf32> to vector<16xf32>
        %parallel_loop3A_288 = arith.index_cast %parallel_loop3A_232 : i32 to index
        %parallel_loop3A_289 = arith.constant 48 : index
        %parallel_loop3A_290 = tpu.vector_load %arg11[%parallel_loop3A_288, %parallel_loop3A_289] {strides = array<i32>} : memref<96x128xf32, #tpu.memory_space<vmem>>, vector<1x16xf32>,
        %parallel_loop3A_291 = vector.shape_cast %parallel_loop3A_290 : vector<1x16xf32> to vector<16xf32>
        %parallel_loop3A_292 = arith.addf %parallel_loop3A_287, %parallel_loop3A_291 : vector<16xf32>
        %parallel_loop3A_293 = arith.constant 0.000000e+00 : f32
        %parallel_loop3A_294 = vector.broadcast %parallel_loop3A_293 : f32 to vector<16xf32>
        %parallel_loop3A_295 = arith.maximumf %parallel_loop3A_292, %parallel_loop3A_294 : vector<16xf32>
        %parallel_loop3A_296 = arith.index_cast %parallel_loop3A_232 : i32 to index
        %parallel_loop3A_297 = arith.constant 48 : index
        %parallel_loop3A_298 = tpu.vector_load %arg9[%parallel_loop3A_296, %parallel_loop3A_297] {strides = array<i32>} : memref<96x128xf32, #tpu.memory_space<vmem>>, vector<1x16xf32>,
        %parallel_loop3A_299 = vector.shape_cast %parallel_loop3A_298 : vector<1x16xf32> to vector<16xf32>
        %parallel_loop3A_300 = vector.shape_cast %parallel_loop3A_295 : vector<16xf32> to vector<1x16xf32>
        tpu.vector_store %arg9[%parallel_loop3A_296, %parallel_loop3A_297], %parallel_loop3A_300 {strides = array<i32>} : memref<96x128xf32, #tpu.memory_space<vmem>>, vector<1x16xf32>,
        %parallel_loop3A_301 = arith.index_cast %parallel_loop3A_232 : i32 to index
        %parallel_loop3A_302 = arith.constant 64 : index
        %parallel_loop3A_303 = tpu.vector_load %arg9[%parallel_loop3A_301, %parallel_loop3A_302] {strides = array<i32>} : memref<96x128xf32, #tpu.memory_space<vmem>>, vector<1x16xf32>,
        %parallel_loop3A_304 = vector.shape_cast %parallel_loop3A_303 : vector<1x16xf32> to vector<16xf32>
        %parallel_loop3A_305 = arith.index_cast %parallel_loop3A_232 : i32 to index
        %parallel_loop3A_306 = arith.constant 64 : index
        %parallel_loop3A_307 = tpu.vector_load %arg11[%parallel_loop3A_305, %parallel_loop3A_306] {strides = array<i32>} : memref<96x128xf32, #tpu.memory_space<vmem>>, vector<1x16xf32>,
        %parallel_loop3A_308 = vector.shape_cast %parallel_loop3A_307 : vector<1x16xf32> to vector<16xf32>
        %parallel_loop3A_309 = arith.addf %parallel_loop3A_304, %parallel_loop3A_308 : vector<16xf32>
        %parallel_loop3A_310 = arith.constant 0.000000e+00 : f32
        %parallel_loop3A_311 = vector.broadcast %parallel_loop3A_310 : f32 to vector<16xf32>
        %parallel_loop3A_312 = arith.maximumf %parallel_loop3A_309, %parallel_loop3A_311 : vector<16xf32>
        %parallel_loop3A_313 = arith.index_cast %parallel_loop3A_232 : i32 to index
        %parallel_loop3A_314 = arith.constant 64 : index
        %parallel_loop3A_315 = tpu.vector_load %arg9[%parallel_loop3A_313, %parallel_loop3A_314] {strides = array<i32>} : memref<96x128xf32, #tpu.memory_space<vmem>>, vector<1x16xf32>,
        %parallel_loop3A_316 = vector.shape_cast %parallel_loop3A_315 : vector<1x16xf32> to vector<16xf32>
        %parallel_loop3A_317 = vector.shape_cast %parallel_loop3A_312 : vector<16xf32> to vector<1x16xf32>
        tpu.vector_store %arg9[%parallel_loop3A_313, %parallel_loop3A_314], %parallel_loop3A_317 {strides = array<i32>} : memref<96x128xf32, #tpu.memory_space<vmem>>, vector<1x16xf32>,
        %parallel_loop3A_318 = arith.index_cast %parallel_loop3A_232 : i32 to index
        %parallel_loop3A_319 = arith.constant 80 : index
        %parallel_loop3A_320 = tpu.vector_load %arg9[%parallel_loop3A_318, %parallel_loop3A_319] {strides = array<i32>} : memref<96x128xf32, #tpu.memory_space<vmem>>, vector<1x16xf32>,
        %parallel_loop3A_321 = vector.shape_cast %parallel_loop3A_320 : vector<1x16xf32> to vector<16xf32>
        %parallel_loop3A_322 = arith.index_cast %parallel_loop3A_232 : i32 to index
        %parallel_loop3A_323 = arith.constant 80 : index
        %parallel_loop3A_324 = tpu.vector_load %arg11[%parallel_loop3A_322, %parallel_loop3A_323] {strides = array<i32>} : memref<96x128xf32, #tpu.memory_space<vmem>>, vector<1x16xf32>,
        %parallel_loop3A_325 = vector.shape_cast %parallel_loop3A_324 : vector<1x16xf32> to vector<16xf32>
        %parallel_loop3A_326 = arith.addf %parallel_loop3A_321, %parallel_loop3A_325 : vector<16xf32>
        %parallel_loop3A_327 = arith.constant 0.000000e+00 : f32
        %parallel_loop3A_328 = vector.broadcast %parallel_loop3A_327 : f32 to vector<16xf32>
        %parallel_loop3A_329 = arith.maximumf %parallel_loop3A_326, %parallel_loop3A_328 : vector<16xf32>
        %parallel_loop3A_330 = arith.index_cast %parallel_loop3A_232 : i32 to index
        %parallel_loop3A_331 = arith.constant 80 : index
        %parallel_loop3A_332 = tpu.vector_load %arg9[%parallel_loop3A_330, %parallel_loop3A_331] {strides = array<i32>} : memref<96x128xf32, #tpu.memory_space<vmem>>, vector<1x16xf32>,
        %parallel_loop3A_333 = vector.shape_cast %parallel_loop3A_332 : vector<1x16xf32> to vector<16xf32>
        %parallel_loop3A_334 = vector.shape_cast %parallel_loop3A_329 : vector<16xf32> to vector<1x16xf32>
        tpu.vector_store %arg9[%parallel_loop3A_330, %parallel_loop3A_331], %parallel_loop3A_334 {strides = array<i32>} : memref<96x128xf32, #tpu.memory_space<vmem>>, vector<1x16xf32>,
        %parallel_loop3A_335 = arith.index_cast %parallel_loop3A_232 : i32 to index
        %parallel_loop3A_336 = arith.constant 96 : index
        %parallel_loop3A_337 = tpu.vector_load %arg9[%parallel_loop3A_335, %parallel_loop3A_336] {strides = array<i32>} : memref<96x128xf32, #tpu.memory_space<vmem>>, vector<1x16xf32>,
        %parallel_loop3A_338 = vector.shape_cast %parallel_loop3A_337 : vector<1x16xf32> to vector<16xf32>
        %parallel_loop3A_339 = arith.index_cast %parallel_loop3A_232 : i32 to index
        %parallel_loop3A_340 = arith.constant 96 : index
        %parallel_loop3A_341 = tpu.vector_load %arg11[%parallel_loop3A_339, %parallel_loop3A_340] {strides = array<i32>} : memref<96x128xf32, #tpu.memory_space<vmem>>, vector<1x16xf32>,
        %parallel_loop3A_342 = vector.shape_cast %parallel_loop3A_341 : vector<1x16xf32> to vector<16xf32>
        %parallel_loop3A_343 = arith.addf %parallel_loop3A_338, %parallel_loop3A_342 : vector<16xf32>
        %parallel_loop3A_344 = arith.constant 0.000000e+00 : f32
        %parallel_loop3A_345 = vector.broadcast %parallel_loop3A_344 : f32 to vector<16xf32>
        %parallel_loop3A_346 = arith.maximumf %parallel_loop3A_343, %parallel_loop3A_345 : vector<16xf32>
        %parallel_loop3A_347 = arith.index_cast %parallel_loop3A_232 : i32 to index
        %parallel_loop3A_348 = arith.constant 96 : index
        %parallel_loop3A_349 = tpu.vector_load %arg9[%parallel_loop3A_347, %parallel_loop3A_348] {strides = array<i32>} : memref<96x128xf32, #tpu.memory_space<vmem>>, vector<1x16xf32>,
        %parallel_loop3A_350 = vector.shape_cast %parallel_loop3A_349 : vector<1x16xf32> to vector<16xf32>
        %parallel_loop3A_351 = vector.shape_cast %parallel_loop3A_346 : vector<16xf32> to vector<1x16xf32>
        tpu.vector_store %arg9[%parallel_loop3A_347, %parallel_loop3A_348], %parallel_loop3A_351 {strides = array<i32>} : memref<96x128xf32, #tpu.memory_space<vmem>>, vector<1x16xf32>,
        %parallel_loop3A_352 = arith.index_cast %parallel_loop3A_232 : i32 to index
        %parallel_loop3A_353 = arith.constant 112 : index
        %parallel_loop3A_354 = tpu.vector_load %arg9[%parallel_loop3A_352, %parallel_loop3A_353] {strides = array<i32>} : memref<96x128xf32, #tpu.memory_space<vmem>>, vector<1x16xf32>,
        %parallel_loop3A_355 = vector.shape_cast %parallel_loop3A_354 : vector<1x16xf32> to vector<16xf32>
        %parallel_loop3A_356 = arith.index_cast %parallel_loop3A_232 : i32 to index
        %parallel_loop3A_357 = arith.constant 112 : index
        %parallel_loop3A_358 = tpu.vector_load %arg11[%parallel_loop3A_356, %parallel_loop3A_357] {strides = array<i32>} : memref<96x128xf32, #tpu.memory_space<vmem>>, vector<1x16xf32>,
        %parallel_loop3A_359 = vector.shape_cast %parallel_loop3A_358 : vector<1x16xf32> to vector<16xf32>
        %parallel_loop3A_360 = arith.addf %parallel_loop3A_355, %parallel_loop3A_359 : vector<16xf32>
        %parallel_loop3A_361 = arith.constant 0.000000e+00 : f32
        %parallel_loop3A_362 = vector.broadcast %parallel_loop3A_361 : f32 to vector<16xf32>
        %parallel_loop3A_363 = arith.maximumf %parallel_loop3A_360, %parallel_loop3A_362 : vector<16xf32>
        %parallel_loop3A_364 = arith.index_cast %parallel_loop3A_232 : i32 to index
        %parallel_loop3A_365 = arith.constant 112 : index
        %parallel_loop3A_366 = tpu.vector_load %arg9[%parallel_loop3A_364, %parallel_loop3A_365] {strides = array<i32>} : memref<96x128xf32, #tpu.memory_space<vmem>>, vector<1x16xf32>,
        %parallel_loop3A_367 = vector.shape_cast %parallel_loop3A_366 : vector<1x16xf32> to vector<16xf32>
        %parallel_loop3A_368 = vector.shape_cast %parallel_loop3A_363 : vector<16xf32> to vector<1x16xf32>
        tpu.vector_store %arg9[%parallel_loop3A_364, %parallel_loop3A_365], %parallel_loop3A_368 {strides = array<i32>} : memref<96x128xf32, #tpu.memory_space<vmem>>, vector<1x16xf32>,
      } {sc.loop_unroll_factor = 4 : i64, sc.parallel_access}
      %dma_wait3A_221 = arith.constant 0 : i32
      %dma_wait3A_222 = arith.constant 0 : i32
      %dma_wait3A_223 = tpu.memref_slice %arg7[%dma_wait3A_221, %dma_wait3A_222] : memref<10112x128xf32, #tpu.memory_space<vmem_shared>> -> memref<10112x128xf32, #tpu.memory_space<vmem_shared>>
      tpu.wait_indirect_dma semaphore(%arg22 : memref<!tpu.dma_semaphore, #tpu.memory_space<semaphore_mem>>) src(%arg8 : memref<96x128xf32, #tpu.memory_space<vmem>>) dst(%dma_wait3A_223 : memref<10112x128xf32, #tpu.memory_space<vmem_shared>>)
      %lt3A_224 = arith.constant 52 : i32
      %lt3A_225 = arith.cmpi slt, %scan3A_60, %lt3A_224 : i32
      %convert_element_type3A_226 = arith.extui %lt3A_225 : i1 to i32
      %cond3A_227 = arith.constant 0 : i32
      %cond3A_228 = arith.cmpi ne, %convert_element_type3A_226, %cond3A_227 : i32
      scf.if %cond3A_228 {
        %dma_wait3A_232 = arith.constant 0 : i32
        %dma_wait3A_233 = tpu.memref_slice %arg4[%dma_wait3A_232] : memref<651264xi32, #tpu.memory_space<hbm>> -> memref<192xi32, #tpu.memory_space<hbm>>
        %dma_wait3A_234 = arith.constant 0 : i32
        %dma_wait3A_235 = tpu.memref_slice %arg4[%dma_wait3A_234] : memref<651264xi32, #tpu.memory_space<hbm>> -> memref<192xi32, #tpu.memory_space<hbm>>
        tpu.wait_dma2 semaphore(%arg16 : memref<!tpu.dma_semaphore, #tpu.memory_space<semaphore_mem>>) src(%dma_wait3A_235 : memref<192xi32, #tpu.memory_space<hbm>>) dst(%arg12 : memref<192xi32, #tpu.memory_space<vmem>>)
        %add3A_236 = arith.constant 1 : i32
        %add3A_237 = arith.addi %add3A_158, %add3A_236 : i32
        %dma_start3A_238 = arith.constant 0 : i32
        %dma_start3A_239 = arith.constant 0 : i32
        %dma_start3A_240 = tpu.memref_slice %arg8[%dma_start3A_238, %dma_start3A_239] : memref<96x128xf32, #tpu.memory_space<vmem>> -> memref<48x128xf32, #tpu.memory_space<vmem>>
        %dma_start3A_241 = arith.constant 0 : i32
        %dma_start3A_242 = tpu.memref_slice %arg12[%dma_start3A_241] : memref<192xi32, #tpu.memory_space<vmem>> -> memref<48xi32, #tpu.memory_space<vmem>>
        %dma_start3A_243 = arith.constant 0 : i32
        %dma_start3A_244 = arith.constant 0 : i32
        %dma_start3A_245 = tpu.memref_slice %arg2[%dma_start3A_243, %dma_start3A_244] : memref<10000x128xf32, #tpu.memory_space<hbm>> -> memref<10000x128xf32, #tpu.memory_space<hbm>>
        tpu.enqueue_indirect_dma source(%dma_start3A_245 : memref<10000x128xf32, #tpu.memory_space<hbm>>) target(%dma_start3A_240 : memref<48x128xf32, #tpu.memory_space<vmem>>) offsets(%dma_start3A_242 : memref<48xi32, #tpu.memory_space<vmem>>) semaphore(%arg18 : memref<!tpu.dma_semaphore, #tpu.memory_space<semaphore_mem>>)
        %dma_start3A_246 = arith.constant 48 : i32
        %dma_start3A_247 = arith.constant 0 : i32
        %dma_start3A_248 = tpu.memref_slice %arg8[%dma_start3A_246, %dma_start3A_247] : memref<96x128xf32, #tpu.memory_space<vmem>> -> memref<48x128xf32, #tpu.memory_space<vmem>>
        %dma_start3A_249 = arith.constant 48 : i32
        %dma_start3A_250 = tpu.memref_slice %arg12[%dma_start3A_249] : memref<192xi32, #tpu.memory_space<vmem>> -> memref<48xi32, #tpu.memory_space<vmem>>
        %dma_start3A_251 = arith.constant 0 : i32
        %dma_start3A_252 = arith.constant 0 : i32
        %dma_start3A_253 = tpu.memref_slice %arg2[%dma_start3A_251, %dma_start3A_252] : memref<10000x128xf32, #tpu.memory_space<hbm>> -> memref<10000x128xf32, #tpu.memory_space<hbm>>
        tpu.enqueue_indirect_dma source(%dma_start3A_253 : memref<10000x128xf32, #tpu.memory_space<hbm>>) target(%dma_start3A_248 : memref<48x128xf32, #tpu.memory_space<vmem>>) offsets(%dma_start3A_250 : memref<48xi32, #tpu.memory_space<vmem>>) semaphore(%arg18 : memref<!tpu.dma_semaphore, #tpu.memory_space<semaphore_mem>>)
        %mul3A_254 = arith.constant 96 : i32
        %mul3A_255 = arith.muli %add3A_237, %mul3A_254 : i32
        %add3A_256 = arith.addi %mul3A_2, %mul3A_255 : i32
        %dma_start3A_257 = arith.constant 0 : i32
        %dma_start3A_258 = tpu.memref_slice %arg3[%add3A_256, %dma_start3A_257] : memref<325632x128xf32, #tpu.memory_space<hbm>> -> memref<96x128xf32, #tpu.memory_space<hbm>>
        %dma_start3A_259 = arith.constant 0 : i32
        %dma_start3A_260 = tpu.memref_slice %arg3[%add3A_256, %dma_start3A_259] : memref<325632x128xf32, #tpu.memory_space<hbm>> -> memref<96x128xf32, #tpu.memory_space<hbm>>
        tpu.enqueue_dma source(%dma_start3A_260 : memref<96x128xf32, #tpu.memory_space<hbm>>) target(%arg10 : memref<96x128xf32, #tpu.memory_space<vmem>>) target_semaphore(%arg20 : memref<!tpu.dma_semaphore, #tpu.memory_space<semaphore_mem>>)
      } else {
      }
      %dma_start3A_229 = arith.constant 0 : i32
      %dma_start3A_230 = arith.constant 0 : i32
      %dma_start3A_231 = tpu.memref_slice %arg7[%dma_start3A_229, %dma_start3A_230] : memref<10112x128xf32, #tpu.memory_space<vmem_shared>> -> memref<10112x128xf32, #tpu.memory_space<vmem_shared>>
      tpu.enqueue_indirect_dma source(%arg9 : memref<96x128xf32, #tpu.memory_space<vmem>>) target(%dma_start3A_231 : memref<10112x128xf32, #tpu.memory_space<vmem_shared>>) offsets(%arg15 : memref<96xi32, #tpu.memory_space<vmem>>) semaphore(%arg23 : memref<!tpu.dma_semaphore, #tpu.memory_space<semaphore_mem>>) {add = true}
    }
    %scan3A_51 = arith.constant 53 : i32
    %dma_wait3A_52 = arith.constant 0 : i32
    %dma_wait3A_53 = arith.constant 0 : i32
    %dma_wait3A_54 = tpu.memref_slice %arg7[%dma_wait3A_52, %dma_wait3A_53] : memref<10112x128xf32, #tpu.memory_space<vmem_shared>> -> memref<10112x128xf32, #tpu.memory_space<vmem_shared>>
    tpu.wait_indirect_dma semaphore(%arg23 : memref<!tpu.dma_semaphore, #tpu.memory_space<semaphore_mem>>) src(%arg9 : memref<96x128xf32, #tpu.memory_space<vmem>>) dst(%dma_wait3A_54 : memref<10112x128xf32, #tpu.memory_space<vmem_shared>>)
    %barrier3A_55 = arith.constant 0 : index
    tpu.barrier barrier_id(%barrier3A_55)
    %mul3A_56 = arith.constant 632 : i32
    %mul3A_57 = arith.muli %arg1, %mul3A_56 : i32
    %mul3A_58 = arith.constant 632 : i32
    %mul3A_59 = arith.muli %arg1, %mul3A_58 : i32
    "tpu.region"() ({
      %run_scoped3A = tpu.sem_alloc : memref<!tpu.dma_semaphore, #tpu.memory_space<semaphore_mem>>
      %dma_start3A_60 = arith.constant 0 : i32
      %dma_start3A_61 = tpu.memref_slice %arg6[%arg0, %mul3A_59, %dma_start3A_60] : memref<2x10112x128xf32, #tpu.memory_space<hbm>> -> memref<1x632x128xf32, #tpu.memory_space<hbm>>
      %dma_start3A_62 = tpu.memref_squeeze %dma_start3A_61 : memref<1x632x128xf32, #tpu.memory_space<hbm>> -> memref<632x128xf32, #tpu.memory_space<hbm>>
      %dma_start3A_63 = arith.constant 0 : i32
      %dma_start3A_64 = tpu.memref_slice %arg7[%mul3A_57, %dma_start3A_63] : memref<10112x128xf32, #tpu.memory_space<vmem_shared>> -> memref<632x128xf32, #tpu.memory_space<vmem_shared>>
      tpu.enqueue_dma source(%dma_start3A_64 : memref<632x128xf32, #tpu.memory_space<vmem_shared>>) target(%dma_start3A_62 : memref<632x128xf32, #tpu.memory_space<hbm>>) target_semaphore(%run_scoped3A : memref<!tpu.dma_semaphore, #tpu.memory_space<semaphore_mem>>)
      %dma_wait3A_65 = arith.constant 0 : i32
      %dma_wait3A_66 = tpu.memref_slice %arg6[%arg0, %mul3A_59, %dma_wait3A_65] : memref<2x10112x128xf32, #tpu.memory_space<hbm>> -> memref<1x632x128xf32, #tpu.memory_space<hbm>>
      %dma_wait3A_67 = tpu.memref_squeeze %dma_wait3A_66 : memref<1x632x128xf32, #tpu.memory_space<hbm>> -> memref<632x128xf32, #tpu.memory_space<hbm>>
      %dma_wait3A_68 = arith.constant 0 : i32
      %dma_wait3A_69 = tpu.memref_slice %arg7[%mul3A_57, %dma_wait3A_68] : memref<10112x128xf32, #tpu.memory_space<vmem_shared>> -> memref<632x128xf32, #tpu.memory_space<vmem_shared>>
      tpu.wait_dma2 semaphore(%run_scoped3A : memref<!tpu.dma_semaphore, #tpu.memory_space<semaphore_mem>>) src(%dma_wait3A_69 : memref<632x128xf32, #tpu.memory_space<vmem_shared>>) dst(%dma_wait3A_67 : memref<632x128xf32, #tpu.memory_space<hbm>>)
      tpu.yield
    }) : () -> ()
    return
  }
}

#map = affine_map<(d0, d1) -> (0, 0)>
#map1 = affine_map<(d0, d1) -> (0)>
#map2 = affine_map<(d0, d1) -> (0, 0, 0)>
module attributes {stable_mosaic.version = 14 : i64} {
  func.func @body(%arg0: i32, %arg1: i32, %arg2: memref<10000x128xf32, #tpu.memory_space<hbm>>, %arg3: memref<325632x128xf32, #tpu.memory_space<hbm>>, %arg4: memref<651264xi32, #tpu.memory_space<hbm>>, %arg5: memref<10112x128xf32, #tpu.memory_space<hbm>>, %arg6: memref<2x10112x128xf32, #tpu.memory_space<hbm>>, %arg7: memref<10112x128xf32, #tpu.memory_space<vmem_shared>>, %arg8: memref<96x128xf32, #tpu.memory_space<vmem>>, %arg9: memref<96x128xf32, #tpu.memory_space<vmem>>, %arg10: memref<96x128xf32, #tpu.memory_space<vmem>>, %arg11: memref<96x128xf32, #tpu.memory_space<vmem>>, %arg12: memref<192xi32, #tpu.memory_space<vmem>>, %arg13: memref<192xi32, #tpu.memory_space<vmem>>, %arg14: memref<96xi32, #tpu.memory_space<vmem>>, %arg15: memref<96xi32, #tpu.memory_space<vmem>>, %arg16: memref<!tpu.dma_semaphore, #tpu.memory_space<semaphore_mem>>, %arg17: memref<!tpu.dma_semaphore, #tpu.memory_space<semaphore_mem>>, %arg18: memref<!tpu.dma_semaphore, #tpu.memory_space<semaphore_mem>>, %arg19: memref<!tpu.dma_semaphore, #tpu.memory_space<semaphore_mem>>, %arg20: memref<!tpu.dma_semaphore, #tpu.memory_space<semaphore_mem>>, %arg21: memref<!tpu.dma_semaphore, #tpu.memory_space<semaphore_mem>>, %arg22: memref<!tpu.dma_semaphore, #tpu.memory_space<semaphore_mem>>, %arg23: memref<!tpu.dma_semaphore, #tpu.memory_space<semaphore_mem>>) attributes {dimension_semantics = [#tpu.dimension_semantics<core_parallel>, #tpu.dimension_semantics<subcore_parallel>], iteration_bounds = array<i64: 2, 16>, scalar_prefetch = 0 : i64, scratch_operands = 17 : i64, tpu.core_type = #tpu.core_type<sc_vector_subcore>, window_params = [{transform_indices = #map}, {transform_indices = #map}, {transform_indices = #map1}, {transform_indices = #map}, {transform_indices = #map2}]} {
    %mul3A = arith.constant 2 : i32
    %mul3A_0 = arith.muli %arg1, %mul3A : i32
    %add3A = arith.addi %mul3A_0, %arg0 : i32
    %mul3A_1 = arith.constant 10176 : i32
    %mul3A_2 = arith.muli %add3A, %mul3A_1 : i32
    %mul3A_3 = arith.constant 632 : i32
    %mul3A_4 = arith.muli %arg1, %mul3A_3 : i32
    %mul3A_5 = arith.constant 632 : i32
    %mul3A_6 = arith.muli %arg1, %mul3A_5 : i32
    "tpu.region"() ({
      %run_scoped3A = tpu.sem_alloc : memref<!tpu.dma_semaphore, #tpu.memory_space<semaphore_mem>>
      %dma_start3A_60 = arith.constant 0 : i32
      %dma_start3A_61 = tpu.memref_slice %arg7[%mul3A_6, %dma_start3A_60] : memref<10112x128xf32, #tpu.memory_space<vmem_shared>> -> memref<632x128xf32, #tpu.memory_space<vmem_shared>>
      %dma_start3A_62 = arith.constant 0 : i32
      %dma_start3A_63 = tpu.memref_slice %arg5[%mul3A_4, %dma_start3A_62] : memref<10112x128xf32, #tpu.memory_space<hbm>> -> memref<632x128xf32, #tpu.memory_space<hbm>>
      tpu.enqueue_dma source(%dma_start3A_63 : memref<632x128xf32, #tpu.memory_space<hbm>>) target(%dma_start3A_61 : memref<632x128xf32, #tpu.memory_space<vmem_shared>>) target_semaphore(%run_scoped3A : memref<!tpu.dma_semaphore, #tpu.memory_space<semaphore_mem>>)
      %dma_wait3A_64 = arith.constant 0 : i32
      %dma_wait3A_65 = tpu.memref_slice %arg7[%mul3A_6, %dma_wait3A_64] : memref<10112x128xf32, #tpu.memory_space<vmem_shared>> -> memref<632x128xf32, #tpu.memory_space<vmem_shared>>
      %dma_wait3A_66 = arith.constant 0 : i32
      %dma_wait3A_67 = tpu.memref_slice %arg5[%mul3A_4, %dma_wait3A_66] : memref<10112x128xf32, #tpu.memory_space<hbm>> -> memref<632x128xf32, #tpu.memory_space<hbm>>
      tpu.wait_dma2 semaphore(%run_scoped3A : memref<!tpu.dma_semaphore, #tpu.memory_space<semaphore_mem>>) src(%dma_wait3A_67 : memref<632x128xf32, #tpu.memory_space<hbm>>) dst(%dma_wait3A_65 : memref<632x128xf32, #tpu.memory_space<vmem_shared>>)
      tpu.yield
    }) : () -> ()
    %barrier3A = arith.constant 0 : index
    tpu.barrier barrier_id(%barrier3A)
    %mul3A_7 = arith.constant 106 : i32
    %mul3A_8 = arith.muli %add3A, %mul3A_7 : i32
    %add3A_9 = arith.constant 0 : i32
    %add3A_10 = arith.addi %mul3A_8, %add3A_9 : i32
    %mul3A_11 = arith.constant 192 : i32
    %mul3A_12 = arith.muli %add3A_10, %mul3A_11 : i32
    %dma_start3A = tpu.memref_slice %arg4[%mul3A_12] : memref<651264xi32, #tpu.memory_space<hbm>> -> memref<192xi32, #tpu.memory_space<hbm>>
    %dma_start3A_13 = tpu.memref_slice %arg4[%mul3A_12] : memref<651264xi32, #tpu.memory_space<hbm>> -> memref<192xi32, #tpu.memory_space<hbm>>
    tpu.enqueue_dma source(%dma_start3A_13 : memref<192xi32, #tpu.memory_space<hbm>>) target(%arg12 : memref<192xi32, #tpu.memory_space<vmem>>) target_semaphore(%arg16 : memref<!tpu.dma_semaphore, #tpu.memory_space<semaphore_mem>>)
    %mul3A_14 = arith.constant 106 : i32
    %mul3A_15 = arith.muli %add3A, %mul3A_14 : i32
    %add3A_16 = arith.constant 1 : i32
    %add3A_17 = arith.addi %mul3A_15, %add3A_16 : i32
    %mul3A_18 = arith.constant 192 : i32
    %mul3A_19 = arith.muli %add3A_17, %mul3A_18 : i32
    %dma_start3A_20 = tpu.memref_slice %arg4[%mul3A_19] : memref<651264xi32, #tpu.memory_space<hbm>> -> memref<192xi32, #tpu.memory_space<hbm>>
    %dma_start3A_21 = tpu.memref_slice %arg4[%mul3A_19] : memref<651264xi32, #tpu.memory_space<hbm>> -> memref<192xi32, #tpu.memory_space<hbm>>
    tpu.enqueue_dma source(%dma_start3A_21 : memref<192xi32, #tpu.memory_space<hbm>>) target(%arg13 : memref<192xi32, #tpu.memory_space<vmem>>) target_semaphore(%arg17 : memref<!tpu.dma_semaphore, #tpu.memory_space<semaphore_mem>>)
    %dma_wait3A = arith.constant 0 : i32
    %dma_wait3A_22 = tpu.memref_slice %arg4[%dma_wait3A] : memref<651264xi32, #tpu.memory_space<hbm>> -> memref<192xi32, #tpu.memory_space<hbm>>
    %dma_wait3A_23 = arith.constant 0 : i32
    %dma_wait3A_24 = tpu.memref_slice %arg4[%dma_wait3A_23] : memref<651264xi32, #tpu.memory_space<hbm>> -> memref<192xi32, #tpu.memory_space<hbm>>
    tpu.wait_dma2 semaphore(%arg16 : memref<!tpu.dma_semaphore, #tpu.memory_space<semaphore_mem>>) src(%dma_wait3A_24 : memref<192xi32, #tpu.memory_space<hbm>>) dst(%arg12 : memref<192xi32, #tpu.memory_space<vmem>>)
    %dma_start3A_25 = arith.constant 0 : i32
    %dma_start3A_26 = arith.constant 0 : i32
    %dma_start3A_27 = tpu.memref_slice %arg8[%dma_start3A_25, %dma_start3A_26] : memref<96x128xf32, #tpu.memory_space<vmem>> -> memref<48x128xf32, #tpu.memory_space<vmem>>
    %dma_start3A_28 = arith.constant 0 : i32
    %dma_start3A_29 = tpu.memref_slice %arg12[%dma_start3A_28] : memref<192xi32, #tpu.memory_space<vmem>> -> memref<48xi32, #tpu.memory_space<vmem>>
    %dma_start3A_30 = arith.constant 0 : i32
    %dma_start3A_31 = arith.constant 0 : i32
    %dma_start3A_32 = tpu.memref_slice %arg2[%dma_start3A_30, %dma_start3A_31] : memref<10000x128xf32, #tpu.memory_space<hbm>> -> memref<10000x128xf32, #tpu.memory_space<hbm>>
    tpu.enqueue_indirect_dma source(%dma_start3A_32 : memref<10000x128xf32, #tpu.memory_space<hbm>>) target(%dma_start3A_27 : memref<48x128xf32, #tpu.memory_space<vmem>>) offsets(%dma_start3A_29 : memref<48xi32, #tpu.memory_space<vmem>>) semaphore(%arg18 : memref<!tpu.dma_semaphore, #tpu.memory_space<semaphore_mem>>)
    %dma_start3A_33 = arith.constant 48 : i32
    %dma_start3A_34 = arith.constant 0 : i32
    %dma_start3A_35 = tpu.memref_slice %arg8[%dma_start3A_33, %dma_start3A_34] : memref<96x128xf32, #tpu.memory_space<vmem>> -> memref<48x128xf32, #tpu.memory_space<vmem>>
    %dma_start3A_36 = arith.constant 48 : i32
    %dma_start3A_37 = tpu.memref_slice %arg12[%dma_start3A_36] : memref<192xi32, #tpu.memory_space<vmem>> -> memref<48xi32, #tpu.memory_space<vmem>>
    %dma_start3A_38 = arith.constant 0 : i32
    %dma_start3A_39 = arith.constant 0 : i32
    %dma_start3A_40 = tpu.memref_slice %arg2[%dma_start3A_38, %dma_start3A_39] : memref<10000x128xf32, #tpu.memory_space<hbm>> -> memref<10000x128xf32, #tpu.memory_space<hbm>>
    tpu.enqueue_indirect_dma source(%dma_start3A_40 : memref<10000x128xf32, #tpu.memory_space<hbm>>) target(%dma_start3A_35 : memref<48x128xf32, #tpu.memory_space<vmem>>) offsets(%dma_start3A_37 : memref<48xi32, #tpu.memory_space<vmem>>) semaphore(%arg18 : memref<!tpu.dma_semaphore, #tpu.memory_space<semaphore_mem>>)
    %add3A_41 = arith.constant 0 : i32
    %add3A_42 = arith.addi %mul3A_2, %add3A_41 : i32
    %dma_start3A_43 = arith.constant 0 : i32
    %dma_start3A_44 = tpu.memref_slice %arg3[%add3A_42, %dma_start3A_43] : memref<325632x128xf32, #tpu.memory_space<hbm>> -> memref<96x128xf32, #tpu.memory_space<hbm>>
    %dma_start3A_45 = arith.constant 0 : i32
    %dma_start3A_46 = tpu.memref_slice %arg3[%add3A_42, %dma_start3A_45] : memref<325632x128xf32, #tpu.memory_space<hbm>> -> memref<96x128xf32, #tpu.memory_space<hbm>>
    tpu.enqueue_dma source(%dma_start3A_46 : memref<96x128xf32, #tpu.memory_space<hbm>>) target(%arg10 : memref<96x128xf32, #tpu.memory_space<vmem>>) target_semaphore(%arg20 : memref<!tpu.dma_semaphore, #tpu.memory_space<semaphore_mem>>)
    %scan3A = arith.constant 0 : i32
    %scan3A_47 = arith.constant 0 : i32
    %scan3A_48 = arith.constant 53 : i32
    %scan3A_49 = arith.addi %scan3A_47, %scan3A_48 : i32
    %scan3A_50 = arith.constant 1 : i32
    scf.for %scan3A_60 = %scan3A_47 to %scan3A_49 step %scan3A_50  : i32 {
      %mul3A_61 = arith.constant 2 : i32
      %mul3A_62 = arith.muli %mul3A_61, %scan3A_60 : i32
      %add3A_63 = arith.constant 0 : i32
      %add3A_64 = arith.addi %mul3A_62, %add3A_63 : i32
      %dma_wait3A_65 = arith.constant 0 : i32
      %dma_wait3A_66 = arith.constant 0 : i32
      %dma_wait3A_67 = tpu.memref_slice %arg3[%dma_wait3A_65, %dma_wait3A_66] : memref<325632x128xf32, #tpu.memory_space<hbm>> -> memref<96x128xf32, #tpu.memory_space<hbm>>
      %dma_wait3A_68 = arith.constant 0 : i32
      %dma_wait3A_69 = arith.constant 0 : i32
      %dma_wait3A_70 = tpu.memref_slice %arg3[%dma_wait3A_68, %dma_wait3A_69] : memref<325632x128xf32, #tpu.memory_space<hbm>> -> memref<96x128xf32, #tpu.memory_space<hbm>>
      tpu.wait_dma2 semaphore(%arg18 : memref<!tpu.dma_semaphore, #tpu.memory_space<semaphore_mem>>) src(%dma_wait3A_70 : memref<96x128xf32, #tpu.memory_space<hbm>>) dst(%arg8 : memref<96x128xf32, #tpu.memory_space<vmem>>)
      %dma_wait3A_71 = arith.constant 0 : i32
      %dma_wait3A_72 = arith.constant 0 : i32
      %dma_wait3A_73 = tpu.memref_slice %arg3[%dma_wait3A_71, %dma_wait3A_72] : memref<325632x128xf32, #tpu.memory_space<hbm>> -> memref<96x128xf32, #tpu.memory_space<hbm>>
      %dma_wait3A_74 = arith.constant 0 : i32
      %dma_wait3A_75 = arith.constant 0 : i32
      %dma_wait3A_76 = tpu.memref_slice %arg3[%dma_wait3A_74, %dma_wait3A_75] : memref<325632x128xf32, #tpu.memory_space<hbm>> -> memref<96x128xf32, #tpu.memory_space<hbm>>
      tpu.wait_dma2 semaphore(%arg20 : memref<!tpu.dma_semaphore, #tpu.memory_space<semaphore_mem>>) src(%dma_wait3A_76 : memref<96x128xf32, #tpu.memory_space<hbm>>) dst(%arg10 : memref<96x128xf32, #tpu.memory_space<vmem>>)
      %get3A = arith.constant 96 : index
      %get3A_77 = tpu.vector_load %arg12[%get3A] {strides = array<i32>} : memref<192xi32, #tpu.memory_space<vmem>>, vector<16xi32>,
      %get3A_78 = vector.shape_cast %get3A_77 : vector<16xi32> to vector<16xi32>
      %swap3A = arith.constant 0 : index
      %swap3A_79 = tpu.vector_load %arg14[%swap3A] {strides = array<i32>} : memref<96xi32, #tpu.memory_space<vmem>>, vector<16xi32>,
      %swap3A_80 = vector.shape_cast %swap3A_79 : vector<16xi32> to vector<16xi32>
      %swap3A_81 = vector.shape_cast %get3A_78 : vector<16xi32> to vector<16xi32>
      tpu.vector_store %arg14[%swap3A], %swap3A_81 {strides = array<i32>} : memref<96xi32, #tpu.memory_space<vmem>>, vector<16xi32>,
      %get3A_82 = arith.constant 112 : index
      %get3A_83 = tpu.vector_load %arg12[%get3A_82] {strides = array<i32>} : memref<192xi32, #tpu.memory_space<vmem>>, vector<16xi32>,
      %get3A_84 = vector.shape_cast %get3A_83 : vector<16xi32> to vector<16xi32>
      %swap3A_85 = arith.constant 16 : index
      %swap3A_86 = tpu.vector_load %arg14[%swap3A_85] {strides = array<i32>} : memref<96xi32, #tpu.memory_space<vmem>>, vector<16xi32>,
      %swap3A_87 = vector.shape_cast %swap3A_86 : vector<16xi32> to vector<16xi32>
      %swap3A_88 = vector.shape_cast %get3A_84 : vector<16xi32> to vector<16xi32>
      tpu.vector_store %arg14[%swap3A_85], %swap3A_88 {strides = array<i32>} : memref<96xi32, #tpu.memory_space<vmem>>, vector<16xi32>,
      %get3A_89 = arith.constant 128 : index
      %get3A_90 = tpu.vector_load %arg12[%get3A_89] {strides = array<i32>} : memref<192xi32, #tpu.memory_space<vmem>>, vector<16xi32>,
      %get3A_91 = vector.shape_cast %get3A_90 : vector<16xi32> to vector<16xi32>
      %swap3A_92 = arith.constant 32 : index
      %swap3A_93 = tpu.vector_load %arg14[%swap3A_92] {strides = array<i32>} : memref<96xi32, #tpu.memory_space<vmem>>, vector<16xi32>,
      %swap3A_94 = vector.shape_cast %swap3A_93 : vector<16xi32> to vector<16xi32>
      %swap3A_95 = vector.shape_cast %get3A_91 : vector<16xi32> to vector<16xi32>
      tpu.vector_store %arg14[%swap3A_92], %swap3A_95 {strides = array<i32>} : memref<96xi32, #tpu.memory_space<vmem>>, vector<16xi32>,
      %get3A_96 = arith.constant 144 : index
      %get3A_97 = tpu.vector_load %arg12[%get3A_96] {strides = array<i32>} : memref<192xi32, #tpu.memory_space<vmem>>, vector<16xi32>,
      %get3A_98 = vector.shape_cast %get3A_97 : vector<16xi32> to vector<16xi32>
      %swap3A_99 = arith.constant 48 : index
      %swap3A_100 = tpu.vector_load %arg14[%swap3A_99] {strides = array<i32>} : memref<96xi32, #tpu.memory_space<vmem>>, vector<16xi32>,
      %swap3A_101 = vector.shape_cast %swap3A_100 : vector<16xi32> to vector<16xi32>
      %swap3A_102 = vector.shape_cast %get3A_98 : vector<16xi32> to vector<16xi32>
      tpu.vector_store %arg14[%swap3A_99], %swap3A_102 {strides = array<i32>} : memref<96xi32, #tpu.memory_space<vmem>>, vector<16xi32>,
      %get3A_103 = arith.constant 160 : index
      %get3A_104 = tpu.vector_load %arg12[%get3A_103] {strides = array<i32>} : memref<192xi32, #tpu.memory_space<vmem>>, vector<16xi32>,
      %get3A_105 = vector.shape_cast %get3A_104 : vector<16xi32> to vector<16xi32>
      %swap3A_106 = arith.constant 64 : index
      %swap3A_107 = tpu.vector_load %arg14[%swap3A_106] {strides = array<i32>} : memref<96xi32, #tpu.memory_space<vmem>>, vector<16xi32>,
      %swap3A_108 = vector.shape_cast %swap3A_107 : vector<16xi32> to vector<16xi32>
      %swap3A_109 = vector.shape_cast %get3A_105 : vector<16xi32> to vector<16xi32>
      tpu.vector_store %arg14[%swap3A_106], %swap3A_109 {strides = array<i32>} : memref<96xi32, #tpu.memory_space<vmem>>, vector<16xi32>,
      %get3A_110 = arith.constant 176 : index
      %get3A_111 = tpu.vector_load %arg12[%get3A_110] {strides = array<i32>} : memref<192xi32, #tpu.memory_space<vmem>>, vector<16xi32>,
      %get3A_112 = vector.shape_cast %get3A_111 : vector<16xi32> to vector<16xi32>
      %swap3A_113 = arith.constant 80 : index
      %swap3A_114 = tpu.vector_load %arg14[%swap3A_113] {strides = array<i32>} : memref<96xi32, #tpu.memory_space<vmem>>, vector<16xi32>,
      %swap3A_115 = vector.shape_cast %swap3A_114 : vector<16xi32> to vector<16xi32>
      %swap3A_116 = vector.shape_cast %get3A_112 : vector<16xi32> to vector<16xi32>
      tpu.vector_store %arg14[%swap3A_113], %swap3A_116 {strides = array<i32>} : memref<96xi32, #tpu.memory_space<vmem>>, vector<16xi32>,
      %lt3A = arith.constant 52 : i32
      %lt3A_117 = arith.cmpi slt, %scan3A_60, %lt3A : i32
      %convert_element_type3A = arith.extui %lt3A_117 : i1 to i32
      %cond3A = arith.constant 0 : i32
      %cond3A_118 = arith.cmpi ne, %convert_element_type3A, %cond3A : i32
      scf.if %cond3A_118 {
        %add3A_232 = arith.constant 2 : i32
        %add3A_233 = arith.addi %add3A_64, %add3A_232 : i32
        %mul3A_234 = arith.constant 106 : i32
        %mul3A_235 = arith.muli %add3A, %mul3A_234 : i32
        %add3A_236 = arith.addi %mul3A_235, %add3A_233 : i32
        %mul3A_237 = arith.constant 192 : i32
        %mul3A_238 = arith.muli %add3A_236, %mul3A_237 : i32
        %dma_start3A_239 = tpu.memref_slice %arg4[%mul3A_238] : memref<651264xi32, #tpu.memory_space<hbm>> -> memref<192xi32, #tpu.memory_space<hbm>>
        %dma_start3A_240 = tpu.memref_slice %arg4[%mul3A_238] : memref<651264xi32, #tpu.memory_space<hbm>> -> memref<192xi32, #tpu.memory_space<hbm>>
        tpu.enqueue_dma source(%dma_start3A_240 : memref<192xi32, #tpu.memory_space<hbm>>) target(%arg12 : memref<192xi32, #tpu.memory_space<vmem>>) target_semaphore(%arg16 : memref<!tpu.dma_semaphore, #tpu.memory_space<semaphore_mem>>)
      } else {
      }
      %parallel_loop3A = arith.constant 0 : i32
      %parallel_loop3A_119 = arith.constant 96 : i32
      %parallel_loop3A_120 = arith.constant 1 : i32
      scf.for %parallel_loop3A_232 = %parallel_loop3A to %parallel_loop3A_119 step %parallel_loop3A_120  : i32 {
        %parallel_loop3A_233 = arith.index_cast %parallel_loop3A_232 : i32 to index
        %parallel_loop3A_234 = arith.constant 0 : index
        %parallel_loop3A_235 = tpu.vector_load %arg8[%parallel_loop3A_233, %parallel_loop3A_234] {strides = array<i32>} : memref<96x128xf32, #tpu.memory_space<vmem>>, vector<1x16xf32>,
        %parallel_loop3A_236 = vector.shape_cast %parallel_loop3A_235 : vector<1x16xf32> to vector<16xf32>
        %parallel_loop3A_237 = arith.index_cast %parallel_loop3A_232 : i32 to index
        %parallel_loop3A_238 = arith.constant 0 : index
        %parallel_loop3A_239 = tpu.vector_load %arg10[%parallel_loop3A_237, %parallel_loop3A_238] {strides = array<i32>} : memref<96x128xf32, #tpu.memory_space<vmem>>, vector<1x16xf32>,
        %parallel_loop3A_240 = vector.shape_cast %parallel_loop3A_239 : vector<1x16xf32> to vector<16xf32>
        %parallel_loop3A_241 = arith.addf %parallel_loop3A_236, %parallel_loop3A_240 : vector<16xf32>
        %parallel_loop3A_242 = arith.constant 0.000000e+00 : f32
        %parallel_loop3A_243 = vector.broadcast %parallel_loop3A_242 : f32 to vector<16xf32>
        %parallel_loop3A_244 = arith.maximumf %parallel_loop3A_241, %parallel_loop3A_243 : vector<16xf32>
        %parallel_loop3A_245 = arith.index_cast %parallel_loop3A_232 : i32 to index
        %parallel_loop3A_246 = arith.constant 0 : index
        %parallel_loop3A_247 = tpu.vector_load %arg8[%parallel_loop3A_245, %parallel_loop3A_246] {strides = array<i32>} : memref<96x128xf32, #tpu.memory_space<vmem>>, vector<1x16xf32>,
        %parallel_loop3A_248 = vector.shape_cast %parallel_loop3A_247 : vector<1x16xf32> to vector<16xf32>
        %parallel_loop3A_249 = vector.shape_cast %parallel_loop3A_244 : vector<16xf32> to vector<1x16xf32>
        tpu.vector_store %arg8[%parallel_loop3A_245, %parallel_loop3A_246], %parallel_loop3A_249 {strides = array<i32>} : memref<96x128xf32, #tpu.memory_space<vmem>>, vector<1x16xf32>,
        %parallel_loop3A_250 = arith.index_cast %parallel_loop3A_232 : i32 to index
        %parallel_loop3A_251 = arith.constant 16 : index
        %parallel_loop3A_252 = tpu.vector_load %arg8[%parallel_loop3A_250, %parallel_loop3A_251] {strides = array<i32>} : memref<96x128xf32, #tpu.memory_space<vmem>>, vector<1x16xf32>,
        %parallel_loop3A_253 = vector.shape_cast %parallel_loop3A_252 : vector<1x16xf32> to vector<16xf32>
        %parallel_loop3A_254 = arith.index_cast %parallel_loop3A_232 : i32 to index
        %parallel_loop3A_255 = arith.constant 16 : index
        %parallel_loop3A_256 = tpu.vector_load %arg10[%parallel_loop3A_254, %parallel_loop3A_255] {strides = array<i32>} : memref<96x128xf32, #tpu.memory_space<vmem>>, vector<1x16xf32>,
        %parallel_loop3A_257 = vector.shape_cast %parallel_loop3A_256 : vector<1x16xf32> to vector<16xf32>
        %parallel_loop3A_258 = arith.addf %parallel_loop3A_253, %parallel_loop3A_257 : vector<16xf32>
        %parallel_loop3A_259 = arith.constant 0.000000e+00 : f32
        %parallel_loop3A_260 = vector.broadcast %parallel_loop3A_259 : f32 to vector<16xf32>
        %parallel_loop3A_261 = arith.maximumf %parallel_loop3A_258, %parallel_loop3A_260 : vector<16xf32>
        %parallel_loop3A_262 = arith.index_cast %parallel_loop3A_232 : i32 to index
        %parallel_loop3A_263 = arith.constant 16 : index
        %parallel_loop3A_264 = tpu.vector_load %arg8[%parallel_loop3A_262, %parallel_loop3A_263] {strides = array<i32>} : memref<96x128xf32, #tpu.memory_space<vmem>>, vector<1x16xf32>,
        %parallel_loop3A_265 = vector.shape_cast %parallel_loop3A_264 : vector<1x16xf32> to vector<16xf32>
        %parallel_loop3A_266 = vector.shape_cast %parallel_loop3A_261 : vector<16xf32> to vector<1x16xf32>
        tpu.vector_store %arg8[%parallel_loop3A_262, %parallel_loop3A_263], %parallel_loop3A_266 {strides = array<i32>} : memref<96x128xf32, #tpu.memory_space<vmem>>, vector<1x16xf32>,
        %parallel_loop3A_267 = arith.index_cast %parallel_loop3A_232 : i32 to index
        %parallel_loop3A_268 = arith.constant 32 : index
        %parallel_loop3A_269 = tpu.vector_load %arg8[%parallel_loop3A_267, %parallel_loop3A_268] {strides = array<i32>} : memref<96x128xf32, #tpu.memory_space<vmem>>, vector<1x16xf32>,
        %parallel_loop3A_270 = vector.shape_cast %parallel_loop3A_269 : vector<1x16xf32> to vector<16xf32>
        %parallel_loop3A_271 = arith.index_cast %parallel_loop3A_232 : i32 to index
        %parallel_loop3A_272 = arith.constant 32 : index
        %parallel_loop3A_273 = tpu.vector_load %arg10[%parallel_loop3A_271, %parallel_loop3A_272] {strides = array<i32>} : memref<96x128xf32, #tpu.memory_space<vmem>>, vector<1x16xf32>,
        %parallel_loop3A_274 = vector.shape_cast %parallel_loop3A_273 : vector<1x16xf32> to vector<16xf32>
        %parallel_loop3A_275 = arith.addf %parallel_loop3A_270, %parallel_loop3A_274 : vector<16xf32>
        %parallel_loop3A_276 = arith.constant 0.000000e+00 : f32
        %parallel_loop3A_277 = vector.broadcast %parallel_loop3A_276 : f32 to vector<16xf32>
        %parallel_loop3A_278 = arith.maximumf %parallel_loop3A_275, %parallel_loop3A_277 : vector<16xf32>
        %parallel_loop3A_279 = arith.index_cast %parallel_loop3A_232 : i32 to index
        %parallel_loop3A_280 = arith.constant 32 : index
        %parallel_loop3A_281 = tpu.vector_load %arg8[%parallel_loop3A_279, %parallel_loop3A_280] {strides = array<i32>} : memref<96x128xf32, #tpu.memory_space<vmem>>, vector<1x16xf32>,
        %parallel_loop3A_282 = vector.shape_cast %parallel_loop3A_281 : vector<1x16xf32> to vector<16xf32>
        %parallel_loop3A_283 = vector.shape_cast %parallel_loop3A_278 : vector<16xf32> to vector<1x16xf32>
        tpu.vector_store %arg8[%parallel_loop3A_279, %parallel_loop3A_280], %parallel_loop3A_283 {strides = array<i32>} : memref<96x128xf32, #tpu.memory_space<vmem>>, vector<1x16xf32>,
        %parallel_loop3A_284 = arith.index_cast %parallel_loop3A_232 : i32 to index
        %parallel_loop3A_285 = arith.constant 48 : index
        %parallel_loop3A_286 = tpu.vector_load %arg8[%parallel_loop3A_284, %parallel_loop3A_285] {strides = array<i32>} : memref<96x128xf32, #tpu.memory_space<vmem>>, vector<1x16xf32>,
        %parallel_loop3A_287 = vector.shape_cast %parallel_loop3A_286 : vector<1x16xf32> to vector<16xf32>
        %parallel_loop3A_288 = arith.index_cast %parallel_loop3A_232 : i32 to index
        %parallel_loop3A_289 = arith.constant 48 : index
        %parallel_loop3A_290 = tpu.vector_load %arg10[%parallel_loop3A_288, %parallel_loop3A_289] {strides = array<i32>} : memref<96x128xf32, #tpu.memory_space<vmem>>, vector<1x16xf32>,
        %parallel_loop3A_291 = vector.shape_cast %parallel_loop3A_290 : vector<1x16xf32> to vector<16xf32>
        %parallel_loop3A_292 = arith.addf %parallel_loop3A_287, %parallel_loop3A_291 : vector<16xf32>
        %parallel_loop3A_293 = arith.constant 0.000000e+00 : f32
        %parallel_loop3A_294 = vector.broadcast %parallel_loop3A_293 : f32 to vector<16xf32>
        %parallel_loop3A_295 = arith.maximumf %parallel_loop3A_292, %parallel_loop3A_294 : vector<16xf32>
        %parallel_loop3A_296 = arith.index_cast %parallel_loop3A_232 : i32 to index
        %parallel_loop3A_297 = arith.constant 48 : index
        %parallel_loop3A_298 = tpu.vector_load %arg8[%parallel_loop3A_296, %parallel_loop3A_297] {strides = array<i32>} : memref<96x128xf32, #tpu.memory_space<vmem>>, vector<1x16xf32>,
        %parallel_loop3A_299 = vector.shape_cast %parallel_loop3A_298 : vector<1x16xf32> to vector<16xf32>
        %parallel_loop3A_300 = vector.shape_cast %parallel_loop3A_295 : vector<16xf32> to vector<1x16xf32>
        tpu.vector_store %arg8[%parallel_loop3A_296, %parallel_loop3A_297], %parallel_loop3A_300 {strides = array<i32>} : memref<96x128xf32, #tpu.memory_space<vmem>>, vector<1x16xf32>,
        %parallel_loop3A_301 = arith.index_cast %parallel_loop3A_232 : i32 to index
        %parallel_loop3A_302 = arith.constant 64 : index
        %parallel_loop3A_303 = tpu.vector_load %arg8[%parallel_loop3A_301, %parallel_loop3A_302] {strides = array<i32>} : memref<96x128xf32, #tpu.memory_space<vmem>>, vector<1x16xf32>,
        %parallel_loop3A_304 = vector.shape_cast %parallel_loop3A_303 : vector<1x16xf32> to vector<16xf32>
        %parallel_loop3A_305 = arith.index_cast %parallel_loop3A_232 : i32 to index
        %parallel_loop3A_306 = arith.constant 64 : index
        %parallel_loop3A_307 = tpu.vector_load %arg10[%parallel_loop3A_305, %parallel_loop3A_306] {strides = array<i32>} : memref<96x128xf32, #tpu.memory_space<vmem>>, vector<1x16xf32>,
        %parallel_loop3A_308 = vector.shape_cast %parallel_loop3A_307 : vector<1x16xf32> to vector<16xf32>
        %parallel_loop3A_309 = arith.addf %parallel_loop3A_304, %parallel_loop3A_308 : vector<16xf32>
        %parallel_loop3A_310 = arith.constant 0.000000e+00 : f32
        %parallel_loop3A_311 = vector.broadcast %parallel_loop3A_310 : f32 to vector<16xf32>
        %parallel_loop3A_312 = arith.maximumf %parallel_loop3A_309, %parallel_loop3A_311 : vector<16xf32>
        %parallel_loop3A_313 = arith.index_cast %parallel_loop3A_232 : i32 to index
        %parallel_loop3A_314 = arith.constant 64 : index
        %parallel_loop3A_315 = tpu.vector_load %arg8[%parallel_loop3A_313, %parallel_loop3A_314] {strides = array<i32>} : memref<96x128xf32, #tpu.memory_space<vmem>>, vector<1x16xf32>,
        %parallel_loop3A_316 = vector.shape_cast %parallel_loop3A_315 : vector<1x16xf32> to vector<16xf32>
        %parallel_loop3A_317 = vector.shape_cast %parallel_loop3A_312 : vector<16xf32> to vector<1x16xf32>
        tpu.vector_store %arg8[%parallel_loop3A_313, %parallel_loop3A_314], %parallel_loop3A_317 {strides = array<i32>} : memref<96x128xf32, #tpu.memory_space<vmem>>, vector<1x16xf32>,
        %parallel_loop3A_318 = arith.index_cast %parallel_loop3A_232 : i32 to index
        %parallel_loop3A_319 = arith.constant 80 : index
        %parallel_loop3A_320 = tpu.vector_load %arg8[%parallel_loop3A_318, %parallel_loop3A_319] {strides = array<i32>} : memref<96x128xf32, #tpu.memory_space<vmem>>, vector<1x16xf32>,
        %parallel_loop3A_321 = vector.shape_cast %parallel_loop3A_320 : vector<1x16xf32> to vector<16xf32>
        %parallel_loop3A_322 = arith.index_cast %parallel_loop3A_232 : i32 to index
        %parallel_loop3A_323 = arith.constant 80 : index
        %parallel_loop3A_324 = tpu.vector_load %arg10[%parallel_loop3A_322, %parallel_loop3A_323] {strides = array<i32>} : memref<96x128xf32, #tpu.memory_space<vmem>>, vector<1x16xf32>,
        %parallel_loop3A_325 = vector.shape_cast %parallel_loop3A_324 : vector<1x16xf32> to vector<16xf32>
        %parallel_loop3A_326 = arith.addf %parallel_loop3A_321, %parallel_loop3A_325 : vector<16xf32>
        %parallel_loop3A_327 = arith.constant 0.000000e+00 : f32
        %parallel_loop3A_328 = vector.broadcast %parallel_loop3A_327 : f32 to vector<16xf32>
        %parallel_loop3A_329 = arith.maximumf %parallel_loop3A_326, %parallel_loop3A_328 : vector<16xf32>
        %parallel_loop3A_330 = arith.index_cast %parallel_loop3A_232 : i32 to index
        %parallel_loop3A_331 = arith.constant 80 : index
        %parallel_loop3A_332 = tpu.vector_load %arg8[%parallel_loop3A_330, %parallel_loop3A_331] {strides = array<i32>} : memref<96x128xf32, #tpu.memory_space<vmem>>, vector<1x16xf32>,
        %parallel_loop3A_333 = vector.shape_cast %parallel_loop3A_332 : vector<1x16xf32> to vector<16xf32>
        %parallel_loop3A_334 = vector.shape_cast %parallel_loop3A_329 : vector<16xf32> to vector<1x16xf32>
        tpu.vector_store %arg8[%parallel_loop3A_330, %parallel_loop3A_331], %parallel_loop3A_334 {strides = array<i32>} : memref<96x128xf32, #tpu.memory_space<vmem>>, vector<1x16xf32>,
        %parallel_loop3A_335 = arith.index_cast %parallel_loop3A_232 : i32 to index
        %parallel_loop3A_336 = arith.constant 96 : index
        %parallel_loop3A_337 = tpu.vector_load %arg8[%parallel_loop3A_335, %parallel_loop3A_336] {strides = array<i32>} : memref<96x128xf32, #tpu.memory_space<vmem>>, vector<1x16xf32>,
        %parallel_loop3A_338 = vector.shape_cast %parallel_loop3A_337 : vector<1x16xf32> to vector<16xf32>
        %parallel_loop3A_339 = arith.index_cast %parallel_loop3A_232 : i32 to index
        %parallel_loop3A_340 = arith.constant 96 : index
        %parallel_loop3A_341 = tpu.vector_load %arg10[%parallel_loop3A_339, %parallel_loop3A_340] {strides = array<i32>} : memref<96x128xf32, #tpu.memory_space<vmem>>, vector<1x16xf32>,
        %parallel_loop3A_342 = vector.shape_cast %parallel_loop3A_341 : vector<1x16xf32> to vector<16xf32>
        %parallel_loop3A_343 = arith.addf %parallel_loop3A_338, %parallel_loop3A_342 : vector<16xf32>
        %parallel_loop3A_344 = arith.constant 0.000000e+00 : f32
        %parallel_loop3A_345 = vector.broadcast %parallel_loop3A_344 : f32 to vector<16xf32>
        %parallel_loop3A_346 = arith.maximumf %parallel_loop3A_343, %parallel_loop3A_345 : vector<16xf32>
        %parallel_loop3A_347 = arith.index_cast %parallel_loop3A_232 : i32 to index
        %parallel_loop3A_348 = arith.constant 96 : index
        %parallel_loop3A_349 = tpu.vector_load %arg8[%parallel_loop3A_347, %parallel_loop3A_348] {strides = array<i32>} : memref<96x128xf32, #tpu.memory_space<vmem>>, vector<1x16xf32>,
        %parallel_loop3A_350 = vector.shape_cast %parallel_loop3A_349 : vector<1x16xf32> to vector<16xf32>
        %parallel_loop3A_351 = vector.shape_cast %parallel_loop3A_346 : vector<16xf32> to vector<1x16xf32>
        tpu.vector_store %arg8[%parallel_loop3A_347, %parallel_loop3A_348], %parallel_loop3A_351 {strides = array<i32>} : memref<96x128xf32, #tpu.memory_space<vmem>>, vector<1x16xf32>,
        %parallel_loop3A_352 = arith.index_cast %parallel_loop3A_232 : i32 to index
        %parallel_loop3A_353 = arith.constant 112 : index
        %parallel_loop3A_354 = tpu.vector_load %arg8[%parallel_loop3A_352, %parallel_loop3A_353] {strides = array<i32>} : memref<96x128xf32, #tpu.memory_space<vmem>>, vector<1x16xf32>,
        %parallel_loop3A_355 = vector.shape_cast %parallel_loop3A_354 : vector<1x16xf32> to vector<16xf32>
        %parallel_loop3A_356 = arith.index_cast %parallel_loop3A_232 : i32 to index
        %parallel_loop3A_357 = arith.constant 112 : index
        %parallel_loop3A_358 = tpu.vector_load %arg10[%parallel_loop3A_356, %parallel_loop3A_357] {strides = array<i32>} : memref<96x128xf32, #tpu.memory_space<vmem>>, vector<1x16xf32>,
        %parallel_loop3A_359 = vector.shape_cast %parallel_loop3A_358 : vector<1x16xf32> to vector<16xf32>
        %parallel_loop3A_360 = arith.addf %parallel_loop3A_355, %parallel_loop3A_359 : vector<16xf32>
        %parallel_loop3A_361 = arith.constant 0.000000e+00 : f32
        %parallel_loop3A_362 = vector.broadcast %parallel_loop3A_361 : f32 to vector<16xf32>
        %parallel_loop3A_363 = arith.maximumf %parallel_loop3A_360, %parallel_loop3A_362 : vector<16xf32>
        %parallel_loop3A_364 = arith.index_cast %parallel_loop3A_232 : i32 to index
        %parallel_loop3A_365 = arith.constant 112 : index
        %parallel_loop3A_366 = tpu.vector_load %arg8[%parallel_loop3A_364, %parallel_loop3A_365] {strides = array<i32>} : memref<96x128xf32, #tpu.memory_space<vmem>>, vector<1x16xf32>,
        %parallel_loop3A_367 = vector.shape_cast %parallel_loop3A_366 : vector<1x16xf32> to vector<16xf32>
        %parallel_loop3A_368 = vector.shape_cast %parallel_loop3A_363 : vector<16xf32> to vector<1x16xf32>
        tpu.vector_store %arg8[%parallel_loop3A_364, %parallel_loop3A_365], %parallel_loop3A_368 {strides = array<i32>} : memref<96x128xf32, #tpu.memory_space<vmem>>, vector<1x16xf32>,
      } {sc.loop_unroll_factor = 4 : i64, sc.parallel_access}
      %gt3A = arith.constant 0 : i32
      %gt3A_121 = arith.cmpi sgt, %scan3A_60, %gt3A : i32
      %convert_element_type3A_122 = arith.extui %gt3A_121 : i1 to i32
      %cond3A_123 = arith.constant 0 : i32
      %cond3A_124 = arith.cmpi ne, %convert_element_type3A_122, %cond3A_123 : i32
      scf.if %cond3A_124 {
        %dma_wait3A_232 = arith.constant 0 : i32
        %dma_wait3A_233 = arith.constant 0 : i32
        %dma_wait3A_234 = tpu.memref_slice %arg7[%dma_wait3A_232, %dma_wait3A_233] : memref<10112x128xf32, #tpu.memory_space<vmem_shared>> -> memref<10112x128xf32, #tpu.memory_space<vmem_shared>>
        tpu.wait_indirect_dma semaphore(%arg23 : memref<!tpu.dma_semaphore, #tpu.memory_space<semaphore_mem>>) src(%arg9 : memref<96x128xf32, #tpu.memory_space<vmem>>) dst(%dma_wait3A_234 : memref<10112x128xf32, #tpu.memory_space<vmem_shared>>)
      } else {
      }
      %dma_wait3A_125 = arith.constant 0 : i32
      %dma_wait3A_126 = tpu.memref_slice %arg4[%dma_wait3A_125] : memref<651264xi32, #tpu.memory_space<hbm>> -> memref<192xi32, #tpu.memory_space<hbm>>
      %dma_wait3A_127 = arith.constant 0 : i32
      %dma_wait3A_128 = tpu.memref_slice %arg4[%dma_wait3A_127] : memref<651264xi32, #tpu.memory_space<hbm>> -> memref<192xi32, #tpu.memory_space<hbm>>
      tpu.wait_dma2 semaphore(%arg17 : memref<!tpu.dma_semaphore, #tpu.memory_space<semaphore_mem>>) src(%dma_wait3A_128 : memref<192xi32, #tpu.memory_space<hbm>>) dst(%arg13 : memref<192xi32, #tpu.memory_space<vmem>>)
      %add3A_129 = arith.constant 1 : i32
      %add3A_130 = arith.addi %add3A_64, %add3A_129 : i32
      %dma_start3A_131 = arith.constant 0 : i32
      %dma_start3A_132 = arith.constant 0 : i32
      %dma_start3A_133 = tpu.memref_slice %arg9[%dma_start3A_131, %dma_start3A_132] : memref<96x128xf32, #tpu.memory_space<vmem>> -> memref<48x128xf32, #tpu.memory_space<vmem>>
      %dma_start3A_134 = arith.constant 0 : i32
      %dma_start3A_135 = tpu.memref_slice %arg13[%dma_start3A_134] : memref<192xi32, #tpu.memory_space<vmem>> -> memref<48xi32, #tpu.memory_space<vmem>>
      %dma_start3A_136 = arith.constant 0 : i32
      %dma_start3A_137 = arith.constant 0 : i32
      %dma_start3A_138 = tpu.memref_slice %arg2[%dma_start3A_136, %dma_start3A_137] : memref<10000x128xf32, #tpu.memory_space<hbm>> -> memref<10000x128xf32, #tpu.memory_space<hbm>>
      tpu.enqueue_indirect_dma source(%dma_start3A_138 : memref<10000x128xf32, #tpu.memory_space<hbm>>) target(%dma_start3A_133 : memref<48x128xf32, #tpu.memory_space<vmem>>) offsets(%dma_start3A_135 : memref<48xi32, #tpu.memory_space<vmem>>) semaphore(%arg19 : memref<!tpu.dma_semaphore, #tpu.memory_space<semaphore_mem>>)
      %dma_start3A_139 = arith.constant 48 : i32
      %dma_start3A_140 = arith.constant 0 : i32
      %dma_start3A_141 = tpu.memref_slice %arg9[%dma_start3A_139, %dma_start3A_140] : memref<96x128xf32, #tpu.memory_space<vmem>> -> memref<48x128xf32, #tpu.memory_space<vmem>>
      %dma_start3A_142 = arith.constant 48 : i32
      %dma_start3A_143 = tpu.memref_slice %arg13[%dma_start3A_142] : memref<192xi32, #tpu.memory_space<vmem>> -> memref<48xi32, #tpu.memory_space<vmem>>
      %dma_start3A_144 = arith.constant 0 : i32
      %dma_start3A_145 = arith.constant 0 : i32
      %dma_start3A_146 = tpu.memref_slice %arg2[%dma_start3A_144, %dma_start3A_145] : memref<10000x128xf32, #tpu.memory_space<hbm>> -> memref<10000x128xf32, #tpu.memory_space<hbm>>
      tpu.enqueue_indirect_dma source(%dma_start3A_146 : memref<10000x128xf32, #tpu.memory_space<hbm>>) target(%dma_start3A_141 : memref<48x128xf32, #tpu.memory_space<vmem>>) offsets(%dma_start3A_143 : memref<48xi32, #tpu.memory_space<vmem>>) semaphore(%arg19 : memref<!tpu.dma_semaphore, #tpu.memory_space<semaphore_mem>>)
      %mul3A_147 = arith.constant 96 : i32
      %mul3A_148 = arith.muli %add3A_130, %mul3A_147 : i32
      %add3A_149 = arith.addi %mul3A_2, %mul3A_148 : i32
      %dma_start3A_150 = arith.constant 0 : i32
      %dma_start3A_151 = tpu.memref_slice %arg3[%add3A_149, %dma_start3A_150] : memref<325632x128xf32, #tpu.memory_space<hbm>> -> memref<96x128xf32, #tpu.memory_space<hbm>>
      %dma_start3A_152 = arith.constant 0 : i32
      %dma_start3A_153 = tpu.memref_slice %arg3[%add3A_149, %dma_start3A_152] : memref<325632x128xf32, #tpu.memory_space<hbm>> -> memref<96x128xf32, #tpu.memory_space<hbm>>
      tpu.enqueue_dma source(%dma_start3A_153 : memref<96x128xf32, #tpu.memory_space<hbm>>) target(%arg11 : memref<96x128xf32, #tpu.memory_space<vmem>>) target_semaphore(%arg21 : memref<!tpu.dma_semaphore, #tpu.memory_space<semaphore_mem>>)
      %dma_start3A_154 = arith.constant 0 : i32
      %dma_start3A_155 = arith.constant 0 : i32
      %dma_start3A_156 = tpu.memref_slice %arg7[%dma_start3A_154, %dma_start3A_155] : memref<10112x128xf32, #tpu.memory_space<vmem_shared>> -> memref<10112x128xf32, #tpu.memory_space<vmem_shared>>
      tpu.enqueue_indirect_dma source(%arg8 : memref<96x128xf32, #tpu.memory_space<vmem>>) target(%dma_start3A_156 : memref<10112x128xf32, #tpu.memory_space<vmem_shared>>) offsets(%arg14 : memref<96xi32, #tpu.memory_space<vmem>>) semaphore(%arg22 : memref<!tpu.dma_semaphore, #tpu.memory_space<semaphore_mem>>) {add = true}
      %add3A_157 = arith.constant 1 : i32
      %add3A_158 = arith.addi %mul3A_62, %add3A_157 : i32
      %dma_wait3A_159 = arith.constant 0 : i32
      %dma_wait3A_160 = arith.constant 0 : i32
      %dma_wait3A_161 = tpu.memref_slice %arg3[%dma_wait3A_159, %dma_wait3A_160] : memref<325632x128xf32, #tpu.memory_space<hbm>> -> memref<96x128xf32, #tpu.memory_space<hbm>>
      %dma_wait3A_162 = arith.constant 0 : i32
      %dma_wait3A_163 = arith.constant 0 : i32
      %dma_wait3A_164 = tpu.memref_slice %arg3[%dma_wait3A_162, %dma_wait3A_163] : memref<325632x128xf32, #tpu.memory_space<hbm>> -> memref<96x128xf32, #tpu.memory_space<hbm>>
      tpu.wait_dma2 semaphore(%arg19 : memref<!tpu.dma_semaphore, #tpu.memory_space<semaphore_mem>>) src(%dma_wait3A_164 : memref<96x128xf32, #tpu.memory_space<hbm>>) dst(%arg9 : memref<96x128xf32, #tpu.memory_space<vmem>>)
      %dma_wait3A_165 = arith.constant 0 : i32
      %dma_wait3A_166 = arith.constant 0 : i32
      %dma_wait3A_167 = tpu.memref_slice %arg3[%dma_wait3A_165, %dma_wait3A_166] : memref<325632x128xf32, #tpu.memory_space<hbm>> -> memref<96x128xf32, #tpu.memory_space<hbm>>
      %dma_wait3A_168 = arith.constant 0 : i32
      %dma_wait3A_169 = arith.constant 0 : i32
      %dma_wait3A_170 = tpu.memref_slice %arg3[%dma_wait3A_168, %dma_wait3A_169] : memref<325632x128xf32, #tpu.memory_space<hbm>> -> memref<96x128xf32, #tpu.memory_space<hbm>>
      tpu.wait_dma2 semaphore(%arg21 : memref<!tpu.dma_semaphore, #tpu.memory_space<semaphore_mem>>) src(%dma_wait3A_170 : memref<96x128xf32, #tpu.memory_space<hbm>>) dst(%arg11 : memref<96x128xf32, #tpu.memory_space<vmem>>)
      %get3A_171 = arith.constant 96 : index
      %get3A_172 = tpu.vector_load %arg13[%get3A_171] {strides = array<i32>} : memref<192xi32, #tpu.memory_space<vmem>>, vector<16xi32>,
      %get3A_173 = vector.shape_cast %get3A_172 : vector<16xi32> to vector<16xi32>
      %swap3A_174 = arith.constant 0 : index
      %swap3A_175 = tpu.vector_load %arg15[%swap3A_174] {strides = array<i32>} : memref<96xi32, #tpu.memory_space<vmem>>, vector<16xi32>,
      %swap3A_176 = vector.shape_cast %swap3A_175 : vector<16xi32> to vector<16xi32>
      %swap3A_177 = vector.shape_cast %get3A_173 : vector<16xi32> to vector<16xi32>
      tpu.vector_store %arg15[%swap3A_174], %swap3A_177 {strides = array<i32>} : memref<96xi32, #tpu.memory_space<vmem>>, vector<16xi32>,
      %get3A_178 = arith.constant 112 : index
      %get3A_179 = tpu.vector_load %arg13[%get3A_178] {strides = array<i32>} : memref<192xi32, #tpu.memory_space<vmem>>, vector<16xi32>,
      %get3A_180 = vector.shape_cast %get3A_179 : vector<16xi32> to vector<16xi32>
      %swap3A_181 = arith.constant 16 : index
      %swap3A_182 = tpu.vector_load %arg15[%swap3A_181] {strides = array<i32>} : memref<96xi32, #tpu.memory_space<vmem>>, vector<16xi32>,
      %swap3A_183 = vector.shape_cast %swap3A_182 : vector<16xi32> to vector<16xi32>
      %swap3A_184 = vector.shape_cast %get3A_180 : vector<16xi32> to vector<16xi32>
      tpu.vector_store %arg15[%swap3A_181], %swap3A_184 {strides = array<i32>} : memref<96xi32, #tpu.memory_space<vmem>>, vector<16xi32>,
      %get3A_185 = arith.constant 128 : index
      %get3A_186 = tpu.vector_load %arg13[%get3A_185] {strides = array<i32>} : memref<192xi32, #tpu.memory_space<vmem>>, vector<16xi32>,
      %get3A_187 = vector.shape_cast %get3A_186 : vector<16xi32> to vector<16xi32>
      %swap3A_188 = arith.constant 32 : index
      %swap3A_189 = tpu.vector_load %arg15[%swap3A_188] {strides = array<i32>} : memref<96xi32, #tpu.memory_space<vmem>>, vector<16xi32>,
      %swap3A_190 = vector.shape_cast %swap3A_189 : vector<16xi32> to vector<16xi32>
      %swap3A_191 = vector.shape_cast %get3A_187 : vector<16xi32> to vector<16xi32>
      tpu.vector_store %arg15[%swap3A_188], %swap3A_191 {strides = array<i32>} : memref<96xi32, #tpu.memory_space<vmem>>, vector<16xi32>,
      %get3A_192 = arith.constant 144 : index
      %get3A_193 = tpu.vector_load %arg13[%get3A_192] {strides = array<i32>} : memref<192xi32, #tpu.memory_space<vmem>>, vector<16xi32>,
      %get3A_194 = vector.shape_cast %get3A_193 : vector<16xi32> to vector<16xi32>
      %swap3A_195 = arith.constant 48 : index
      %swap3A_196 = tpu.vector_load %arg15[%swap3A_195] {strides = array<i32>} : memref<96xi32, #tpu.memory_space<vmem>>, vector<16xi32>,
      %swap3A_197 = vector.shape_cast %swap3A_196 : vector<16xi32> to vector<16xi32>
      %swap3A_198 = vector.shape_cast %get3A_194 : vector<16xi32> to vector<16xi32>
      tpu.vector_store %arg15[%swap3A_195], %swap3A_198 {strides = array<i32>} : memref<96xi32, #tpu.memory_space<vmem>>, vector<16xi32>,
      %get3A_199 = arith.constant 160 : index
      %get3A_200 = tpu.vector_load %arg13[%get3A_199] {strides = array<i32>} : memref<192xi32, #tpu.memory_space<vmem>>, vector<16xi32>,
      %get3A_201 = vector.shape_cast %get3A_200 : vector<16xi32> to vector<16xi32>
      %swap3A_202 = arith.constant 64 : index
      %swap3A_203 = tpu.vector_load %arg15[%swap3A_202] {strides = array<i32>} : memref<96xi32, #tpu.memory_space<vmem>>, vector<16xi32>,
      %swap3A_204 = vector.shape_cast %swap3A_203 : vector<16xi32> to vector<16xi32>
      %swap3A_205 = vector.shape_cast %get3A_201 : vector<16xi32> to vector<16xi32>
      tpu.vector_store %arg15[%swap3A_202], %swap3A_205 {strides = array<i32>} : memref<96xi32, #tpu.memory_space<vmem>>, vector<16xi32>,
      %get3A_206 = arith.constant 176 : index
      %get3A_207 = tpu.vector_load %arg13[%get3A_206] {strides = array<i32>} : memref<192xi32, #tpu.memory_space<vmem>>, vector<16xi32>,
      %get3A_208 = vector.shape_cast %get3A_207 : vector<16xi32> to vector<16xi32>
      %swap3A_209 = arith.constant 80 : index
      %swap3A_210 = tpu.vector_load %arg15[%swap3A_209] {strides = array<i32>} : memref<96xi32, #tpu.memory_space<vmem>>, vector<16xi32>,
      %swap3A_211 = vector.shape_cast %swap3A_210 : vector<16xi32> to vector<16xi32>
      %swap3A_212 = vector.shape_cast %get3A_208 : vector<16xi32> to vector<16xi32>
      tpu.vector_store %arg15[%swap3A_209], %swap3A_212 {strides = array<i32>} : memref<96xi32, #tpu.memory_space<vmem>>, vector<16xi32>,
      %lt3A_213 = arith.constant 52 : i32
      %lt3A_214 = arith.cmpi slt, %scan3A_60, %lt3A_213 : i32
      %convert_element_type3A_215 = arith.extui %lt3A_214 : i1 to i32
      %cond3A_216 = arith.constant 0 : i32
      %cond3A_217 = arith.cmpi ne, %convert_element_type3A_215, %cond3A_216 : i32
      scf.if %cond3A_217 {
        %add3A_232 = arith.constant 2 : i32
        %add3A_233 = arith.addi %add3A_158, %add3A_232 : i32
        %mul3A_234 = arith.constant 106 : i32
        %mul3A_235 = arith.muli %add3A, %mul3A_234 : i32
        %add3A_236 = arith.addi %mul3A_235, %add3A_233 : i32
        %mul3A_237 = arith.constant 192 : i32
        %mul3A_238 = arith.muli %add3A_236, %mul3A_237 : i32
        %dma_start3A_239 = tpu.memref_slice %arg4[%mul3A_238] : memref<651264xi32, #tpu.memory_space<hbm>> -> memref<192xi32, #tpu.memory_space<hbm>>
        %dma_start3A_240 = tpu.memref_slice %arg4[%mul3A_238] : memref<651264xi32, #tpu.memory_space<hbm>> -> memref<192xi32, #tpu.memory_space<hbm>>
        tpu.enqueue_dma source(%dma_start3A_240 : memref<192xi32, #tpu.memory_space<hbm>>) target(%arg13 : memref<192xi32, #tpu.memory_space<vmem>>) target_semaphore(%arg17 : memref<!tpu.dma_semaphore, #tpu.memory_space<semaphore_mem>>)
      } else {
      }
      %parallel_loop3A_218 = arith.constant 0 : i32
      %parallel_loop3A_219 = arith.constant 96 : i32
      %parallel_loop3A_220 = arith.constant 1 : i32
      scf.for %parallel_loop3A_232 = %parallel_loop3A_218 to %parallel_loop3A_219 step %parallel_loop3A_220  : i32 {
        %parallel_loop3A_233 = arith.index_cast %parallel_loop3A_232 : i32 to index
        %parallel_loop3A_234 = arith.constant 0 : index
        %parallel_loop3A_235 = tpu.vector_load %arg9[%parallel_loop3A_233, %parallel_loop3A_234] {strides = array<i32>} : memref<96x128xf32, #tpu.memory_space<vmem>>, vector<1x16xf32>,
        %parallel_loop3A_236 = vector.shape_cast %parallel_loop3A_235 : vector<1x16xf32> to vector<16xf32>
        %parallel_loop3A_237 = arith.index_cast %parallel_loop3A_232 : i32 to index
        %parallel_loop3A_238 = arith.constant 0 : index
        %parallel_loop3A_239 = tpu.vector_load %arg11[%parallel_loop3A_237, %parallel_loop3A_238] {strides = array<i32>} : memref<96x128xf32, #tpu.memory_space<vmem>>, vector<1x16xf32>,
        %parallel_loop3A_240 = vector.shape_cast %parallel_loop3A_239 : vector<1x16xf32> to vector<16xf32>
        %parallel_loop3A_241 = arith.addf %parallel_loop3A_236, %parallel_loop3A_240 : vector<16xf32>
        %parallel_loop3A_242 = arith.constant 0.000000e+00 : f32
        %parallel_loop3A_243 = vector.broadcast %parallel_loop3A_242 : f32 to vector<16xf32>
        %parallel_loop3A_244 = arith.maximumf %parallel_loop3A_241, %parallel_loop3A_243 : vector<16xf32>
        %parallel_loop3A_245 = arith.index_cast %parallel_loop3A_232 : i32 to index
        %parallel_loop3A_246 = arith.constant 0 : index
        %parallel_loop3A_247 = tpu.vector_load %arg9[%parallel_loop3A_245, %parallel_loop3A_246] {strides = array<i32>} : memref<96x128xf32, #tpu.memory_space<vmem>>, vector<1x16xf32>,
        %parallel_loop3A_248 = vector.shape_cast %parallel_loop3A_247 : vector<1x16xf32> to vector<16xf32>
        %parallel_loop3A_249 = vector.shape_cast %parallel_loop3A_244 : vector<16xf32> to vector<1x16xf32>
        tpu.vector_store %arg9[%parallel_loop3A_245, %parallel_loop3A_246], %parallel_loop3A_249 {strides = array<i32>} : memref<96x128xf32, #tpu.memory_space<vmem>>, vector<1x16xf32>,
        %parallel_loop3A_250 = arith.index_cast %parallel_loop3A_232 : i32 to index
        %parallel_loop3A_251 = arith.constant 16 : index
        %parallel_loop3A_252 = tpu.vector_load %arg9[%parallel_loop3A_250, %parallel_loop3A_251] {strides = array<i32>} : memref<96x128xf32, #tpu.memory_space<vmem>>, vector<1x16xf32>,
        %parallel_loop3A_253 = vector.shape_cast %parallel_loop3A_252 : vector<1x16xf32> to vector<16xf32>
        %parallel_loop3A_254 = arith.index_cast %parallel_loop3A_232 : i32 to index
        %parallel_loop3A_255 = arith.constant 16 : index
        %parallel_loop3A_256 = tpu.vector_load %arg11[%parallel_loop3A_254, %parallel_loop3A_255] {strides = array<i32>} : memref<96x128xf32, #tpu.memory_space<vmem>>, vector<1x16xf32>,
        %parallel_loop3A_257 = vector.shape_cast %parallel_loop3A_256 : vector<1x16xf32> to vector<16xf32>
        %parallel_loop3A_258 = arith.addf %parallel_loop3A_253, %parallel_loop3A_257 : vector<16xf32>
        %parallel_loop3A_259 = arith.constant 0.000000e+00 : f32
        %parallel_loop3A_260 = vector.broadcast %parallel_loop3A_259 : f32 to vector<16xf32>
        %parallel_loop3A_261 = arith.maximumf %parallel_loop3A_258, %parallel_loop3A_260 : vector<16xf32>
        %parallel_loop3A_262 = arith.index_cast %parallel_loop3A_232 : i32 to index
        %parallel_loop3A_263 = arith.constant 16 : index
        %parallel_loop3A_264 = tpu.vector_load %arg9[%parallel_loop3A_262, %parallel_loop3A_263] {strides = array<i32>} : memref<96x128xf32, #tpu.memory_space<vmem>>, vector<1x16xf32>,
        %parallel_loop3A_265 = vector.shape_cast %parallel_loop3A_264 : vector<1x16xf32> to vector<16xf32>
        %parallel_loop3A_266 = vector.shape_cast %parallel_loop3A_261 : vector<16xf32> to vector<1x16xf32>
        tpu.vector_store %arg9[%parallel_loop3A_262, %parallel_loop3A_263], %parallel_loop3A_266 {strides = array<i32>} : memref<96x128xf32, #tpu.memory_space<vmem>>, vector<1x16xf32>,
        %parallel_loop3A_267 = arith.index_cast %parallel_loop3A_232 : i32 to index
        %parallel_loop3A_268 = arith.constant 32 : index
        %parallel_loop3A_269 = tpu.vector_load %arg9[%parallel_loop3A_267, %parallel_loop3A_268] {strides = array<i32>} : memref<96x128xf32, #tpu.memory_space<vmem>>, vector<1x16xf32>,
        %parallel_loop3A_270 = vector.shape_cast %parallel_loop3A_269 : vector<1x16xf32> to vector<16xf32>
        %parallel_loop3A_271 = arith.index_cast %parallel_loop3A_232 : i32 to index
        %parallel_loop3A_272 = arith.constant 32 : index
        %parallel_loop3A_273 = tpu.vector_load %arg11[%parallel_loop3A_271, %parallel_loop3A_272] {strides = array<i32>} : memref<96x128xf32, #tpu.memory_space<vmem>>, vector<1x16xf32>,
        %parallel_loop3A_274 = vector.shape_cast %parallel_loop3A_273 : vector<1x16xf32> to vector<16xf32>
        %parallel_loop3A_275 = arith.addf %parallel_loop3A_270, %parallel_loop3A_274 : vector<16xf32>
        %parallel_loop3A_276 = arith.constant 0.000000e+00 : f32
        %parallel_loop3A_277 = vector.broadcast %parallel_loop3A_276 : f32 to vector<16xf32>
        %parallel_loop3A_278 = arith.maximumf %parallel_loop3A_275, %parallel_loop3A_277 : vector<16xf32>
        %parallel_loop3A_279 = arith.index_cast %parallel_loop3A_232 : i32 to index
        %parallel_loop3A_280 = arith.constant 32 : index
        %parallel_loop3A_281 = tpu.vector_load %arg9[%parallel_loop3A_279, %parallel_loop3A_280] {strides = array<i32>} : memref<96x128xf32, #tpu.memory_space<vmem>>, vector<1x16xf32>,
        %parallel_loop3A_282 = vector.shape_cast %parallel_loop3A_281 : vector<1x16xf32> to vector<16xf32>
        %parallel_loop3A_283 = vector.shape_cast %parallel_loop3A_278 : vector<16xf32> to vector<1x16xf32>
        tpu.vector_store %arg9[%parallel_loop3A_279, %parallel_loop3A_280], %parallel_loop3A_283 {strides = array<i32>} : memref<96x128xf32, #tpu.memory_space<vmem>>, vector<1x16xf32>,
        %parallel_loop3A_284 = arith.index_cast %parallel_loop3A_232 : i32 to index
        %parallel_loop3A_285 = arith.constant 48 : index
        %parallel_loop3A_286 = tpu.vector_load %arg9[%parallel_loop3A_284, %parallel_loop3A_285] {strides = array<i32>} : memref<96x128xf32, #tpu.memory_space<vmem>>, vector<1x16xf32>,
        %parallel_loop3A_287 = vector.shape_cast %parallel_loop3A_286 : vector<1x16xf32> to vector<16xf32>
        %parallel_loop3A_288 = arith.index_cast %parallel_loop3A_232 : i32 to index
        %parallel_loop3A_289 = arith.constant 48 : index
        %parallel_loop3A_290 = tpu.vector_load %arg11[%parallel_loop3A_288, %parallel_loop3A_289] {strides = array<i32>} : memref<96x128xf32, #tpu.memory_space<vmem>>, vector<1x16xf32>,
        %parallel_loop3A_291 = vector.shape_cast %parallel_loop3A_290 : vector<1x16xf32> to vector<16xf32>
        %parallel_loop3A_292 = arith.addf %parallel_loop3A_287, %parallel_loop3A_291 : vector<16xf32>
        %parallel_loop3A_293 = arith.constant 0.000000e+00 : f32
        %parallel_loop3A_294 = vector.broadcast %parallel_loop3A_293 : f32 to vector<16xf32>
        %parallel_loop3A_295 = arith.maximumf %parallel_loop3A_292, %parallel_loop3A_294 : vector<16xf32>
        %parallel_loop3A_296 = arith.index_cast %parallel_loop3A_232 : i32 to index
        %parallel_loop3A_297 = arith.constant 48 : index
        %parallel_loop3A_298 = tpu.vector_load %arg9[%parallel_loop3A_296, %parallel_loop3A_297] {strides = array<i32>} : memref<96x128xf32, #tpu.memory_space<vmem>>, vector<1x16xf32>,
        %parallel_loop3A_299 = vector.shape_cast %parallel_loop3A_298 : vector<1x16xf32> to vector<16xf32>
        %parallel_loop3A_300 = vector.shape_cast %parallel_loop3A_295 : vector<16xf32> to vector<1x16xf32>
        tpu.vector_store %arg9[%parallel_loop3A_296, %parallel_loop3A_297], %parallel_loop3A_300 {strides = array<i32>} : memref<96x128xf32, #tpu.memory_space<vmem>>, vector<1x16xf32>,
        %parallel_loop3A_301 = arith.index_cast %parallel_loop3A_232 : i32 to index
        %parallel_loop3A_302 = arith.constant 64 : index
        %parallel_loop3A_303 = tpu.vector_load %arg9[%parallel_loop3A_301, %parallel_loop3A_302] {strides = array<i32>} : memref<96x128xf32, #tpu.memory_space<vmem>>, vector<1x16xf32>,
        %parallel_loop3A_304 = vector.shape_cast %parallel_loop3A_303 : vector<1x16xf32> to vector<16xf32>
        %parallel_loop3A_305 = arith.index_cast %parallel_loop3A_232 : i32 to index
        %parallel_loop3A_306 = arith.constant 64 : index
        %parallel_loop3A_307 = tpu.vector_load %arg11[%parallel_loop3A_305, %parallel_loop3A_306] {strides = array<i32>} : memref<96x128xf32, #tpu.memory_space<vmem>>, vector<1x16xf32>,
        %parallel_loop3A_308 = vector.shape_cast %parallel_loop3A_307 : vector<1x16xf32> to vector<16xf32>
        %parallel_loop3A_309 = arith.addf %parallel_loop3A_304, %parallel_loop3A_308 : vector<16xf32>
        %parallel_loop3A_310 = arith.constant 0.000000e+00 : f32
        %parallel_loop3A_311 = vector.broadcast %parallel_loop3A_310 : f32 to vector<16xf32>
        %parallel_loop3A_312 = arith.maximumf %parallel_loop3A_309, %parallel_loop3A_311 : vector<16xf32>
        %parallel_loop3A_313 = arith.index_cast %parallel_loop3A_232 : i32 to index
        %parallel_loop3A_314 = arith.constant 64 : index
        %parallel_loop3A_315 = tpu.vector_load %arg9[%parallel_loop3A_313, %parallel_loop3A_314] {strides = array<i32>} : memref<96x128xf32, #tpu.memory_space<vmem>>, vector<1x16xf32>,
        %parallel_loop3A_316 = vector.shape_cast %parallel_loop3A_315 : vector<1x16xf32> to vector<16xf32>
        %parallel_loop3A_317 = vector.shape_cast %parallel_loop3A_312 : vector<16xf32> to vector<1x16xf32>
        tpu.vector_store %arg9[%parallel_loop3A_313, %parallel_loop3A_314], %parallel_loop3A_317 {strides = array<i32>} : memref<96x128xf32, #tpu.memory_space<vmem>>, vector<1x16xf32>,
        %parallel_loop3A_318 = arith.index_cast %parallel_loop3A_232 : i32 to index
        %parallel_loop3A_319 = arith.constant 80 : index
        %parallel_loop3A_320 = tpu.vector_load %arg9[%parallel_loop3A_318, %parallel_loop3A_319] {strides = array<i32>} : memref<96x128xf32, #tpu.memory_space<vmem>>, vector<1x16xf32>,
        %parallel_loop3A_321 = vector.shape_cast %parallel_loop3A_320 : vector<1x16xf32> to vector<16xf32>
        %parallel_loop3A_322 = arith.index_cast %parallel_loop3A_232 : i32 to index
        %parallel_loop3A_323 = arith.constant 80 : index
        %parallel_loop3A_324 = tpu.vector_load %arg11[%parallel_loop3A_322, %parallel_loop3A_323] {strides = array<i32>} : memref<96x128xf32, #tpu.memory_space<vmem>>, vector<1x16xf32>,
        %parallel_loop3A_325 = vector.shape_cast %parallel_loop3A_324 : vector<1x16xf32> to vector<16xf32>
        %parallel_loop3A_326 = arith.addf %parallel_loop3A_321, %parallel_loop3A_325 : vector<16xf32>
        %parallel_loop3A_327 = arith.constant 0.000000e+00 : f32
        %parallel_loop3A_328 = vector.broadcast %parallel_loop3A_327 : f32 to vector<16xf32>
        %parallel_loop3A_329 = arith.maximumf %parallel_loop3A_326, %parallel_loop3A_328 : vector<16xf32>
        %parallel_loop3A_330 = arith.index_cast %parallel_loop3A_232 : i32 to index
        %parallel_loop3A_331 = arith.constant 80 : index
        %parallel_loop3A_332 = tpu.vector_load %arg9[%parallel_loop3A_330, %parallel_loop3A_331] {strides = array<i32>} : memref<96x128xf32, #tpu.memory_space<vmem>>, vector<1x16xf32>,
        %parallel_loop3A_333 = vector.shape_cast %parallel_loop3A_332 : vector<1x16xf32> to vector<16xf32>
        %parallel_loop3A_334 = vector.shape_cast %parallel_loop3A_329 : vector<16xf32> to vector<1x16xf32>
        tpu.vector_store %arg9[%parallel_loop3A_330, %parallel_loop3A_331], %parallel_loop3A_334 {strides = array<i32>} : memref<96x128xf32, #tpu.memory_space<vmem>>, vector<1x16xf32>,
        %parallel_loop3A_335 = arith.index_cast %parallel_loop3A_232 : i32 to index
        %parallel_loop3A_336 = arith.constant 96 : index
        %parallel_loop3A_337 = tpu.vector_load %arg9[%parallel_loop3A_335, %parallel_loop3A_336] {strides = array<i32>} : memref<96x128xf32, #tpu.memory_space<vmem>>, vector<1x16xf32>,
        %parallel_loop3A_338 = vector.shape_cast %parallel_loop3A_337 : vector<1x16xf32> to vector<16xf32>
        %parallel_loop3A_339 = arith.index_cast %parallel_loop3A_232 : i32 to index
        %parallel_loop3A_340 = arith.constant 96 : index
        %parallel_loop3A_341 = tpu.vector_load %arg11[%parallel_loop3A_339, %parallel_loop3A_340] {strides = array<i32>} : memref<96x128xf32, #tpu.memory_space<vmem>>, vector<1x16xf32>,
        %parallel_loop3A_342 = vector.shape_cast %parallel_loop3A_341 : vector<1x16xf32> to vector<16xf32>
        %parallel_loop3A_343 = arith.addf %parallel_loop3A_338, %parallel_loop3A_342 : vector<16xf32>
        %parallel_loop3A_344 = arith.constant 0.000000e+00 : f32
        %parallel_loop3A_345 = vector.broadcast %parallel_loop3A_344 : f32 to vector<16xf32>
        %parallel_loop3A_346 = arith.maximumf %parallel_loop3A_343, %parallel_loop3A_345 : vector<16xf32>
        %parallel_loop3A_347 = arith.index_cast %parallel_loop3A_232 : i32 to index
        %parallel_loop3A_348 = arith.constant 96 : index
        %parallel_loop3A_349 = tpu.vector_load %arg9[%parallel_loop3A_347, %parallel_loop3A_348] {strides = array<i32>} : memref<96x128xf32, #tpu.memory_space<vmem>>, vector<1x16xf32>,
        %parallel_loop3A_350 = vector.shape_cast %parallel_loop3A_349 : vector<1x16xf32> to vector<16xf32>
        %parallel_loop3A_351 = vector.shape_cast %parallel_loop3A_346 : vector<16xf32> to vector<1x16xf32>
        tpu.vector_store %arg9[%parallel_loop3A_347, %parallel_loop3A_348], %parallel_loop3A_351 {strides = array<i32>} : memref<96x128xf32, #tpu.memory_space<vmem>>, vector<1x16xf32>,
        %parallel_loop3A_352 = arith.index_cast %parallel_loop3A_232 : i32 to index
        %parallel_loop3A_353 = arith.constant 112 : index
        %parallel_loop3A_354 = tpu.vector_load %arg9[%parallel_loop3A_352, %parallel_loop3A_353] {strides = array<i32>} : memref<96x128xf32, #tpu.memory_space<vmem>>, vector<1x16xf32>,
        %parallel_loop3A_355 = vector.shape_cast %parallel_loop3A_354 : vector<1x16xf32> to vector<16xf32>
        %parallel_loop3A_356 = arith.index_cast %parallel_loop3A_232 : i32 to index
        %parallel_loop3A_357 = arith.constant 112 : index
        %parallel_loop3A_358 = tpu.vector_load %arg11[%parallel_loop3A_356, %parallel_loop3A_357] {strides = array<i32>} : memref<96x128xf32, #tpu.memory_space<vmem>>, vector<1x16xf32>,
        %parallel_loop3A_359 = vector.shape_cast %parallel_loop3A_358 : vector<1x16xf32> to vector<16xf32>
        %parallel_loop3A_360 = arith.addf %parallel_loop3A_355, %parallel_loop3A_359 : vector<16xf32>
        %parallel_loop3A_361 = arith.constant 0.000000e+00 : f32
        %parallel_loop3A_362 = vector.broadcast %parallel_loop3A_361 : f32 to vector<16xf32>
        %parallel_loop3A_363 = arith.maximumf %parallel_loop3A_360, %parallel_loop3A_362 : vector<16xf32>
        %parallel_loop3A_364 = arith.index_cast %parallel_loop3A_232 : i32 to index
        %parallel_loop3A_365 = arith.constant 112 : index
        %parallel_loop3A_366 = tpu.vector_load %arg9[%parallel_loop3A_364, %parallel_loop3A_365] {strides = array<i32>} : memref<96x128xf32, #tpu.memory_space<vmem>>, vector<1x16xf32>,
        %parallel_loop3A_367 = vector.shape_cast %parallel_loop3A_366 : vector<1x16xf32> to vector<16xf32>
        %parallel_loop3A_368 = vector.shape_cast %parallel_loop3A_363 : vector<16xf32> to vector<1x16xf32>
        tpu.vector_store %arg9[%parallel_loop3A_364, %parallel_loop3A_365], %parallel_loop3A_368 {strides = array<i32>} : memref<96x128xf32, #tpu.memory_space<vmem>>, vector<1x16xf32>,
      } {sc.loop_unroll_factor = 4 : i64, sc.parallel_access}
      %dma_wait3A_221 = arith.constant 0 : i32
      %dma_wait3A_222 = arith.constant 0 : i32
      %dma_wait3A_223 = tpu.memref_slice %arg7[%dma_wait3A_221, %dma_wait3A_222] : memref<10112x128xf32, #tpu.memory_space<vmem_shared>> -> memref<10112x128xf32, #tpu.memory_space<vmem_shared>>
      tpu.wait_indirect_dma semaphore(%arg22 : memref<!tpu.dma_semaphore, #tpu.memory_space<semaphore_mem>>) src(%arg8 : memref<96x128xf32, #tpu.memory_space<vmem>>) dst(%dma_wait3A_223 : memref<10112x128xf32, #tpu.memory_space<vmem_shared>>)
      %lt3A_224 = arith.constant 52 : i32
      %lt3A_225 = arith.cmpi slt, %scan3A_60, %lt3A_224 : i32
      %convert_element_type3A_226 = arith.extui %lt3A_225 : i1 to i32
      %cond3A_227 = arith.constant 0 : i32
      %cond3A_228 = arith.cmpi ne, %convert_element_type3A_226, %cond3A_227 : i32
      scf.if %cond3A_228 {
        %dma_wait3A_232 = arith.constant 0 : i32
        %dma_wait3A_233 = tpu.memref_slice %arg4[%dma_wait3A_232] : memref<651264xi32, #tpu.memory_space<hbm>> -> memref<192xi32, #tpu.memory_space<hbm>>
        %dma_wait3A_234 = arith.constant 0 : i32
        %dma_wait3A_235 = tpu.memref_slice %arg4[%dma_wait3A_234] : memref<651264xi32, #tpu.memory_space<hbm>> -> memref<192xi32, #tpu.memory_space<hbm>>
        tpu.wait_dma2 semaphore(%arg16 : memref<!tpu.dma_semaphore, #tpu.memory_space<semaphore_mem>>) src(%dma_wait3A_235 : memref<192xi32, #tpu.memory_space<hbm>>) dst(%arg12 : memref<192xi32, #tpu.memory_space<vmem>>)
        %add3A_236 = arith.constant 1 : i32
        %add3A_237 = arith.addi %add3A_158, %add3A_236 : i32
        %dma_start3A_238 = arith.constant 0 : i32
        %dma_start3A_239 = arith.constant 0 : i32
        %dma_start3A_240 = tpu.memref_slice %arg8[%dma_start3A_238, %dma_start3A_239] : memref<96x128xf32, #tpu.memory_space<vmem>> -> memref<48x128xf32, #tpu.memory_space<vmem>>
        %dma_start3A_241 = arith.constant 0 : i32
        %dma_start3A_242 = tpu.memref_slice %arg12[%dma_start3A_241] : memref<192xi32, #tpu.memory_space<vmem>> -> memref<48xi32, #tpu.memory_space<vmem>>
        %dma_start3A_243 = arith.constant 0 : i32
        %dma_start3A_244 = arith.constant 0 : i32
        %dma_start3A_245 = tpu.memref_slice %arg2[%dma_start3A_243, %dma_start3A_244] : memref<10000x128xf32, #tpu.memory_space<hbm>> -> memref<10000x128xf32, #tpu.memory_space<hbm>>
        tpu.enqueue_indirect_dma source(%dma_start3A_245 : memref<10000x128xf32, #tpu.memory_space<hbm>>) target(%dma_start3A_240 : memref<48x128xf32, #tpu.memory_space<vmem>>) offsets(%dma_start3A_242 : memref<48xi32, #tpu.memory_space<vmem>>) semaphore(%arg18 : memref<!tpu.dma_semaphore, #tpu.memory_space<semaphore_mem>>)
        %dma_start3A_246 = arith.constant 48 : i32
        %dma_start3A_247 = arith.constant 0 : i32
        %dma_start3A_248 = tpu.memref_slice %arg8[%dma_start3A_246, %dma_start3A_247] : memref<96x128xf32, #tpu.memory_space<vmem>> -> memref<48x128xf32, #tpu.memory_space<vmem>>
        %dma_start3A_249 = arith.constant 48 : i32
        %dma_start3A_250 = tpu.memref_slice %arg12[%dma_start3A_249] : memref<192xi32, #tpu.memory_space<vmem>> -> memref<48xi32, #tpu.memory_space<vmem>>
        %dma_start3A_251 = arith.constant 0 : i32
        %dma_start3A_252 = arith.constant 0 : i32
        %dma_start3A_253 = tpu.memref_slice %arg2[%dma_start3A_251, %dma_start3A_252] : memref<10000x128xf32, #tpu.memory_space<hbm>> -> memref<10000x128xf32, #tpu.memory_space<hbm>>
        tpu.enqueue_indirect_dma source(%dma_start3A_253 : memref<10000x128xf32, #tpu.memory_space<hbm>>) target(%dma_start3A_248 : memref<48x128xf32, #tpu.memory_space<vmem>>) offsets(%dma_start3A_250 : memref<48xi32, #tpu.memory_space<vmem>>) semaphore(%arg18 : memref<!tpu.dma_semaphore, #tpu.memory_space<semaphore_mem>>)
        %mul3A_254 = arith.constant 96 : i32
        %mul3A_255 = arith.muli %add3A_237, %mul3A_254 : i32
        %add3A_256 = arith.addi %mul3A_2, %mul3A_255 : i32
        %dma_start3A_257 = arith.constant 0 : i32
        %dma_start3A_258 = tpu.memref_slice %arg3[%add3A_256, %dma_start3A_257] : memref<325632x128xf32, #tpu.memory_space<hbm>> -> memref<96x128xf32, #tpu.memory_space<hbm>>
        %dma_start3A_259 = arith.constant 0 : i32
        %dma_start3A_260 = tpu.memref_slice %arg3[%add3A_256, %dma_start3A_259] : memref<325632x128xf32, #tpu.memory_space<hbm>> -> memref<96x128xf32, #tpu.memory_space<hbm>>
        tpu.enqueue_dma source(%dma_start3A_260 : memref<96x128xf32, #tpu.memory_space<hbm>>) target(%arg10 : memref<96x128xf32, #tpu.memory_space<vmem>>) target_semaphore(%arg20 : memref<!tpu.dma_semaphore, #tpu.memory_space<semaphore_mem>>)
      } else {
      }
      %dma_start3A_229 = arith.constant 0 : i32
      %dma_start3A_230 = arith.constant 0 : i32
      %dma_start3A_231 = tpu.memref_slice %arg7[%dma_start3A_229, %dma_start3A_230] : memref<10112x128xf32, #tpu.memory_space<vmem_shared>> -> memref<10112x128xf32, #tpu.memory_space<vmem_shared>>
      tpu.enqueue_indirect_dma source(%arg9 : memref<96x128xf32, #tpu.memory_space<vmem>>) target(%dma_start3A_231 : memref<10112x128xf32, #tpu.memory_space<vmem_shared>>) offsets(%arg15 : memref<96xi32, #tpu.memory_space<vmem>>) semaphore(%arg23 : memref<!tpu.dma_semaphore, #tpu.memory_space<semaphore_mem>>) {add = true}
    }
    %scan3A_51 = arith.constant 53 : i32
    %dma_wait3A_52 = arith.constant 0 : i32
    %dma_wait3A_53 = arith.constant 0 : i32
    %dma_wait3A_54 = tpu.memref_slice %arg7[%dma_wait3A_52, %dma_wait3A_53] : memref<10112x128xf32, #tpu.memory_space<vmem_shared>> -> memref<10112x128xf32, #tpu.memory_space<vmem_shared>>
    tpu.wait_indirect_dma semaphore(%arg23 : memref<!tpu.dma_semaphore, #tpu.memory_space<semaphore_mem>>) src(%arg9 : memref<96x128xf32, #tpu.memory_space<vmem>>) dst(%dma_wait3A_54 : memref<10112x128xf32, #tpu.memory_space<vmem_shared>>)
    %barrier3A_55 = arith.constant 0 : index
    tpu.barrier barrier_id(%barrier3A_55)
    %mul3A_56 = arith.constant 632 : i32
    %mul3A_57 = arith.muli %arg1, %mul3A_56 : i32
    %mul3A_58 = arith.constant 632 : i32
    %mul3A_59 = arith.muli %arg1, %mul3A_58 : i32
    "tpu.region"() ({
      %run_scoped3A = tpu.sem_alloc : memref<!tpu.dma_semaphore, #tpu.memory_space<semaphore_mem>>
      %dma_start3A_60 = arith.constant 0 : i32
      %dma_start3A_61 = tpu.memref_slice %arg6[%arg0, %mul3A_59, %dma_start3A_60] : memref<2x10112x128xf32, #tpu.memory_space<hbm>> -> memref<1x632x128xf32, #tpu.memory_space<hbm>>
      %dma_start3A_62 = tpu.memref_squeeze %dma_start3A_61 : memref<1x632x128xf32, #tpu.memory_space<hbm>> -> memref<632x128xf32, #tpu.memory_space<hbm>>
      %dma_start3A_63 = arith.constant 0 : i32
      %dma_start3A_64 = tpu.memref_slice %arg7[%mul3A_57, %dma_start3A_63] : memref<10112x128xf32, #tpu.memory_space<vmem_shared>> -> memref<632x128xf32, #tpu.memory_space<vmem_shared>>
      tpu.enqueue_dma source(%dma_start3A_64 : memref<632x128xf32, #tpu.memory_space<vmem_shared>>) target(%dma_start3A_62 : memref<632x128xf32, #tpu.memory_space<hbm>>) target_semaphore(%run_scoped3A : memref<!tpu.dma_semaphore, #tpu.memory_space<semaphore_mem>>)
      %dma_wait3A_65 = arith.constant 0 : i32
      %dma_wait3A_66 = tpu.memref_slice %arg6[%arg0, %mul3A_59, %dma_wait3A_65] : memref<2x10112x128xf32, #tpu.memory_space<hbm>> -> memref<1x632x128xf32, #tpu.memory_space<hbm>>
      %dma_wait3A_67 = tpu.memref_squeeze %dma_wait3A_66 : memref<1x632x128xf32, #tpu.memory_space<hbm>> -> memref<632x128xf32, #tpu.memory_space<hbm>>
      %dma_wait3A_68 = arith.constant 0 : i32
      %dma_wait3A_69 = tpu.memref_slice %arg7[%mul3A_57, %dma_wait3A_68] : memref<10112x128xf32, #tpu.memory_space<vmem_shared>> -> memref<632x128xf32, #tpu.memory_space<vmem_shared>>
      tpu.wait_dma2 semaphore(%run_scoped3A : memref<!tpu.dma_semaphore, #tpu.memory_space<semaphore_mem>>) src(%dma_wait3A_69 : memref<632x128xf32, #tpu.memory_space<vmem_shared>>) dst(%dma_wait3A_67 : memref<632x128xf32, #tpu.memory_space<hbm>>)
      tpu.yield
    }) : () -> ()
    return
  }
}

#map = affine_map<(d0, d1) -> (0, 0)>
#map1 = affine_map<(d0, d1) -> (0)>
#map2 = affine_map<(d0, d1) -> (0, 0, 0)>
module attributes {stable_mosaic.version = 14 : i64} {
  func.func @body(%arg0: i32, %arg1: i32, %arg2: memref<10000x128xf32, #tpu.memory_space<hbm>>, %arg3: memref<325632x128xf32, #tpu.memory_space<hbm>>, %arg4: memref<651264xi32, #tpu.memory_space<hbm>>, %arg5: memref<10112x128xf32, #tpu.memory_space<hbm>>, %arg6: memref<2x10112x128xf32, #tpu.memory_space<hbm>>, %arg7: memref<10112x128xf32, #tpu.memory_space<vmem_shared>>, %arg8: memref<96x128xf32, #tpu.memory_space<vmem>>, %arg9: memref<96x128xf32, #tpu.memory_space<vmem>>, %arg10: memref<96x128xf32, #tpu.memory_space<vmem>>, %arg11: memref<96x128xf32, #tpu.memory_space<vmem>>, %arg12: memref<192xi32, #tpu.memory_space<vmem>>, %arg13: memref<192xi32, #tpu.memory_space<vmem>>, %arg14: memref<96xi32, #tpu.memory_space<vmem>>, %arg15: memref<96xi32, #tpu.memory_space<vmem>>, %arg16: memref<!tpu.dma_semaphore, #tpu.memory_space<semaphore_mem>>, %arg17: memref<!tpu.dma_semaphore, #tpu.memory_space<semaphore_mem>>, %arg18: memref<!tpu.dma_semaphore, #tpu.memory_space<semaphore_mem>>, %arg19: memref<!tpu.dma_semaphore, #tpu.memory_space<semaphore_mem>>, %arg20: memref<!tpu.dma_semaphore, #tpu.memory_space<semaphore_mem>>, %arg21: memref<!tpu.dma_semaphore, #tpu.memory_space<semaphore_mem>>, %arg22: memref<!tpu.dma_semaphore, #tpu.memory_space<semaphore_mem>>, %arg23: memref<!tpu.dma_semaphore, #tpu.memory_space<semaphore_mem>>) attributes {dimension_semantics = [#tpu.dimension_semantics<core_parallel>, #tpu.dimension_semantics<subcore_parallel>], iteration_bounds = array<i64: 2, 16>, scalar_prefetch = 0 : i64, scratch_operands = 17 : i64, tpu.core_type = #tpu.core_type<sc_vector_subcore>, window_params = [{transform_indices = #map}, {transform_indices = #map}, {transform_indices = #map1}, {transform_indices = #map}, {transform_indices = #map2}]} {
    %mul3A = arith.constant 2 : i32
    %mul3A_0 = arith.muli %arg1, %mul3A : i32
    %add3A = arith.addi %mul3A_0, %arg0 : i32
    %mul3A_1 = arith.constant 10176 : i32
    %mul3A_2 = arith.muli %add3A, %mul3A_1 : i32
    %mul3A_3 = arith.constant 632 : i32
    %mul3A_4 = arith.muli %arg1, %mul3A_3 : i32
    %mul3A_5 = arith.constant 632 : i32
    %mul3A_6 = arith.muli %arg1, %mul3A_5 : i32
    "tpu.region"() ({
      %run_scoped3A = tpu.sem_alloc : memref<!tpu.dma_semaphore, #tpu.memory_space<semaphore_mem>>
      %dma_start3A_60 = arith.constant 0 : i32
      %dma_start3A_61 = tpu.memref_slice %arg7[%mul3A_6, %dma_start3A_60] : memref<10112x128xf32, #tpu.memory_space<vmem_shared>> -> memref<632x128xf32, #tpu.memory_space<vmem_shared>>
      %dma_start3A_62 = arith.constant 0 : i32
      %dma_start3A_63 = tpu.memref_slice %arg5[%mul3A_4, %dma_start3A_62] : memref<10112x128xf32, #tpu.memory_space<hbm>> -> memref<632x128xf32, #tpu.memory_space<hbm>>
      tpu.enqueue_dma source(%dma_start3A_63 : memref<632x128xf32, #tpu.memory_space<hbm>>) target(%dma_start3A_61 : memref<632x128xf32, #tpu.memory_space<vmem_shared>>) target_semaphore(%run_scoped3A : memref<!tpu.dma_semaphore, #tpu.memory_space<semaphore_mem>>)
      %dma_wait3A_64 = arith.constant 0 : i32
      %dma_wait3A_65 = tpu.memref_slice %arg7[%mul3A_6, %dma_wait3A_64] : memref<10112x128xf32, #tpu.memory_space<vmem_shared>> -> memref<632x128xf32, #tpu.memory_space<vmem_shared>>
      %dma_wait3A_66 = arith.constant 0 : i32
      %dma_wait3A_67 = tpu.memref_slice %arg5[%mul3A_4, %dma_wait3A_66] : memref<10112x128xf32, #tpu.memory_space<hbm>> -> memref<632x128xf32, #tpu.memory_space<hbm>>
      tpu.wait_dma2 semaphore(%run_scoped3A : memref<!tpu.dma_semaphore, #tpu.memory_space<semaphore_mem>>) src(%dma_wait3A_67 : memref<632x128xf32, #tpu.memory_space<hbm>>) dst(%dma_wait3A_65 : memref<632x128xf32, #tpu.memory_space<vmem_shared>>)
      tpu.yield
    }) : () -> ()
    %barrier3A = arith.constant 0 : index
    tpu.barrier barrier_id(%barrier3A)
    %mul3A_7 = arith.constant 106 : i32
    %mul3A_8 = arith.muli %add3A, %mul3A_7 : i32
    %add3A_9 = arith.constant 0 : i32
    %add3A_10 = arith.addi %mul3A_8, %add3A_9 : i32
    %mul3A_11 = arith.constant 192 : i32
    %mul3A_12 = arith.muli %add3A_10, %mul3A_11 : i32
    %dma_start3A = tpu.memref_slice %arg4[%mul3A_12] : memref<651264xi32, #tpu.memory_space<hbm>> -> memref<192xi32, #tpu.memory_space<hbm>>
    %dma_start3A_13 = tpu.memref_slice %arg4[%mul3A_12] : memref<651264xi32, #tpu.memory_space<hbm>> -> memref<192xi32, #tpu.memory_space<hbm>>
    tpu.enqueue_dma source(%dma_start3A_13 : memref<192xi32, #tpu.memory_space<hbm>>) target(%arg12 : memref<192xi32, #tpu.memory_space<vmem>>) target_semaphore(%arg16 : memref<!tpu.dma_semaphore, #tpu.memory_space<semaphore_mem>>)
    %mul3A_14 = arith.constant 106 : i32
    %mul3A_15 = arith.muli %add3A, %mul3A_14 : i32
    %add3A_16 = arith.constant 1 : i32
    %add3A_17 = arith.addi %mul3A_15, %add3A_16 : i32
    %mul3A_18 = arith.constant 192 : i32
    %mul3A_19 = arith.muli %add3A_17, %mul3A_18 : i32
    %dma_start3A_20 = tpu.memref_slice %arg4[%mul3A_19] : memref<651264xi32, #tpu.memory_space<hbm>> -> memref<192xi32, #tpu.memory_space<hbm>>
    %dma_start3A_21 = tpu.memref_slice %arg4[%mul3A_19] : memref<651264xi32, #tpu.memory_space<hbm>> -> memref<192xi32, #tpu.memory_space<hbm>>
    tpu.enqueue_dma source(%dma_start3A_21 : memref<192xi32, #tpu.memory_space<hbm>>) target(%arg13 : memref<192xi32, #tpu.memory_space<vmem>>) target_semaphore(%arg17 : memref<!tpu.dma_semaphore, #tpu.memory_space<semaphore_mem>>)
    %dma_wait3A = arith.constant 0 : i32
    %dma_wait3A_22 = tpu.memref_slice %arg4[%dma_wait3A] : memref<651264xi32, #tpu.memory_space<hbm>> -> memref<192xi32, #tpu.memory_space<hbm>>
    %dma_wait3A_23 = arith.constant 0 : i32
    %dma_wait3A_24 = tpu.memref_slice %arg4[%dma_wait3A_23] : memref<651264xi32, #tpu.memory_space<hbm>> -> memref<192xi32, #tpu.memory_space<hbm>>
    tpu.wait_dma2 semaphore(%arg16 : memref<!tpu.dma_semaphore, #tpu.memory_space<semaphore_mem>>) src(%dma_wait3A_24 : memref<192xi32, #tpu.memory_space<hbm>>) dst(%arg12 : memref<192xi32, #tpu.memory_space<vmem>>)
    %dma_start3A_25 = arith.constant 0 : i32
    %dma_start3A_26 = arith.constant 0 : i32
    %dma_start3A_27 = tpu.memref_slice %arg8[%dma_start3A_25, %dma_start3A_26] : memref<96x128xf32, #tpu.memory_space<vmem>> -> memref<48x128xf32, #tpu.memory_space<vmem>>
    %dma_start3A_28 = arith.constant 0 : i32
    %dma_start3A_29 = tpu.memref_slice %arg12[%dma_start3A_28] : memref<192xi32, #tpu.memory_space<vmem>> -> memref<48xi32, #tpu.memory_space<vmem>>
    %dma_start3A_30 = arith.constant 0 : i32
    %dma_start3A_31 = arith.constant 0 : i32
    %dma_start3A_32 = tpu.memref_slice %arg2[%dma_start3A_30, %dma_start3A_31] : memref<10000x128xf32, #tpu.memory_space<hbm>> -> memref<10000x128xf32, #tpu.memory_space<hbm>>
    tpu.enqueue_indirect_dma source(%dma_start3A_32 : memref<10000x128xf32, #tpu.memory_space<hbm>>) target(%dma_start3A_27 : memref<48x128xf32, #tpu.memory_space<vmem>>) offsets(%dma_start3A_29 : memref<48xi32, #tpu.memory_space<vmem>>) semaphore(%arg18 : memref<!tpu.dma_semaphore, #tpu.memory_space<semaphore_mem>>)
    %dma_start3A_33 = arith.constant 48 : i32
    %dma_start3A_34 = arith.constant 0 : i32
    %dma_start3A_35 = tpu.memref_slice %arg8[%dma_start3A_33, %dma_start3A_34] : memref<96x128xf32, #tpu.memory_space<vmem>> -> memref<48x128xf32, #tpu.memory_space<vmem>>
    %dma_start3A_36 = arith.constant 48 : i32
    %dma_start3A_37 = tpu.memref_slice %arg12[%dma_start3A_36] : memref<192xi32, #tpu.memory_space<vmem>> -> memref<48xi32, #tpu.memory_space<vmem>>
    %dma_start3A_38 = arith.constant 0 : i32
    %dma_start3A_39 = arith.constant 0 : i32
    %dma_start3A_40 = tpu.memref_slice %arg2[%dma_start3A_38, %dma_start3A_39] : memref<10000x128xf32, #tpu.memory_space<hbm>> -> memref<10000x128xf32, #tpu.memory_space<hbm>>
    tpu.enqueue_indirect_dma source(%dma_start3A_40 : memref<10000x128xf32, #tpu.memory_space<hbm>>) target(%dma_start3A_35 : memref<48x128xf32, #tpu.memory_space<vmem>>) offsets(%dma_start3A_37 : memref<48xi32, #tpu.memory_space<vmem>>) semaphore(%arg18 : memref<!tpu.dma_semaphore, #tpu.memory_space<semaphore_mem>>)
    %add3A_41 = arith.constant 0 : i32
    %add3A_42 = arith.addi %mul3A_2, %add3A_41 : i32
    %dma_start3A_43 = arith.constant 0 : i32
    %dma_start3A_44 = tpu.memref_slice %arg3[%add3A_42, %dma_start3A_43] : memref<325632x128xf32, #tpu.memory_space<hbm>> -> memref<96x128xf32, #tpu.memory_space<hbm>>
    %dma_start3A_45 = arith.constant 0 : i32
    %dma_start3A_46 = tpu.memref_slice %arg3[%add3A_42, %dma_start3A_45] : memref<325632x128xf32, #tpu.memory_space<hbm>> -> memref<96x128xf32, #tpu.memory_space<hbm>>
    tpu.enqueue_dma source(%dma_start3A_46 : memref<96x128xf32, #tpu.memory_space<hbm>>) target(%arg10 : memref<96x128xf32, #tpu.memory_space<vmem>>) target_semaphore(%arg20 : memref<!tpu.dma_semaphore, #tpu.memory_space<semaphore_mem>>)
    %scan3A = arith.constant 0 : i32
    %scan3A_47 = arith.constant 0 : i32
    %scan3A_48 = arith.constant 53 : i32
    %scan3A_49 = arith.addi %scan3A_47, %scan3A_48 : i32
    %scan3A_50 = arith.constant 1 : i32
    scf.for %scan3A_60 = %scan3A_47 to %scan3A_49 step %scan3A_50  : i32 {
      %mul3A_61 = arith.constant 2 : i32
      %mul3A_62 = arith.muli %mul3A_61, %scan3A_60 : i32
      %add3A_63 = arith.constant 0 : i32
      %add3A_64 = arith.addi %mul3A_62, %add3A_63 : i32
      %dma_wait3A_65 = arith.constant 0 : i32
      %dma_wait3A_66 = arith.constant 0 : i32
      %dma_wait3A_67 = tpu.memref_slice %arg3[%dma_wait3A_65, %dma_wait3A_66] : memref<325632x128xf32, #tpu.memory_space<hbm>> -> memref<96x128xf32, #tpu.memory_space<hbm>>
      %dma_wait3A_68 = arith.constant 0 : i32
      %dma_wait3A_69 = arith.constant 0 : i32
      %dma_wait3A_70 = tpu.memref_slice %arg3[%dma_wait3A_68, %dma_wait3A_69] : memref<325632x128xf32, #tpu.memory_space<hbm>> -> memref<96x128xf32, #tpu.memory_space<hbm>>
      tpu.wait_dma2 semaphore(%arg18 : memref<!tpu.dma_semaphore, #tpu.memory_space<semaphore_mem>>) src(%dma_wait3A_70 : memref<96x128xf32, #tpu.memory_space<hbm>>) dst(%arg8 : memref<96x128xf32, #tpu.memory_space<vmem>>)
      %dma_wait3A_71 = arith.constant 0 : i32
      %dma_wait3A_72 = arith.constant 0 : i32
      %dma_wait3A_73 = tpu.memref_slice %arg3[%dma_wait3A_71, %dma_wait3A_72] : memref<325632x128xf32, #tpu.memory_space<hbm>> -> memref<96x128xf32, #tpu.memory_space<hbm>>
      %dma_wait3A_74 = arith.constant 0 : i32
      %dma_wait3A_75 = arith.constant 0 : i32
      %dma_wait3A_76 = tpu.memref_slice %arg3[%dma_wait3A_74, %dma_wait3A_75] : memref<325632x128xf32, #tpu.memory_space<hbm>> -> memref<96x128xf32, #tpu.memory_space<hbm>>
      tpu.wait_dma2 semaphore(%arg20 : memref<!tpu.dma_semaphore, #tpu.memory_space<semaphore_mem>>) src(%dma_wait3A_76 : memref<96x128xf32, #tpu.memory_space<hbm>>) dst(%arg10 : memref<96x128xf32, #tpu.memory_space<vmem>>)
      %get3A = arith.constant 96 : index
      %get3A_77 = tpu.vector_load %arg12[%get3A] {strides = array<i32>} : memref<192xi32, #tpu.memory_space<vmem>>, vector<16xi32>,
      %get3A_78 = vector.shape_cast %get3A_77 : vector<16xi32> to vector<16xi32>
      %swap3A = arith.constant 0 : index
      %swap3A_79 = tpu.vector_load %arg14[%swap3A] {strides = array<i32>} : memref<96xi32, #tpu.memory_space<vmem>>, vector<16xi32>,
      %swap3A_80 = vector.shape_cast %swap3A_79 : vector<16xi32> to vector<16xi32>
      %swap3A_81 = vector.shape_cast %get3A_78 : vector<16xi32> to vector<16xi32>
      tpu.vector_store %arg14[%swap3A], %swap3A_81 {strides = array<i32>} : memref<96xi32, #tpu.memory_space<vmem>>, vector<16xi32>,
      %get3A_82 = arith.constant 112 : index
      %get3A_83 = tpu.vector_load %arg12[%get3A_82] {strides = array<i32>} : memref<192xi32, #tpu.memory_space<vmem>>, vector<16xi32>,
      %get3A_84 = vector.shape_cast %get3A_83 : vector<16xi32> to vector<16xi32>
      %swap3A_85 = arith.constant 16 : index
      %swap3A_86 = tpu.vector_load %arg14[%swap3A_85] {strides = array<i32>} : memref<96xi32, #tpu.memory_space<vmem>>, vector<16xi32>,
      %swap3A_87 = vector.shape_cast %swap3A_86 : vector<16xi32> to vector<16xi32>
      %swap3A_88 = vector.shape_cast %get3A_84 : vector<16xi32> to vector<16xi32>
      tpu.vector_store %arg14[%swap3A_85], %swap3A_88 {strides = array<i32>} : memref<96xi32, #tpu.memory_space<vmem>>, vector<16xi32>,
      %get3A_89 = arith.constant 128 : index
      %get3A_90 = tpu.vector_load %arg12[%get3A_89] {strides = array<i32>} : memref<192xi32, #tpu.memory_space<vmem>>, vector<16xi32>,
      %get3A_91 = vector.shape_cast %get3A_90 : vector<16xi32> to vector<16xi32>
      %swap3A_92 = arith.constant 32 : index
      %swap3A_93 = tpu.vector_load %arg14[%swap3A_92] {strides = array<i32>} : memref<96xi32, #tpu.memory_space<vmem>>, vector<16xi32>,
      %swap3A_94 = vector.shape_cast %swap3A_93 : vector<16xi32> to vector<16xi32>
      %swap3A_95 = vector.shape_cast %get3A_91 : vector<16xi32> to vector<16xi32>
      tpu.vector_store %arg14[%swap3A_92], %swap3A_95 {strides = array<i32>} : memref<96xi32, #tpu.memory_space<vmem>>, vector<16xi32>,
      %get3A_96 = arith.constant 144 : index
      %get3A_97 = tpu.vector_load %arg12[%get3A_96] {strides = array<i32>} : memref<192xi32, #tpu.memory_space<vmem>>, vector<16xi32>,
      %get3A_98 = vector.shape_cast %get3A_97 : vector<16xi32> to vector<16xi32>
      %swap3A_99 = arith.constant 48 : index
      %swap3A_100 = tpu.vector_load %arg14[%swap3A_99] {strides = array<i32>} : memref<96xi32, #tpu.memory_space<vmem>>, vector<16xi32>,
      %swap3A_101 = vector.shape_cast %swap3A_100 : vector<16xi32> to vector<16xi32>
      %swap3A_102 = vector.shape_cast %get3A_98 : vector<16xi32> to vector<16xi32>
      tpu.vector_store %arg14[%swap3A_99], %swap3A_102 {strides = array<i32>} : memref<96xi32, #tpu.memory_space<vmem>>, vector<16xi32>,
      %get3A_103 = arith.constant 160 : index
      %get3A_104 = tpu.vector_load %arg12[%get3A_103] {strides = array<i32>} : memref<192xi32, #tpu.memory_space<vmem>>, vector<16xi32>,
      %get3A_105 = vector.shape_cast %get3A_104 : vector<16xi32> to vector<16xi32>
      %swap3A_106 = arith.constant 64 : index
      %swap3A_107 = tpu.vector_load %arg14[%swap3A_106] {strides = array<i32>} : memref<96xi32, #tpu.memory_space<vmem>>, vector<16xi32>,
      %swap3A_108 = vector.shape_cast %swap3A_107 : vector<16xi32> to vector<16xi32>
      %swap3A_109 = vector.shape_cast %get3A_105 : vector<16xi32> to vector<16xi32>
      tpu.vector_store %arg14[%swap3A_106], %swap3A_109 {strides = array<i32>} : memref<96xi32, #tpu.memory_space<vmem>>, vector<16xi32>,
      %get3A_110 = arith.constant 176 : index
      %get3A_111 = tpu.vector_load %arg12[%get3A_110] {strides = array<i32>} : memref<192xi32, #tpu.memory_space<vmem>>, vector<16xi32>,
      %get3A_112 = vector.shape_cast %get3A_111 : vector<16xi32> to vector<16xi32>
      %swap3A_113 = arith.constant 80 : index
      %swap3A_114 = tpu.vector_load %arg14[%swap3A_113] {strides = array<i32>} : memref<96xi32, #tpu.memory_space<vmem>>, vector<16xi32>,
      %swap3A_115 = vector.shape_cast %swap3A_114 : vector<16xi32> to vector<16xi32>
      %swap3A_116 = vector.shape_cast %get3A_112 : vector<16xi32> to vector<16xi32>
      tpu.vector_store %arg14[%swap3A_113], %swap3A_116 {strides = array<i32>} : memref<96xi32, #tpu.memory_space<vmem>>, vector<16xi32>,
      %lt3A = arith.constant 52 : i32
      %lt3A_117 = arith.cmpi slt, %scan3A_60, %lt3A : i32
      %convert_element_type3A = arith.extui %lt3A_117 : i1 to i32
      %cond3A = arith.constant 0 : i32
      %cond3A_118 = arith.cmpi ne, %convert_element_type3A, %cond3A : i32
      scf.if %cond3A_118 {
        %add3A_232 = arith.constant 2 : i32
        %add3A_233 = arith.addi %add3A_64, %add3A_232 : i32
        %mul3A_234 = arith.constant 106 : i32
        %mul3A_235 = arith.muli %add3A, %mul3A_234 : i32
        %add3A_236 = arith.addi %mul3A_235, %add3A_233 : i32
        %mul3A_237 = arith.constant 192 : i32
        %mul3A_238 = arith.muli %add3A_236, %mul3A_237 : i32
        %dma_start3A_239 = tpu.memref_slice %arg4[%mul3A_238] : memref<651264xi32, #tpu.memory_space<hbm>> -> memref<192xi32, #tpu.memory_space<hbm>>
        %dma_start3A_240 = tpu.memref_slice %arg4[%mul3A_238] : memref<651264xi32, #tpu.memory_space<hbm>> -> memref<192xi32, #tpu.memory_space<hbm>>
        tpu.enqueue_dma source(%dma_start3A_240 : memref<192xi32, #tpu.memory_space<hbm>>) target(%arg12 : memref<192xi32, #tpu.memory_space<vmem>>) target_semaphore(%arg16 : memref<!tpu.dma_semaphore, #tpu.memory_space<semaphore_mem>>)
      } else {
      }
      %parallel_loop3A = arith.constant 0 : i32
      %parallel_loop3A_119 = arith.constant 96 : i32
      %parallel_loop3A_120 = arith.constant 1 : i32
      scf.for %parallel_loop3A_232 = %parallel_loop3A to %parallel_loop3A_119 step %parallel_loop3A_120  : i32 {
        %parallel_loop3A_233 = arith.index_cast %parallel_loop3A_232 : i32 to index
        %parallel_loop3A_234 = arith.constant 0 : index
        %parallel_loop3A_235 = tpu.vector_load %arg8[%parallel_loop3A_233, %parallel_loop3A_234] {strides = array<i32>} : memref<96x128xf32, #tpu.memory_space<vmem>>, vector<1x16xf32>,
        %parallel_loop3A_236 = vector.shape_cast %parallel_loop3A_235 : vector<1x16xf32> to vector<16xf32>
        %parallel_loop3A_237 = arith.index_cast %parallel_loop3A_232 : i32 to index
        %parallel_loop3A_238 = arith.constant 0 : index
        %parallel_loop3A_239 = tpu.vector_load %arg10[%parallel_loop3A_237, %parallel_loop3A_238] {strides = array<i32>} : memref<96x128xf32, #tpu.memory_space<vmem>>, vector<1x16xf32>,
        %parallel_loop3A_240 = vector.shape_cast %parallel_loop3A_239 : vector<1x16xf32> to vector<16xf32>
        %parallel_loop3A_241 = arith.addf %parallel_loop3A_236, %parallel_loop3A_240 : vector<16xf32>
        %parallel_loop3A_242 = arith.constant 0.000000e+00 : f32
        %parallel_loop3A_243 = vector.broadcast %parallel_loop3A_242 : f32 to vector<16xf32>
        %parallel_loop3A_244 = arith.maximumf %parallel_loop3A_241, %parallel_loop3A_243 : vector<16xf32>
        %parallel_loop3A_245 = arith.index_cast %parallel_loop3A_232 : i32 to index
        %parallel_loop3A_246 = arith.constant 0 : index
        %parallel_loop3A_247 = tpu.vector_load %arg8[%parallel_loop3A_245, %parallel_loop3A_246] {strides = array<i32>} : memref<96x128xf32, #tpu.memory_space<vmem>>, vector<1x16xf32>,
        %parallel_loop3A_248 = vector.shape_cast %parallel_loop3A_247 : vector<1x16xf32> to vector<16xf32>
        %parallel_loop3A_249 = vector.shape_cast %parallel_loop3A_244 : vector<16xf32> to vector<1x16xf32>
        tpu.vector_store %arg8[%parallel_loop3A_245, %parallel_loop3A_246], %parallel_loop3A_249 {strides = array<i32>} : memref<96x128xf32, #tpu.memory_space<vmem>>, vector<1x16xf32>,
        %parallel_loop3A_250 = arith.index_cast %parallel_loop3A_232 : i32 to index
        %parallel_loop3A_251 = arith.constant 16 : index
        %parallel_loop3A_252 = tpu.vector_load %arg8[%parallel_loop3A_250, %parallel_loop3A_251] {strides = array<i32>} : memref<96x128xf32, #tpu.memory_space<vmem>>, vector<1x16xf32>,
        %parallel_loop3A_253 = vector.shape_cast %parallel_loop3A_252 : vector<1x16xf32> to vector<16xf32>
        %parallel_loop3A_254 = arith.index_cast %parallel_loop3A_232 : i32 to index
        %parallel_loop3A_255 = arith.constant 16 : index
        %parallel_loop3A_256 = tpu.vector_load %arg10[%parallel_loop3A_254, %parallel_loop3A_255] {strides = array<i32>} : memref<96x128xf32, #tpu.memory_space<vmem>>, vector<1x16xf32>,
        %parallel_loop3A_257 = vector.shape_cast %parallel_loop3A_256 : vector<1x16xf32> to vector<16xf32>
        %parallel_loop3A_258 = arith.addf %parallel_loop3A_253, %parallel_loop3A_257 : vector<16xf32>
        %parallel_loop3A_259 = arith.constant 0.000000e+00 : f32
        %parallel_loop3A_260 = vector.broadcast %parallel_loop3A_259 : f32 to vector<16xf32>
        %parallel_loop3A_261 = arith.maximumf %parallel_loop3A_258, %parallel_loop3A_260 : vector<16xf32>
        %parallel_loop3A_262 = arith.index_cast %parallel_loop3A_232 : i32 to index
        %parallel_loop3A_263 = arith.constant 16 : index
        %parallel_loop3A_264 = tpu.vector_load %arg8[%parallel_loop3A_262, %parallel_loop3A_263] {strides = array<i32>} : memref<96x128xf32, #tpu.memory_space<vmem>>, vector<1x16xf32>,
        %parallel_loop3A_265 = vector.shape_cast %parallel_loop3A_264 : vector<1x16xf32> to vector<16xf32>
        %parallel_loop3A_266 = vector.shape_cast %parallel_loop3A_261 : vector<16xf32> to vector<1x16xf32>
        tpu.vector_store %arg8[%parallel_loop3A_262, %parallel_loop3A_263], %parallel_loop3A_266 {strides = array<i32>} : memref<96x128xf32, #tpu.memory_space<vmem>>, vector<1x16xf32>,
        %parallel_loop3A_267 = arith.index_cast %parallel_loop3A_232 : i32 to index
        %parallel_loop3A_268 = arith.constant 32 : index
        %parallel_loop3A_269 = tpu.vector_load %arg8[%parallel_loop3A_267, %parallel_loop3A_268] {strides = array<i32>} : memref<96x128xf32, #tpu.memory_space<vmem>>, vector<1x16xf32>,
        %parallel_loop3A_270 = vector.shape_cast %parallel_loop3A_269 : vector<1x16xf32> to vector<16xf32>
        %parallel_loop3A_271 = arith.index_cast %parallel_loop3A_232 : i32 to index
        %parallel_loop3A_272 = arith.constant 32 : index
        %parallel_loop3A_273 = tpu.vector_load %arg10[%parallel_loop3A_271, %parallel_loop3A_272] {strides = array<i32>} : memref<96x128xf32, #tpu.memory_space<vmem>>, vector<1x16xf32>,
        %parallel_loop3A_274 = vector.shape_cast %parallel_loop3A_273 : vector<1x16xf32> to vector<16xf32>
        %parallel_loop3A_275 = arith.addf %parallel_loop3A_270, %parallel_loop3A_274 : vector<16xf32>
        %parallel_loop3A_276 = arith.constant 0.000000e+00 : f32
        %parallel_loop3A_277 = vector.broadcast %parallel_loop3A_276 : f32 to vector<16xf32>
        %parallel_loop3A_278 = arith.maximumf %parallel_loop3A_275, %parallel_loop3A_277 : vector<16xf32>
        %parallel_loop3A_279 = arith.index_cast %parallel_loop3A_232 : i32 to index
        %parallel_loop3A_280 = arith.constant 32 : index
        %parallel_loop3A_281 = tpu.vector_load %arg8[%parallel_loop3A_279, %parallel_loop3A_280] {strides = array<i32>} : memref<96x128xf32, #tpu.memory_space<vmem>>, vector<1x16xf32>,
        %parallel_loop3A_282 = vector.shape_cast %parallel_loop3A_281 : vector<1x16xf32> to vector<16xf32>
        %parallel_loop3A_283 = vector.shape_cast %parallel_loop3A_278 : vector<16xf32> to vector<1x16xf32>
        tpu.vector_store %arg8[%parallel_loop3A_279, %parallel_loop3A_280], %parallel_loop3A_283 {strides = array<i32>} : memref<96x128xf32, #tpu.memory_space<vmem>>, vector<1x16xf32>,
        %parallel_loop3A_284 = arith.index_cast %parallel_loop3A_232 : i32 to index
        %parallel_loop3A_285 = arith.constant 48 : index
        %parallel_loop3A_286 = tpu.vector_load %arg8[%parallel_loop3A_284, %parallel_loop3A_285] {strides = array<i32>} : memref<96x128xf32, #tpu.memory_space<vmem>>, vector<1x16xf32>,
        %parallel_loop3A_287 = vector.shape_cast %parallel_loop3A_286 : vector<1x16xf32> to vector<16xf32>
        %parallel_loop3A_288 = arith.index_cast %parallel_loop3A_232 : i32 to index
        %parallel_loop3A_289 = arith.constant 48 : index
        %parallel_loop3A_290 = tpu.vector_load %arg10[%parallel_loop3A_288, %parallel_loop3A_289] {strides = array<i32>} : memref<96x128xf32, #tpu.memory_space<vmem>>, vector<1x16xf32>,
        %parallel_loop3A_291 = vector.shape_cast %parallel_loop3A_290 : vector<1x16xf32> to vector<16xf32>
        %parallel_loop3A_292 = arith.addf %parallel_loop3A_287, %parallel_loop3A_291 : vector<16xf32>
        %parallel_loop3A_293 = arith.constant 0.000000e+00 : f32
        %parallel_loop3A_294 = vector.broadcast %parallel_loop3A_293 : f32 to vector<16xf32>
        %parallel_loop3A_295 = arith.maximumf %parallel_loop3A_292, %parallel_loop3A_294 : vector<16xf32>
        %parallel_loop3A_296 = arith.index_cast %parallel_loop3A_232 : i32 to index
        %parallel_loop3A_297 = arith.constant 48 : index
        %parallel_loop3A_298 = tpu.vector_load %arg8[%parallel_loop3A_296, %parallel_loop3A_297] {strides = array<i32>} : memref<96x128xf32, #tpu.memory_space<vmem>>, vector<1x16xf32>,
        %parallel_loop3A_299 = vector.shape_cast %parallel_loop3A_298 : vector<1x16xf32> to vector<16xf32>
        %parallel_loop3A_300 = vector.shape_cast %parallel_loop3A_295 : vector<16xf32> to vector<1x16xf32>
        tpu.vector_store %arg8[%parallel_loop3A_296, %parallel_loop3A_297], %parallel_loop3A_300 {strides = array<i32>} : memref<96x128xf32, #tpu.memory_space<vmem>>, vector<1x16xf32>,
        %parallel_loop3A_301 = arith.index_cast %parallel_loop3A_232 : i32 to index
        %parallel_loop3A_302 = arith.constant 64 : index
        %parallel_loop3A_303 = tpu.vector_load %arg8[%parallel_loop3A_301, %parallel_loop3A_302] {strides = array<i32>} : memref<96x128xf32, #tpu.memory_space<vmem>>, vector<1x16xf32>,
        %parallel_loop3A_304 = vector.shape_cast %parallel_loop3A_303 : vector<1x16xf32> to vector<16xf32>
        %parallel_loop3A_305 = arith.index_cast %parallel_loop3A_232 : i32 to index
        %parallel_loop3A_306 = arith.constant 64 : index
        %parallel_loop3A_307 = tpu.vector_load %arg10[%parallel_loop3A_305, %parallel_loop3A_306] {strides = array<i32>} : memref<96x128xf32, #tpu.memory_space<vmem>>, vector<1x16xf32>,
        %parallel_loop3A_308 = vector.shape_cast %parallel_loop3A_307 : vector<1x16xf32> to vector<16xf32>
        %parallel_loop3A_309 = arith.addf %parallel_loop3A_304, %parallel_loop3A_308 : vector<16xf32>
        %parallel_loop3A_310 = arith.constant 0.000000e+00 : f32
        %parallel_loop3A_311 = vector.broadcast %parallel_loop3A_310 : f32 to vector<16xf32>
        %parallel_loop3A_312 = arith.maximumf %parallel_loop3A_309, %parallel_loop3A_311 : vector<16xf32>
        %parallel_loop3A_313 = arith.index_cast %parallel_loop3A_232 : i32 to index
        %parallel_loop3A_314 = arith.constant 64 : index
        %parallel_loop3A_315 = tpu.vector_load %arg8[%parallel_loop3A_313, %parallel_loop3A_314] {strides = array<i32>} : memref<96x128xf32, #tpu.memory_space<vmem>>, vector<1x16xf32>,
        %parallel_loop3A_316 = vector.shape_cast %parallel_loop3A_315 : vector<1x16xf32> to vector<16xf32>
        %parallel_loop3A_317 = vector.shape_cast %parallel_loop3A_312 : vector<16xf32> to vector<1x16xf32>
        tpu.vector_store %arg8[%parallel_loop3A_313, %parallel_loop3A_314], %parallel_loop3A_317 {strides = array<i32>} : memref<96x128xf32, #tpu.memory_space<vmem>>, vector<1x16xf32>,
        %parallel_loop3A_318 = arith.index_cast %parallel_loop3A_232 : i32 to index
        %parallel_loop3A_319 = arith.constant 80 : index
        %parallel_loop3A_320 = tpu.vector_load %arg8[%parallel_loop3A_318, %parallel_loop3A_319] {strides = array<i32>} : memref<96x128xf32, #tpu.memory_space<vmem>>, vector<1x16xf32>,
        %parallel_loop3A_321 = vector.shape_cast %parallel_loop3A_320 : vector<1x16xf32> to vector<16xf32>
        %parallel_loop3A_322 = arith.index_cast %parallel_loop3A_232 : i32 to index
        %parallel_loop3A_323 = arith.constant 80 : index
        %parallel_loop3A_324 = tpu.vector_load %arg10[%parallel_loop3A_322, %parallel_loop3A_323] {strides = array<i32>} : memref<96x128xf32, #tpu.memory_space<vmem>>, vector<1x16xf32>,
        %parallel_loop3A_325 = vector.shape_cast %parallel_loop3A_324 : vector<1x16xf32> to vector<16xf32>
        %parallel_loop3A_326 = arith.addf %parallel_loop3A_321, %parallel_loop3A_325 : vector<16xf32>
        %parallel_loop3A_327 = arith.constant 0.000000e+00 : f32
        %parallel_loop3A_328 = vector.broadcast %parallel_loop3A_327 : f32 to vector<16xf32>
        %parallel_loop3A_329 = arith.maximumf %parallel_loop3A_326, %parallel_loop3A_328 : vector<16xf32>
        %parallel_loop3A_330 = arith.index_cast %parallel_loop3A_232 : i32 to index
        %parallel_loop3A_331 = arith.constant 80 : index
        %parallel_loop3A_332 = tpu.vector_load %arg8[%parallel_loop3A_330, %parallel_loop3A_331] {strides = array<i32>} : memref<96x128xf32, #tpu.memory_space<vmem>>, vector<1x16xf32>,
        %parallel_loop3A_333 = vector.shape_cast %parallel_loop3A_332 : vector<1x16xf32> to vector<16xf32>
        %parallel_loop3A_334 = vector.shape_cast %parallel_loop3A_329 : vector<16xf32> to vector<1x16xf32>
        tpu.vector_store %arg8[%parallel_loop3A_330, %parallel_loop3A_331], %parallel_loop3A_334 {strides = array<i32>} : memref<96x128xf32, #tpu.memory_space<vmem>>, vector<1x16xf32>,
        %parallel_loop3A_335 = arith.index_cast %parallel_loop3A_232 : i32 to index
        %parallel_loop3A_336 = arith.constant 96 : index
        %parallel_loop3A_337 = tpu.vector_load %arg8[%parallel_loop3A_335, %parallel_loop3A_336] {strides = array<i32>} : memref<96x128xf32, #tpu.memory_space<vmem>>, vector<1x16xf32>,
        %parallel_loop3A_338 = vector.shape_cast %parallel_loop3A_337 : vector<1x16xf32> to vector<16xf32>
        %parallel_loop3A_339 = arith.index_cast %parallel_loop3A_232 : i32 to index
        %parallel_loop3A_340 = arith.constant 96 : index
        %parallel_loop3A_341 = tpu.vector_load %arg10[%parallel_loop3A_339, %parallel_loop3A_340] {strides = array<i32>} : memref<96x128xf32, #tpu.memory_space<vmem>>, vector<1x16xf32>,
        %parallel_loop3A_342 = vector.shape_cast %parallel_loop3A_341 : vector<1x16xf32> to vector<16xf32>
        %parallel_loop3A_343 = arith.addf %parallel_loop3A_338, %parallel_loop3A_342 : vector<16xf32>
        %parallel_loop3A_344 = arith.constant 0.000000e+00 : f32
        %parallel_loop3A_345 = vector.broadcast %parallel_loop3A_344 : f32 to vector<16xf32>
        %parallel_loop3A_346 = arith.maximumf %parallel_loop3A_343, %parallel_loop3A_345 : vector<16xf32>
        %parallel_loop3A_347 = arith.index_cast %parallel_loop3A_232 : i32 to index
        %parallel_loop3A_348 = arith.constant 96 : index
        %parallel_loop3A_349 = tpu.vector_load %arg8[%parallel_loop3A_347, %parallel_loop3A_348] {strides = array<i32>} : memref<96x128xf32, #tpu.memory_space<vmem>>, vector<1x16xf32>,
        %parallel_loop3A_350 = vector.shape_cast %parallel_loop3A_349 : vector<1x16xf32> to vector<16xf32>
        %parallel_loop3A_351 = vector.shape_cast %parallel_loop3A_346 : vector<16xf32> to vector<1x16xf32>
        tpu.vector_store %arg8[%parallel_loop3A_347, %parallel_loop3A_348], %parallel_loop3A_351 {strides = array<i32>} : memref<96x128xf32, #tpu.memory_space<vmem>>, vector<1x16xf32>,
        %parallel_loop3A_352 = arith.index_cast %parallel_loop3A_232 : i32 to index
        %parallel_loop3A_353 = arith.constant 112 : index
        %parallel_loop3A_354 = tpu.vector_load %arg8[%parallel_loop3A_352, %parallel_loop3A_353] {strides = array<i32>} : memref<96x128xf32, #tpu.memory_space<vmem>>, vector<1x16xf32>,
        %parallel_loop3A_355 = vector.shape_cast %parallel_loop3A_354 : vector<1x16xf32> to vector<16xf32>
        %parallel_loop3A_356 = arith.index_cast %parallel_loop3A_232 : i32 to index
        %parallel_loop3A_357 = arith.constant 112 : index
        %parallel_loop3A_358 = tpu.vector_load %arg10[%parallel_loop3A_356, %parallel_loop3A_357] {strides = array<i32>} : memref<96x128xf32, #tpu.memory_space<vmem>>, vector<1x16xf32>,
        %parallel_loop3A_359 = vector.shape_cast %parallel_loop3A_358 : vector<1x16xf32> to vector<16xf32>
        %parallel_loop3A_360 = arith.addf %parallel_loop3A_355, %parallel_loop3A_359 : vector<16xf32>
        %parallel_loop3A_361 = arith.constant 0.000000e+00 : f32
        %parallel_loop3A_362 = vector.broadcast %parallel_loop3A_361 : f32 to vector<16xf32>
        %parallel_loop3A_363 = arith.maximumf %parallel_loop3A_360, %parallel_loop3A_362 : vector<16xf32>
        %parallel_loop3A_364 = arith.index_cast %parallel_loop3A_232 : i32 to index
        %parallel_loop3A_365 = arith.constant 112 : index
        %parallel_loop3A_366 = tpu.vector_load %arg8[%parallel_loop3A_364, %parallel_loop3A_365] {strides = array<i32>} : memref<96x128xf32, #tpu.memory_space<vmem>>, vector<1x16xf32>,
        %parallel_loop3A_367 = vector.shape_cast %parallel_loop3A_366 : vector<1x16xf32> to vector<16xf32>
        %parallel_loop3A_368 = vector.shape_cast %parallel_loop3A_363 : vector<16xf32> to vector<1x16xf32>
        tpu.vector_store %arg8[%parallel_loop3A_364, %parallel_loop3A_365], %parallel_loop3A_368 {strides = array<i32>} : memref<96x128xf32, #tpu.memory_space<vmem>>, vector<1x16xf32>,
      } {sc.loop_unroll_factor = 4 : i64, sc.parallel_access}
      %gt3A = arith.constant 0 : i32
      %gt3A_121 = arith.cmpi sgt, %scan3A_60, %gt3A : i32
      %convert_element_type3A_122 = arith.extui %gt3A_121 : i1 to i32
      %cond3A_123 = arith.constant 0 : i32
      %cond3A_124 = arith.cmpi ne, %convert_element_type3A_122, %cond3A_123 : i32
      scf.if %cond3A_124 {
        %dma_wait3A_232 = arith.constant 0 : i32
        %dma_wait3A_233 = arith.constant 0 : i32
        %dma_wait3A_234 = tpu.memref_slice %arg7[%dma_wait3A_232, %dma_wait3A_233] : memref<10112x128xf32, #tpu.memory_space<vmem_shared>> -> memref<10112x128xf32, #tpu.memory_space<vmem_shared>>
        tpu.wait_indirect_dma semaphore(%arg23 : memref<!tpu.dma_semaphore, #tpu.memory_space<semaphore_mem>>) src(%arg9 : memref<96x128xf32, #tpu.memory_space<vmem>>) dst(%dma_wait3A_234 : memref<10112x128xf32, #tpu.memory_space<vmem_shared>>)
      } else {
      }
      %dma_wait3A_125 = arith.constant 0 : i32
      %dma_wait3A_126 = tpu.memref_slice %arg4[%dma_wait3A_125] : memref<651264xi32, #tpu.memory_space<hbm>> -> memref<192xi32, #tpu.memory_space<hbm>>
      %dma_wait3A_127 = arith.constant 0 : i32
      %dma_wait3A_128 = tpu.memref_slice %arg4[%dma_wait3A_127] : memref<651264xi32, #tpu.memory_space<hbm>> -> memref<192xi32, #tpu.memory_space<hbm>>
      tpu.wait_dma2 semaphore(%arg17 : memref<!tpu.dma_semaphore, #tpu.memory_space<semaphore_mem>>) src(%dma_wait3A_128 : memref<192xi32, #tpu.memory_space<hbm>>) dst(%arg13 : memref<192xi32, #tpu.memory_space<vmem>>)
      %add3A_129 = arith.constant 1 : i32
      %add3A_130 = arith.addi %add3A_64, %add3A_129 : i32
      %dma_start3A_131 = arith.constant 0 : i32
      %dma_start3A_132 = arith.constant 0 : i32
      %dma_start3A_133 = tpu.memref_slice %arg9[%dma_start3A_131, %dma_start3A_132] : memref<96x128xf32, #tpu.memory_space<vmem>> -> memref<48x128xf32, #tpu.memory_space<vmem>>
      %dma_start3A_134 = arith.constant 0 : i32
      %dma_start3A_135 = tpu.memref_slice %arg13[%dma_start3A_134] : memref<192xi32, #tpu.memory_space<vmem>> -> memref<48xi32, #tpu.memory_space<vmem>>
      %dma_start3A_136 = arith.constant 0 : i32
      %dma_start3A_137 = arith.constant 0 : i32
      %dma_start3A_138 = tpu.memref_slice %arg2[%dma_start3A_136, %dma_start3A_137] : memref<10000x128xf32, #tpu.memory_space<hbm>> -> memref<10000x128xf32, #tpu.memory_space<hbm>>
      tpu.enqueue_indirect_dma source(%dma_start3A_138 : memref<10000x128xf32, #tpu.memory_space<hbm>>) target(%dma_start3A_133 : memref<48x128xf32, #tpu.memory_space<vmem>>) offsets(%dma_start3A_135 : memref<48xi32, #tpu.memory_space<vmem>>) semaphore(%arg19 : memref<!tpu.dma_semaphore, #tpu.memory_space<semaphore_mem>>)
      %dma_start3A_139 = arith.constant 48 : i32
      %dma_start3A_140 = arith.constant 0 : i32
      %dma_start3A_141 = tpu.memref_slice %arg9[%dma_start3A_139, %dma_start3A_140] : memref<96x128xf32, #tpu.memory_space<vmem>> -> memref<48x128xf32, #tpu.memory_space<vmem>>
      %dma_start3A_142 = arith.constant 48 : i32
      %dma_start3A_143 = tpu.memref_slice %arg13[%dma_start3A_142] : memref<192xi32, #tpu.memory_space<vmem>> -> memref<48xi32, #tpu.memory_space<vmem>>
      %dma_start3A_144 = arith.constant 0 : i32
      %dma_start3A_145 = arith.constant 0 : i32
      %dma_start3A_146 = tpu.memref_slice %arg2[%dma_start3A_144, %dma_start3A_145] : memref<10000x128xf32, #tpu.memory_space<hbm>> -> memref<10000x128xf32, #tpu.memory_space<hbm>>
      tpu.enqueue_indirect_dma source(%dma_start3A_146 : memref<10000x128xf32, #tpu.memory_space<hbm>>) target(%dma_start3A_141 : memref<48x128xf32, #tpu.memory_space<vmem>>) offsets(%dma_start3A_143 : memref<48xi32, #tpu.memory_space<vmem>>) semaphore(%arg19 : memref<!tpu.dma_semaphore, #tpu.memory_space<semaphore_mem>>)
      %mul3A_147 = arith.constant 96 : i32
      %mul3A_148 = arith.muli %add3A_130, %mul3A_147 : i32
      %add3A_149 = arith.addi %mul3A_2, %mul3A_148 : i32
      %dma_start3A_150 = arith.constant 0 : i32
      %dma_start3A_151 = tpu.memref_slice %arg3[%add3A_149, %dma_start3A_150] : memref<325632x128xf32, #tpu.memory_space<hbm>> -> memref<96x128xf32, #tpu.memory_space<hbm>>
      %dma_start3A_152 = arith.constant 0 : i32
      %dma_start3A_153 = tpu.memref_slice %arg3[%add3A_149, %dma_start3A_152] : memref<325632x128xf32, #tpu.memory_space<hbm>> -> memref<96x128xf32, #tpu.memory_space<hbm>>
      tpu.enqueue_dma source(%dma_start3A_153 : memref<96x128xf32, #tpu.memory_space<hbm>>) target(%arg11 : memref<96x128xf32, #tpu.memory_space<vmem>>) target_semaphore(%arg21 : memref<!tpu.dma_semaphore, #tpu.memory_space<semaphore_mem>>)
      %dma_start3A_154 = arith.constant 0 : i32
      %dma_start3A_155 = arith.constant 0 : i32
      %dma_start3A_156 = tpu.memref_slice %arg7[%dma_start3A_154, %dma_start3A_155] : memref<10112x128xf32, #tpu.memory_space<vmem_shared>> -> memref<10112x128xf32, #tpu.memory_space<vmem_shared>>
      tpu.enqueue_indirect_dma source(%arg8 : memref<96x128xf32, #tpu.memory_space<vmem>>) target(%dma_start3A_156 : memref<10112x128xf32, #tpu.memory_space<vmem_shared>>) offsets(%arg14 : memref<96xi32, #tpu.memory_space<vmem>>) semaphore(%arg22 : memref<!tpu.dma_semaphore, #tpu.memory_space<semaphore_mem>>) {add = true}
      %add3A_157 = arith.constant 1 : i32
      %add3A_158 = arith.addi %mul3A_62, %add3A_157 : i32
      %dma_wait3A_159 = arith.constant 0 : i32
      %dma_wait3A_160 = arith.constant 0 : i32
      %dma_wait3A_161 = tpu.memref_slice %arg3[%dma_wait3A_159, %dma_wait3A_160] : memref<325632x128xf32, #tpu.memory_space<hbm>> -> memref<96x128xf32, #tpu.memory_space<hbm>>
      %dma_wait3A_162 = arith.constant 0 : i32
      %dma_wait3A_163 = arith.constant 0 : i32
      %dma_wait3A_164 = tpu.memref_slice %arg3[%dma_wait3A_162, %dma_wait3A_163] : memref<325632x128xf32, #tpu.memory_space<hbm>> -> memref<96x128xf32, #tpu.memory_space<hbm>>
      tpu.wait_dma2 semaphore(%arg19 : memref<!tpu.dma_semaphore, #tpu.memory_space<semaphore_mem>>) src(%dma_wait3A_164 : memref<96x128xf32, #tpu.memory_space<hbm>>) dst(%arg9 : memref<96x128xf32, #tpu.memory_space<vmem>>)
      %dma_wait3A_165 = arith.constant 0 : i32
      %dma_wait3A_166 = arith.constant 0 : i32
      %dma_wait3A_167 = tpu.memref_slice %arg3[%dma_wait3A_165, %dma_wait3A_166] : memref<325632x128xf32, #tpu.memory_space<hbm>> -> memref<96x128xf32, #tpu.memory_space<hbm>>
      %dma_wait3A_168 = arith.constant 0 : i32
      %dma_wait3A_169 = arith.constant 0 : i32
      %dma_wait3A_170 = tpu.memref_slice %arg3[%dma_wait3A_168, %dma_wait3A_169] : memref<325632x128xf32, #tpu.memory_space<hbm>> -> memref<96x128xf32, #tpu.memory_space<hbm>>
      tpu.wait_dma2 semaphore(%arg21 : memref<!tpu.dma_semaphore, #tpu.memory_space<semaphore_mem>>) src(%dma_wait3A_170 : memref<96x128xf32, #tpu.memory_space<hbm>>) dst(%arg11 : memref<96x128xf32, #tpu.memory_space<vmem>>)
      %get3A_171 = arith.constant 96 : index
      %get3A_172 = tpu.vector_load %arg13[%get3A_171] {strides = array<i32>} : memref<192xi32, #tpu.memory_space<vmem>>, vector<16xi32>,
      %get3A_173 = vector.shape_cast %get3A_172 : vector<16xi32> to vector<16xi32>
      %swap3A_174 = arith.constant 0 : index
      %swap3A_175 = tpu.vector_load %arg15[%swap3A_174] {strides = array<i32>} : memref<96xi32, #tpu.memory_space<vmem>>, vector<16xi32>,
      %swap3A_176 = vector.shape_cast %swap3A_175 : vector<16xi32> to vector<16xi32>
      %swap3A_177 = vector.shape_cast %get3A_173 : vector<16xi32> to vector<16xi32>
      tpu.vector_store %arg15[%swap3A_174], %swap3A_177 {strides = array<i32>} : memref<96xi32, #tpu.memory_space<vmem>>, vector<16xi32>,
      %get3A_178 = arith.constant 112 : index
      %get3A_179 = tpu.vector_load %arg13[%get3A_178] {strides = array<i32>} : memref<192xi32, #tpu.memory_space<vmem>>, vector<16xi32>,
      %get3A_180 = vector.shape_cast %get3A_179 : vector<16xi32> to vector<16xi32>
      %swap3A_181 = arith.constant 16 : index
      %swap3A_182 = tpu.vector_load %arg15[%swap3A_181] {strides = array<i32>} : memref<96xi32, #tpu.memory_space<vmem>>, vector<16xi32>,
      %swap3A_183 = vector.shape_cast %swap3A_182 : vector<16xi32> to vector<16xi32>
      %swap3A_184 = vector.shape_cast %get3A_180 : vector<16xi32> to vector<16xi32>
      tpu.vector_store %arg15[%swap3A_181], %swap3A_184 {strides = array<i32>} : memref<96xi32, #tpu.memory_space<vmem>>, vector<16xi32>,
      %get3A_185 = arith.constant 128 : index
      %get3A_186 = tpu.vector_load %arg13[%get3A_185] {strides = array<i32>} : memref<192xi32, #tpu.memory_space<vmem>>, vector<16xi32>,
      %get3A_187 = vector.shape_cast %get3A_186 : vector<16xi32> to vector<16xi32>
      %swap3A_188 = arith.constant 32 : index
      %swap3A_189 = tpu.vector_load %arg15[%swap3A_188] {strides = array<i32>} : memref<96xi32, #tpu.memory_space<vmem>>, vector<16xi32>,
      %swap3A_190 = vector.shape_cast %swap3A_189 : vector<16xi32> to vector<16xi32>
      %swap3A_191 = vector.shape_cast %get3A_187 : vector<16xi32> to vector<16xi32>
      tpu.vector_store %arg15[%swap3A_188], %swap3A_191 {strides = array<i32>} : memref<96xi32, #tpu.memory_space<vmem>>, vector<16xi32>,
      %get3A_192 = arith.constant 144 : index
      %get3A_193 = tpu.vector_load %arg13[%get3A_192] {strides = array<i32>} : memref<192xi32, #tpu.memory_space<vmem>>, vector<16xi32>,
      %get3A_194 = vector.shape_cast %get3A_193 : vector<16xi32> to vector<16xi32>
      %swap3A_195 = arith.constant 48 : index
      %swap3A_196 = tpu.vector_load %arg15[%swap3A_195] {strides = array<i32>} : memref<96xi32, #tpu.memory_space<vmem>>, vector<16xi32>,
      %swap3A_197 = vector.shape_cast %swap3A_196 : vector<16xi32> to vector<16xi32>
      %swap3A_198 = vector.shape_cast %get3A_194 : vector<16xi32> to vector<16xi32>
      tpu.vector_store %arg15[%swap3A_195], %swap3A_198 {strides = array<i32>} : memref<96xi32, #tpu.memory_space<vmem>>, vector<16xi32>,
      %get3A_199 = arith.constant 160 : index
      %get3A_200 = tpu.vector_load %arg13[%get3A_199] {strides = array<i32>} : memref<192xi32, #tpu.memory_space<vmem>>, vector<16xi32>,
      %get3A_201 = vector.shape_cast %get3A_200 : vector<16xi32> to vector<16xi32>
      %swap3A_202 = arith.constant 64 : index
      %swap3A_203 = tpu.vector_load %arg15[%swap3A_202] {strides = array<i32>} : memref<96xi32, #tpu.memory_space<vmem>>, vector<16xi32>,
      %swap3A_204 = vector.shape_cast %swap3A_203 : vector<16xi32> to vector<16xi32>
      %swap3A_205 = vector.shape_cast %get3A_201 : vector<16xi32> to vector<16xi32>
      tpu.vector_store %arg15[%swap3A_202], %swap3A_205 {strides = array<i32>} : memref<96xi32, #tpu.memory_space<vmem>>, vector<16xi32>,
      %get3A_206 = arith.constant 176 : index
      %get3A_207 = tpu.vector_load %arg13[%get3A_206] {strides = array<i32>} : memref<192xi32, #tpu.memory_space<vmem>>, vector<16xi32>,
      %get3A_208 = vector.shape_cast %get3A_207 : vector<16xi32> to vector<16xi32>
      %swap3A_209 = arith.constant 80 : index
      %swap3A_210 = tpu.vector_load %arg15[%swap3A_209] {strides = array<i32>} : memref<96xi32, #tpu.memory_space<vmem>>, vector<16xi32>,
      %swap3A_211 = vector.shape_cast %swap3A_210 : vector<16xi32> to vector<16xi32>
      %swap3A_212 = vector.shape_cast %get3A_208 : vector<16xi32> to vector<16xi32>
      tpu.vector_store %arg15[%swap3A_209], %swap3A_212 {strides = array<i32>} : memref<96xi32, #tpu.memory_space<vmem>>, vector<16xi32>,
      %lt3A_213 = arith.constant 52 : i32
      %lt3A_214 = arith.cmpi slt, %scan3A_60, %lt3A_213 : i32
      %convert_element_type3A_215 = arith.extui %lt3A_214 : i1 to i32
      %cond3A_216 = arith.constant 0 : i32
      %cond3A_217 = arith.cmpi ne, %convert_element_type3A_215, %cond3A_216 : i32
      scf.if %cond3A_217 {
        %add3A_232 = arith.constant 2 : i32
        %add3A_233 = arith.addi %add3A_158, %add3A_232 : i32
        %mul3A_234 = arith.constant 106 : i32
        %mul3A_235 = arith.muli %add3A, %mul3A_234 : i32
        %add3A_236 = arith.addi %mul3A_235, %add3A_233 : i32
        %mul3A_237 = arith.constant 192 : i32
        %mul3A_238 = arith.muli %add3A_236, %mul3A_237 : i32
        %dma_start3A_239 = tpu.memref_slice %arg4[%mul3A_238] : memref<651264xi32, #tpu.memory_space<hbm>> -> memref<192xi32, #tpu.memory_space<hbm>>
        %dma_start3A_240 = tpu.memref_slice %arg4[%mul3A_238] : memref<651264xi32, #tpu.memory_space<hbm>> -> memref<192xi32, #tpu.memory_space<hbm>>
        tpu.enqueue_dma source(%dma_start3A_240 : memref<192xi32, #tpu.memory_space<hbm>>) target(%arg13 : memref<192xi32, #tpu.memory_space<vmem>>) target_semaphore(%arg17 : memref<!tpu.dma_semaphore, #tpu.memory_space<semaphore_mem>>)
      } else {
      }
      %parallel_loop3A_218 = arith.constant 0 : i32
      %parallel_loop3A_219 = arith.constant 96 : i32
      %parallel_loop3A_220 = arith.constant 1 : i32
      scf.for %parallel_loop3A_232 = %parallel_loop3A_218 to %parallel_loop3A_219 step %parallel_loop3A_220  : i32 {
        %parallel_loop3A_233 = arith.index_cast %parallel_loop3A_232 : i32 to index
        %parallel_loop3A_234 = arith.constant 0 : index
        %parallel_loop3A_235 = tpu.vector_load %arg9[%parallel_loop3A_233, %parallel_loop3A_234] {strides = array<i32>} : memref<96x128xf32, #tpu.memory_space<vmem>>, vector<1x16xf32>,
        %parallel_loop3A_236 = vector.shape_cast %parallel_loop3A_235 : vector<1x16xf32> to vector<16xf32>
        %parallel_loop3A_237 = arith.index_cast %parallel_loop3A_232 : i32 to index
        %parallel_loop3A_238 = arith.constant 0 : index
        %parallel_loop3A_239 = tpu.vector_load %arg11[%parallel_loop3A_237, %parallel_loop3A_238] {strides = array<i32>} : memref<96x128xf32, #tpu.memory_space<vmem>>, vector<1x16xf32>,
        %parallel_loop3A_240 = vector.shape_cast %parallel_loop3A_239 : vector<1x16xf32> to vector<16xf32>
        %parallel_loop3A_241 = arith.addf %parallel_loop3A_236, %parallel_loop3A_240 : vector<16xf32>
        %parallel_loop3A_242 = arith.constant 0.000000e+00 : f32
        %parallel_loop3A_243 = vector.broadcast %parallel_loop3A_242 : f32 to vector<16xf32>
        %parallel_loop3A_244 = arith.maximumf %parallel_loop3A_241, %parallel_loop3A_243 : vector<16xf32>
        %parallel_loop3A_245 = arith.index_cast %parallel_loop3A_232 : i32 to index
        %parallel_loop3A_246 = arith.constant 0 : index
        %parallel_loop3A_247 = tpu.vector_load %arg9[%parallel_loop3A_245, %parallel_loop3A_246] {strides = array<i32>} : memref<96x128xf32, #tpu.memory_space<vmem>>, vector<1x16xf32>,
        %parallel_loop3A_248 = vector.shape_cast %parallel_loop3A_247 : vector<1x16xf32> to vector<16xf32>
        %parallel_loop3A_249 = vector.shape_cast %parallel_loop3A_244 : vector<16xf32> to vector<1x16xf32>
        tpu.vector_store %arg9[%parallel_loop3A_245, %parallel_loop3A_246], %parallel_loop3A_249 {strides = array<i32>} : memref<96x128xf32, #tpu.memory_space<vmem>>, vector<1x16xf32>,
        %parallel_loop3A_250 = arith.index_cast %parallel_loop3A_232 : i32 to index
        %parallel_loop3A_251 = arith.constant 16 : index
        %parallel_loop3A_252 = tpu.vector_load %arg9[%parallel_loop3A_250, %parallel_loop3A_251] {strides = array<i32>} : memref<96x128xf32, #tpu.memory_space<vmem>>, vector<1x16xf32>,
        %parallel_loop3A_253 = vector.shape_cast %parallel_loop3A_252 : vector<1x16xf32> to vector<16xf32>
        %parallel_loop3A_254 = arith.index_cast %parallel_loop3A_232 : i32 to index
        %parallel_loop3A_255 = arith.constant 16 : index
        %parallel_loop3A_256 = tpu.vector_load %arg11[%parallel_loop3A_254, %parallel_loop3A_255] {strides = array<i32>} : memref<96x128xf32, #tpu.memory_space<vmem>>, vector<1x16xf32>,
        %parallel_loop3A_257 = vector.shape_cast %parallel_loop3A_256 : vector<1x16xf32> to vector<16xf32>
        %parallel_loop3A_258 = arith.addf %parallel_loop3A_253, %parallel_loop3A_257 : vector<16xf32>
        %parallel_loop3A_259 = arith.constant 0.000000e+00 : f32
        %parallel_loop3A_260 = vector.broadcast %parallel_loop3A_259 : f32 to vector<16xf32>
        %parallel_loop3A_261 = arith.maximumf %parallel_loop3A_258, %parallel_loop3A_260 : vector<16xf32>
        %parallel_loop3A_262 = arith.index_cast %parallel_loop3A_232 : i32 to index
        %parallel_loop3A_263 = arith.constant 16 : index
        %parallel_loop3A_264 = tpu.vector_load %arg9[%parallel_loop3A_262, %parallel_loop3A_263] {strides = array<i32>} : memref<96x128xf32, #tpu.memory_space<vmem>>, vector<1x16xf32>,
        %parallel_loop3A_265 = vector.shape_cast %parallel_loop3A_264 : vector<1x16xf32> to vector<16xf32>
        %parallel_loop3A_266 = vector.shape_cast %parallel_loop3A_261 : vector<16xf32> to vector<1x16xf32>
        tpu.vector_store %arg9[%parallel_loop3A_262, %parallel_loop3A_263], %parallel_loop3A_266 {strides = array<i32>} : memref<96x128xf32, #tpu.memory_space<vmem>>, vector<1x16xf32>,
        %parallel_loop3A_267 = arith.index_cast %parallel_loop3A_232 : i32 to index
        %parallel_loop3A_268 = arith.constant 32 : index
        %parallel_loop3A_269 = tpu.vector_load %arg9[%parallel_loop3A_267, %parallel_loop3A_268] {strides = array<i32>} : memref<96x128xf32, #tpu.memory_space<vmem>>, vector<1x16xf32>,
        %parallel_loop3A_270 = vector.shape_cast %parallel_loop3A_269 : vector<1x16xf32> to vector<16xf32>
        %parallel_loop3A_271 = arith.index_cast %parallel_loop3A_232 : i32 to index
        %parallel_loop3A_272 = arith.constant 32 : index
        %parallel_loop3A_273 = tpu.vector_load %arg11[%parallel_loop3A_271, %parallel_loop3A_272] {strides = array<i32>} : memref<96x128xf32, #tpu.memory_space<vmem>>, vector<1x16xf32>,
        %parallel_loop3A_274 = vector.shape_cast %parallel_loop3A_273 : vector<1x16xf32> to vector<16xf32>
        %parallel_loop3A_275 = arith.addf %parallel_loop3A_270, %parallel_loop3A_274 : vector<16xf32>
        %parallel_loop3A_276 = arith.constant 0.000000e+00 : f32
        %parallel_loop3A_277 = vector.broadcast %parallel_loop3A_276 : f32 to vector<16xf32>
        %parallel_loop3A_278 = arith.maximumf %parallel_loop3A_275, %parallel_loop3A_277 : vector<16xf32>
        %parallel_loop3A_279 = arith.index_cast %parallel_loop3A_232 : i32 to index
        %parallel_loop3A_280 = arith.constant 32 : index
        %parallel_loop3A_281 = tpu.vector_load %arg9[%parallel_loop3A_279, %parallel_loop3A_280] {strides = array<i32>} : memref<96x128xf32, #tpu.memory_space<vmem>>, vector<1x16xf32>,
        %parallel_loop3A_282 = vector.shape_cast %parallel_loop3A_281 : vector<1x16xf32> to vector<16xf32>
        %parallel_loop3A_283 = vector.shape_cast %parallel_loop3A_278 : vector<16xf32> to vector<1x16xf32>
        tpu.vector_store %arg9[%parallel_loop3A_279, %parallel_loop3A_280], %parallel_loop3A_283 {strides = array<i32>} : memref<96x128xf32, #tpu.memory_space<vmem>>, vector<1x16xf32>,
        %parallel_loop3A_284 = arith.index_cast %parallel_loop3A_232 : i32 to index
        %parallel_loop3A_285 = arith.constant 48 : index
        %parallel_loop3A_286 = tpu.vector_load %arg9[%parallel_loop3A_284, %parallel_loop3A_285] {strides = array<i32>} : memref<96x128xf32, #tpu.memory_space<vmem>>, vector<1x16xf32>,
        %parallel_loop3A_287 = vector.shape_cast %parallel_loop3A_286 : vector<1x16xf32> to vector<16xf32>
        %parallel_loop3A_288 = arith.index_cast %parallel_loop3A_232 : i32 to index
        %parallel_loop3A_289 = arith.constant 48 : index
        %parallel_loop3A_290 = tpu.vector_load %arg11[%parallel_loop3A_288, %parallel_loop3A_289] {strides = array<i32>} : memref<96x128xf32, #tpu.memory_space<vmem>>, vector<1x16xf32>,
        %parallel_loop3A_291 = vector.shape_cast %parallel_loop3A_290 : vector<1x16xf32> to vector<16xf32>
        %parallel_loop3A_292 = arith.addf %parallel_loop3A_287, %parallel_loop3A_291 : vector<16xf32>
        %parallel_loop3A_293 = arith.constant 0.000000e+00 : f32
        %parallel_loop3A_294 = vector.broadcast %parallel_loop3A_293 : f32 to vector<16xf32>
        %parallel_loop3A_295 = arith.maximumf %parallel_loop3A_292, %parallel_loop3A_294 : vector<16xf32>
        %parallel_loop3A_296 = arith.index_cast %parallel_loop3A_232 : i32 to index
        %parallel_loop3A_297 = arith.constant 48 : index
        %parallel_loop3A_298 = tpu.vector_load %arg9[%parallel_loop3A_296, %parallel_loop3A_297] {strides = array<i32>} : memref<96x128xf32, #tpu.memory_space<vmem>>, vector<1x16xf32>,
        %parallel_loop3A_299 = vector.shape_cast %parallel_loop3A_298 : vector<1x16xf32> to vector<16xf32>
        %parallel_loop3A_300 = vector.shape_cast %parallel_loop3A_295 : vector<16xf32> to vector<1x16xf32>
        tpu.vector_store %arg9[%parallel_loop3A_296, %parallel_loop3A_297], %parallel_loop3A_300 {strides = array<i32>} : memref<96x128xf32, #tpu.memory_space<vmem>>, vector<1x16xf32>,
        %parallel_loop3A_301 = arith.index_cast %parallel_loop3A_232 : i32 to index
        %parallel_loop3A_302 = arith.constant 64 : index
        %parallel_loop3A_303 = tpu.vector_load %arg9[%parallel_loop3A_301, %parallel_loop3A_302] {strides = array<i32>} : memref<96x128xf32, #tpu.memory_space<vmem>>, vector<1x16xf32>,
        %parallel_loop3A_304 = vector.shape_cast %parallel_loop3A_303 : vector<1x16xf32> to vector<16xf32>
        %parallel_loop3A_305 = arith.index_cast %parallel_loop3A_232 : i32 to index
        %parallel_loop3A_306 = arith.constant 64 : index
        %parallel_loop3A_307 = tpu.vector_load %arg11[%parallel_loop3A_305, %parallel_loop3A_306] {strides = array<i32>} : memref<96x128xf32, #tpu.memory_space<vmem>>, vector<1x16xf32>,
        %parallel_loop3A_308 = vector.shape_cast %parallel_loop3A_307 : vector<1x16xf32> to vector<16xf32>
        %parallel_loop3A_309 = arith.addf %parallel_loop3A_304, %parallel_loop3A_308 : vector<16xf32>
        %parallel_loop3A_310 = arith.constant 0.000000e+00 : f32
        %parallel_loop3A_311 = vector.broadcast %parallel_loop3A_310 : f32 to vector<16xf32>
        %parallel_loop3A_312 = arith.maximumf %parallel_loop3A_309, %parallel_loop3A_311 : vector<16xf32>
        %parallel_loop3A_313 = arith.index_cast %parallel_loop3A_232 : i32 to index
        %parallel_loop3A_314 = arith.constant 64 : index
        %parallel_loop3A_315 = tpu.vector_load %arg9[%parallel_loop3A_313, %parallel_loop3A_314] {strides = array<i32>} : memref<96x128xf32, #tpu.memory_space<vmem>>, vector<1x16xf32>,
        %parallel_loop3A_316 = vector.shape_cast %parallel_loop3A_315 : vector<1x16xf32> to vector<16xf32>
        %parallel_loop3A_317 = vector.shape_cast %parallel_loop3A_312 : vector<16xf32> to vector<1x16xf32>
        tpu.vector_store %arg9[%parallel_loop3A_313, %parallel_loop3A_314], %parallel_loop3A_317 {strides = array<i32>} : memref<96x128xf32, #tpu.memory_space<vmem>>, vector<1x16xf32>,
        %parallel_loop3A_318 = arith.index_cast %parallel_loop3A_232 : i32 to index
        %parallel_loop3A_319 = arith.constant 80 : index
        %parallel_loop3A_320 = tpu.vector_load %arg9[%parallel_loop3A_318, %parallel_loop3A_319] {strides = array<i32>} : memref<96x128xf32, #tpu.memory_space<vmem>>, vector<1x16xf32>,
        %parallel_loop3A_321 = vector.shape_cast %parallel_loop3A_320 : vector<1x16xf32> to vector<16xf32>
        %parallel_loop3A_322 = arith.index_cast %parallel_loop3A_232 : i32 to index
        %parallel_loop3A_323 = arith.constant 80 : index
        %parallel_loop3A_324 = tpu.vector_load %arg11[%parallel_loop3A_322, %parallel_loop3A_323] {strides = array<i32>} : memref<96x128xf32, #tpu.memory_space<vmem>>, vector<1x16xf32>,
        %parallel_loop3A_325 = vector.shape_cast %parallel_loop3A_324 : vector<1x16xf32> to vector<16xf32>
        %parallel_loop3A_326 = arith.addf %parallel_loop3A_321, %parallel_loop3A_325 : vector<16xf32>
        %parallel_loop3A_327 = arith.constant 0.000000e+00 : f32
        %parallel_loop3A_328 = vector.broadcast %parallel_loop3A_327 : f32 to vector<16xf32>
        %parallel_loop3A_329 = arith.maximumf %parallel_loop3A_326, %parallel_loop3A_328 : vector<16xf32>
        %parallel_loop3A_330 = arith.index_cast %parallel_loop3A_232 : i32 to index
        %parallel_loop3A_331 = arith.constant 80 : index
        %parallel_loop3A_332 = tpu.vector_load %arg9[%parallel_loop3A_330, %parallel_loop3A_331] {strides = array<i32>} : memref<96x128xf32, #tpu.memory_space<vmem>>, vector<1x16xf32>,
        %parallel_loop3A_333 = vector.shape_cast %parallel_loop3A_332 : vector<1x16xf32> to vector<16xf32>
        %parallel_loop3A_334 = vector.shape_cast %parallel_loop3A_329 : vector<16xf32> to vector<1x16xf32>
        tpu.vector_store %arg9[%parallel_loop3A_330, %parallel_loop3A_331], %parallel_loop3A_334 {strides = array<i32>} : memref<96x128xf32, #tpu.memory_space<vmem>>, vector<1x16xf32>,
        %parallel_loop3A_335 = arith.index_cast %parallel_loop3A_232 : i32 to index
        %parallel_loop3A_336 = arith.constant 96 : index
        %parallel_loop3A_337 = tpu.vector_load %arg9[%parallel_loop3A_335, %parallel_loop3A_336] {strides = array<i32>} : memref<96x128xf32, #tpu.memory_space<vmem>>, vector<1x16xf32>,
        %parallel_loop3A_338 = vector.shape_cast %parallel_loop3A_337 : vector<1x16xf32> to vector<16xf32>
        %parallel_loop3A_339 = arith.index_cast %parallel_loop3A_232 : i32 to index
        %parallel_loop3A_340 = arith.constant 96 : index
        %parallel_loop3A_341 = tpu.vector_load %arg11[%parallel_loop3A_339, %parallel_loop3A_340] {strides = array<i32>} : memref<96x128xf32, #tpu.memory_space<vmem>>, vector<1x16xf32>,
        %parallel_loop3A_342 = vector.shape_cast %parallel_loop3A_341 : vector<1x16xf32> to vector<16xf32>
        %parallel_loop3A_343 = arith.addf %parallel_loop3A_338, %parallel_loop3A_342 : vector<16xf32>
        %parallel_loop3A_344 = arith.constant 0.000000e+00 : f32
        %parallel_loop3A_345 = vector.broadcast %parallel_loop3A_344 : f32 to vector<16xf32>
        %parallel_loop3A_346 = arith.maximumf %parallel_loop3A_343, %parallel_loop3A_345 : vector<16xf32>
        %parallel_loop3A_347 = arith.index_cast %parallel_loop3A_232 : i32 to index
        %parallel_loop3A_348 = arith.constant 96 : index
        %parallel_loop3A_349 = tpu.vector_load %arg9[%parallel_loop3A_347, %parallel_loop3A_348] {strides = array<i32>} : memref<96x128xf32, #tpu.memory_space<vmem>>, vector<1x16xf32>,
        %parallel_loop3A_350 = vector.shape_cast %parallel_loop3A_349 : vector<1x16xf32> to vector<16xf32>
        %parallel_loop3A_351 = vector.shape_cast %parallel_loop3A_346 : vector<16xf32> to vector<1x16xf32>
        tpu.vector_store %arg9[%parallel_loop3A_347, %parallel_loop3A_348], %parallel_loop3A_351 {strides = array<i32>} : memref<96x128xf32, #tpu.memory_space<vmem>>, vector<1x16xf32>,
        %parallel_loop3A_352 = arith.index_cast %parallel_loop3A_232 : i32 to index
        %parallel_loop3A_353 = arith.constant 112 : index
        %parallel_loop3A_354 = tpu.vector_load %arg9[%parallel_loop3A_352, %parallel_loop3A_353] {strides = array<i32>} : memref<96x128xf32, #tpu.memory_space<vmem>>, vector<1x16xf32>,
        %parallel_loop3A_355 = vector.shape_cast %parallel_loop3A_354 : vector<1x16xf32> to vector<16xf32>
        %parallel_loop3A_356 = arith.index_cast %parallel_loop3A_232 : i32 to index
        %parallel_loop3A_357 = arith.constant 112 : index
        %parallel_loop3A_358 = tpu.vector_load %arg11[%parallel_loop3A_356, %parallel_loop3A_357] {strides = array<i32>} : memref<96x128xf32, #tpu.memory_space<vmem>>, vector<1x16xf32>,
        %parallel_loop3A_359 = vector.shape_cast %parallel_loop3A_358 : vector<1x16xf32> to vector<16xf32>
        %parallel_loop3A_360 = arith.addf %parallel_loop3A_355, %parallel_loop3A_359 : vector<16xf32>
        %parallel_loop3A_361 = arith.constant 0.000000e+00 : f32
        %parallel_loop3A_362 = vector.broadcast %parallel_loop3A_361 : f32 to vector<16xf32>
        %parallel_loop3A_363 = arith.maximumf %parallel_loop3A_360, %parallel_loop3A_362 : vector<16xf32>
        %parallel_loop3A_364 = arith.index_cast %parallel_loop3A_232 : i32 to index
        %parallel_loop3A_365 = arith.constant 112 : index
        %parallel_loop3A_366 = tpu.vector_load %arg9[%parallel_loop3A_364, %parallel_loop3A_365] {strides = array<i32>} : memref<96x128xf32, #tpu.memory_space<vmem>>, vector<1x16xf32>,
        %parallel_loop3A_367 = vector.shape_cast %parallel_loop3A_366 : vector<1x16xf32> to vector<16xf32>
        %parallel_loop3A_368 = vector.shape_cast %parallel_loop3A_363 : vector<16xf32> to vector<1x16xf32>
        tpu.vector_store %arg9[%parallel_loop3A_364, %parallel_loop3A_365], %parallel_loop3A_368 {strides = array<i32>} : memref<96x128xf32, #tpu.memory_space<vmem>>, vector<1x16xf32>,
      } {sc.loop_unroll_factor = 4 : i64, sc.parallel_access}
      %dma_wait3A_221 = arith.constant 0 : i32
      %dma_wait3A_222 = arith.constant 0 : i32
      %dma_wait3A_223 = tpu.memref_slice %arg7[%dma_wait3A_221, %dma_wait3A_222] : memref<10112x128xf32, #tpu.memory_space<vmem_shared>> -> memref<10112x128xf32, #tpu.memory_space<vmem_shared>>
      tpu.wait_indirect_dma semaphore(%arg22 : memref<!tpu.dma_semaphore, #tpu.memory_space<semaphore_mem>>) src(%arg8 : memref<96x128xf32, #tpu.memory_space<vmem>>) dst(%dma_wait3A_223 : memref<10112x128xf32, #tpu.memory_space<vmem_shared>>)
      %lt3A_224 = arith.constant 52 : i32
      %lt3A_225 = arith.cmpi slt, %scan3A_60, %lt3A_224 : i32
      %convert_element_type3A_226 = arith.extui %lt3A_225 : i1 to i32
      %cond3A_227 = arith.constant 0 : i32
      %cond3A_228 = arith.cmpi ne, %convert_element_type3A_226, %cond3A_227 : i32
      scf.if %cond3A_228 {
        %dma_wait3A_232 = arith.constant 0 : i32
        %dma_wait3A_233 = tpu.memref_slice %arg4[%dma_wait3A_232] : memref<651264xi32, #tpu.memory_space<hbm>> -> memref<192xi32, #tpu.memory_space<hbm>>
        %dma_wait3A_234 = arith.constant 0 : i32
        %dma_wait3A_235 = tpu.memref_slice %arg4[%dma_wait3A_234] : memref<651264xi32, #tpu.memory_space<hbm>> -> memref<192xi32, #tpu.memory_space<hbm>>
        tpu.wait_dma2 semaphore(%arg16 : memref<!tpu.dma_semaphore, #tpu.memory_space<semaphore_mem>>) src(%dma_wait3A_235 : memref<192xi32, #tpu.memory_space<hbm>>) dst(%arg12 : memref<192xi32, #tpu.memory_space<vmem>>)
        %add3A_236 = arith.constant 1 : i32
        %add3A_237 = arith.addi %add3A_158, %add3A_236 : i32
        %dma_start3A_238 = arith.constant 0 : i32
        %dma_start3A_239 = arith.constant 0 : i32
        %dma_start3A_240 = tpu.memref_slice %arg8[%dma_start3A_238, %dma_start3A_239] : memref<96x128xf32, #tpu.memory_space<vmem>> -> memref<48x128xf32, #tpu.memory_space<vmem>>
        %dma_start3A_241 = arith.constant 0 : i32
        %dma_start3A_242 = tpu.memref_slice %arg12[%dma_start3A_241] : memref<192xi32, #tpu.memory_space<vmem>> -> memref<48xi32, #tpu.memory_space<vmem>>
        %dma_start3A_243 = arith.constant 0 : i32
        %dma_start3A_244 = arith.constant 0 : i32
        %dma_start3A_245 = tpu.memref_slice %arg2[%dma_start3A_243, %dma_start3A_244] : memref<10000x128xf32, #tpu.memory_space<hbm>> -> memref<10000x128xf32, #tpu.memory_space<hbm>>
        tpu.enqueue_indirect_dma source(%dma_start3A_245 : memref<10000x128xf32, #tpu.memory_space<hbm>>) target(%dma_start3A_240 : memref<48x128xf32, #tpu.memory_space<vmem>>) offsets(%dma_start3A_242 : memref<48xi32, #tpu.memory_space<vmem>>) semaphore(%arg18 : memref<!tpu.dma_semaphore, #tpu.memory_space<semaphore_mem>>)
        %dma_start3A_246 = arith.constant 48 : i32
        %dma_start3A_247 = arith.constant 0 : i32
        %dma_start3A_248 = tpu.memref_slice %arg8[%dma_start3A_246, %dma_start3A_247] : memref<96x128xf32, #tpu.memory_space<vmem>> -> memref<48x128xf32, #tpu.memory_space<vmem>>
        %dma_start3A_249 = arith.constant 48 : i32
        %dma_start3A_250 = tpu.memref_slice %arg12[%dma_start3A_249] : memref<192xi32, #tpu.memory_space<vmem>> -> memref<48xi32, #tpu.memory_space<vmem>>
        %dma_start3A_251 = arith.constant 0 : i32
        %dma_start3A_252 = arith.constant 0 : i32
        %dma_start3A_253 = tpu.memref_slice %arg2[%dma_start3A_251, %dma_start3A_252] : memref<10000x128xf32, #tpu.memory_space<hbm>> -> memref<10000x128xf32, #tpu.memory_space<hbm>>
        tpu.enqueue_indirect_dma source(%dma_start3A_253 : memref<10000x128xf32, #tpu.memory_space<hbm>>) target(%dma_start3A_248 : memref<48x128xf32, #tpu.memory_space<vmem>>) offsets(%dma_start3A_250 : memref<48xi32, #tpu.memory_space<vmem>>) semaphore(%arg18 : memref<!tpu.dma_semaphore, #tpu.memory_space<semaphore_mem>>)
        %mul3A_254 = arith.constant 96 : i32
        %mul3A_255 = arith.muli %add3A_237, %mul3A_254 : i32
        %add3A_256 = arith.addi %mul3A_2, %mul3A_255 : i32
        %dma_start3A_257 = arith.constant 0 : i32
        %dma_start3A_258 = tpu.memref_slice %arg3[%add3A_256, %dma_start3A_257] : memref<325632x128xf32, #tpu.memory_space<hbm>> -> memref<96x128xf32, #tpu.memory_space<hbm>>
        %dma_start3A_259 = arith.constant 0 : i32
        %dma_start3A_260 = tpu.memref_slice %arg3[%add3A_256, %dma_start3A_259] : memref<325632x128xf32, #tpu.memory_space<hbm>> -> memref<96x128xf32, #tpu.memory_space<hbm>>
        tpu.enqueue_dma source(%dma_start3A_260 : memref<96x128xf32, #tpu.memory_space<hbm>>) target(%arg10 : memref<96x128xf32, #tpu.memory_space<vmem>>) target_semaphore(%arg20 : memref<!tpu.dma_semaphore, #tpu.memory_space<semaphore_mem>>)
      } else {
      }
      %dma_start3A_229 = arith.constant 0 : i32
      %dma_start3A_230 = arith.constant 0 : i32
      %dma_start3A_231 = tpu.memref_slice %arg7[%dma_start3A_229, %dma_start3A_230] : memref<10112x128xf32, #tpu.memory_space<vmem_shared>> -> memref<10112x128xf32, #tpu.memory_space<vmem_shared>>
      tpu.enqueue_indirect_dma source(%arg9 : memref<96x128xf32, #tpu.memory_space<vmem>>) target(%dma_start3A_231 : memref<10112x128xf32, #tpu.memory_space<vmem_shared>>) offsets(%arg15 : memref<96xi32, #tpu.memory_space<vmem>>) semaphore(%arg23 : memref<!tpu.dma_semaphore, #tpu.memory_space<semaphore_mem>>) {add = true}
    }
    %scan3A_51 = arith.constant 53 : i32
    %dma_wait3A_52 = arith.constant 0 : i32
    %dma_wait3A_53 = arith.constant 0 : i32
    %dma_wait3A_54 = tpu.memref_slice %arg7[%dma_wait3A_52, %dma_wait3A_53] : memref<10112x128xf32, #tpu.memory_space<vmem_shared>> -> memref<10112x128xf32, #tpu.memory_space<vmem_shared>>
    tpu.wait_indirect_dma semaphore(%arg23 : memref<!tpu.dma_semaphore, #tpu.memory_space<semaphore_mem>>) src(%arg9 : memref<96x128xf32, #tpu.memory_space<vmem>>) dst(%dma_wait3A_54 : memref<10112x128xf32, #tpu.memory_space<vmem_shared>>)
    %barrier3A_55 = arith.constant 0 : index
    tpu.barrier barrier_id(%barrier3A_55)
    %mul3A_56 = arith.constant 632 : i32
    %mul3A_57 = arith.muli %arg1, %mul3A_56 : i32
    %mul3A_58 = arith.constant 632 : i32
    %mul3A_59 = arith.muli %arg1, %mul3A_58 : i32
    "tpu.region"() ({
      %run_scoped3A = tpu.sem_alloc : memref<!tpu.dma_semaphore, #tpu.memory_space<semaphore_mem>>
      %dma_start3A_60 = arith.constant 0 : i32
      %dma_start3A_61 = tpu.memref_slice %arg6[%arg0, %mul3A_59, %dma_start3A_60] : memref<2x10112x128xf32, #tpu.memory_space<hbm>> -> memref<1x632x128xf32, #tpu.memory_space<hbm>>
      %dma_start3A_62 = tpu.memref_squeeze %dma_start3A_61 : memref<1x632x128xf32, #tpu.memory_space<hbm>> -> memref<632x128xf32, #tpu.memory_space<hbm>>
      %dma_start3A_63 = arith.constant 0 : i32
      %dma_start3A_64 = tpu.memref_slice %arg7[%mul3A_57, %dma_start3A_63] : memref<10112x128xf32, #tpu.memory_space<vmem_shared>> -> memref<632x128xf32, #tpu.memory_space<vmem_shared>>
      tpu.enqueue_dma source(%dma_start3A_64 : memref<632x128xf32, #tpu.memory_space<vmem_shared>>) target(%dma_start3A_62 : memref<632x128xf32, #tpu.memory_space<hbm>>) target_semaphore(%run_scoped3A : memref<!tpu.dma_semaphore, #tpu.memory_space<semaphore_mem>>)
      %dma_wait3A_65 = arith.constant 0 : i32
      %dma_wait3A_66 = tpu.memref_slice %arg6[%arg0, %mul3A_59, %dma_wait3A_65] : memref<2x10112x128xf32, #tpu.memory_space<hbm>> -> memref<1x632x128xf32, #tpu.memory_space<hbm>>
      %dma_wait3A_67 = tpu.memref_squeeze %dma_wait3A_66 : memref<1x632x128xf32, #tpu.memory_space<hbm>> -> memref<632x128xf32, #tpu.memory_space<hbm>>
      %dma_wait3A_68 = arith.constant 0 : i32
      %dma_wait3A_69 = tpu.memref_slice %arg7[%mul3A_57, %dma_wait3A_68] : memref<10112x128xf32, #tpu.memory_space<vmem_shared>> -> memref<632x128xf32, #tpu.memory_space<vmem_shared>>
      tpu.wait_dma2 semaphore(%run_scoped3A : memref<!tpu.dma_semaphore, #tpu.memory_space<semaphore_mem>>) src(%dma_wait3A_69 : memref<632x128xf32, #tpu.memory_space<vmem_shared>>) dst(%dma_wait3A_67 : memref<632x128xf32, #tpu.memory_space<hbm>>)
      tpu.yield
    }) : () -> ()
    return
  }
}

module attributes {stable_mosaic.version = 14 : i64} {
  func.func @_edge_proj_body(%arg0: i32, %arg1: memref<3072x16xf32, #tpu.memory_space<vmem>>, %arg2: memref<16x128xf32, #tpu.memory_space<vmem>>, %arg3: memref<1x128xf32, #tpu.memory_space<vmem>>, %arg4: memref<3072x128xf32, #tpu.memory_space<vmem>>) attributes {dimension_semantics = [#tpu.dimension_semantics<arbitrary>], iteration_bounds = array<i64: 106>, scalar_prefetch = 0 : i64, scratch_operands = 0 : i64, tpu.core_type = #tpu.core_type<tc>, window_params = [{transform_indices = @transform_0, window_bounds = array<i64: 3072, 16>}, {pipeline_mode = #tpu.pipeline_mode<synchronous>, transform_indices = @transform_1, window_bounds = array<i64: 16, 128>}, {pipeline_mode = #tpu.pipeline_mode<synchronous>, transform_indices = @transform_2, window_bounds = array<i64: 1, 128>}, {transform_indices = @transform_3, window_bounds = array<i64: 3072, 128>}]} {
    %get3A = arith.constant 0 : index
    %get3A_0 = arith.constant 0 : index
    %get3A_1 = vector.load %arg1[%get3A, %get3A_0] : memref<3072x16xf32, #tpu.memory_space<vmem>>, vector<3072x16xf32>
    %get3A_2 = arith.constant 0 : index
    %get3A_3 = arith.constant 0 : index
    %get3A_4 = vector.load %arg2[%get3A_2, %get3A_3] : memref<16x128xf32, #tpu.memory_space<vmem>>, vector<16x128xf32>
    %dot_general3A = arith.constant dense<0.000000e+00> : vector<3072x128xf32>
    %dot_general3A_5 = tpu.matmul %get3A_1, %get3A_4, %dot_general3A {dimension_numbers = #tpu.dot_dimension_numbers<[1], [0], [0], [1], [0, 0, 1, 1], [], []>, transpose_lhs_hint = false} : vector<3072x16xf32>, vector<16x128xf32>, vector<3072x128xf32> -> vector<3072x128xf32>
    %get3A_6 = arith.constant 0 : index
    %get3A_7 = arith.constant 0 : index
    %get3A_8 = vector.load %arg3[%get3A_6, %get3A_7] : memref<1x128xf32, #tpu.memory_space<vmem>>, vector<1x128xf32>
    %add3A = vector.broadcast %get3A_8 : vector<1x128xf32> to vector<3072x128xf32>
    %add3A_9 = arith.addf %dot_general3A_5, %add3A : vector<3072x128xf32>
    %swap3A = arith.constant 0 : index
    %swap3A_10 = arith.constant 0 : index
    %swap3A_11 = vector.load %arg4[%swap3A, %swap3A_10] : memref<3072x128xf32, #tpu.memory_space<vmem>>, vector<3072x128xf32>
    tpu.vector_store %arg4[%swap3A, %swap3A_10], %add3A_9 {strides = array<i32>} : memref<3072x128xf32, #tpu.memory_space<vmem>>, vector<3072x128xf32>,
    return
  }
  func.func @transform_0(%arg0: i32) -> (i32, i32) {
    %c0_i32 = arith.constant 0 : i32
    %c0_i32_0 = arith.constant 0 : i32
    return %arg0, %c0_i32 : i32, i32
  }
  func.func @transform_1(%arg0: i32) -> (i32, i32) {
    %c0_i32 = arith.constant 0 : i32
    %c0_i32_0 = arith.constant 0 : i32
    %c0_i32_1 = arith.constant 0 : i32
    return %c0_i32, %c0_i32_0 : i32, i32
  }
  func.func @transform_2(%arg0: i32) -> (i32, i32) {
    %c0_i32 = arith.constant 0 : i32
    %c0_i32_0 = arith.constant 0 : i32
    %c0_i32_1 = arith.constant 0 : i32
    return %c0_i32, %c0_i32_0 : i32, i32
  }
  func.func @transform_3(%arg0: i32) -> (i32, i32) {
    %c0_i32 = arith.constant 0 : i32
    %c0_i32_0 = arith.constant 0 : i32
    return %arg0, %c0_i32 : i32, i32
  }
}

module attributes {stable_mosaic.version = 14 : i64} {
  func.func @_node_update_body(%arg0: i32, %arg1: memref<2000x128xf32, #tpu.memory_space<vmem>>, %arg2: memref<2000x128xf32, #tpu.memory_space<vmem>>, %arg3: memref<2000x128xf32, #tpu.memory_space<vmem>>, %arg4: memref<128x128xf32, #tpu.memory_space<vmem>>, %arg5: memref<1x128xf32, #tpu.memory_space<vmem>>, %arg6: memref<128x128xf32, #tpu.memory_space<vmem>>, %arg7: memref<1x128xf32, #tpu.memory_space<vmem>>, %arg8: memref<2000x128xf32, #tpu.memory_space<vmem>>) attributes {dimension_semantics = [#tpu.dimension_semantics<arbitrary>], iteration_bounds = array<i64: 5>, scalar_prefetch = 0 : i64, scratch_operands = 0 : i64, tpu.core_type = #tpu.core_type<tc>, window_params = [{transform_indices = @transform_0, window_bounds = array<i64: 2000, 128>}, {transform_indices = @transform_1, window_bounds = array<i64: 2000, 128>}, {transform_indices = @transform_2, window_bounds = array<i64: 2000, 128>}, {pipeline_mode = #tpu.pipeline_mode<synchronous>, transform_indices = @transform_3, window_bounds = array<i64: 128, 128>}, {pipeline_mode = #tpu.pipeline_mode<synchronous>, transform_indices = @transform_4, window_bounds = array<i64: 1, 128>}, {pipeline_mode = #tpu.pipeline_mode<synchronous>, transform_indices = @transform_5, window_bounds = array<i64: 128, 128>}, {pipeline_mode = #tpu.pipeline_mode<synchronous>, transform_indices = @transform_6, window_bounds = array<i64: 1, 128>}, {transform_indices = @transform_7, window_bounds = array<i64: 2000, 128>}]} {
    %get3A = arith.constant 0 : index
    %get3A_0 = arith.constant 0 : index
    %get3A_1 = vector.load %arg1[%get3A, %get3A_0] : memref<2000x128xf32, #tpu.memory_space<vmem>>, vector<2000x128xf32>
    %get3A_2 = arith.constant 0 : index
    %get3A_3 = arith.constant 0 : index
    %get3A_4 = vector.load %arg2[%get3A_2, %get3A_3] : memref<2000x128xf32, #tpu.memory_space<vmem>>, vector<2000x128xf32>
    %add3A = arith.addf %get3A_1, %get3A_4 : vector<2000x128xf32>
    %get3A_5 = arith.constant 0 : index
    %get3A_6 = arith.constant 0 : index
    %get3A_7 = vector.load %arg3[%get3A_5, %get3A_6] : memref<2000x128xf32, #tpu.memory_space<vmem>>, vector<2000x128xf32>
    %add3A_8 = arith.addf %add3A, %get3A_7 : vector<2000x128xf32>
    %get3A_9 = arith.constant 0 : index
    %get3A_10 = arith.constant 0 : index
    %get3A_11 = vector.load %arg4[%get3A_9, %get3A_10] : memref<128x128xf32, #tpu.memory_space<vmem>>, vector<128x128xf32>
    %dot_general3A = arith.constant dense<0.000000e+00> : vector<2000x128xf32>
    %dot_general3A_12 = tpu.matmul %add3A_8, %get3A_11, %dot_general3A {dimension_numbers = #tpu.dot_dimension_numbers<[1], [0], [0], [1], [0, 0, 1, 1], [], []>, transpose_lhs_hint = false} : vector<2000x128xf32>, vector<128x128xf32>, vector<2000x128xf32> -> vector<2000x128xf32>
    %get3A_13 = arith.constant 0 : index
    %get3A_14 = arith.constant 0 : index
    %get3A_15 = vector.load %arg5[%get3A_13, %get3A_14] : memref<1x128xf32, #tpu.memory_space<vmem>>, vector<1x128xf32>
    %add3A_16 = vector.broadcast %get3A_15 : vector<1x128xf32> to vector<2000x128xf32>
    %add3A_17 = arith.addf %dot_general3A_12, %add3A_16 : vector<2000x128xf32>
    %max3A = arith.constant 0.000000e+00 : f32
    %max3A_18 = vector.broadcast %max3A : f32 to vector<2000x128xf32>
    %max3A_19 = arith.maximumf %add3A_17, %max3A_18 : vector<2000x128xf32>
    %get3A_20 = arith.constant 0 : index
    %get3A_21 = arith.constant 0 : index
    %get3A_22 = vector.load %arg6[%get3A_20, %get3A_21] : memref<128x128xf32, #tpu.memory_space<vmem>>, vector<128x128xf32>
    %dot_general3A_23 = arith.constant dense<0.000000e+00> : vector<2000x128xf32>
    %dot_general3A_24 = tpu.matmul %max3A_19, %get3A_22, %dot_general3A_23 {dimension_numbers = #tpu.dot_dimension_numbers<[1], [0], [0], [1], [0, 0, 1, 1], [], []>, transpose_lhs_hint = false} : vector<2000x128xf32>, vector<128x128xf32>, vector<2000x128xf32> -> vector<2000x128xf32>
    %get3A_25 = arith.constant 0 : index
    %get3A_26 = arith.constant 0 : index
    %get3A_27 = vector.load %arg7[%get3A_25, %get3A_26] : memref<1x128xf32, #tpu.memory_space<vmem>>, vector<1x128xf32>
    %add3A_28 = vector.broadcast %get3A_27 : vector<1x128xf32> to vector<2000x128xf32>
    %add3A_29 = arith.addf %dot_general3A_24, %add3A_28 : vector<2000x128xf32>
    %max3A_30 = arith.constant 0.000000e+00 : f32
    %max3A_31 = vector.broadcast %max3A_30 : f32 to vector<2000x128xf32>
    %max3A_32 = arith.maximumf %add3A_29, %max3A_31 : vector<2000x128xf32>
    %swap3A = arith.constant 0 : index
    %swap3A_33 = arith.constant 0 : index
    %swap3A_34 = vector.load %arg8[%swap3A, %swap3A_33] : memref<2000x128xf32, #tpu.memory_space<vmem>>, vector<2000x128xf32>
    tpu.vector_store %arg8[%swap3A, %swap3A_33], %max3A_32 {strides = array<i32>} : memref<2000x128xf32, #tpu.memory_space<vmem>>, vector<2000x128xf32>,
    return
  }
  func.func @transform_0(%arg0: i32) -> (i32, i32) {
    %c0_i32 = arith.constant 0 : i32
    %c0_i32_0 = arith.constant 0 : i32
    return %arg0, %c0_i32 : i32, i32
  }
  func.func @transform_1(%arg0: i32) -> (i32, i32) {
    %c0_i32 = arith.constant 0 : i32
    %c0_i32_0 = arith.constant 0 : i32
    return %arg0, %c0_i32 : i32, i32
  }
  func.func @transform_2(%arg0: i32) -> (i32, i32) {
    %c0_i32 = arith.constant 0 : i32
    %c0_i32_0 = arith.constant 0 : i32
    return %arg0, %c0_i32 : i32, i32
  }
  func.func @transform_3(%arg0: i32) -> (i32, i32) {
    %c0_i32 = arith.constant 0 : i32
    %c0_i32_0 = arith.constant 0 : i32
    %c0_i32_1 = arith.constant 0 : i32
    return %c0_i32, %c0_i32_0 : i32, i32
  }
  func.func @transform_4(%arg0: i32) -> (i32, i32) {
    %c0_i32 = arith.constant 0 : i32
    %c0_i32_0 = arith.constant 0 : i32
    %c0_i32_1 = arith.constant 0 : i32
    return %c0_i32, %c0_i32_0 : i32, i32
  }
  func.func @transform_5(%arg0: i32) -> (i32, i32) {
    %c0_i32 = arith.constant 0 : i32
    %c0_i32_0 = arith.constant 0 : i32
    %c0_i32_1 = arith.constant 0 : i32
    return %c0_i32, %c0_i32_0 : i32, i32
  }
  func.func @transform_6(%arg0: i32) -> (i32, i32) {
    %c0_i32 = arith.constant 0 : i32
    %c0_i32_0 = arith.constant 0 : i32
    %c0_i32_1 = arith.constant 0 : i32
    return %c0_i32, %c0_i32_0 : i32, i32
  }
  func.func @transform_7(%arg0: i32) -> (i32, i32) {
    %c0_i32 = arith.constant 0 : i32
    %c0_i32_0 = arith.constant 0 : i32
    return %arg0, %c0_i32 : i32, i32
  }
}

module attributes {stable_mosaic.version = 14 : i64} {
  func.func @_node_update_body(%arg0: i32, %arg1: memref<2000x128xf32, #tpu.memory_space<vmem>>, %arg2: memref<2000x128xf32, #tpu.memory_space<vmem>>, %arg3: memref<2000x128xf32, #tpu.memory_space<vmem>>, %arg4: memref<128x128xf32, #tpu.memory_space<vmem>>, %arg5: memref<1x128xf32, #tpu.memory_space<vmem>>, %arg6: memref<128x128xf32, #tpu.memory_space<vmem>>, %arg7: memref<1x128xf32, #tpu.memory_space<vmem>>, %arg8: memref<2000x128xf32, #tpu.memory_space<vmem>>) attributes {dimension_semantics = [#tpu.dimension_semantics<arbitrary>], iteration_bounds = array<i64: 5>, scalar_prefetch = 0 : i64, scratch_operands = 0 : i64, tpu.core_type = #tpu.core_type<tc>, window_params = [{transform_indices = @transform_0, window_bounds = array<i64: 2000, 128>}, {transform_indices = @transform_1, window_bounds = array<i64: 2000, 128>}, {transform_indices = @transform_2, window_bounds = array<i64: 2000, 128>}, {pipeline_mode = #tpu.pipeline_mode<synchronous>, transform_indices = @transform_3, window_bounds = array<i64: 128, 128>}, {pipeline_mode = #tpu.pipeline_mode<synchronous>, transform_indices = @transform_4, window_bounds = array<i64: 1, 128>}, {pipeline_mode = #tpu.pipeline_mode<synchronous>, transform_indices = @transform_5, window_bounds = array<i64: 128, 128>}, {pipeline_mode = #tpu.pipeline_mode<synchronous>, transform_indices = @transform_6, window_bounds = array<i64: 1, 128>}, {transform_indices = @transform_7, window_bounds = array<i64: 2000, 128>}]} {
    %get3A = arith.constant 0 : index
    %get3A_0 = arith.constant 0 : index
    %get3A_1 = vector.load %arg1[%get3A, %get3A_0] : memref<2000x128xf32, #tpu.memory_space<vmem>>, vector<2000x128xf32>
    %get3A_2 = arith.constant 0 : index
    %get3A_3 = arith.constant 0 : index
    %get3A_4 = vector.load %arg2[%get3A_2, %get3A_3] : memref<2000x128xf32, #tpu.memory_space<vmem>>, vector<2000x128xf32>
    %add3A = arith.addf %get3A_1, %get3A_4 : vector<2000x128xf32>
    %get3A_5 = arith.constant 0 : index
    %get3A_6 = arith.constant 0 : index
    %get3A_7 = vector.load %arg3[%get3A_5, %get3A_6] : memref<2000x128xf32, #tpu.memory_space<vmem>>, vector<2000x128xf32>
    %add3A_8 = arith.addf %add3A, %get3A_7 : vector<2000x128xf32>
    %get3A_9 = arith.constant 0 : index
    %get3A_10 = arith.constant 0 : index
    %get3A_11 = vector.load %arg4[%get3A_9, %get3A_10] : memref<128x128xf32, #tpu.memory_space<vmem>>, vector<128x128xf32>
    %dot_general3A = arith.constant dense<0.000000e+00> : vector<2000x128xf32>
    %dot_general3A_12 = tpu.matmul %add3A_8, %get3A_11, %dot_general3A {dimension_numbers = #tpu.dot_dimension_numbers<[1], [0], [0], [1], [0, 0, 1, 1], [], []>, transpose_lhs_hint = false} : vector<2000x128xf32>, vector<128x128xf32>, vector<2000x128xf32> -> vector<2000x128xf32>
    %get3A_13 = arith.constant 0 : index
    %get3A_14 = arith.constant 0 : index
    %get3A_15 = vector.load %arg5[%get3A_13, %get3A_14] : memref<1x128xf32, #tpu.memory_space<vmem>>, vector<1x128xf32>
    %add3A_16 = vector.broadcast %get3A_15 : vector<1x128xf32> to vector<2000x128xf32>
    %add3A_17 = arith.addf %dot_general3A_12, %add3A_16 : vector<2000x128xf32>
    %max3A = arith.constant 0.000000e+00 : f32
    %max3A_18 = vector.broadcast %max3A : f32 to vector<2000x128xf32>
    %max3A_19 = arith.maximumf %add3A_17, %max3A_18 : vector<2000x128xf32>
    %get3A_20 = arith.constant 0 : index
    %get3A_21 = arith.constant 0 : index
    %get3A_22 = vector.load %arg6[%get3A_20, %get3A_21] : memref<128x128xf32, #tpu.memory_space<vmem>>, vector<128x128xf32>
    %dot_general3A_23 = arith.constant dense<0.000000e+00> : vector<2000x128xf32>
    %dot_general3A_24 = tpu.matmul %max3A_19, %get3A_22, %dot_general3A_23 {dimension_numbers = #tpu.dot_dimension_numbers<[1], [0], [0], [1], [0, 0, 1, 1], [], []>, transpose_lhs_hint = false} : vector<2000x128xf32>, vector<128x128xf32>, vector<2000x128xf32> -> vector<2000x128xf32>
    %get3A_25 = arith.constant 0 : index
    %get3A_26 = arith.constant 0 : index
    %get3A_27 = vector.load %arg7[%get3A_25, %get3A_26] : memref<1x128xf32, #tpu.memory_space<vmem>>, vector<1x128xf32>
    %add3A_28 = vector.broadcast %get3A_27 : vector<1x128xf32> to vector<2000x128xf32>
    %add3A_29 = arith.addf %dot_general3A_24, %add3A_28 : vector<2000x128xf32>
    %swap3A = arith.constant 0 : index
    %swap3A_30 = arith.constant 0 : index
    %swap3A_31 = vector.load %arg8[%swap3A, %swap3A_30] : memref<2000x128xf32, #tpu.memory_space<vmem>>, vector<2000x128xf32>
    tpu.vector_store %arg8[%swap3A, %swap3A_30], %add3A_29 {strides = array<i32>} : memref<2000x128xf32, #tpu.memory_space<vmem>>, vector<2000x128xf32>,
    return
  }
  func.func @transform_0(%arg0: i32) -> (i32, i32) {
    %c0_i32 = arith.constant 0 : i32
    %c0_i32_0 = arith.constant 0 : i32
    return %arg0, %c0_i32 : i32, i32
  }
  func.func @transform_1(%arg0: i32) -> (i32, i32) {
    %c0_i32 = arith.constant 0 : i32
    %c0_i32_0 = arith.constant 0 : i32
    return %arg0, %c0_i32 : i32, i32
  }
  func.func @transform_2(%arg0: i32) -> (i32, i32) {
    %c0_i32 = arith.constant 0 : i32
    %c0_i32_0 = arith.constant 0 : i32
    return %arg0, %c0_i32 : i32, i32
  }
  func.func @transform_3(%arg0: i32) -> (i32, i32) {
    %c0_i32 = arith.constant 0 : i32
    %c0_i32_0 = arith.constant 0 : i32
    %c0_i32_1 = arith.constant 0 : i32
    return %c0_i32, %c0_i32_0 : i32, i32
  }
  func.func @transform_4(%arg0: i32) -> (i32, i32) {
    %c0_i32 = arith.constant 0 : i32
    %c0_i32_0 = arith.constant 0 : i32
    %c0_i32_1 = arith.constant 0 : i32
    return %c0_i32, %c0_i32_0 : i32, i32
  }
  func.func @transform_5(%arg0: i32) -> (i32, i32) {
    %c0_i32 = arith.constant 0 : i32
    %c0_i32_0 = arith.constant 0 : i32
    %c0_i32_1 = arith.constant 0 : i32
    return %c0_i32, %c0_i32_0 : i32, i32
  }
  func.func @transform_6(%arg0: i32) -> (i32, i32) {
    %c0_i32 = arith.constant 0 : i32
    %c0_i32_0 = arith.constant 0 : i32
    %c0_i32_1 = arith.constant 0 : i32
    return %c0_i32, %c0_i32_0 : i32, i32
  }
  func.func @transform_7(%arg0: i32) -> (i32, i32) {
    %c0_i32 = arith.constant 0 : i32
    %c0_i32_0 = arith.constant 0 : i32
    return %arg0, %c0_i32 : i32, i32
  }
}

</mosaic_0001>

<sc_bundles>
// kernel: kernel.11.cloned.1.call-start
scs
__scs_entry_jumppad:
0x0: {  	(pc) =	sbr.rel $0x88, $3  }
0x1: {  	(tag) =	ssettag $0x0;
	lr =	simm.s32 $0x1  }
0x2: {  	[smem:$0x3F98] =	sst lr;
	_ =	strace $0xD0000000  }
0x3: {  	_ = 	snop  }
0x4: {  	_ = 	snop  }
0x5: {  	_ = 	snop  }
0x6: {  	_ = 	snop  }
0x7: {  	_ = 	snop  }
__scs_overlays_trampoline_lowered:
0x8: {  	[smem:$0x3FA7] =	sst s0  }
0x9: {  	[smem:$0x3FA8] =	sst s1  }
0xa: {  	[smem:$0x3FA9] =	sst s2  }
0xb: {  	[smem:$0x3FAA] =	sst s3  }
0xc: {  	[smem:$0x3FAB] =	sst s4  }
0xd: {  	[smem:$0x3FAC] =	sst s5  }
0xe: {  	[smem:$0x3FAD] =	sst s6  }
0xf: {  	[smem:$0x3FAE] =	sst s7  }
0x10: {  	[smem:$0x3FAF] =	sst s8  }
0x11: {  	[smem:$0x3FB0] =	sst s9;
	s0 =	simm.s32 @!p0 $0x0  }
0x12: {  	s1 =	sld [smem:$0x3F96];
	s0 =	simm.s32 @p0 $0x1  }
0x13: {  	[smem:$0x3FB1] =	sst s0;
	s0 =	simm.s32 @!p1 $0x0  }
0x14: {  	s2 =	sld [smem:$0x3F95];
	s0 =	simm.s32 @p1 $0x1  }
0x15: {  	[smem:$0x3FB2] =	sst s0;
	s0 =	simm.s32 @!p2 $0x0  }
0x16: {  	s3 =	sld [smem:$0x3FDB];
	s0 =	simm.s32 @p2 $0x1  }
0x17: {  	s4 =	simm.s32 $0x1BF5;
	[smem:$0x3FB4] =	sst s0  }
0x18: {  	s0 =	sld [smem:$0x3F97];
	_ =	swait.ge [sflag:s4], $0x0  }
0x19: {  	s7 =	sld [smem:$0x3F98]  }
0x1a: {  	s8 =	sadd.s32 $0xFFFFE003, lr  }
0x1b: {  	s9 =	sadd.s32 $0xFFFFFEF7, lr;
	s5 =	simm.s32 $0xFFFFFFFF;
	p2 =	slt.u32 s8, $0xFFFFF086  }
0x1c: {  	p1 =	slt.u32 s9, $0xF7A;
	s5 =	simm.s32 @!p2 $0x0  }
0x1d: {  	s5 =	simm.s32 @p1 $0x1;
	p0 =	seq.s32 s7, s2  }
0x1e: {  	s7 =	smul.u32 @!p0 $0xF7A, s2;
	p2 =	seq.s32 @!p0 s5, $0x0  }
0x1f: {  	s9 =	smul.u32 $0xF7A, s1;
	s8 =	simm.s32 @!p0 $0x1BF5;
	p2 =	por !p2, p0  }
0x20: {  	[sflag:s8] =	ssyncset.s32 @!p0 $0xFFFFF086;
	s6 =	sadd.s32 @!p0 s3, s7;
	s7 =	simm.s32 @!p0 $0x108  }
0x21: {  	s3 =	sadd.s32 s3, s9;
	s6 =	sadd.s32 @!p0 $0x88, s6;
	s7 =	simm.s32 @p2 $0x1082  }
0x22: {  	[simem:s7], [sflag:s8] =	dma.local @!p0 [hbm:s6], $0xF7A  }
0x23: {  	s9 =	sor.u32 $0xD0000000, s2;
	s6 =	simm.s32 $0x108;
	_ =	swait.ge @!p0 [sflag:s8], $0x0  }
0x24: {  	s3 =	sadd.s32 $0x88, s3;
	s6 =	simm.s32 @!p1 $0x1082;
	[sflag:s4] =	ssyncset.s32 $0xFFFFF086  }
0x25: {  	[simem:s6], [sflag:s4] =	dma.local [hbm:s3], $0xF7A  }
0x26: {  	[smem:$0x3F98] =	sst s1;
	(tag) =	ssettag s2;
	_ =	strace s9  }
0x27: {  	s1 =	sld [smem:$0x3FA8]  }
0x28: {  	s2 =	sld [smem:$0x3FA9]  }
0x29: {  	s4 =	sld [smem:$0x3FAB]  }
0x2a: {  	p0 =	seq.s32 s5, $0x0;
	s5 =	sld [smem:$0x3FAC]  }
0x2b: {  	s6 =	sld [smem:$0x3FAD]  }
0x2c: {  	s7 =	sld [smem:$0x3FAE]  }
0x2d: {  	s3 =	simm.s32 $0x108;
	s8 =	sld [smem:$0x3FAF]  }
0x2e: {  	s3 =	simm.s32 @!p0 $0x1082;
	s9 =	sld [smem:$0x3FB0]  }
0x2f: {  	lr =	sadd.s32 s0, s3;
	s0 =	sld [smem:$0x3FA7]  }
0x30: {  	s3 =	sld [smem:$0x3FAA]  }
0x31: {  	[smem:$0x3FB3] =	sst s10  }
0x32: {  	s10 =	sld [smem:$0x3FB1];
	_ =	sdelay $0x3  }
0x33: {  	p0 =	seq.s32 s10, $0x1;
	s10 =	sld [smem:$0x3FB3];
	_ =	sdelay $0x3  }
0x34: {  	[smem:$0x3FB3] =	sst s10  }
0x35: {  	s10 =	sld [smem:$0x3FB2];
	_ =	sdelay $0x3  }
0x36: {  	p1 =	seq.s32 s10, $0x1;
	s10 =	sld [smem:$0x3FB3];
	_ =	sdelay $0x3  }
0x37: {  	[smem:$0x3FB3] =	sst s10  }
0x38: {  	s10 =	sld [smem:$0x3FB4]  }
0x39: {  	_ = 	snop;
	(pc) =	sbr.ind lr, $3  }
0x3a: {  	_ = 	snop  }
0x3b: {  	_ = 	snop  }
0x3c: {  	p2 =	seq.s32 s10, $0x1;
	s10 =	sld [smem:$0x3FB3]  }
0x3d: {  	_ =	shalt  }
0x3e: {  	_ =	shalt  }
0x3f: {  	_ =	shalt  }
0x40: {  	_ =	shalt  }
0x41: {  	_ =	shalt  }
0x42: {  	_ =	shalt  }
0x43: {  	_ =	shalt  }
0x44: {  	_ =	shalt  }
0x45: {  	_ =	shalt  }
0x46: {  	_ =	shalt  }
0x47: {  	_ =	shalt  }
0x48: {  	_ =	shalt  }
0x49: {  	_ =	shalt  }
0x4a: {  	_ =	shalt  }
0x4b: {  	_ =	shalt  }
0x4c: {  	_ =	shalt  }
0x4d: {  	_ =	shalt  }
0x4e: {  	_ =	shalt  }
0x4f: {  	_ =	shalt  }
0x50: {  	_ =	shalt  }
0x51: {  	_ =	shalt  }
0x52: {  	_ =	shalt  }
0x53: {  	_ =	shalt  }
0x54: {  	_ =	shalt  }
0x55: {  	_ =	shalt  }
0x56: {  	_ =	shalt  }
0x57: {  	_ =	shalt  }
0x58: {  	_ =	shalt  }
0x59: {  	_ =	shalt  }
0x5a: {  	_ =	shalt  }
0x5b: {  	_ =	shalt  }
0x5c: {  	_ =	shalt  }
0x5d: {  	_ =	shalt  }
0x5e: {  	_ =	shalt  }
0x5f: {  	_ =	shalt  }
0x60: {  	_ =	shalt  }
0x61: {  	_ =	shalt  }
0x62: {  	_ =	shalt  }
0x63: {  	_ =	shalt  }
0x64: {  	_ =	shalt  }
0x65: {  	_ =	shalt  }
0x66: {  	_ =	shalt  }
0x67: {  	_ =	shalt  }
0x68: {  	_ =	shalt  }
0x69: {  	_ =	shalt  }
0x6a: {  	_ =	shalt  }
0x6b: {  	_ =	shalt  }
0x6c: {  	_ =	shalt  }
0x6d: {  	_ =	shalt  }
0x6e: {  	_ =	shalt  }
0x6f: {  	_ =	shalt  }
0x70: {  	_ =	shalt  }
0x71: {  	_ =	shalt  }
0x72: {  	_ =	shalt  }
0x73: {  	_ =	shalt  }
0x74: {  	_ =	shalt  }
0x75: {  	_ =	shalt  }
0x76: {  	_ =	shalt  }
0x77: {  	_ =	shalt  }
0x78: {  	_ =	shalt  }
0x79: {  	_ =	shalt  }
0x7a: {  	_ =	shalt  }
0x7b: {  	_ =	shalt  }
0x7c: {  	_ =	shalt  }
0x7d: {  	_ =	shalt  }
0x7e: {  	_ =	shalt  }
0x7f: {  	_ =	shalt  }
0x80: {  	_ =	shalt  }
0x81: {  	_ =	shalt  }
0x82: {  	_ =	shalt  }
0x83: {  	_ =	shalt  }
0x84: {  	_ =	shalt  }
0x85: {  	_ =	shalt  }
0x86: {  	_ =	shalt  }
0x87: {  	_ =	shalt  }
.Lfunc_end0:
.L_simem_size_0:
called_computation_lowered:
.L_overlay_start_0:
0x88: {  	s2 =	sld [smem:$0x3FD9]  }
0x89: {  	s3 =	sld [smem:$0x3FFE];
	_ =	sdelay $0x1  }
0x8a: {  	s1 =	srdreg.scid  }
0x8b: {  	s0 =	sand.u32 $0x1, s1  }
0x8c: {  	s17 =	sshll.u32 s0, $0xA;
	s2 =	sadd.s32 s3, s2  }
0x8d: {  	s2 =	sadd.s32 s2, s17  }
0x8e: {  	[smem:$0x3FBF] =	sst s2  }
0x8f: {  	_ = 	snop  }
0x90: {  	s2 =	sld [smem:$0x3FC9];
	(tm) =	ssettm $0x1  }
0x91: {  	s18 =	sld [smem:$0x3FFB];
	_ =	sdelay $0x3  }
0x92: {  	_ =	strace s18  }
0x93: {  	s3 =	sld [smem:$0x3FFC];
	_ =	sdelay $0x3  }
0x94: {  	_ =	strace s3  }
0x95: {  	s3 =	sld [smem:$0x3FFD];
	_ =	sdelay $0x3  }
0x96: {  	_ =	strace s3  }
0x97: {  	_ =	strace $0x8FFFFFFF  }
0x98: {  	s19 =	sld [smem:$0x3FDB];
	_ =	sdelay $0x1  }
0x99: {  	s4 =	simm.s32 $_scs_section_size  }
0x9a: {  	s5 =	simm.s32 $_size__tile_overlayer_lowered;
	s6 =	simm.s32 $_tile_overlayer_lowered  }
0x9b: {  	s22 =	simm.s32 $0x1BFF;
	s21 =	sshll.u32 s6, $0x1;
	s3 =	sadd.s32 s4, s19  }
0x9c: {  	s7 =	simm.s32 $0x0;
	s20 =	sshll.u32 s5, $0x1;
	s5 =	sadd.s32 s21, s3  }
0x9d: {  	[timem:s7], [sflag:s22] =	dma.local [hbm:s5], s20  }
0x9e: {  	_ =	swait.ge [sflag:s22], s20  }
0x9f: {  	s4 =	ssub.s32 $0x0, s20;
	[sflag:s22] =	ssyncset.done $0x0  }
0xa0: {  	[sflag:s22] =	ssyncadd.s32 s4;
	_ =	sdelay $0x1  }
0xa1: {  	s23 =	simm.s32 $0x1B8B  }
0xa2: {  	_ =	swait.ge [sflag:s23], $0x1  }
0xa3: {  	[sflag:s23] =	ssyncset.done $0x0  }
0xa4: {  	s25 =	simm.s32 $0x1B8E;
	s24 =	sld [smem:$0x3FFE];
	[sflag:s23] =	ssyncadd.s32 $0xFFFFFFFF  }
0xa5: {  	s26 =	simm.s32 $execute0_lowered;
	[smem:$0x3FD2] =	sst s25  }
0xa6: {  	s5 =	sshll.u32 s26, $0x1;
	_ =	strace $0x80000046;
	[dreg:$0x1] =	wrdreg $0xFFFFFFFF  }
0xa7: {  	s28 =	simm.s32 $_size_execute0_lowered;
	s3 =	sadd.s32 s3, s5;
	[dreg:$0x0] =	wrdreg $0x0  }
0xa8: {  	s5 =	sshll.u32 s28, $0x1;
	[dreg:$0x2] =	wrdreg s3  }
0xa9: {  	[dreg:$0x3] =	wrdreg s5  }
0xaa: {  	[dreg:$0x4] =	wrdreg $0xC0  }
0xab: {  	_ =	task [dreg:s7], $0x5FFFF  }
0xac: {  	[dreg:$0x1] =	wrdreg $0xFFFFFFFF  }
0xad: {  	[dreg:$0x0] =	wrdreg $0x60  }
0xae: {  	[dreg:$0x2] =	wrdreg s2  }
0xaf: {  	[dreg:$0x3] =	wrdreg s24  }
0xb0: {  	[dreg:$0x4] =	wrdreg $0x0  }
0xb1: {  	[dreg:$0x5] =	wrdreg $0x9  }
0xb2: {  	_ =	task.clear_ibuf [dreg:s7], $0x6FFFF;
	_ =	strace $0x90000046  }
0xb3: {  	s29 =	simm.s32 $0x9;
	_ =	strace $0x80000048  }
0xb4: {  	_ =	swait.ge [sflag:s29], $0x1  }
0xb5: {  	[sflag:s29] =	ssyncadd.s32 $0xFFFFFFFF  }
0xb6: {  	_ =	strace $0x90000048  }
0xb7: {  	_ =	sfence  }
0xb8: {  	s30 =	sld [smem:$0x0];
	_ =	sdelay $0x2  }
0xb9: {  	s31 =	sshll.u32 s1, $0xD;
	s1 =	sshrl.u32 s1, $0x2  }
0xba: {  	s3 =	sand.u32 $0x4000, s31;
	s1 =	sadd.s32 s1, s30  }
0xbb: {  	s0 =	sor.u32 s3, s0;
	s1 =	sshll.u32 s1, $0x11  }
0xbc: {  	s0 =	sor.u32 s1, s0  }
0xbd: {  	s0 =	sadd.s32 $0x8F2B, s0  }
0xbe: {  	[sflag:s0] =	ssyncadd.remote.s32 $0x1  }
0xbf: {  	_ =	sfence.sel $0xFFFF  }
0xc0: {  	[dreg:$0x0] =	wrdreg $0xFFFFFFFF;
	(pc) =	sbr.abs _section_cstart, $3  }
0xc1: {  	[dreg:$0x1] =	wrdreg $0xFFFFFFFF  }
0xc2: {  	_ =	task.clear_ibuf [dreg:s7], $0x2FFFF;
	_ =	strace $0x9FFFFFFF  }
0xc3: {  	(tm) =	ssettm $0x7FFFFFFF  }
tec
execute0_lowered:
.L_overlay_start_1:
0x0: {  	(tag) =	ssettag $0x1  }
0x1: {  	s1 =	rddreg [dreg:$0x0]  }
0x2: {  	s0 =	rddreg [dreg:$0x1]  }
0x3: {  	s3 =	rddreg [dreg:$0x2]  }
0x4: {  	s4 =	simm.s32 $0x0;
	s13 =	stileid.u32;
	s2 =	srdreg.scid  }
0x5: {  	s20 =	simm.s32 $0x1FC00;
	s21 =	simm.s32 $0x1FD00;
	s29 =	simm.s32 $0x3  }
0x6: {  	s30 =	simm.s32 $0x5;
	s31 =	simm.s32 $0x2;
	s16 =	simm.s32 $0x4  }
0x7: {  	s17 =	simm.s32 $0x6;
	s18 =	simm.s32 $0x1FE80;
	s7 =	smul.u32 $0x13C00, s13  }
0x8: {  	s2 =	sand.u32 $0x1, s2;
	s9 =	sshll.u32 s13, $0x1;
	s11 =	smul.u32 $0x4F000, s13  }
0x9: {  	s5 =	sadd.s32 $0x9F2C00, s0;
	s8 =	smul.u32 $0x13C000, s2;
	s9 =	sor.u32 s2, s9  }
0xa: {  	[smem:$0x7FF] =	sst s4;
	s6 =	sadd.s32 $0x4E6E00, s0;
	s22 =	smul.u32 $0x27C0, s9  }
0xb: {  	s13 =	sshll.u32 s13, $0x6;
	_ =	strace $0x80000047;
	s12 =	smul.u32 $0x9F0, s9  }
0xc: {  	s2 =	ssub.s32 $0x2, s2;
	s19 =	sor.u32 $0x1C09, s13;
	s25 =	smul.u32 $0x4F80, s9  }
0xd: {  	s10 =	sshrl.u32 s7, $0x3;
	s23 =	sshrl.u32 s2, $0x1;
	s26 =	smul.u32 $0x6A, s9  }
0xe: {  	s24 =	sshrl.u32 s11, $0x2;
	s9 =	smul.u32 $0x27C00, s9;
	[dreg:$0x5] =	wrdreg s19  }
0xf: {  	s10 =	sadd.s32 s10, s0;
	s7 =	sadd.s32 s7, s8;
	s2 =	ssub.s32 s2, s23  }
0x10: {  	s23 =	simm.s32 $0x30;
	s8 =	simm.s32 $0x7;
	s7 =	sshrl.u32 s7, $0x3  }
0x11: {  	s10 =	sadd.s32 $0x4800, s10;
	s11 =	sshrl.u32 s25, $0x3;
	s12 =	sadd.s32 s6, s12  }
0x12: {  	s9 =	sadd.s32 s5, s9;
	s13 =	sadd.s32 $0x60, s22;
	s14 =	sadd.s32 $0x3, s26  }
0x13: {  	s15 =	sadd.s32 $0xC0, s22;
	s28 =	smax.u32 s2, $0x1;
	s22 =	simm.s32 $0x1  }
0x14: {  	s25 =	simm.s32 $0x0;
	s0 =	sadd.s32 s7, s0;
	[dreg:$0x4] =	wrdreg s10  }
0x15: {  	s7 =	sadd.s32 s24, s3;
	[dreg:$0x6] =	wrdreg s12;
	s11 =	sadd.s32 s6, s11  }
.Ltmp0:
0x16: {  	[dreg:$0x8] =	wrdreg s9;
	s12 =	sadd.s32 $0x2, s26;
	(pc) =	sbr.rel .LBB2_1-.Ltmp0, $4  }
0x17: {  	[dreg:$0xa] =	wrdreg s28;
	s9 =	simm.s32 $0x9;
	s11 =	sadd.s32 $0x18, s11  }
0x18: {  	s24 =	simm.s32 $0x13C00;
	s0 =	sadd.s32 $0x2C000, s0;
	[dreg:$0x7] =	wrdreg s11  }
0x19: {  	s10 =	simm.s32 $0x60;
	s7 =	sshrl.u32 s7, $0x3;
	[dreg:$0x9] =	wrdreg s0  }
0x1a: {  	s0 =	simm.s32 $0x16C00;
	s11 =	simm.s32 $0x1FE00;
	[dreg:$0xb] =	wrdreg s7  }
.LBB2_8:
0x1b: {  	[spmem:s3] =	stream.indirect.scatter.add.f32 [tilespmem:s0], [sflag:$0x8], $0x80, s18, s10, $0xb8;
	[tilespmem:$0x1FF00] =	vst v63  }
0x1c: {  	s2 =	simm.s32 $0x8  }
0x1d: {  	_ =	swait.ge [sflag:s2], $0x3000  }
0x1e: {  	[sflag:s2] =	ssyncset.done $0x0  }
0x1f: {  	[sflag:s2] =	ssyncadd.s32 $0xFFFFD000  }
0x20: {  	[bflag:$0x0] =	sbarrier.arrive $0xFFFF  }
0x21: {  	s19 =	rddreg [dreg:$0x5]  }
0x22: {  	s26 =	rddreg [dreg:$0x9]  }
0x23: {  	s9 =	simm.s32 $0x9;
	s7 =	rddreg [dreg:$0xb]  }
0x24: {  	[hbm:s26], [sflag:s19] =	dma.local [spmem:s7], $0x2780  }
0x25: {  	_ =	swait.ge [sflag:s9], $0x2780  }
0x26: {  	s25 =	rddreg [dreg:$0xc]  }
0x27: {  	s28 =	rddreg [dreg:$0xa];
	s25 =	sadd.s32 $0x1, s25  }
0x28: {  	p0 =	sne.s32 s25, s28  }
.Ltmp1:
0x29: {  	_ = 	snop;
	(pc) =	sbr.rel @!p0 .LBB2_9-.Ltmp1, $3  }
0x2a: {  	_ =	sdelay $0x1  }
0x2b: {  	[sflag:s9] =	ssyncset.done $0x0  }
0x2c: {  	[sflag:s9] =	ssyncadd.s32 $0xFFFFD880  }
.LBB2_1:
0x2d: {  	[dreg:$0xc] =	wrdreg s25  }
0x2e: {  	s2 =	rddreg [dreg:$0x4]  }
0x2f: {  	[spmem:s7], [sflag:s19] =	dma.local [hbm:s2], $0x2780  }
0x30: {  	_ =	swait.ge [sflag:s9], $0x2780  }
0x31: {  	[sflag:s9] =	ssyncset.done $0x0  }
0x32: {  	[sflag:s9] =	ssyncadd.s32 $0xFFFFD880  }
0x33: {  	[bflag:$0x0] =	sbarrier.arrive $0xFFFF  }
0x34: {  	s7 =	rddreg [dreg:$0x6]  }
0x35: {  	[tilespmem:s20], [sflag:$0x1] =	stream.linear.gather [hbm4b:s7+s4], $0xC0, $0x38;
	[tilespmem:$0x1FF00] =	vst v63  }
0x36: {  	s9 =	rddreg [dreg:$0x7]  }
0x37: {  	[tilespmem:s21], [sflag:$0x2] =	stream.linear.gather [hbm4b:s9+s4], $0xC0, $0x38;
	[tilespmem:$0x1FF00] =	vst v63  }
0x38: {  	_ =	swait.ge [sflag:s22], $0xC0  }
0x39: {  	[sflag:s22] =	ssyncset.done $0x0  }
0x3a: {  	[sflag:s22] =	ssyncadd.s32 $0xFFFFFF40  }
0x3b: {  	[tilespmem:s24], [sflag:$0x3] =	stream.indirect.gather [hbm4b:s1+s23], $0x80, s20, s23, $0xb8;
	[tilespmem:$0x1FF00] =	vst v63  }
0x3c: {  	s25 =	simm.s32 $0x15400;
	s19 =	simm.s32 $0x1FC30  }
0x3d: {  	[tilespmem:s25], [sflag:$0x3] =	stream.indirect.gather [hbm4b:s1+s23], $0x80, s19, s23, $0xb8;
	[tilespmem:$0x1FF00] =	vst v63  }
0x3e: {  	s28 =	simm.s32 $0x19C00;
	s26 =	rddreg [dreg:$0x8];
	s19 =	simm.s32 $0x0  }
0x3f: {  	[tilespmem:s28], [sflag:$0x5] =	stream.linear.gather [hbm4b:s26+s4], $0x3000, $0x38;
	[tilespmem:$0x1FF00] =	vst v63  }
.LBB2_2:
0x40: {  	_ =	swait.ge [sflag:s29], $0x3000  }
0x41: {  	[sflag:s29] =	ssyncset.done $0x0  }
0x42: {  	[sflag:s29] =	ssyncadd.s32 $0xFFFFD000  }
0x43: {  	_ =	swait.ge [sflag:s30], $0x3000  }
0x44: {  	[sflag:s30] =	ssyncset.done $0x0  }
0x45: {  	[sflag:s30] =	ssyncadd.s32 $0xFFFFD000  }
0x46: {  	v0 =	vld [tilespmem:$0x1FC60]  }
0x47: {  	v1 =	vld [tilespmem:$0x1FC70]  }
0x48: {  	v2 =	vld [tilespmem:$0x1FC80]  }
0x49: {  	v3 =	vld [tilespmem:$0x1FC90]  }
0x4a: {  	v4 =	vld [tilespmem:$0x1FCA0]  }
0x4b: {  	[tilespmem:$0x1FE00] =	vst v0;
	v0 =	vld [tilespmem:$0x1FCB0]  }
0x4c: {  	s25 =	sshll.u32 s19, $0x1;
	p0 =	seq.s32 s19, $0x34;
	[tilespmem:$0x1FE10] =	vst v1  }
0x4d: {  	s2 =	sadd.s32 @!p0 s25, s12;
	[tilespmem:$0x1FE20] =	vst v2  }
0x4e: {  	s2 =	smul.u32 @!p0 $0x18, s2;
	[tilespmem:$0x1FE30] =	vst v3  }
0x4f: {  	s26 =	simm.s32 $0x13D00;
	[tilespmem:$0x1FE40] =	vst v4  }
0x50: {  	s7 =	simm.s32 @!p0 $0x0;
	s9 =	simm.s32 @!p0 $0x1FC00;
	s2 =	sadd.s32 @!p0 s6, s2;
	[tilespmem:$0x1FE50] =	vst v0  }
0x51: {  	[tilespmem:s9], [sflag:$0x1] =	stream.linear.gather @!p0 [hbm4b:s2+s7], $0xC0, $0x38;
	[tilespmem:$0x1FF00] =	vst v63  }
0x52: {  	s28 =	simm.s32 $0x19D00;
	v0 =	vld [tilespmem:s26+$0x80]  }
0x53: {  	v1 =	vld [tilespmem:s28+$0x80]  }
0x54: {  	v2 =	vld [tilespmem:s28+$0xFFFFFF00]  }
0x55: {  	v3 =	vld [tilespmem:s26+$0xFFFFFF80]  }
0x56: {  	v4 =	vld [tilespmem:s28+$0xFFFFFF80]  }
0x57: {  	v5 =	vld [tilespmem:s28+$0x0]  }
0x58: {  	v0 =	vadd.f32 v1, v0;
	v1 =	vld [tilespmem:s26+$0x0]  }
0x59: {  	v6 =	vld [tilespmem:s26+$0xFFFFFF00]  }
0x5a: {  	v0 =	vmax.f32 v0, $0.0e+00  }
0x5b: {  	v3 =	vadd.f32 v4, v3;
	[tilespmem:s26+$0x80] =	vst v0;
	v0 =	vld [tilespmem:s26+$0x90]  }
0x5c: {  	v7 =	vld [tilespmem:s28+$0x90]  }
0x5d: {  	v8 =	vld [tilespmem:s26+$0xFFFFFF90];
	v3 =	vmax.f32 v3, $0.0e+00;
	v1 =	vadd.f32 v5, v1  }
0x5e: {  	v4 =	vld [tilespmem:s26+$0xFFFFFF10];
	v2 =	vadd.f32 v2, v6;
	[tilespmem:s26+$0xFFFFFF80] =	vst v3  }
0x5f: {  	v5 =	vld [tilespmem:s28+$0xFFFFFF90];
	v1 =	vmax.f32 v1, $0.0e+00  }
0x60: {  	v2 =	vmax.f32 v2, $0.0e+00;
	v3 =	vld [tilespmem:s26+$0x10];
	[tilespmem:s26+$0x0] =	vst v1  }
0x61: {  	[tilespmem:s26+$0xFFFFFF00] =	vst v2;
	v0 =	vadd.f32 v7, v0;
	v1 =	vld [tilespmem:s28+$0x10]  }
0x62: {  	v2 =	vld [tilespmem:s28+$0xFFFFFF10]  }
0x63: {  	v0 =	vmax.f32 v0, $0.0e+00  }
0x64: {  	v5 =	vadd.f32 v5, v8;
	[tilespmem:s26+$0x90] =	vst v0;
	v0 =	vld [tilespmem:s26+$0xA0]  }
0x65: {  	v7 =	vld [tilespmem:s28+$0xA0]  }
0x66: {  	v6 =	vld [tilespmem:s26+$0xFFFFFF20];
	v5 =	vmax.f32 v5, $0.0e+00;
	v1 =	vadd.f32 v1, v3  }
0x67: {  	v2 =	vadd.f32 v2, v4;
	v8 =	vld [tilespmem:s26+$0xFFFFFFA0];
	[tilespmem:s26+$0xFFFFFF90] =	vst v5  }
0x68: {  	v4 =	vld [tilespmem:s28+$0xFFFFFFA0];
	v1 =	vmax.f32 v1, $0.0e+00  }
0x69: {  	v2 =	vmax.f32 v2, $0.0e+00;
	v3 =	vld [tilespmem:s26+$0x20];
	[tilespmem:s26+$0x10] =	vst v1  }
0x6a: {  	[tilespmem:s26+$0xFFFFFF10] =	vst v2;
	v0 =	vadd.f32 v7, v0;
	v1 =	vld [tilespmem:s28+$0x20]  }
0x6b: {  	v2 =	vld [tilespmem:s28+$0xFFFFFF20]  }
0x6c: {  	v0 =	vmax.f32 v0, $0.0e+00  }
0x6d: {  	v4 =	vadd.f32 v4, v8;
	[tilespmem:s26+$0xA0] =	vst v0;
	v0 =	vld [tilespmem:s26+$0xB0]  }
0x6e: {  	v7 =	vld [tilespmem:s28+$0xB0]  }
0x6f: {  	v9 =	vld [tilespmem:s26+$0x30];
	v4 =	vmax.f32 v4, $0.0e+00;
	v1 =	vadd.f32 v1, v3  }
0x70: {  	v2 =	vadd.f32 v2, v6;
	v8 =	vld [tilespmem:s26+$0xFFFFFFB0];
	[tilespmem:s26+$0xFFFFFFA0] =	vst v4  }
0x71: {  	v3 =	vld [tilespmem:s28+$0xFFFFFFB0];
	v1 =	vmax.f32 v1, $0.0e+00  }
0x72: {  	v5 =	vld [tilespmem:s26+$0xFFFFFF30];
	[tilespmem:s26+$0x20] =	vst v1;
	v1 =	vmax.f32 v2, $0.0e+00  }
0x73: {  	v0 =	vadd.f32 v7, v0;
	[tilespmem:s26+$0xFFFFFF20] =	vst v1;
	v1 =	vld [tilespmem:s28+$0x30]  }
0x74: {  	v6 =	vld [tilespmem:s28+$0xFFFFFF30]  }
0x75: {  	v10 =	vld [tilespmem:s26+$0xFFFFFF40];
	v0 =	vmax.f32 v0, $0.0e+00  }
0x76: {  	v3 =	vadd.f32 v3, v8;
	[tilespmem:s26+$0xB0] =	vst v0;
	v0 =	vld [tilespmem:s26+$0xC0]  }
0x77: {  	v7 =	vld [tilespmem:s28+$0xC0]  }
0x78: {  	v11 =	vld [tilespmem:s26+$0xFFFFFFD0];
	v3 =	vmax.f32 v3, $0.0e+00;
	v1 =	vadd.f32 v1, v9  }
0x79: {  	v4 =	vld [tilespmem:s26+$0xFFFFFFC0];
	[tilespmem:s26+$0xFFFFFFB0] =	vst v3;
	v5 =	vadd.f32 v6, v5  }
0x7a: {  	v6 =	vld [tilespmem:s28+$0xFFFFFFC0];
	v1 =	vmax.f32 v1, $0.0e+00  }
0x7b: {  	v2 =	vld [tilespmem:s26+$0x40];
	[tilespmem:s26+$0x30] =	vst v1;
	v1 =	vmax.f32 v5, $0.0e+00  }
0x7c: {  	v0 =	vadd.f32 v7, v0;
	v5 =	vld [tilespmem:s28+$0x40];
	[tilespmem:s26+$0xFFFFFF30] =	vst v1  }
0x7d: {  	v1 =	vld [tilespmem:s28+$0xFFFFFF40]  }
0x7e: {  	v8 =	vld [tilespmem:s26+$0xFFFFFF50];
	v0 =	vmax.f32 v0, $0.0e+00  }
0x7f: {  	[tilespmem:s26+$0xC0] =	vst v0;
	v0 =	vadd.f32 v6, v4;
	v6 =	vld [tilespmem:s26+$0xD0]  }
0x80: {  	v7 =	vld [tilespmem:s28+$0xD0]  }
0x81: {  	v3 =	vld [tilespmem:s26+$0xFFFFFF60];
	v0 =	vmax.f32 v0, $0.0e+00;
	v2 =	vadd.f32 v5, v2  }
0x82: {  	v9 =	vld [tilespmem:s26+$0x50];
	[tilespmem:s26+$0xFFFFFFC0] =	vst v0;
	v0 =	vadd.f32 v1, v10  }
0x83: {  	v1 =	vld [tilespmem:s28+$0xFFFFFFD0];
	v2 =	vmax.f32 v2, $0.0e+00  }
0x84: {  	v4 =	vld [tilespmem:s26+$0xFFFFFFE0];
	[tilespmem:s26+$0x40] =	vst v2;
	v0 =	vmax.f32 v0, $0.0e+00  }
0x85: {  	v2 =	vld [tilespmem:s28+$0x50];
	v6 =	vadd.f32 v7, v6;
	[tilespmem:s26+$0xFFFFFF40] =	vst v0  }
0x86: {  	v0 =	vld [tilespmem:s28+$0xFFFFFF50]  }
0x87: {  	v5 =	vld [tilespmem:s26+$0x60];
	v6 =	vmax.f32 v6, $0.0e+00  }
0x88: {  	v1 =	vadd.f32 v1, v11;
	[tilespmem:s26+$0xD0] =	vst v6;
	v6 =	vld [tilespmem:s26+$0xE0]  }
0x89: {  	v10 =	vld [tilespmem:s28+$0xE0]  }
0x8a: {  	v1 =	vmax.f32 v1, $0.0e+00;
	v7 =	vadd.f32 v2, v9;
	v2 =	vld [tilespmem:s26+$0xFFFFFF70]  }
0x8b: {  	[tilespmem:s26+$0xFFFFFFD0] =	vst v1;
	v0 =	vadd.f32 v0, v8;
	v1 =	vld [tilespmem:s26+$0xFFFFFFF0]  }
0x8c: {  	v8 =	vmax.f32 v7, $0.0e+00;
	v7 =	vld [tilespmem:s28+$0xFFFFFFE0]  }
0x8d: {  	[tilespmem:s26+$0x50] =	vst v8;
	v8 =	vmax.f32 v0, $0.0e+00;
	v0 =	vld [tilespmem:s26+$0x70]  }
0x8e: {  	[tilespmem:s26+$0xFFFFFF50] =	vst v8;
	v8 =	vld [tilespmem:s28+$0x60];
	v6 =	vadd.f32 v10, v6  }
0x8f: {  	v9 =	vld [tilespmem:s28+$0xFFFFFF60]  }
0x90: {  	s2 =	simm.s32 $0x0;
	s7 =	simm.s32 $0x13F00;
	s9 =	simm.s32 $0x19D00;
	v10 =	vmax.f32 v6, $0.0e+00;
	v6 =	vld [tilespmem:s26+$0xF0]  }
.LBB2_3:
0x91: {  	v11 =	vld [tilespmem:s7+$0x80];
	v4 =	vadd.f32 v7, v4;
	[tilespmem:s26+$0xE0] =	vst v10  }
0x92: {  	s9 =	sadd.s32 $0x200, s9;
	v7 =	vld [tilespmem:s28+$0xF0]  }
0x93: {  	s2 =	sadd.s32 $0x4, s2;
	v10 =	vld [tilespmem:s9+$0x80];
	v4 =	vmax.f32 v4, $0.0e+00;
	v5 =	vadd.f32 v8, v5  }
0x94: {  	p1 =	slt.u32 s2, $0x5C;
	v8 =	vld [tilespmem:s9+$0xFFFFFF00];
	v3 =	vadd.f32 v9, v3;
	[tilespmem:s26+$0xFFFFFFE0] =	vst v4  }
0x95: {  	v4 =	vld [tilespmem:s7+$0xFFFFFF80];
	v5 =	vmax.f32 v5, $0.0e+00  }
0x96: {  	v9 =	vld [tilespmem:s9+$0xFFFFFF80];
	v3 =	vmax.f32 v3, $0.0e+00;
	[tilespmem:s26+$0x60] =	vst v5  }
0x97: {  	v5 =	vld [tilespmem:s7+$0x0];
	[tilespmem:s26+$0xFFFFFF60] =	vst v3;
	v3 =	vadd.f32 v7, v6  }
0x98: {  	v6 =	vld [tilespmem:s9+$0x0];
	v7 =	vadd.f32 v10, v11  }
0x99: {  	v10 =	vld [tilespmem:s7+$0xFFFFFF00];
	v3 =	vmax.f32 v3, $0.0e+00  }
0x9a: {  	v11 =	vld [tilespmem:s7+$0xFFFFFF10];
	v7 =	vmax.f32 v7, $0.0e+00;
	[tilespmem:s26+$0xF0] =	vst v3  }
0x9b: {  	v3 =	vadd.f32 v9, v4;
	[tilespmem:s7+$0x80] =	vst v7;
	v4 =	vld [tilespmem:s7+$0x90]  }
0x9c: {  	v7 =	vld [tilespmem:s9+$0x90]  }
0x9d: {  	v3 =	vmax.f32 v3, $0.0e+00;
	v9 =	vld [tilespmem:s7+$0xFFFFFF90];
	v5 =	vadd.f32 v6, v5  }
0x9e: {  	v6 =	vadd.f32 v8, v10;
	[tilespmem:s7+$0xFFFFFF80] =	vst v3;
	v3 =	vld [tilespmem:s7+$0x10]  }
0x9f: {  	v8 =	vld [tilespmem:s9+$0xFFFFFF90];
	v5 =	vmax.f32 v5, $0.0e+00  }
0xa0: {  	v6 =	vmax.f32 v6, $0.0e+00;
	v10 =	vld [tilespmem:s7+$0xFFFFFF20];
	[tilespmem:s7+$0x0] =	vst v5  }
0xa1: {  	[tilespmem:s7+$0xFFFFFF00] =	vst v6;
	v5 =	vld [tilespmem:s9+$0x10];
	v4 =	vadd.f32 v7, v4  }
0xa2: {  	v6 =	vld [tilespmem:s9+$0xFFFFFF10]  }
0xa3: {  	v7 =	vld [tilespmem:s7+$0xFFFFFFA0];
	v4 =	vmax.f32 v4, $0.0e+00  }
0xa4: {  	v8 =	vadd.f32 v8, v9;
	[tilespmem:s7+$0x90] =	vst v4;
	v4 =	vld [tilespmem:s7+$0xA0]  }
0xa5: {  	v9 =	vld [tilespmem:s9+$0xA0]  }
0xa6: {  	v8 =	vmax.f32 v8, $0.0e+00;
	v3 =	vadd.f32 v5, v3;
	v5 =	vld [tilespmem:s7+$0x20]  }
0xa7: {  	v6 =	vadd.f32 v6, v11;
	v11 =	vld [tilespmem:s7+$0xFFFFFF30];
	[tilespmem:s7+$0xFFFFFF90] =	vst v8  }
0xa8: {  	v8 =	vld [tilespmem:s9+$0xFFFFFFA0];
	v3 =	vmax.f32 v3, $0.0e+00  }
0xa9: {  	v6 =	vmax.f32 v6, $0.0e+00;
	v12 =	vld [tilespmem:s7+$0xFFFFFFB0];
	[tilespmem:s7+$0x10] =	vst v3  }
0xaa: {  	[tilespmem:s7+$0xFFFFFF10] =	vst v6;
	v3 =	vld [tilespmem:s9+$0x20];
	v4 =	vadd.f32 v9, v4  }
0xab: {  	v6 =	vld [tilespmem:s9+$0xFFFFFF20]  }
0xac: {  	v9 =	vld [tilespmem:s7+$0x30];
	v4 =	vmax.f32 v4, $0.0e+00  }
0xad: {  	v7 =	vadd.f32 v8, v7;
	[tilespmem:s7+$0xA0] =	vst v4;
	v4 =	vld [tilespmem:s7+$0xB0]  }
0xae: {  	v8 =	vld [tilespmem:s9+$0xB0]  }
0xaf: {  	v13 =	vld [tilespmem:s7+$0xFFFFFF40];
	v7 =	vmax.f32 v7, $0.0e+00;
	v3 =	vadd.f32 v3, v5  }
0xb0: {  	v5 =	vadd.f32 v6, v10;
	[tilespmem:s7+$0xFFFFFFA0] =	vst v7;
	v6 =	vld [tilespmem:s7+$0xFFFFFFC0]  }
0xb1: {  	v7 =	vld [tilespmem:s9+$0xFFFFFFB0];
	v3 =	vmax.f32 v3, $0.0e+00  }
0xb2: {  	v5 =	vmax.f32 v5, $0.0e+00;
	[tilespmem:s7+$0x20] =	vst v3;
	v10 =	vld [tilespmem:s7+$0x40]  }
0xb3: {  	[tilespmem:s7+$0xFFFFFF20] =	vst v5;
	v3 =	vld [tilespmem:s9+$0x30];
	v4 =	vadd.f32 v8, v4  }
0xb4: {  	v5 =	vld [tilespmem:s9+$0xFFFFFF30]  }
0xb5: {  	v8 =	vld [tilespmem:s7+$0xFFFFFF50];
	v4 =	vmax.f32 v4, $0.0e+00  }
0xb6: {  	v7 =	vadd.f32 v7, v12;
	[tilespmem:s7+$0xB0] =	vst v4;
	v4 =	vld [tilespmem:s7+$0xC0]  }
0xb7: {  	v12 =	vld [tilespmem:s9+$0xC0]  }
0xb8: {  	v7 =	vmax.f32 v7, $0.0e+00;
	v14 =	vld [tilespmem:s7+$0xFFFFFFD0];
	v3 =	vadd.f32 v3, v9  }
0xb9: {  	v5 =	vadd.f32 v5, v11;
	[tilespmem:s7+$0xFFFFFFB0] =	vst v7;
	v7 =	vld [tilespmem:s7+$0x50]  }
0xba: {  	v9 =	vld [tilespmem:s9+$0xFFFFFFC0];
	v11 =	vmax.f32 v3, $0.0e+00  }
0xbb: {  	v5 =	vmax.f32 v5, $0.0e+00;
	v3 =	vld [tilespmem:s7+$0xFFFFFF60];
	[tilespmem:s7+$0x30] =	vst v11  }
0xbc: {  	[tilespmem:s7+$0xFFFFFF30] =	vst v5;
	v5 =	vld [tilespmem:s9+$0x40];
	v11 =	vadd.f32 v12, v4  }
0xbd: {  	v12 =	vld [tilespmem:s9+$0xFFFFFF40]  }
0xbe: {  	v4 =	vld [tilespmem:s7+$0xFFFFFFE0];
	v11 =	vmax.f32 v11, $0.0e+00  }
0xbf: {  	v6 =	vadd.f32 v9, v6;
	[tilespmem:s7+$0xC0] =	vst v11;
	v9 =	vld [tilespmem:s7+$0xD0]  }
0xc0: {  	v11 =	vld [tilespmem:s9+$0xD0]  }
0xc1: {  	v6 =	vmax.f32 v6, $0.0e+00;
	v10 =	vadd.f32 v5, v10;
	v5 =	vld [tilespmem:s7+$0x60]  }
0xc2: {  	v12 =	vadd.f32 v12, v13;
	[tilespmem:s7+$0xFFFFFFC0] =	vst v6;
	v6 =	vld [tilespmem:s28+$0xFFFFFF70]  }
0xc3: {  	v13 =	vld [tilespmem:s9+$0xFFFFFFD0];
	v10 =	vmax.f32 v10, $0.0e+00  }
0xc4: {  	v12 =	vmax.f32 v12, $0.0e+00;
	[tilespmem:s7+$0x40] =	vst v10;
	v10 =	vld [tilespmem:s28+$0xFFFFFFF0]  }
0xc5: {  	[tilespmem:s7+$0xFFFFFF40] =	vst v12;
	v12 =	vld [tilespmem:s9+$0x50];
	v9 =	vadd.f32 v11, v9  }
0xc6: {  	v11 =	vld [tilespmem:s9+$0xFFFFFF50]  }
0xc7: {  	v9 =	vmax.f32 v9, $0.0e+00;
	v2 =	vadd.f32 v6, v2;
	v6 =	vld [tilespmem:s28+$0x70];
	s28 =	smov.u32 s9  }
0xc8: {  	v13 =	vadd.f32 v13, v14;
	[tilespmem:s7+$0xD0] =	vst v9;
	v9 =	vld [tilespmem:s7+$0xE0]  }
0xc9: {  	v14 =	vld [tilespmem:s9+$0xE0];
	v15 =	vmax.f32 v2, $0.0e+00;
	v10 =	vadd.f32 v10, v1  }
0xca: {  	v2 =	vld [tilespmem:s7+$0xFFFFFF70];
	v1 =	vmax.f32 v13, $0.0e+00;
	v12 =	vadd.f32 v12, v7;
	[tilespmem:s26+$0xFFFFFF70] =	vst v15  }
0xcb: {  	v8 =	vadd.f32 v11, v8;
	[tilespmem:s7+$0xFFFFFFD0] =	vst v1;
	v1 =	vld [tilespmem:s7+$0xFFFFFFF0];
	v10 =	vmax.f32 v10, $0.0e+00  }
.Ltmp2:
0xcc: {  	v7 =	vld [tilespmem:s9+$0xFFFFFFE0];
	v11 =	vmax.f32 v12, $0.0e+00;
	[tilespmem:s26+$0xFFFFFFF0] =	vst v10;
	v6 =	vadd.f32 v6, v0;
	(pc) =	sbr.rel @p1 .LBB2_3-.Ltmp2, $4  }
0xcd: {  	v8 =	vmax.f32 v8, $0.0e+00;
	[tilespmem:s7+$0x50] =	vst v11;
	v0 =	vld [tilespmem:s7+$0x70]  }
0xce: {  	[tilespmem:s7+$0xFFFFFF50] =	vst v8;
	v8 =	vld [tilespmem:s9+$0x60];
	v10 =	vadd.f32 v14, v9;
	v6 =	vmax.f32 v6, $0.0e+00  }
0xcf: {  	v9 =	vld [tilespmem:s9+$0xFFFFFF60];
	[tilespmem:s26+$0x70] =	vst v6;
	s26 =	smov.u32 s7  }
0xd0: {  	s7 =	sadd.s32 $0x200, s7;
	v10 =	vmax.f32 v10, $0.0e+00;
	v6 =	vld [tilespmem:s26+$0xF0]  }
0xd1: {  	_ =	sdelay $0x2  }
0xd2: {  	v3 =	vadd.f32 v9, v3  }
0xd3: {  	v4 =	vadd.f32 v7, v4  }
0xd4: {  	[tilespmem:s26+$0xE0] =	vst v10;
	v5 =	vadd.f32 v8, v5;
	v3 =	vmax.f32 v3, $0.0e+00  }
0xd5: {  	v7 =	vld [tilespmem:s28+$0xF0];
	v4 =	vmax.f32 v4, $0.0e+00;
	[tilespmem:s26+$0xFFFFFF60] =	vst v3  }
0xd6: {  	[tilespmem:s26+$0xFFFFFFE0] =	vst v4;
	v3 =	vmax.f32 v5, $0.0e+00;
	v4 =	vld [tilespmem:s28+$0xFFFFFF70]  }
0xd7: {  	[tilespmem:s26+$0x60] =	vst v3;
	v3 =	vld [tilespmem:s28+$0xFFFFFFF0]  }
0xd8: {  	v5 =	vld [tilespmem:s28+$0x70];
	_ =	sdelay $0x1  }
0xd9: {  	v6 =	vadd.f32 v7, v6  }
0xda: {  	v2 =	vadd.f32 v4, v2  }
0xdb: {  	v4 =	vmax.f32 v6, $0.0e+00;
	v1 =	vadd.f32 v3, v1  }
0xdc: {  	[tilespmem:s26+$0xF0] =	vst v4;
	v0 =	vadd.f32 v5, v0;
	v2 =	vmax.f32 v2, $0.0e+00  }
0xdd: {  	v1 =	vmax.f32 v1, $0.0e+00;
	[tilespmem:s26+$0xFFFFFF70] =	vst v2  }
0xde: {  	p1 =	seq.s32 s19, $0x0;
	[tilespmem:s26+$0xFFFFFFF0] =	vst v1;
	v0 =	vmax.f32 v0, $0.0e+00  }
0xdf: {  	s2 =	simm.s32 @!p1 $0x8;
	[tilespmem:s26+$0x70] =	vst v0  }
0xe0: {  	_ =	swait.ge @!p1 [sflag:s2], $0x3000  }
0xe1: {  	[sflag:s2] =	ssyncset.done @!p1 $0x0  }
0xe2: {  	[sflag:s2] =	ssyncadd.s32 @!p1 $0xFFFFD000  }
0xe3: {  	_ =	swait.ge [sflag:s31], $0xC0  }
0xe4: {  	[sflag:s31] =	ssyncset.done $0x0  }
0xe5: {  	[sflag:s31] =	ssyncadd.s32 $0xFFFFFF40  }
0xe6: {  	[tilespmem:s0], [sflag:$0x4] =	stream.indirect.gather [hbm4b:s1+s23], $0x80, s21, s23, $0xb8;
	[tilespmem:$0x1FF00] =	vst v63  }
0xe7: {  	s9 =	simm.s32 $0x1FD30;
	s7 =	simm.s32 $0x18400;
	s26 =	smul.u32 $0xC0, s19  }
0xe8: {  	[tilespmem:s7], [sflag:$0x4] =	stream.indirect.gather [hbm4b:s1+s23], $0x80, s9, s23, $0xb8;
	[tilespmem:$0x1FF00] =	vst v63  }
0xe9: {  	s7 =	sadd.s32 s26, s13  }
0xea: {  	s2 =	sshll.u32 s7, $0x4  }
0xeb: {  	s9 =	simm.s32 $0x1CC00;
	s2 =	sadd.s32 s5, s2  }
0xec: {  	[tilespmem:s9], [sflag:$0x6] =	stream.linear.gather [hbm4b:s2+s4], $0x3000, $0x38;
	[tilespmem:$0x1FF00] =	vst v63  }
0xed: {  	_ = 	snop  }
0xee: {  	[spmem:s3] =	stream.indirect.scatter.add.f32 [tilespmem:s24], [sflag:$0x7], $0x80, s11, s10, $0xb8;
	[tilespmem:$0x1FF00] =	vst v63  }
0xef: {  	_ =	swait.ge [sflag:s16], $0x3000  }
0xf0: {  	[sflag:s16] =	ssyncset.done $0x0  }
0xf1: {  	[sflag:s16] =	ssyncadd.s32 $0xFFFFD000  }
0xf2: {  	_ =	swait.ge [sflag:s17], $0x3000  }
0xf3: {  	[sflag:s17] =	ssyncset.done $0x0  }
0xf4: {  	[sflag:s17] =	ssyncadd.s32 $0xFFFFD000  }
0xf5: {  	v0 =	vld [tilespmem:$0x1FD60]  }
0xf6: {  	v1 =	vld [tilespmem:$0x1FD70]  }
0xf7: {  	v2 =	vld [tilespmem:$0x1FD80]  }
0xf8: {  	v3 =	vld [tilespmem:$0x1FD90]  }
0xf9: {  	v4 =	vld [tilespmem:$0x1FDA0]  }
0xfa: {  	[tilespmem:$0x1FE80] =	vst v0;
	v0 =	vld [tilespmem:$0x1FDB0]  }
0xfb: {  	[tilespmem:$0x1FE90] =	vst v1  }
0xfc: {  	s2 =	sadd.s32 @!p0 s25, s14;
	[tilespmem:$0x1FEA0] =	vst v2  }
0xfd: {  	s2 =	smul.u32 @!p0 $0x18, s2;
	[tilespmem:$0x1FEB0] =	vst v3  }
0xfe: {  	s7 =	simm.s32 @!p0 $0x0;
	[tilespmem:$0x1FEC0] =	vst v4  }
0xff: {  	s9 =	simm.s32 @!p0 $0x1FD00;
	s25 =	simm.s32 $0x16D00;
	s2 =	sadd.s32 @!p0 s6, s2;
	[tilespmem:$0x1FED0] =	vst v0  }
0x100: {  	[tilespmem:s9], [sflag:$0x2] =	stream.linear.gather @!p0 [hbm4b:s2+s7], $0xC0, $0x38;
	[tilespmem:$0x1FF00] =	vst v63  }
0x101: {  	s28 =	simm.s32 $0x1CD00;
	v0 =	vld [tilespmem:s25+$0x80]  }
0x102: {  	v1 =	vld [tilespmem:s28+$0x80]  }
0x103: {  	v2 =	vld [tilespmem:s28+$0xFFFFFF00]  }
0x104: {  	v3 =	vld [tilespmem:s25+$0xFFFFFF80]  }
0x105: {  	v4 =	vld [tilespmem:s28+$0xFFFFFF80]  }
0x106: {  	v5 =	vld [tilespmem:s28+$0x0]  }
0x107: {  	v0 =	vadd.f32 v1, v0;
	v1 =	vld [tilespmem:s25+$0x0]  }
0x108: {  	v6 =	vld [tilespmem:s25+$0xFFFFFF00]  }
0x109: {  	v0 =	vmax.f32 v0, $0.0e+00  }
0x10a: {  	v3 =	vadd.f32 v4, v3;
	[tilespmem:s25+$0x80] =	vst v0;
	v0 =	vld [tilespmem:s25+$0x90]  }
0x10b: {  	v7 =	vld [tilespmem:s28+$0x90]  }
0x10c: {  	v8 =	vld [tilespmem:s25+$0xFFFFFF90];
	v3 =	vmax.f32 v3, $0.0e+00;
	v1 =	vadd.f32 v5, v1  }
0x10d: {  	v4 =	vld [tilespmem:s25+$0xFFFFFF10];
	v2 =	vadd.f32 v2, v6;
	[tilespmem:s25+$0xFFFFFF80] =	vst v3  }
0x10e: {  	v5 =	vld [tilespmem:s28+$0xFFFFFF90];
	v1 =	vmax.f32 v1, $0.0e+00  }
0x10f: {  	v2 =	vmax.f32 v2, $0.0e+00;
	v3 =	vld [tilespmem:s25+$0x10];
	[tilespmem:s25+$0x0] =	vst v1  }
0x110: {  	[tilespmem:s25+$0xFFFFFF00] =	vst v2;
	v0 =	vadd.f32 v7, v0;
	v1 =	vld [tilespmem:s28+$0x10]  }
0x111: {  	v2 =	vld [tilespmem:s28+$0xFFFFFF10]  }
0x112: {  	v0 =	vmax.f32 v0, $0.0e+00  }
0x113: {  	v5 =	vadd.f32 v5, v8;
	[tilespmem:s25+$0x90] =	vst v0;
	v0 =	vld [tilespmem:s25+$0xA0]  }
0x114: {  	v7 =	vld [tilespmem:s28+$0xA0]  }
0x115: {  	v6 =	vld [tilespmem:s25+$0xFFFFFF20];
	v5 =	vmax.f32 v5, $0.0e+00;
	v1 =	vadd.f32 v1, v3  }
0x116: {  	v2 =	vadd.f32 v2, v4;
	v8 =	vld [tilespmem:s25+$0xFFFFFFA0];
	[tilespmem:s25+$0xFFFFFF90] =	vst v5  }
0x117: {  	v4 =	vld [tilespmem:s28+$0xFFFFFFA0];
	v1 =	vmax.f32 v1, $0.0e+00  }
0x118: {  	v2 =	vmax.f32 v2, $0.0e+00;
	v3 =	vld [tilespmem:s25+$0x20];
	[tilespmem:s25+$0x10] =	vst v1  }
0x119: {  	[tilespmem:s25+$0xFFFFFF10] =	vst v2;
	v0 =	vadd.f32 v7, v0;
	v1 =	vld [tilespmem:s28+$0x20]  }
0x11a: {  	v2 =	vld [tilespmem:s28+$0xFFFFFF20]  }
0x11b: {  	v0 =	vmax.f32 v0, $0.0e+00  }
0x11c: {  	v4 =	vadd.f32 v4, v8;
	[tilespmem:s25+$0xA0] =	vst v0;
	v0 =	vld [tilespmem:s25+$0xB0]  }
0x11d: {  	v7 =	vld [tilespmem:s28+$0xB0]  }
0x11e: {  	v9 =	vld [tilespmem:s25+$0x30];
	v4 =	vmax.f32 v4, $0.0e+00;
	v1 =	vadd.f32 v1, v3  }
0x11f: {  	v2 =	vadd.f32 v2, v6;
	v8 =	vld [tilespmem:s25+$0xFFFFFFB0];
	[tilespmem:s25+$0xFFFFFFA0] =	vst v4  }
0x120: {  	v3 =	vld [tilespmem:s28+$0xFFFFFFB0];
	v1 =	vmax.f32 v1, $0.0e+00  }
0x121: {  	v5 =	vld [tilespmem:s25+$0xFFFFFF30];
	[tilespmem:s25+$0x20] =	vst v1;
	v1 =	vmax.f32 v2, $0.0e+00  }
0x122: {  	v0 =	vadd.f32 v7, v0;
	[tilespmem:s25+$0xFFFFFF20] =	vst v1;
	v1 =	vld [tilespmem:s28+$0x30]  }
0x123: {  	v6 =	vld [tilespmem:s28+$0xFFFFFF30]  }
0x124: {  	v10 =	vld [tilespmem:s25+$0xFFFFFF40];
	v0 =	vmax.f32 v0, $0.0e+00  }
0x125: {  	v3 =	vadd.f32 v3, v8;
	[tilespmem:s25+$0xB0] =	vst v0;
	v0 =	vld [tilespmem:s25+$0xC0]  }
0x126: {  	v7 =	vld [tilespmem:s28+$0xC0]  }
0x127: {  	v11 =	vld [tilespmem:s25+$0xFFFFFFD0];
	v3 =	vmax.f32 v3, $0.0e+00;
	v1 =	vadd.f32 v1, v9  }
0x128: {  	v4 =	vld [tilespmem:s25+$0xFFFFFFC0];
	[tilespmem:s25+$0xFFFFFFB0] =	vst v3;
	v5 =	vadd.f32 v6, v5  }
0x129: {  	v6 =	vld [tilespmem:s28+$0xFFFFFFC0];
	v1 =	vmax.f32 v1, $0.0e+00  }
0x12a: {  	v2 =	vld [tilespmem:s25+$0x40];
	[tilespmem:s25+$0x30] =	vst v1;
	v1 =	vmax.f32 v5, $0.0e+00  }
0x12b: {  	v0 =	vadd.f32 v7, v0;
	v5 =	vld [tilespmem:s28+$0x40];
	[tilespmem:s25+$0xFFFFFF30] =	vst v1  }
0x12c: {  	v1 =	vld [tilespmem:s28+$0xFFFFFF40]  }
0x12d: {  	v8 =	vld [tilespmem:s25+$0xFFFFFF50];
	v0 =	vmax.f32 v0, $0.0e+00  }
0x12e: {  	[tilespmem:s25+$0xC0] =	vst v0;
	v0 =	vadd.f32 v6, v4;
	v6 =	vld [tilespmem:s25+$0xD0]  }
0x12f: {  	v7 =	vld [tilespmem:s28+$0xD0]  }
0x130: {  	v3 =	vld [tilespmem:s25+$0xFFFFFF60];
	v0 =	vmax.f32 v0, $0.0e+00;
	v2 =	vadd.f32 v5, v2  }
0x131: {  	v9 =	vld [tilespmem:s25+$0x50];
	[tilespmem:s25+$0xFFFFFFC0] =	vst v0;
	v0 =	vadd.f32 v1, v10  }
0x132: {  	v1 =	vld [tilespmem:s28+$0xFFFFFFD0];
	v2 =	vmax.f32 v2, $0.0e+00  }
0x133: {  	v4 =	vld [tilespmem:s25+$0xFFFFFFE0];
	[tilespmem:s25+$0x40] =	vst v2;
	v0 =	vmax.f32 v0, $0.0e+00  }
0x134: {  	v2 =	vld [tilespmem:s28+$0x50];
	v6 =	vadd.f32 v7, v6;
	[tilespmem:s25+$0xFFFFFF40] =	vst v0  }
0x135: {  	v0 =	vld [tilespmem:s28+$0xFFFFFF50]  }
0x136: {  	v5 =	vld [tilespmem:s25+$0x60];
	v6 =	vmax.f32 v6, $0.0e+00  }
0x137: {  	v1 =	vadd.f32 v1, v11;
	[tilespmem:s25+$0xD0] =	vst v6;
	v6 =	vld [tilespmem:s25+$0xE0]  }
0x138: {  	v10 =	vld [tilespmem:s28+$0xE0]  }
0x139: {  	v1 =	vmax.f32 v1, $0.0e+00;
	v7 =	vadd.f32 v2, v9;
	v2 =	vld [tilespmem:s25+$0xFFFFFF70]  }
0x13a: {  	[tilespmem:s25+$0xFFFFFFD0] =	vst v1;
	v0 =	vadd.f32 v0, v8;
	v1 =	vld [tilespmem:s25+$0xFFFFFFF0]  }
0x13b: {  	v8 =	vmax.f32 v7, $0.0e+00;
	v7 =	vld [tilespmem:s28+$0xFFFFFFE0]  }
0x13c: {  	[tilespmem:s25+$0x50] =	vst v8;
	v8 =	vmax.f32 v0, $0.0e+00;
	v0 =	vld [tilespmem:s25+$0x70]  }
0x13d: {  	[tilespmem:s25+$0xFFFFFF50] =	vst v8;
	v8 =	vld [tilespmem:s28+$0x60];
	v6 =	vadd.f32 v10, v6  }
0x13e: {  	v9 =	vld [tilespmem:s28+$0xFFFFFF60]  }
0x13f: {  	s2 =	simm.s32 $0x0;
	s7 =	simm.s32 $0x16F00;
	s9 =	simm.s32 $0x1CD00;
	v10 =	vmax.f32 v6, $0.0e+00;
	v6 =	vld [tilespmem:s25+$0xF0]  }
.LBB2_5:
0x140: {  	v11 =	vld [tilespmem:s7+$0x80];
	v4 =	vadd.f32 v7, v4;
	[tilespmem:s25+$0xE0] =	vst v10  }
0x141: {  	s9 =	sadd.s32 $0x200, s9;
	v7 =	vld [tilespmem:s28+$0xF0]  }
0x142: {  	s2 =	sadd.s32 $0x4, s2;
	v10 =	vld [tilespmem:s9+$0x80];
	v4 =	vmax.f32 v4, $0.0e+00;
	v5 =	vadd.f32 v8, v5  }
0x143: {  	p1 =	slt.u32 s2, $0x5C;
	v8 =	vld [tilespmem:s9+$0xFFFFFF00];
	v3 =	vadd.f32 v9, v3;
	[tilespmem:s25+$0xFFFFFFE0] =	vst v4  }
0x144: {  	v4 =	vld [tilespmem:s7+$0xFFFFFF80];
	v5 =	vmax.f32 v5, $0.0e+00  }
0x145: {  	v9 =	vld [tilespmem:s9+$0xFFFFFF80];
	v3 =	vmax.f32 v3, $0.0e+00;
	[tilespmem:s25+$0x60] =	vst v5  }
0x146: {  	v5 =	vld [tilespmem:s7+$0x0];
	[tilespmem:s25+$0xFFFFFF60] =	vst v3;
	v3 =	vadd.f32 v7, v6  }
0x147: {  	v6 =	vld [tilespmem:s9+$0x0];
	v7 =	vadd.f32 v10, v11  }
0x148: {  	v10 =	vld [tilespmem:s7+$0xFFFFFF00];
	v3 =	vmax.f32 v3, $0.0e+00  }
0x149: {  	v11 =	vld [tilespmem:s7+$0xFFFFFF10];
	v7 =	vmax.f32 v7, $0.0e+00;
	[tilespmem:s25+$0xF0] =	vst v3  }
0x14a: {  	v3 =	vadd.f32 v9, v4;
	[tilespmem:s7+$0x80] =	vst v7;
	v4 =	vld [tilespmem:s7+$0x90]  }
0x14b: {  	v7 =	vld [tilespmem:s9+$0x90]  }
0x14c: {  	v3 =	vmax.f32 v3, $0.0e+00;
	v9 =	vld [tilespmem:s7+$0xFFFFFF90];
	v5 =	vadd.f32 v6, v5  }
0x14d: {  	v6 =	vadd.f32 v8, v10;
	[tilespmem:s7+$0xFFFFFF80] =	vst v3;
	v3 =	vld [tilespmem:s7+$0x10]  }
0x14e: {  	v8 =	vld [tilespmem:s9+$0xFFFFFF90];
	v5 =	vmax.f32 v5, $0.0e+00  }
0x14f: {  	v6 =	vmax.f32 v6, $0.0e+00;
	v10 =	vld [tilespmem:s7+$0xFFFFFF20];
	[tilespmem:s7+$0x0] =	vst v5  }
0x150: {  	[tilespmem:s7+$0xFFFFFF00] =	vst v6;
	v5 =	vld [tilespmem:s9+$0x10];
	v4 =	vadd.f32 v7, v4  }
0x151: {  	v6 =	vld [tilespmem:s9+$0xFFFFFF10]  }
0x152: {  	v7 =	vld [tilespmem:s7+$0xFFFFFFA0];
	v4 =	vmax.f32 v4, $0.0e+00  }
0x153: {  	v8 =	vadd.f32 v8, v9;
	[tilespmem:s7+$0x90] =	vst v4;
	v4 =	vld [tilespmem:s7+$0xA0]  }
0x154: {  	v9 =	vld [tilespmem:s9+$0xA0]  }
0x155: {  	v8 =	vmax.f32 v8, $0.0e+00;
	v3 =	vadd.f32 v5, v3;
	v5 =	vld [tilespmem:s7+$0x20]  }
0x156: {  	v6 =	vadd.f32 v6, v11;
	v11 =	vld [tilespmem:s7+$0xFFFFFF30];
	[tilespmem:s7+$0xFFFFFF90] =	vst v8  }
0x157: {  	v8 =	vld [tilespmem:s9+$0xFFFFFFA0];
	v3 =	vmax.f32 v3, $0.0e+00  }
0x158: {  	v6 =	vmax.f32 v6, $0.0e+00;
	v12 =	vld [tilespmem:s7+$0xFFFFFFB0];
	[tilespmem:s7+$0x10] =	vst v3  }
0x159: {  	[tilespmem:s7+$0xFFFFFF10] =	vst v6;
	v3 =	vld [tilespmem:s9+$0x20];
	v4 =	vadd.f32 v9, v4  }
0x15a: {  	v6 =	vld [tilespmem:s9+$0xFFFFFF20]  }
0x15b: {  	v9 =	vld [tilespmem:s7+$0x30];
	v4 =	vmax.f32 v4, $0.0e+00  }
0x15c: {  	v7 =	vadd.f32 v8, v7;
	[tilespmem:s7+$0xA0] =	vst v4;
	v4 =	vld [tilespmem:s7+$0xB0]  }
0x15d: {  	v8 =	vld [tilespmem:s9+$0xB0]  }
0x15e: {  	v13 =	vld [tilespmem:s7+$0xFFFFFF40];
	v7 =	vmax.f32 v7, $0.0e+00;
	v3 =	vadd.f32 v3, v5  }
0x15f: {  	v5 =	vadd.f32 v6, v10;
	[tilespmem:s7+$0xFFFFFFA0] =	vst v7;
	v6 =	vld [tilespmem:s7+$0xFFFFFFC0]  }
0x160: {  	v7 =	vld [tilespmem:s9+$0xFFFFFFB0];
	v3 =	vmax.f32 v3, $0.0e+00  }
0x161: {  	v5 =	vmax.f32 v5, $0.0e+00;
	[tilespmem:s7+$0x20] =	vst v3;
	v10 =	vld [tilespmem:s7+$0x40]  }
0x162: {  	[tilespmem:s7+$0xFFFFFF20] =	vst v5;
	v3 =	vld [tilespmem:s9+$0x30];
	v4 =	vadd.f32 v8, v4  }
0x163: {  	v5 =	vld [tilespmem:s9+$0xFFFFFF30]  }
0x164: {  	v8 =	vld [tilespmem:s7+$0xFFFFFF50];
	v4 =	vmax.f32 v4, $0.0e+00  }
0x165: {  	v7 =	vadd.f32 v7, v12;
	[tilespmem:s7+$0xB0] =	vst v4;
	v4 =	vld [tilespmem:s7+$0xC0]  }
0x166: {  	v12 =	vld [tilespmem:s9+$0xC0]  }
0x167: {  	v7 =	vmax.f32 v7, $0.0e+00;
	v14 =	vld [tilespmem:s7+$0xFFFFFFD0];
	v3 =	vadd.f32 v3, v9  }
0x168: {  	v5 =	vadd.f32 v5, v11;
	[tilespmem:s7+$0xFFFFFFB0] =	vst v7;
	v7 =	vld [tilespmem:s7+$0x50]  }
0x169: {  	v9 =	vld [tilespmem:s9+$0xFFFFFFC0];
	v11 =	vmax.f32 v3, $0.0e+00  }
0x16a: {  	v5 =	vmax.f32 v5, $0.0e+00;
	v3 =	vld [tilespmem:s7+$0xFFFFFF60];
	[tilespmem:s7+$0x30] =	vst v11  }
0x16b: {  	[tilespmem:s7+$0xFFFFFF30] =	vst v5;
	v5 =	vld [tilespmem:s9+$0x40];
	v11 =	vadd.f32 v12, v4  }
0x16c: {  	v12 =	vld [tilespmem:s9+$0xFFFFFF40]  }
0x16d: {  	v4 =	vld [tilespmem:s7+$0xFFFFFFE0];
	v11 =	vmax.f32 v11, $0.0e+00  }
0x16e: {  	v6 =	vadd.f32 v9, v6;
	[tilespmem:s7+$0xC0] =	vst v11;
	v9 =	vld [tilespmem:s7+$0xD0]  }
0x16f: {  	v11 =	vld [tilespmem:s9+$0xD0]  }
0x170: {  	v6 =	vmax.f32 v6, $0.0e+00;
	v10 =	vadd.f32 v5, v10;
	v5 =	vld [tilespmem:s7+$0x60]  }
0x171: {  	v12 =	vadd.f32 v12, v13;
	[tilespmem:s7+$0xFFFFFFC0] =	vst v6;
	v6 =	vld [tilespmem:s28+$0xFFFFFF70]  }
0x172: {  	v13 =	vld [tilespmem:s9+$0xFFFFFFD0];
	v10 =	vmax.f32 v10, $0.0e+00  }
0x173: {  	v12 =	vmax.f32 v12, $0.0e+00;
	[tilespmem:s7+$0x40] =	vst v10;
	v10 =	vld [tilespmem:s28+$0xFFFFFFF0]  }
0x174: {  	[tilespmem:s7+$0xFFFFFF40] =	vst v12;
	v12 =	vld [tilespmem:s9+$0x50];
	v9 =	vadd.f32 v11, v9  }
0x175: {  	v11 =	vld [tilespmem:s9+$0xFFFFFF50]  }
0x176: {  	v9 =	vmax.f32 v9, $0.0e+00;
	v2 =	vadd.f32 v6, v2;
	v6 =	vld [tilespmem:s28+$0x70];
	s28 =	smov.u32 s9  }
0x177: {  	v13 =	vadd.f32 v13, v14;
	[tilespmem:s7+$0xD0] =	vst v9;
	v9 =	vld [tilespmem:s7+$0xE0]  }
0x178: {  	v14 =	vld [tilespmem:s9+$0xE0];
	v15 =	vmax.f32 v2, $0.0e+00;
	v10 =	vadd.f32 v10, v1  }
0x179: {  	v2 =	vld [tilespmem:s7+$0xFFFFFF70];
	v1 =	vmax.f32 v13, $0.0e+00;
	v12 =	vadd.f32 v12, v7;
	[tilespmem:s25+$0xFFFFFF70] =	vst v15  }
0x17a: {  	v8 =	vadd.f32 v11, v8;
	[tilespmem:s7+$0xFFFFFFD0] =	vst v1;
	v1 =	vld [tilespmem:s7+$0xFFFFFFF0];
	v10 =	vmax.f32 v10, $0.0e+00  }
.Ltmp3:
0x17b: {  	v7 =	vld [tilespmem:s9+$0xFFFFFFE0];
	v11 =	vmax.f32 v12, $0.0e+00;
	[tilespmem:s25+$0xFFFFFFF0] =	vst v10;
	v6 =	vadd.f32 v6, v0;
	(pc) =	sbr.rel @p1 .LBB2_5-.Ltmp3, $4  }
0x17c: {  	v8 =	vmax.f32 v8, $0.0e+00;
	[tilespmem:s7+$0x50] =	vst v11;
	v0 =	vld [tilespmem:s7+$0x70]  }
0x17d: {  	[tilespmem:s7+$0xFFFFFF50] =	vst v8;
	v8 =	vld [tilespmem:s9+$0x60];
	v10 =	vadd.f32 v14, v9;
	v6 =	vmax.f32 v6, $0.0e+00  }
0x17e: {  	v9 =	vld [tilespmem:s9+$0xFFFFFF60];
	[tilespmem:s25+$0x70] =	vst v6;
	s25 =	smov.u32 s7  }
0x17f: {  	s7 =	sadd.s32 $0x200, s7;
	v10 =	vmax.f32 v10, $0.0e+00;
	v6 =	vld [tilespmem:s25+$0xF0]  }
0x180: {  	_ = 	snop  }
0x181: {  	v4 =	vadd.f32 v7, v4  }
0x182: {  	v5 =	vadd.f32 v8, v5  }
0x183: {  	[tilespmem:s25+$0xE0] =	vst v10;
	v4 =	vmax.f32 v4, $0.0e+00;
	v3 =	vadd.f32 v9, v3  }
0x184: {  	v58 =	vld [tilespmem:s28+$0xF0];
	[tilespmem:s25+$0xFFFFFFE0] =	vst v4;
	v59 =	vmax.f32 v5, $0.0e+00  }
0x185: {  	v61 =	vld [tilespmem:s28+$0xFFFFFFF0];
	v3 =	vmax.f32 v3, $0.0e+00;
	[tilespmem:s25+$0x60] =	vst v59  }
0x186: {  	[tilespmem:s25+$0xFFFFFF60] =	vst v3;
	v62 =	vld [tilespmem:s28+$0x70]  }
0x187: {  	v60 =	vld [tilespmem:s28+$0xFFFFFF70];
	_ =	sdelay $0x1  }
0x188: {  	v6 =	vadd.f32 v58, v6  }
0x189: {  	v1 =	vadd.f32 v61, v1  }
0x18a: {  	v63 =	vmax.f32 v6, $0.0e+00;
	v0 =	vadd.f32 v62, v0  }
0x18b: {  	[tilespmem:s25+$0xF0] =	vst v63;
	v1 =	vmax.f32 v1, $0.0e+00;
	v2 =	vadd.f32 v60, v2  }
0x18c: {  	[tilespmem:s25+$0xFFFFFFF0] =	vst v1;
	v0 =	vmax.f32 v0, $0.0e+00  }
.Ltmp4:
0x18d: {  	v2 =	vmax.f32 v2, $0.0e+00;
	[tilespmem:s25+$0x70] =	vst v0;
	(pc) =	sbr.rel @p0 .LBB2_8-.Ltmp4, $4  }
0x18e: {  	[tilespmem:s25+$0xFFFFFF70] =	vst v2  }
0x18f: {  	_ =	swait.ge [sflag:s8], $0x3000  }
0x190: {  	[sflag:s8] =	ssyncset.done $0x0  }
0x191: {  	[sflag:s8] =	ssyncadd.s32 $0xFFFFD000  }
0x192: {  	_ =	swait.ge [sflag:s22], $0xC0  }
0x193: {  	[sflag:s22] =	ssyncset.done $0x0  }
0x194: {  	[sflag:s22] =	ssyncadd.s32 $0xFFFFFF40  }
0x195: {  	[tilespmem:s24], [sflag:$0x3] =	stream.indirect.gather [hbm4b:s1+s23], $0x80, s20, s23, $0xb8;
	[tilespmem:$0x1FF00] =	vst v63  }
0x196: {  	s2 =	simm.s32 $0x1FC30;
	s7 =	simm.s32 $0x15400;
	s26 =	sadd.s32 s26, s15  }
0x197: {  	[tilespmem:s7], [sflag:$0x3] =	stream.indirect.gather [hbm4b:s1+s23], $0x80, s2, s23, $0xb8;
	[tilespmem:$0x1FF00] =	vst v63  }
.Ltmp5:
0x198: {  	s2 =	sshll.u32 s26, $0x4;
	(pc) =	sbr.rel .LBB2_2-.Ltmp5, $4  }
0x199: {  	s28 =	simm.s32 $0x19C00;
	s2 =	sadd.s32 s5, s2  }
0x19a: {  	[tilespmem:s28], [sflag:$0x5] =	stream.linear.gather [hbm4b:s2+s4], $0x3000, $0x38;
	[tilespmem:$0x1FF00] =	vst v63  }
0x19b: {  	s19 =	sadd.s32 $0x1, s19  }
0x19c: {  	[spmem:s3] =	stream.indirect.scatter.add.f32 [tilespmem:s0], [sflag:$0x8], $0x80, s18, s10, $0xb8;
	[tilespmem:$0x1FF00] =	vst v63  }
.LBB2_9:
0x19d: {  	_ =	sfence.sel $0x180000  }
0x19e: {  	[bflag:$0x0] =	sbarrier.arrive $0xFFFF  }
0x19f: {  	_ =	strace $0x90000047  }
0x1a0: {  	s0 =	stileid.u32;
	[bflag:$0x2] =	sbarrier.arrive $0xFFFF  }
0x1a1: {  	p0 =	sne.s32 s0, $0x0;
	s0 =	rddreg [dreg:$0x3]  }
0x1a2: {  	s0 =	sadd.s32 @!p0 $0x100000, s0  }
0x1a3: {  	[sflag:s0] =	ssyncadd.tile.s32 @!p0 $0x1;
	_ =	shalt  }
.Lfunc_end2:
_tile_overlayer_lowered:
.L_overlay_start_2:
0x1a4: {  	(tag) =	ssettag $0x2  }
0x1a5: {  	s0 =	rddreg [dreg:$0x0];
	s2 =	stileid.u32  }
0x1a6: {  	s1 =	rddreg [dreg:$0x1];
	p0 =	sne.s32 s2, $0x0  }
0x1a7: {  	s3 =	rddreg [dreg:$0x2];
	[bflag:$0x3] =	sbarrier.arrive $0xFFFF;
	s2 =	simm.s32 @!p0 $0x1C09  }
0x1a8: {  	[timem:s3], [sflag:s2] =	dma.local @!p0 [hbm:s0], s1  }
0x1a9: {  	s0 =	simm.s32 @!p0 $0x9  }
0x1aa: {  	_ =	swait.ge @!p0 [sflag:s0], s1  }
0x1ab: {  	s1 =	ssub.s32 @!p0 $0x0, s1;
	[sflag:s0] =	ssyncset.done @!p0 $0x0  }
0x1ac: {  	[sflag:s0] =	ssyncadd.s32 @!p0 s1  }
0x1ad: {  	[bflag:$0x3] =	sbarrier.arrive $0xFFFF  }
0x1ae: {  	_ =	shalt  }

// kernel: kernel.14.cloned.1.call-start
scs
__scs_entry_jumppad:
0x0: {  	(pc) =	sbr.rel $0x88, $3  }
0x1: {  	(tag) =	ssettag $0x0;
	lr =	simm.s32 $0x1  }
0x2: {  	[smem:$0x3F98] =	sst lr;
	_ =	strace $0xD0000000  }
0x3: {  	_ = 	snop  }
0x4: {  	_ = 	snop  }
0x5: {  	_ = 	snop  }
0x6: {  	_ = 	snop  }
0x7: {  	_ = 	snop  }
__scs_overlays_trampoline_lowered:
0x8: {  	[smem:$0x3FA7] =	sst s0  }
0x9: {  	[smem:$0x3FA8] =	sst s1  }
0xa: {  	[smem:$0x3FA9] =	sst s2  }
0xb: {  	[smem:$0x3FAA] =	sst s3  }
0xc: {  	[smem:$0x3FAB] =	sst s4  }
0xd: {  	[smem:$0x3FAC] =	sst s5  }
0xe: {  	[smem:$0x3FAD] =	sst s6  }
0xf: {  	[smem:$0x3FAE] =	sst s7  }
0x10: {  	[smem:$0x3FAF] =	sst s8  }
0x11: {  	[smem:$0x3FB0] =	sst s9;
	s0 =	simm.s32 @!p0 $0x0  }
0x12: {  	s1 =	sld [smem:$0x3F96];
	s0 =	simm.s32 @p0 $0x1  }
0x13: {  	[smem:$0x3FB1] =	sst s0;
	s0 =	simm.s32 @!p1 $0x0  }
0x14: {  	s2 =	sld [smem:$0x3F95];
	s0 =	simm.s32 @p1 $0x1  }
0x15: {  	[smem:$0x3FB2] =	sst s0;
	s0 =	simm.s32 @!p2 $0x0  }
0x16: {  	s3 =	sld [smem:$0x3FDB];
	s0 =	simm.s32 @p2 $0x1  }
0x17: {  	s4 =	simm.s32 $0x1BF5;
	[smem:$0x3FB4] =	sst s0  }
0x18: {  	s0 =	sld [smem:$0x3F97];
	_ =	swait.ge [sflag:s4], $0x0  }
0x19: {  	s7 =	sld [smem:$0x3F98]  }
0x1a: {  	s8 =	sadd.s32 $0xFFFFE003, lr  }
0x1b: {  	s9 =	sadd.s32 $0xFFFFFEF7, lr;
	s5 =	simm.s32 $0xFFFFFFFF;
	p2 =	slt.u32 s8, $0xFFFFF086  }
0x1c: {  	p1 =	slt.u32 s9, $0xF7A;
	s5 =	simm.s32 @!p2 $0x0  }
0x1d: {  	s5 =	simm.s32 @p1 $0x1;
	p0 =	seq.s32 s7, s2  }
0x1e: {  	s7 =	smul.u32 @!p0 $0xF7A, s2;
	p2 =	seq.s32 @!p0 s5, $0x0  }
0x1f: {  	s9 =	smul.u32 $0xF7A, s1;
	s8 =	simm.s32 @!p0 $0x1BF5;
	p2 =	por !p2, p0  }
0x20: {  	[sflag:s8] =	ssyncset.s32 @!p0 $0xFFFFF086;
	s6 =	sadd.s32 @!p0 s3, s7;
	s7 =	simm.s32 @!p0 $0x108  }
0x21: {  	s3 =	sadd.s32 s3, s9;
	s6 =	sadd.s32 @!p0 $0x88, s6;
	s7 =	simm.s32 @p2 $0x1082  }
0x22: {  	[simem:s7], [sflag:s8] =	dma.local @!p0 [hbm:s6], $0xF7A  }
0x23: {  	s9 =	sor.u32 $0xD0000000, s2;
	s6 =	simm.s32 $0x108;
	_ =	swait.ge @!p0 [sflag:s8], $0x0  }
0x24: {  	s3 =	sadd.s32 $0x88, s3;
	s6 =	simm.s32 @!p1 $0x1082;
	[sflag:s4] =	ssyncset.s32 $0xFFFFF086  }
0x25: {  	[simem:s6], [sflag:s4] =	dma.local [hbm:s3], $0xF7A  }
0x26: {  	[smem:$0x3F98] =	sst s1;
	(tag) =	ssettag s2;
	_ =	strace s9  }
0x27: {  	s1 =	sld [smem:$0x3FA8]  }
0x28: {  	s2 =	sld [smem:$0x3FA9]  }
0x29: {  	s4 =	sld [smem:$0x3FAB]  }
0x2a: {  	p0 =	seq.s32 s5, $0x0;
	s5 =	sld [smem:$0x3FAC]  }
0x2b: {  	s6 =	sld [smem:$0x3FAD]  }
0x2c: {  	s7 =	sld [smem:$0x3FAE]  }
0x2d: {  	s3 =	simm.s32 $0x108;
	s8 =	sld [smem:$0x3FAF]  }
0x2e: {  	s3 =	simm.s32 @!p0 $0x1082;
	s9 =	sld [smem:$0x3FB0]  }
0x2f: {  	lr =	sadd.s32 s0, s3;
	s0 =	sld [smem:$0x3FA7]  }
0x30: {  	s3 =	sld [smem:$0x3FAA]  }
0x31: {  	[smem:$0x3FB3] =	sst s10  }
0x32: {  	s10 =	sld [smem:$0x3FB1];
	_ =	sdelay $0x3  }
0x33: {  	p0 =	seq.s32 s10, $0x1;
	s10 =	sld [smem:$0x3FB3];
	_ =	sdelay $0x3  }
0x34: {  	[smem:$0x3FB3] =	sst s10  }
0x35: {  	s10 =	sld [smem:$0x3FB2];
	_ =	sdelay $0x3  }
0x36: {  	p1 =	seq.s32 s10, $0x1;
	s10 =	sld [smem:$0x3FB3];
	_ =	sdelay $0x3  }
0x37: {  	[smem:$0x3FB3] =	sst s10  }
0x38: {  	s10 =	sld [smem:$0x3FB4]  }
0x39: {  	_ = 	snop;
	(pc) =	sbr.ind lr, $3  }
0x3a: {  	_ = 	snop  }
0x3b: {  	_ = 	snop  }
0x3c: {  	p2 =	seq.s32 s10, $0x1;
	s10 =	sld [smem:$0x3FB3]  }
0x3d: {  	_ =	shalt  }
0x3e: {  	_ =	shalt  }
0x3f: {  	_ =	shalt  }
0x40: {  	_ =	shalt  }
0x41: {  	_ =	shalt  }
0x42: {  	_ =	shalt  }
0x43: {  	_ =	shalt  }
0x44: {  	_ =	shalt  }
0x45: {  	_ =	shalt  }
0x46: {  	_ =	shalt  }
0x47: {  	_ =	shalt  }
0x48: {  	_ =	shalt  }
0x49: {  	_ =	shalt  }
0x4a: {  	_ =	shalt  }
0x4b: {  	_ =	shalt  }
0x4c: {  	_ =	shalt  }
0x4d: {  	_ =	shalt  }
0x4e: {  	_ =	shalt  }
0x4f: {  	_ =	shalt  }
0x50: {  	_ =	shalt  }
0x51: {  	_ =	shalt  }
0x52: {  	_ =	shalt  }
0x53: {  	_ =	shalt  }
0x54: {  	_ =	shalt  }
0x55: {  	_ =	shalt  }
0x56: {  	_ =	shalt  }
0x57: {  	_ =	shalt  }
0x58: {  	_ =	shalt  }
0x59: {  	_ =	shalt  }
0x5a: {  	_ =	shalt  }
0x5b: {  	_ =	shalt  }
0x5c: {  	_ =	shalt  }
0x5d: {  	_ =	shalt  }
0x5e: {  	_ =	shalt  }
0x5f: {  	_ =	shalt  }
0x60: {  	_ =	shalt  }
0x61: {  	_ =	shalt  }
0x62: {  	_ =	shalt  }
0x63: {  	_ =	shalt  }
0x64: {  	_ =	shalt  }
0x65: {  	_ =	shalt  }
0x66: {  	_ =	shalt  }
0x67: {  	_ =	shalt  }
0x68: {  	_ =	shalt  }
0x69: {  	_ =	shalt  }
0x6a: {  	_ =	shalt  }
0x6b: {  	_ =	shalt  }
0x6c: {  	_ =	shalt  }
0x6d: {  	_ =	shalt  }
0x6e: {  	_ =	shalt  }
0x6f: {  	_ =	shalt  }
0x70: {  	_ =	shalt  }
0x71: {  	_ =	shalt  }
0x72: {  	_ =	shalt  }
0x73: {  	_ =	shalt  }
0x74: {  	_ =	shalt  }
0x75: {  	_ =	shalt  }
0x76: {  	_ =	shalt  }
0x77: {  	_ =	shalt  }
0x78: {  	_ =	shalt  }
0x79: {  	_ =	shalt  }
0x7a: {  	_ =	shalt  }
0x7b: {  	_ =	shalt  }
0x7c: {  	_ =	shalt  }
0x7d: {  	_ =	shalt  }
0x7e: {  	_ =	shalt  }
0x7f: {  	_ =	shalt  }
0x80: {  	_ =	shalt  }
0x81: {  	_ =	shalt  }
0x82: {  	_ =	shalt  }
0x83: {  	_ =	shalt  }
0x84: {  	_ =	shalt  }
0x85: {  	_ =	shalt  }
0x86: {  	_ =	shalt  }
0x87: {  	_ =	shalt  }
.Lfunc_end0:
.L_simem_size_0:
called_computation.1_lowered:
.L_overlay_start_0:
0x88: {  	s2 =	sld [smem:$0x3FD9]  }
0x89: {  	s3 =	sld [smem:$0x3FFE];
	_ =	sdelay $0x1  }
0x8a: {  	s1 =	srdreg.scid  }
0x8b: {  	s0 =	sand.u32 $0x1, s1  }
0x8c: {  	s17 =	sshll.u32 s0, $0xA;
	s2 =	sadd.s32 s3, s2  }
0x8d: {  	s2 =	sadd.s32 s2, s17  }
0x8e: {  	[smem:$0x3FBF] =	sst s2  }
0x8f: {  	_ = 	snop  }
0x90: {  	s2 =	sld [smem:$0x3FD0];
	(tm) =	ssettm $0x1  }
0x91: {  	s18 =	sld [smem:$0x3FFB];
	_ =	sdelay $0x3  }
0x92: {  	_ =	strace s18  }
0x93: {  	s3 =	sld [smem:$0x3FFC];
	_ =	sdelay $0x3  }
0x94: {  	_ =	strace s3  }
0x95: {  	s3 =	sld [smem:$0x3FFD];
	_ =	sdelay $0x3  }
0x96: {  	_ =	strace s3  }
0x97: {  	_ =	strace $0x8FFFFFFF  }
0x98: {  	s19 =	sld [smem:$0x3FDB];
	_ =	sdelay $0x1  }
0x99: {  	s4 =	simm.s32 $_scs_section_size  }
0x9a: {  	s5 =	simm.s32 $_size__tile_overlayer_lowered;
	s6 =	simm.s32 $_tile_overlayer_lowered  }
0x9b: {  	s22 =	simm.s32 $0x1BFF;
	s21 =	sshll.u32 s6, $0x1;
	s3 =	sadd.s32 s4, s19  }
0x9c: {  	s7 =	simm.s32 $0x0;
	s20 =	sshll.u32 s5, $0x1;
	s5 =	sadd.s32 s21, s3  }
0x9d: {  	[timem:s7], [sflag:s22] =	dma.local [hbm:s5], s20  }
0x9e: {  	_ =	swait.ge [sflag:s22], s20  }
0x9f: {  	s4 =	ssub.s32 $0x0, s20;
	[sflag:s22] =	ssyncset.done $0x0  }
0xa0: {  	[sflag:s22] =	ssyncadd.s32 s4;
	_ =	sdelay $0x1  }
0xa1: {  	s23 =	simm.s32 $0x1B8B  }
0xa2: {  	_ =	swait.ge [sflag:s23], $0x1  }
0xa3: {  	[sflag:s23] =	ssyncset.done $0x0  }
0xa4: {  	s25 =	simm.s32 $0x1B8E;
	s24 =	sld [smem:$0x3FFE];
	[sflag:s23] =	ssyncadd.s32 $0xFFFFFFFF  }
0xa5: {  	s26 =	simm.s32 $execute0_lowered;
	[smem:$0x3FD2] =	sst s25  }
0xa6: {  	s5 =	sshll.u32 s26, $0x1;
	_ =	strace $0x80000049;
	[dreg:$0x1] =	wrdreg $0xFFFFFFFF  }
0xa7: {  	s28 =	simm.s32 $_size_execute0_lowered;
	s3 =	sadd.s32 s3, s5;
	[dreg:$0x0] =	wrdreg $0x0  }
0xa8: {  	s5 =	sshll.u32 s28, $0x1;
	[dreg:$0x2] =	wrdreg s3  }
0xa9: {  	[dreg:$0x3] =	wrdreg s5  }
0xaa: {  	[dreg:$0x4] =	wrdreg $0xC0  }
0xab: {  	_ =	task [dreg:s7], $0x5FFFF  }
0xac: {  	[dreg:$0x1] =	wrdreg $0xFFFFFFFF  }
0xad: {  	[dreg:$0x0] =	wrdreg $0x60  }
0xae: {  	[dreg:$0x2] =	wrdreg s2  }
0xaf: {  	[dreg:$0x3] =	wrdreg s24  }
0xb0: {  	[dreg:$0x4] =	wrdreg $0x0  }
0xb1: {  	[dreg:$0x5] =	wrdreg $0x9  }
0xb2: {  	_ =	task.clear_ibuf [dreg:s7], $0x6FFFF;
	_ =	strace $0x90000049  }
0xb3: {  	s29 =	simm.s32 $0x9;
	_ =	strace $0x8000004B  }
0xb4: {  	_ =	swait.ge [sflag:s29], $0x1  }
0xb5: {  	[sflag:s29] =	ssyncadd.s32 $0xFFFFFFFF  }
0xb6: {  	_ =	strace $0x9000004B  }
0xb7: {  	_ =	sfence  }
0xb8: {  	s30 =	sld [smem:$0x0];
	_ =	sdelay $0x2  }
0xb9: {  	s31 =	sshll.u32 s1, $0xD;
	s1 =	sshrl.u32 s1, $0x2  }
0xba: {  	s3 =	sand.u32 $0x4000, s31;
	s1 =	sadd.s32 s1, s30  }
0xbb: {  	s0 =	sor.u32 s3, s0;
	s1 =	sshll.u32 s1, $0x11  }
0xbc: {  	s0 =	sor.u32 s1, s0  }
0xbd: {  	s0 =	sadd.s32 $0x8F2B, s0  }
0xbe: {  	[sflag:s0] =	ssyncadd.remote.s32 $0x1  }
0xbf: {  	_ =	sfence.sel $0xFFFF  }
0xc0: {  	[dreg:$0x0] =	wrdreg $0xFFFFFFFF;
	(pc) =	sbr.abs _section_cstart, $3  }
0xc1: {  	[dreg:$0x1] =	wrdreg $0xFFFFFFFF  }
0xc2: {  	_ =	task.clear_ibuf [dreg:s7], $0x2FFFF;
	_ =	strace $0x9FFFFFFF  }
0xc3: {  	(tm) =	ssettm $0x7FFFFFFF  }
tec
execute0_lowered:
.L_overlay_start_1:
0x0: {  	(tag) =	ssettag $0x1  }
0x1: {  	s1 =	rddreg [dreg:$0x0]  }
0x2: {  	s0 =	rddreg [dreg:$0x1]  }
0x3: {  	s3 =	rddreg [dreg:$0x2]  }
0x4: {  	s4 =	simm.s32 $0x0;
	s13 =	stileid.u32;
	s2 =	srdreg.scid  }
0x5: {  	s20 =	simm.s32 $0x1FC00;
	s21 =	simm.s32 $0x1FD00;
	s29 =	simm.s32 $0x3  }
0x6: {  	s30 =	simm.s32 $0x5;
	s31 =	simm.s32 $0x2;
	s16 =	simm.s32 $0x4  }
0x7: {  	s17 =	simm.s32 $0x6;
	s18 =	simm.s32 $0x1FE80;
	s7 =	smul.u32 $0x13C00, s13  }
0x8: {  	s2 =	sand.u32 $0x1, s2;
	s9 =	sshll.u32 s13, $0x1;
	s11 =	smul.u32 $0x4F000, s13  }
0x9: {  	s5 =	sadd.s32 $0xEEAC00, s0;
	s8 =	smul.u32 $0x13C000, s2;
	s9 =	sor.u32 s2, s9  }
0xa: {  	[smem:$0x7FF] =	sst s4;
	s6 =	sadd.s32 $0x4E6E00, s0;
	s22 =	smul.u32 $0x27C0, s9  }
0xb: {  	s13 =	sshll.u32 s13, $0x6;
	_ =	strace $0x8000004A;
	s12 =	smul.u32 $0x9F0, s9  }
0xc: {  	s2 =	ssub.s32 $0x2, s2;
	s19 =	sor.u32 $0x1C09, s13;
	s25 =	smul.u32 $0x4F80, s9  }
0xd: {  	s10 =	sshrl.u32 s7, $0x3;
	s23 =	sshrl.u32 s2, $0x1;
	s26 =	smul.u32 $0x6A, s9  }
0xe: {  	s24 =	sshrl.u32 s11, $0x2;
	s9 =	smul.u32 $0x27C00, s9;
	[dreg:$0x5] =	wrdreg s19  }
0xf: {  	s10 =	sadd.s32 s10, s0;
	s7 =	sadd.s32 s7, s8;
	s2 =	ssub.s32 s2, s23  }
0x10: {  	s23 =	simm.s32 $0x30;
	s8 =	simm.s32 $0x7;
	s7 =	sshrl.u32 s7, $0x3  }
0x11: {  	s10 =	sadd.s32 $0x4800, s10;
	s11 =	sshrl.u32 s25, $0x3;
	s12 =	sadd.s32 s6, s12  }
0x12: {  	s9 =	sadd.s32 s5, s9;
	s13 =	sadd.s32 $0x60, s22;
	s14 =	sadd.s32 $0x3, s26  }
0x13: {  	s15 =	sadd.s32 $0xC0, s22;
	s28 =	smax.u32 s2, $0x1;
	s22 =	simm.s32 $0x1  }
0x14: {  	s25 =	simm.s32 $0x0;
	s0 =	sadd.s32 s7, s0;
	[dreg:$0x4] =	wrdreg s10  }
0x15: {  	s7 =	sadd.s32 s24, s3;
	[dreg:$0x6] =	wrdreg s12;
	s11 =	sadd.s32 s6, s11  }
.Ltmp0:
0x16: {  	[dreg:$0x8] =	wrdreg s9;
	s12 =	sadd.s32 $0x2, s26;
	(pc) =	sbr.rel .LBB2_1-.Ltmp0, $4  }
0x17: {  	[dreg:$0xa] =	wrdreg s28;
	s9 =	simm.s32 $0x9;
	s11 =	sadd.s32 $0x18, s11  }
0x18: {  	s24 =	simm.s32 $0x13C00;
	s0 =	sadd.s32 $0x2C000, s0;
	[dreg:$0x7] =	wrdreg s11  }
0x19: {  	s10 =	simm.s32 $0x60;
	s7 =	sshrl.u32 s7, $0x3;
	[dreg:$0x9] =	wrdreg s0  }
0x1a: {  	s0 =	simm.s32 $0x16C00;
	s11 =	simm.s32 $0x1FE00;
	[dreg:$0xb] =	wrdreg s7  }
.LBB2_8:
0x1b: {  	[spmem:s3] =	stream.indirect.scatter.add.f32 [tilespmem:s0], [sflag:$0x8], $0x80, s18, s10, $0xb8;
	[tilespmem:$0x1FF00] =	vst v63  }
0x1c: {  	s2 =	simm.s32 $0x8  }
0x1d: {  	_ =	swait.ge [sflag:s2], $0x3000  }
0x1e: {  	[sflag:s2] =	ssyncset.done $0x0  }
0x1f: {  	[sflag:s2] =	ssyncadd.s32 $0xFFFFD000  }
0x20: {  	[bflag:$0x0] =	sbarrier.arrive $0xFFFF  }
0x21: {  	s19 =	rddreg [dreg:$0x5]  }
0x22: {  	s26 =	rddreg [dreg:$0x9]  }
0x23: {  	s9 =	simm.s32 $0x9;
	s7 =	rddreg [dreg:$0xb]  }
0x24: {  	[hbm:s26], [sflag:s19] =	dma.local [spmem:s7], $0x2780  }
0x25: {  	_ =	swait.ge [sflag:s9], $0x2780  }
0x26: {  	s25 =	rddreg [dreg:$0xc]  }
0x27: {  	s28 =	rddreg [dreg:$0xa];
	s25 =	sadd.s32 $0x1, s25  }
0x28: {  	p0 =	sne.s32 s25, s28  }
.Ltmp1:
0x29: {  	_ = 	snop;
	(pc) =	sbr.rel @!p0 .LBB2_9-.Ltmp1, $3  }
0x2a: {  	_ =	sdelay $0x1  }
0x2b: {  	[sflag:s9] =	ssyncset.done $0x0  }
0x2c: {  	[sflag:s9] =	ssyncadd.s32 $0xFFFFD880  }
.LBB2_1:
0x2d: {  	[dreg:$0xc] =	wrdreg s25  }
0x2e: {  	s2 =	rddreg [dreg:$0x4]  }
0x2f: {  	[spmem:s7], [sflag:s19] =	dma.local [hbm:s2], $0x2780  }
0x30: {  	_ =	swait.ge [sflag:s9], $0x2780  }
0x31: {  	[sflag:s9] =	ssyncset.done $0x0  }
0x32: {  	[sflag:s9] =	ssyncadd.s32 $0xFFFFD880  }
0x33: {  	[bflag:$0x0] =	sbarrier.arrive $0xFFFF  }
0x34: {  	s7 =	rddreg [dreg:$0x6]  }
0x35: {  	[tilespmem:s20], [sflag:$0x1] =	stream.linear.gather [hbm4b:s7+s4], $0xC0, $0x38;
	[tilespmem:$0x1FF00] =	vst v63  }
0x36: {  	s9 =	rddreg [dreg:$0x7]  }
0x37: {  	[tilespmem:s21], [sflag:$0x2] =	stream.linear.gather [hbm4b:s9+s4], $0xC0, $0x38;
	[tilespmem:$0x1FF00] =	vst v63  }
0x38: {  	_ =	swait.ge [sflag:s22], $0xC0  }
0x39: {  	[sflag:s22] =	ssyncset.done $0x0  }
0x3a: {  	[sflag:s22] =	ssyncadd.s32 $0xFFFFFF40  }
0x3b: {  	[tilespmem:s24], [sflag:$0x3] =	stream.indirect.gather [hbm4b:s1+s23], $0x80, s20, s23, $0xb8;
	[tilespmem:$0x1FF00] =	vst v63  }
0x3c: {  	s25 =	simm.s32 $0x15400;
	s19 =	simm.s32 $0x1FC30  }
0x3d: {  	[tilespmem:s25], [sflag:$0x3] =	stream.indirect.gather [hbm4b:s1+s23], $0x80, s19, s23, $0xb8;
	[tilespmem:$0x1FF00] =	vst v63  }
0x3e: {  	s28 =	simm.s32 $0x19C00;
	s26 =	rddreg [dreg:$0x8];
	s19 =	simm.s32 $0x0  }
0x3f: {  	[tilespmem:s28], [sflag:$0x5] =	stream.linear.gather [hbm4b:s26+s4], $0x3000, $0x38;
	[tilespmem:$0x1FF00] =	vst v63  }
.LBB2_2:
0x40: {  	_ =	swait.ge [sflag:s29], $0x3000  }
0x41: {  	[sflag:s29] =	ssyncset.done $0x0  }
0x42: {  	[sflag:s29] =	ssyncadd.s32 $0xFFFFD000  }
0x43: {  	_ =	swait.ge [sflag:s30], $0x3000  }
0x44: {  	[sflag:s30] =	ssyncset.done $0x0  }
0x45: {  	[sflag:s30] =	ssyncadd.s32 $0xFFFFD000  }
0x46: {  	v0 =	vld [tilespmem:$0x1FC60]  }
0x47: {  	v1 =	vld [tilespmem:$0x1FC70]  }
0x48: {  	v2 =	vld [tilespmem:$0x1FC80]  }
0x49: {  	v3 =	vld [tilespmem:$0x1FC90]  }
0x4a: {  	v4 =	vld [tilespmem:$0x1FCA0]  }
0x4b: {  	[tilespmem:$0x1FE00] =	vst v0;
	v0 =	vld [tilespmem:$0x1FCB0]  }
0x4c: {  	s25 =	sshll.u32 s19, $0x1;
	p0 =	seq.s32 s19, $0x34;
	[tilespmem:$0x1FE10] =	vst v1  }
0x4d: {  	s2 =	sadd.s32 @!p0 s25, s12;
	[tilespmem:$0x1FE20] =	vst v2  }
0x4e: {  	s2 =	smul.u32 @!p0 $0x18, s2;
	[tilespmem:$0x1FE30] =	vst v3  }
0x4f: {  	s26 =	simm.s32 $0x13D00;
	[tilespmem:$0x1FE40] =	vst v4  }
0x50: {  	s7 =	simm.s32 @!p0 $0x0;
	s9 =	simm.s32 @!p0 $0x1FC00;
	s2 =	sadd.s32 @!p0 s6, s2;
	[tilespmem:$0x1FE50] =	vst v0  }
0x51: {  	[tilespmem:s9], [sflag:$0x1] =	stream.linear.gather @!p0 [hbm4b:s2+s7], $0xC0, $0x38;
	[tilespmem:$0x1FF00] =	vst v63  }
0x52: {  	s28 =	simm.s32 $0x19D00;
	v0 =	vld [tilespmem:s26+$0x80]  }
0x53: {  	v1 =	vld [tilespmem:s28+$0x80]  }
0x54: {  	v2 =	vld [tilespmem:s28+$0xFFFFFF00]  }
0x55: {  	v3 =	vld [tilespmem:s26+$0xFFFFFF80]  }
0x56: {  	v4 =	vld [tilespmem:s28+$0xFFFFFF80]  }
0x57: {  	v5 =	vld [tilespmem:s28+$0x0]  }
0x58: {  	v0 =	vadd.f32 v1, v0;
	v1 =	vld [tilespmem:s26+$0x0]  }
0x59: {  	v6 =	vld [tilespmem:s26+$0xFFFFFF00]  }
0x5a: {  	v0 =	vmax.f32 v0, $0.0e+00  }
0x5b: {  	v3 =	vadd.f32 v4, v3;
	[tilespmem:s26+$0x80] =	vst v0;
	v0 =	vld [tilespmem:s26+$0x90]  }
0x5c: {  	v7 =	vld [tilespmem:s28+$0x90]  }
0x5d: {  	v8 =	vld [tilespmem:s26+$0xFFFFFF90];
	v3 =	vmax.f32 v3, $0.0e+00;
	v1 =	vadd.f32 v5, v1  }
0x5e: {  	v4 =	vld [tilespmem:s26+$0xFFFFFF10];
	v2 =	vadd.f32 v2, v6;
	[tilespmem:s26+$0xFFFFFF80] =	vst v3  }
0x5f: {  	v5 =	vld [tilespmem:s28+$0xFFFFFF90];
	v1 =	vmax.f32 v1, $0.0e+00  }
0x60: {  	v2 =	vmax.f32 v2, $0.0e+00;
	v3 =	vld [tilespmem:s26+$0x10];
	[tilespmem:s26+$0x0] =	vst v1  }
0x61: {  	[tilespmem:s26+$0xFFFFFF00] =	vst v2;
	v0 =	vadd.f32 v7, v0;
	v1 =	vld [tilespmem:s28+$0x10]  }
0x62: {  	v2 =	vld [tilespmem:s28+$0xFFFFFF10]  }
0x63: {  	v0 =	vmax.f32 v0, $0.0e+00  }
0x64: {  	v5 =	vadd.f32 v5, v8;
	[tilespmem:s26+$0x90] =	vst v0;
	v0 =	vld [tilespmem:s26+$0xA0]  }
0x65: {  	v7 =	vld [tilespmem:s28+$0xA0]  }
0x66: {  	v6 =	vld [tilespmem:s26+$0xFFFFFF20];
	v5 =	vmax.f32 v5, $0.0e+00;
	v1 =	vadd.f32 v1, v3  }
0x67: {  	v2 =	vadd.f32 v2, v4;
	v8 =	vld [tilespmem:s26+$0xFFFFFFA0];
	[tilespmem:s26+$0xFFFFFF90] =	vst v5  }
0x68: {  	v4 =	vld [tilespmem:s28+$0xFFFFFFA0];
	v1 =	vmax.f32 v1, $0.0e+00  }
0x69: {  	v2 =	vmax.f32 v2, $0.0e+00;
	v3 =	vld [tilespmem:s26+$0x20];
	[tilespmem:s26+$0x10] =	vst v1  }
0x6a: {  	[tilespmem:s26+$0xFFFFFF10] =	vst v2;
	v0 =	vadd.f32 v7, v0;
	v1 =	vld [tilespmem:s28+$0x20]  }
0x6b: {  	v2 =	vld [tilespmem:s28+$0xFFFFFF20]  }
0x6c: {  	v0 =	vmax.f32 v0, $0.0e+00  }
0x6d: {  	v4 =	vadd.f32 v4, v8;
	[tilespmem:s26+$0xA0] =	vst v0;
	v0 =	vld [tilespmem:s26+$0xB0]  }
0x6e: {  	v7 =	vld [tilespmem:s28+$0xB0]  }
0x6f: {  	v9 =	vld [tilespmem:s26+$0x30];
	v4 =	vmax.f32 v4, $0.0e+00;
	v1 =	vadd.f32 v1, v3  }
0x70: {  	v2 =	vadd.f32 v2, v6;
	v8 =	vld [tilespmem:s26+$0xFFFFFFB0];
	[tilespmem:s26+$0xFFFFFFA0] =	vst v4  }
0x71: {  	v3 =	vld [tilespmem:s28+$0xFFFFFFB0];
	v1 =	vmax.f32 v1, $0.0e+00  }
0x72: {  	v5 =	vld [tilespmem:s26+$0xFFFFFF30];
	[tilespmem:s26+$0x20] =	vst v1;
	v1 =	vmax.f32 v2, $0.0e+00  }
0x73: {  	v0 =	vadd.f32 v7, v0;
	[tilespmem:s26+$0xFFFFFF20] =	vst v1;
	v1 =	vld [tilespmem:s28+$0x30]  }
0x74: {  	v6 =	vld [tilespmem:s28+$0xFFFFFF30]  }
0x75: {  	v10 =	vld [tilespmem:s26+$0xFFFFFF40];
	v0 =	vmax.f32 v0, $0.0e+00  }
0x76: {  	v3 =	vadd.f32 v3, v8;
	[tilespmem:s26+$0xB0] =	vst v0;
	v0 =	vld [tilespmem:s26+$0xC0]  }
0x77: {  	v7 =	vld [tilespmem:s28+$0xC0]  }
0x78: {  	v11 =	vld [tilespmem:s26+$0xFFFFFFD0];
	v3 =	vmax.f32 v3, $0.0e+00;
	v1 =	vadd.f32 v1, v9  }
0x79: {  	v4 =	vld [tilespmem:s26+$0xFFFFFFC0];
	[tilespmem:s26+$0xFFFFFFB0] =	vst v3;
	v5 =	vadd.f32 v6, v5  }
0x7a: {  	v6 =	vld [tilespmem:s28+$0xFFFFFFC0];
	v1 =	vmax.f32 v1, $0.0e+00  }
0x7b: {  	v2 =	vld [tilespmem:s26+$0x40];
	[tilespmem:s26+$0x30] =	vst v1;
	v1 =	vmax.f32 v5, $0.0e+00  }
0x7c: {  	v0 =	vadd.f32 v7, v0;
	v5 =	vld [tilespmem:s28+$0x40];
	[tilespmem:s26+$0xFFFFFF30] =	vst v1  }
0x7d: {  	v1 =	vld [tilespmem:s28+$0xFFFFFF40]  }
0x7e: {  	v8 =	vld [tilespmem:s26+$0xFFFFFF50];
	v0 =	vmax.f32 v0, $0.0e+00  }
0x7f: {  	[tilespmem:s26+$0xC0] =	vst v0;
	v0 =	vadd.f32 v6, v4;
	v6 =	vld [tilespmem:s26+$0xD0]  }
0x80: {  	v7 =	vld [tilespmem:s28+$0xD0]  }
0x81: {  	v3 =	vld [tilespmem:s26+$0xFFFFFF60];
	v0 =	vmax.f32 v0, $0.0e+00;
	v2 =	vadd.f32 v5, v2  }
0x82: {  	v9 =	vld [tilespmem:s26+$0x50];
	[tilespmem:s26+$0xFFFFFFC0] =	vst v0;
	v0 =	vadd.f32 v1, v10  }
0x83: {  	v1 =	vld [tilespmem:s28+$0xFFFFFFD0];
	v2 =	vmax.f32 v2, $0.0e+00  }
0x84: {  	v4 =	vld [tilespmem:s26+$0xFFFFFFE0];
	[tilespmem:s26+$0x40] =	vst v2;
	v0 =	vmax.f32 v0, $0.0e+00  }
0x85: {  	v2 =	vld [tilespmem:s28+$0x50];
	v6 =	vadd.f32 v7, v6;
	[tilespmem:s26+$0xFFFFFF40] =	vst v0  }
0x86: {  	v0 =	vld [tilespmem:s28+$0xFFFFFF50]  }
0x87: {  	v5 =	vld [tilespmem:s26+$0x60];
	v6 =	vmax.f32 v6, $0.0e+00  }
0x88: {  	v1 =	vadd.f32 v1, v11;
	[tilespmem:s26+$0xD0] =	vst v6;
	v6 =	vld [tilespmem:s26+$0xE0]  }
0x89: {  	v10 =	vld [tilespmem:s28+$0xE0]  }
0x8a: {  	v1 =	vmax.f32 v1, $0.0e+00;
	v7 =	vadd.f32 v2, v9;
	v2 =	vld [tilespmem:s26+$0xFFFFFF70]  }
0x8b: {  	[tilespmem:s26+$0xFFFFFFD0] =	vst v1;
	v0 =	vadd.f32 v0, v8;
	v1 =	vld [tilespmem:s26+$0xFFFFFFF0]  }
0x8c: {  	v8 =	vmax.f32 v7, $0.0e+00;
	v7 =	vld [tilespmem:s28+$0xFFFFFFE0]  }
0x8d: {  	[tilespmem:s26+$0x50] =	vst v8;
	v8 =	vmax.f32 v0, $0.0e+00;
	v0 =	vld [tilespmem:s26+$0x70]  }
0x8e: {  	[tilespmem:s26+$0xFFFFFF50] =	vst v8;
	v8 =	vld [tilespmem:s28+$0x60];
	v6 =	vadd.f32 v10, v6  }
0x8f: {  	v9 =	vld [tilespmem:s28+$0xFFFFFF60]  }
0x90: {  	s2 =	simm.s32 $0x0;
	s7 =	simm.s32 $0x13F00;
	s9 =	simm.s32 $0x19D00;
	v10 =	vmax.f32 v6, $0.0e+00;
	v6 =	vld [tilespmem:s26+$0xF0]  }
.LBB2_3:
0x91: {  	v11 =	vld [tilespmem:s7+$0x80];
	v4 =	vadd.f32 v7, v4;
	[tilespmem:s26+$0xE0] =	vst v10  }
0x92: {  	s9 =	sadd.s32 $0x200, s9;
	v7 =	vld [tilespmem:s28+$0xF0]  }
0x93: {  	s2 =	sadd.s32 $0x4, s2;
	v10 =	vld [tilespmem:s9+$0x80];
	v4 =	vmax.f32 v4, $0.0e+00;
	v5 =	vadd.f32 v8, v5  }
0x94: {  	p1 =	slt.u32 s2, $0x5C;
	v8 =	vld [tilespmem:s9+$0xFFFFFF00];
	v3 =	vadd.f32 v9, v3;
	[tilespmem:s26+$0xFFFFFFE0] =	vst v4  }
0x95: {  	v4 =	vld [tilespmem:s7+$0xFFFFFF80];
	v5 =	vmax.f32 v5, $0.0e+00  }
0x96: {  	v9 =	vld [tilespmem:s9+$0xFFFFFF80];
	v3 =	vmax.f32 v3, $0.0e+00;
	[tilespmem:s26+$0x60] =	vst v5  }
0x97: {  	v5 =	vld [tilespmem:s7+$0x0];
	[tilespmem:s26+$0xFFFFFF60] =	vst v3;
	v3 =	vadd.f32 v7, v6  }
0x98: {  	v6 =	vld [tilespmem:s9+$0x0];
	v7 =	vadd.f32 v10, v11  }
0x99: {  	v10 =	vld [tilespmem:s7+$0xFFFFFF00];
	v3 =	vmax.f32 v3, $0.0e+00  }
0x9a: {  	v11 =	vld [tilespmem:s7+$0xFFFFFF10];
	v7 =	vmax.f32 v7, $0.0e+00;
	[tilespmem:s26+$0xF0] =	vst v3  }
0x9b: {  	v3 =	vadd.f32 v9, v4;
	[tilespmem:s7+$0x80] =	vst v7;
	v4 =	vld [tilespmem:s7+$0x90]  }
0x9c: {  	v7 =	vld [tilespmem:s9+$0x90]  }
0x9d: {  	v3 =	vmax.f32 v3, $0.0e+00;
	v9 =	vld [tilespmem:s7+$0xFFFFFF90];
	v5 =	vadd.f32 v6, v5  }
0x9e: {  	v6 =	vadd.f32 v8, v10;
	[tilespmem:s7+$0xFFFFFF80] =	vst v3;
	v3 =	vld [tilespmem:s7+$0x10]  }
0x9f: {  	v8 =	vld [tilespmem:s9+$0xFFFFFF90];
	v5 =	vmax.f32 v5, $0.0e+00  }
0xa0: {  	v6 =	vmax.f32 v6, $0.0e+00;
	v10 =	vld [tilespmem:s7+$0xFFFFFF20];
	[tilespmem:s7+$0x0] =	vst v5  }
0xa1: {  	[tilespmem:s7+$0xFFFFFF00] =	vst v6;
	v5 =	vld [tilespmem:s9+$0x10];
	v4 =	vadd.f32 v7, v4  }
0xa2: {  	v6 =	vld [tilespmem:s9+$0xFFFFFF10]  }
0xa3: {  	v7 =	vld [tilespmem:s7+$0xFFFFFFA0];
	v4 =	vmax.f32 v4, $0.0e+00  }
0xa4: {  	v8 =	vadd.f32 v8, v9;
	[tilespmem:s7+$0x90] =	vst v4;
	v4 =	vld [tilespmem:s7+$0xA0]  }
0xa5: {  	v9 =	vld [tilespmem:s9+$0xA0]  }
0xa6: {  	v8 =	vmax.f32 v8, $0.0e+00;
	v3 =	vadd.f32 v5, v3;
	v5 =	vld [tilespmem:s7+$0x20]  }
0xa7: {  	v6 =	vadd.f32 v6, v11;
	v11 =	vld [tilespmem:s7+$0xFFFFFF30];
	[tilespmem:s7+$0xFFFFFF90] =	vst v8  }
0xa8: {  	v8 =	vld [tilespmem:s9+$0xFFFFFFA0];
	v3 =	vmax.f32 v3, $0.0e+00  }
0xa9: {  	v6 =	vmax.f32 v6, $0.0e+00;
	v12 =	vld [tilespmem:s7+$0xFFFFFFB0];
	[tilespmem:s7+$0x10] =	vst v3  }
0xaa: {  	[tilespmem:s7+$0xFFFFFF10] =	vst v6;
	v3 =	vld [tilespmem:s9+$0x20];
	v4 =	vadd.f32 v9, v4  }
0xab: {  	v6 =	vld [tilespmem:s9+$0xFFFFFF20]  }
0xac: {  	v9 =	vld [tilespmem:s7+$0x30];
	v4 =	vmax.f32 v4, $0.0e+00  }
0xad: {  	v7 =	vadd.f32 v8, v7;
	[tilespmem:s7+$0xA0] =	vst v4;
	v4 =	vld [tilespmem:s7+$0xB0]  }
0xae: {  	v8 =	vld [tilespmem:s9+$0xB0]  }
0xaf: {  	v13 =	vld [tilespmem:s7+$0xFFFFFF40];
	v7 =	vmax.f32 v7, $0.0e+00;
	v3 =	vadd.f32 v3, v5  }
0xb0: {  	v5 =	vadd.f32 v6, v10;
	[tilespmem:s7+$0xFFFFFFA0] =	vst v7;
	v6 =	vld [tilespmem:s7+$0xFFFFFFC0]  }
0xb1: {  	v7 =	vld [tilespmem:s9+$0xFFFFFFB0];
	v3 =	vmax.f32 v3, $0.0e+00  }
0xb2: {  	v5 =	vmax.f32 v5, $0.0e+00;
	[tilespmem:s7+$0x20] =	vst v3;
	v10 =	vld [tilespmem:s7+$0x40]  }
0xb3: {  	[tilespmem:s7+$0xFFFFFF20] =	vst v5;
	v3 =	vld [tilespmem:s9+$0x30];
	v4 =	vadd.f32 v8, v4  }
0xb4: {  	v5 =	vld [tilespmem:s9+$0xFFFFFF30]  }
0xb5: {  	v8 =	vld [tilespmem:s7+$0xFFFFFF50];
	v4 =	vmax.f32 v4, $0.0e+00  }
0xb6: {  	v7 =	vadd.f32 v7, v12;
	[tilespmem:s7+$0xB0] =	vst v4;
	v4 =	vld [tilespmem:s7+$0xC0]  }
0xb7: {  	v12 =	vld [tilespmem:s9+$0xC0]  }
0xb8: {  	v7 =	vmax.f32 v7, $0.0e+00;
	v14 =	vld [tilespmem:s7+$0xFFFFFFD0];
	v3 =	vadd.f32 v3, v9  }
0xb9: {  	v5 =	vadd.f32 v5, v11;
	[tilespmem:s7+$0xFFFFFFB0] =	vst v7;
	v7 =	vld [tilespmem:s7+$0x50]  }
0xba: {  	v9 =	vld [tilespmem:s9+$0xFFFFFFC0];
	v11 =	vmax.f32 v3, $0.0e+00  }
0xbb: {  	v5 =	vmax.f32 v5, $0.0e+00;
	v3 =	vld [tilespmem:s7+$0xFFFFFF60];
	[tilespmem:s7+$0x30] =	vst v11  }
0xbc: {  	[tilespmem:s7+$0xFFFFFF30] =	vst v5;
	v5 =	vld [tilespmem:s9+$0x40];
	v11 =	vadd.f32 v12, v4  }
0xbd: {  	v12 =	vld [tilespmem:s9+$0xFFFFFF40]  }
0xbe: {  	v4 =	vld [tilespmem:s7+$0xFFFFFFE0];
	v11 =	vmax.f32 v11, $0.0e+00  }
0xbf: {  	v6 =	vadd.f32 v9, v6;
	[tilespmem:s7+$0xC0] =	vst v11;
	v9 =	vld [tilespmem:s7+$0xD0]  }
0xc0: {  	v11 =	vld [tilespmem:s9+$0xD0]  }
0xc1: {  	v6 =	vmax.f32 v6, $0.0e+00;
	v10 =	vadd.f32 v5, v10;
	v5 =	vld [tilespmem:s7+$0x60]  }
0xc2: {  	v12 =	vadd.f32 v12, v13;
	[tilespmem:s7+$0xFFFFFFC0] =	vst v6;
	v6 =	vld [tilespmem:s28+$0xFFFFFF70]  }
0xc3: {  	v13 =	vld [tilespmem:s9+$0xFFFFFFD0];
	v10 =	vmax.f32 v10, $0.0e+00  }
0xc4: {  	v12 =	vmax.f32 v12, $0.0e+00;
	[tilespmem:s7+$0x40] =	vst v10;
	v10 =	vld [tilespmem:s28+$0xFFFFFFF0]  }
0xc5: {  	[tilespmem:s7+$0xFFFFFF40] =	vst v12;
	v12 =	vld [tilespmem:s9+$0x50];
	v9 =	vadd.f32 v11, v9  }
0xc6: {  	v11 =	vld [tilespmem:s9+$0xFFFFFF50]  }
0xc7: {  	v9 =	vmax.f32 v9, $0.0e+00;
	v2 =	vadd.f32 v6, v2;
	v6 =	vld [tilespmem:s28+$0x70];
	s28 =	smov.u32 s9  }
0xc8: {  	v13 =	vadd.f32 v13, v14;
	[tilespmem:s7+$0xD0] =	vst v9;
	v9 =	vld [tilespmem:s7+$0xE0]  }
0xc9: {  	v14 =	vld [tilespmem:s9+$0xE0];
	v15 =	vmax.f32 v2, $0.0e+00;
	v10 =	vadd.f32 v10, v1  }
0xca: {  	v2 =	vld [tilespmem:s7+$0xFFFFFF70];
	v1 =	vmax.f32 v13, $0.0e+00;
	v12 =	vadd.f32 v12, v7;
	[tilespmem:s26+$0xFFFFFF70] =	vst v15  }
0xcb: {  	v8 =	vadd.f32 v11, v8;
	[tilespmem:s7+$0xFFFFFFD0] =	vst v1;
	v1 =	vld [tilespmem:s7+$0xFFFFFFF0];
	v10 =	vmax.f32 v10, $0.0e+00  }
.Ltmp2:
0xcc: {  	v7 =	vld [tilespmem:s9+$0xFFFFFFE0];
	v11 =	vmax.f32 v12, $0.0e+00;
	[tilespmem:s26+$0xFFFFFFF0] =	vst v10;
	v6 =	vadd.f32 v6, v0;
	(pc) =	sbr.rel @p1 .LBB2_3-.Ltmp2, $4  }
0xcd: {  	v8 =	vmax.f32 v8, $0.0e+00;
	[tilespmem:s7+$0x50] =	vst v11;
	v0 =	vld [tilespmem:s7+$0x70]  }
0xce: {  	[tilespmem:s7+$0xFFFFFF50] =	vst v8;
	v8 =	vld [tilespmem:s9+$0x60];
	v10 =	vadd.f32 v14, v9;
	v6 =	vmax.f32 v6, $0.0e+00  }
0xcf: {  	v9 =	vld [tilespmem:s9+$0xFFFFFF60];
	[tilespmem:s26+$0x70] =	vst v6;
	s26 =	smov.u32 s7  }
0xd0: {  	s7 =	sadd.s32 $0x200, s7;
	v10 =	vmax.f32 v10, $0.0e+00;
	v6 =	vld [tilespmem:s26+$0xF0]  }
0xd1: {  	_ =	sdelay $0x2  }
0xd2: {  	v3 =	vadd.f32 v9, v3  }
0xd3: {  	v4 =	vadd.f32 v7, v4  }
0xd4: {  	[tilespmem:s26+$0xE0] =	vst v10;
	v5 =	vadd.f32 v8, v5;
	v3 =	vmax.f32 v3, $0.0e+00  }
0xd5: {  	v7 =	vld [tilespmem:s28+$0xF0];
	v4 =	vmax.f32 v4, $0.0e+00;
	[tilespmem:s26+$0xFFFFFF60] =	vst v3  }
0xd6: {  	[tilespmem:s26+$0xFFFFFFE0] =	vst v4;
	v3 =	vmax.f32 v5, $0.0e+00;
	v4 =	vld [tilespmem:s28+$0xFFFFFF70]  }
0xd7: {  	[tilespmem:s26+$0x60] =	vst v3;
	v3 =	vld [tilespmem:s28+$0xFFFFFFF0]  }
0xd8: {  	v5 =	vld [tilespmem:s28+$0x70];
	_ =	sdelay $0x1  }
0xd9: {  	v6 =	vadd.f32 v7, v6  }
0xda: {  	v2 =	vadd.f32 v4, v2  }
0xdb: {  	v4 =	vmax.f32 v6, $0.0e+00;
	v1 =	vadd.f32 v3, v1  }
0xdc: {  	[tilespmem:s26+$0xF0] =	vst v4;
	v0 =	vadd.f32 v5, v0;
	v2 =	vmax.f32 v2, $0.0e+00  }
0xdd: {  	v1 =	vmax.f32 v1, $0.0e+00;
	[tilespmem:s26+$0xFFFFFF70] =	vst v2  }
0xde: {  	p1 =	seq.s32 s19, $0x0;
	[tilespmem:s26+$0xFFFFFFF0] =	vst v1;
	v0 =	vmax.f32 v0, $0.0e+00  }
0xdf: {  	s2 =	simm.s32 @!p1 $0x8;
	[tilespmem:s26+$0x70] =	vst v0  }
0xe0: {  	_ =	swait.ge @!p1 [sflag:s2], $0x3000  }
0xe1: {  	[sflag:s2] =	ssyncset.done @!p1 $0x0  }
0xe2: {  	[sflag:s2] =	ssyncadd.s32 @!p1 $0xFFFFD000  }
0xe3: {  	_ =	swait.ge [sflag:s31], $0xC0  }
0xe4: {  	[sflag:s31] =	ssyncset.done $0x0  }
0xe5: {  	[sflag:s31] =	ssyncadd.s32 $0xFFFFFF40  }
0xe6: {  	[tilespmem:s0], [sflag:$0x4] =	stream.indirect.gather [hbm4b:s1+s23], $0x80, s21, s23, $0xb8;
	[tilespmem:$0x1FF00] =	vst v63  }
0xe7: {  	s9 =	simm.s32 $0x1FD30;
	s7 =	simm.s32 $0x18400;
	s26 =	smul.u32 $0xC0, s19  }
0xe8: {  	[tilespmem:s7], [sflag:$0x4] =	stream.indirect.gather [hbm4b:s1+s23], $0x80, s9, s23, $0xb8;
	[tilespmem:$0x1FF00] =	vst v63  }
0xe9: {  	s7 =	sadd.s32 s26, s13  }
0xea: {  	s2 =	sshll.u32 s7, $0x4  }
0xeb: {  	s9 =	simm.s32 $0x1CC00;
	s2 =	sadd.s32 s5, s2  }
0xec: {  	[tilespmem:s9], [sflag:$0x6] =	stream.linear.gather [hbm4b:s2+s4], $0x3000, $0x38;
	[tilespmem:$0x1FF00] =	vst v63  }
0xed: {  	_ = 	snop  }
0xee: {  	[spmem:s3] =	stream.indirect.scatter.add.f32 [tilespmem:s24], [sflag:$0x7], $0x80, s11, s10, $0xb8;
	[tilespmem:$0x1FF00] =	vst v63  }
0xef: {  	_ =	swait.ge [sflag:s16], $0x3000  }
0xf0: {  	[sflag:s16] =	ssyncset.done $0x0  }
0xf1: {  	[sflag:s16] =	ssyncadd.s32 $0xFFFFD000  }
0xf2: {  	_ =	swait.ge [sflag:s17], $0x3000  }
0xf3: {  	[sflag:s17] =	ssyncset.done $0x0  }
0xf4: {  	[sflag:s17] =	ssyncadd.s32 $0xFFFFD000  }
0xf5: {  	v0 =	vld [tilespmem:$0x1FD60]  }
0xf6: {  	v1 =	vld [tilespmem:$0x1FD70]  }
0xf7: {  	v2 =	vld [tilespmem:$0x1FD80]  }
0xf8: {  	v3 =	vld [tilespmem:$0x1FD90]  }
0xf9: {  	v4 =	vld [tilespmem:$0x1FDA0]  }
0xfa: {  	[tilespmem:$0x1FE80] =	vst v0;
	v0 =	vld [tilespmem:$0x1FDB0]  }
0xfb: {  	[tilespmem:$0x1FE90] =	vst v1  }
0xfc: {  	s2 =	sadd.s32 @!p0 s25, s14;
	[tilespmem:$0x1FEA0] =	vst v2  }
0xfd: {  	s2 =	smul.u32 @!p0 $0x18, s2;
	[tilespmem:$0x1FEB0] =	vst v3  }
0xfe: {  	s7 =	simm.s32 @!p0 $0x0;
	[tilespmem:$0x1FEC0] =	vst v4  }
0xff: {  	s9 =	simm.s32 @!p0 $0x1FD00;
	s25 =	simm.s32 $0x16D00;
	s2 =	sadd.s32 @!p0 s6, s2;
	[tilespmem:$0x1FED0] =	vst v0  }
0x100: {  	[tilespmem:s9], [sflag:$0x2] =	stream.linear.gather @!p0 [hbm4b:s2+s7], $0xC0, $0x38;
	[tilespmem:$0x1FF00] =	vst v63  }
0x101: {  	s28 =	simm.s32 $0x1CD00;
	v0 =	vld [tilespmem:s25+$0x80]  }
0x102: {  	v1 =	vld [tilespmem:s28+$0x80]  }
0x103: {  	v2 =	vld [tilespmem:s28+$0xFFFFFF00]  }
0x104: {  	v3 =	vld [tilespmem:s25+$0xFFFFFF80]  }
0x105: {  	v4 =	vld [tilespmem:s28+$0xFFFFFF80]  }
0x106: {  	v5 =	vld [tilespmem:s28+$0x0]  }
0x107: {  	v0 =	vadd.f32 v1, v0;
	v1 =	vld [tilespmem:s25+$0x0]  }
0x108: {  	v6 =	vld [tilespmem:s25+$0xFFFFFF00]  }
0x109: {  	v0 =	vmax.f32 v0, $0.0e+00  }
0x10a: {  	v3 =	vadd.f32 v4, v3;
	[tilespmem:s25+$0x80] =	vst v0;
	v0 =	vld [tilespmem:s25+$0x90]  }
0x10b: {  	v7 =	vld [tilespmem:s28+$0x90]  }
0x10c: {  	v8 =	vld [tilespmem:s25+$0xFFFFFF90];
	v3 =	vmax.f32 v3, $0.0e+00;
	v1 =	vadd.f32 v5, v1  }
0x10d: {  	v4 =	vld [tilespmem:s25+$0xFFFFFF10];
	v2 =	vadd.f32 v2, v6;
	[tilespmem:s25+$0xFFFFFF80] =	vst v3  }
0x10e: {  	v5 =	vld [tilespmem:s28+$0xFFFFFF90];
	v1 =	vmax.f32 v1, $0.0e+00  }
0x10f: {  	v2 =	vmax.f32 v2, $0.0e+00;
	v3 =	vld [tilespmem:s25+$0x10];
	[tilespmem:s25+$0x0] =	vst v1  }
0x110: {  	[tilespmem:s25+$0xFFFFFF00] =	vst v2;
	v0 =	vadd.f32 v7, v0;
	v1 =	vld [tilespmem:s28+$0x10]  }
0x111: {  	v2 =	vld [tilespmem:s28+$0xFFFFFF10]  }
0x112: {  	v0 =	vmax.f32 v0, $0.0e+00  }
0x113: {  	v5 =	vadd.f32 v5, v8;
	[tilespmem:s25+$0x90] =	vst v0;
	v0 =	vld [tilespmem:s25+$0xA0]  }
0x114: {  	v7 =	vld [tilespmem:s28+$0xA0]  }
0x115: {  	v6 =	vld [tilespmem:s25+$0xFFFFFF20];
	v5 =	vmax.f32 v5, $0.0e+00;
	v1 =	vadd.f32 v1, v3  }
0x116: {  	v2 =	vadd.f32 v2, v4;
	v8 =	vld [tilespmem:s25+$0xFFFFFFA0];
	[tilespmem:s25+$0xFFFFFF90] =	vst v5  }
0x117: {  	v4 =	vld [tilespmem:s28+$0xFFFFFFA0];
	v1 =	vmax.f32 v1, $0.0e+00  }
0x118: {  	v2 =	vmax.f32 v2, $0.0e+00;
	v3 =	vld [tilespmem:s25+$0x20];
	[tilespmem:s25+$0x10] =	vst v1  }
0x119: {  	[tilespmem:s25+$0xFFFFFF10] =	vst v2;
	v0 =	vadd.f32 v7, v0;
	v1 =	vld [tilespmem:s28+$0x20]  }
0x11a: {  	v2 =	vld [tilespmem:s28+$0xFFFFFF20]  }
0x11b: {  	v0 =	vmax.f32 v0, $0.0e+00  }
0x11c: {  	v4 =	vadd.f32 v4, v8;
	[tilespmem:s25+$0xA0] =	vst v0;
	v0 =	vld [tilespmem:s25+$0xB0]  }
0x11d: {  	v7 =	vld [tilespmem:s28+$0xB0]  }
0x11e: {  	v9 =	vld [tilespmem:s25+$0x30];
	v4 =	vmax.f32 v4, $0.0e+00;
	v1 =	vadd.f32 v1, v3  }
0x11f: {  	v2 =	vadd.f32 v2, v6;
	v8 =	vld [tilespmem:s25+$0xFFFFFFB0];
	[tilespmem:s25+$0xFFFFFFA0] =	vst v4  }
0x120: {  	v3 =	vld [tilespmem:s28+$0xFFFFFFB0];
	v1 =	vmax.f32 v1, $0.0e+00  }
0x121: {  	v5 =	vld [tilespmem:s25+$0xFFFFFF30];
	[tilespmem:s25+$0x20] =	vst v1;
	v1 =	vmax.f32 v2, $0.0e+00  }
0x122: {  	v0 =	vadd.f32 v7, v0;
	[tilespmem:s25+$0xFFFFFF20] =	vst v1;
	v1 =	vld [tilespmem:s28+$0x30]  }
0x123: {  	v6 =	vld [tilespmem:s28+$0xFFFFFF30]  }
0x124: {  	v10 =	vld [tilespmem:s25+$0xFFFFFF40];
	v0 =	vmax.f32 v0, $0.0e+00  }
0x125: {  	v3 =	vadd.f32 v3, v8;
	[tilespmem:s25+$0xB0] =	vst v0;
	v0 =	vld [tilespmem:s25+$0xC0]  }
0x126: {  	v7 =	vld [tilespmem:s28+$0xC0]  }
0x127: {  	v11 =	vld [tilespmem:s25+$0xFFFFFFD0];
	v3 =	vmax.f32 v3, $0.0e+00;
	v1 =	vadd.f32 v1, v9  }
0x128: {  	v4 =	vld [tilespmem:s25+$0xFFFFFFC0];
	[tilespmem:s25+$0xFFFFFFB0] =	vst v3;
	v5 =	vadd.f32 v6, v5  }
0x129: {  	v6 =	vld [tilespmem:s28+$0xFFFFFFC0];
	v1 =	vmax.f32 v1, $0.0e+00  }
0x12a: {  	v2 =	vld [tilespmem:s25+$0x40];
	[tilespmem:s25+$0x30] =	vst v1;
	v1 =	vmax.f32 v5, $0.0e+00  }
0x12b: {  	v0 =	vadd.f32 v7, v0;
	v5 =	vld [tilespmem:s28+$0x40];
	[tilespmem:s25+$0xFFFFFF30] =	vst v1  }
0x12c: {  	v1 =	vld [tilespmem:s28+$0xFFFFFF40]  }
0x12d: {  	v8 =	vld [tilespmem:s25+$0xFFFFFF50];
	v0 =	vmax.f32 v0, $0.0e+00  }
0x12e: {  	[tilespmem:s25+$0xC0] =	vst v0;
	v0 =	vadd.f32 v6, v4;
	v6 =	vld [tilespmem:s25+$0xD0]  }
0x12f: {  	v7 =	vld [tilespmem:s28+$0xD0]  }
0x130: {  	v3 =	vld [tilespmem:s25+$0xFFFFFF60];
	v0 =	vmax.f32 v0, $0.0e+00;
	v2 =	vadd.f32 v5, v2  }
0x131: {  	v9 =	vld [tilespmem:s25+$0x50];
	[tilespmem:s25+$0xFFFFFFC0] =	vst v0;
	v0 =	vadd.f32 v1, v10  }
0x132: {  	v1 =	vld [tilespmem:s28+$0xFFFFFFD0];
	v2 =	vmax.f32 v2, $0.0e+00  }
0x133: {  	v4 =	vld [tilespmem:s25+$0xFFFFFFE0];
	[tilespmem:s25+$0x40] =	vst v2;
	v0 =	vmax.f32 v0, $0.0e+00  }
0x134: {  	v2 =	vld [tilespmem:s28+$0x50];
	v6 =	vadd.f32 v7, v6;
	[tilespmem:s25+$0xFFFFFF40] =	vst v0  }
0x135: {  	v0 =	vld [tilespmem:s28+$0xFFFFFF50]  }
0x136: {  	v5 =	vld [tilespmem:s25+$0x60];
	v6 =	vmax.f32 v6, $0.0e+00  }
0x137: {  	v1 =	vadd.f32 v1, v11;
	[tilespmem:s25+$0xD0] =	vst v6;
	v6 =	vld [tilespmem:s25+$0xE0]  }
0x138: {  	v10 =	vld [tilespmem:s28+$0xE0]  }
0x139: {  	v1 =	vmax.f32 v1, $0.0e+00;
	v7 =	vadd.f32 v2, v9;
	v2 =	vld [tilespmem:s25+$0xFFFFFF70]  }
0x13a: {  	[tilespmem:s25+$0xFFFFFFD0] =	vst v1;
	v0 =	vadd.f32 v0, v8;
	v1 =	vld [tilespmem:s25+$0xFFFFFFF0]  }
0x13b: {  	v8 =	vmax.f32 v7, $0.0e+00;
	v7 =	vld [tilespmem:s28+$0xFFFFFFE0]  }
0x13c: {  	[tilespmem:s25+$0x50] =	vst v8;
	v8 =	vmax.f32 v0, $0.0e+00;
	v0 =	vld [tilespmem:s25+$0x70]  }
0x13d: {  	[tilespmem:s25+$0xFFFFFF50] =	vst v8;
	v8 =	vld [tilespmem:s28+$0x60];
	v6 =	vadd.f32 v10, v6  }
0x13e: {  	v9 =	vld [tilespmem:s28+$0xFFFFFF60]  }
0x13f: {  	s2 =	simm.s32 $0x0;
	s7 =	simm.s32 $0x16F00;
	s9 =	simm.s32 $0x1CD00;
	v10 =	vmax.f32 v6, $0.0e+00;
	v6 =	vld [tilespmem:s25+$0xF0]  }
.LBB2_5:
0x140: {  	v11 =	vld [tilespmem:s7+$0x80];
	v4 =	vadd.f32 v7, v4;
	[tilespmem:s25+$0xE0] =	vst v10  }
0x141: {  	s9 =	sadd.s32 $0x200, s9;
	v7 =	vld [tilespmem:s28+$0xF0]  }
0x142: {  	s2 =	sadd.s32 $0x4, s2;
	v10 =	vld [tilespmem:s9+$0x80];
	v4 =	vmax.f32 v4, $0.0e+00;
	v5 =	vadd.f32 v8, v5  }
0x143: {  	p1 =	slt.u32 s2, $0x5C;
	v8 =	vld [tilespmem:s9+$0xFFFFFF00];
	v3 =	vadd.f32 v9, v3;
	[tilespmem:s25+$0xFFFFFFE0] =	vst v4  }
0x144: {  	v4 =	vld [tilespmem:s7+$0xFFFFFF80];
	v5 =	vmax.f32 v5, $0.0e+00  }
0x145: {  	v9 =	vld [tilespmem:s9+$0xFFFFFF80];
	v3 =	vmax.f32 v3, $0.0e+00;
	[tilespmem:s25+$0x60] =	vst v5  }
0x146: {  	v5 =	vld [tilespmem:s7+$0x0];
	[tilespmem:s25+$0xFFFFFF60] =	vst v3;
	v3 =	vadd.f32 v7, v6  }
0x147: {  	v6 =	vld [tilespmem:s9+$0x0];
	v7 =	vadd.f32 v10, v11  }
0x148: {  	v10 =	vld [tilespmem:s7+$0xFFFFFF00];
	v3 =	vmax.f32 v3, $0.0e+00  }
0x149: {  	v11 =	vld [tilespmem:s7+$0xFFFFFF10];
	v7 =	vmax.f32 v7, $0.0e+00;
	[tilespmem:s25+$0xF0] =	vst v3  }
0x14a: {  	v3 =	vadd.f32 v9, v4;
	[tilespmem:s7+$0x80] =	vst v7;
	v4 =	vld [tilespmem:s7+$0x90]  }
0x14b: {  	v7 =	vld [tilespmem:s9+$0x90]  }
0x14c: {  	v3 =	vmax.f32 v3, $0.0e+00;
	v9 =	vld [tilespmem:s7+$0xFFFFFF90];
	v5 =	vadd.f32 v6, v5  }
0x14d: {  	v6 =	vadd.f32 v8, v10;
	[tilespmem:s7+$0xFFFFFF80] =	vst v3;
	v3 =	vld [tilespmem:s7+$0x10]  }
0x14e: {  	v8 =	vld [tilespmem:s9+$0xFFFFFF90];
	v5 =	vmax.f32 v5, $0.0e+00  }
0x14f: {  	v6 =	vmax.f32 v6, $0.0e+00;
	v10 =	vld [tilespmem:s7+$0xFFFFFF20];
	[tilespmem:s7+$0x0] =	vst v5  }
0x150: {  	[tilespmem:s7+$0xFFFFFF00] =	vst v6;
	v5 =	vld [tilespmem:s9+$0x10];
	v4 =	vadd.f32 v7, v4  }
0x151: {  	v6 =	vld [tilespmem:s9+$0xFFFFFF10]  }
0x152: {  	v7 =	vld [tilespmem:s7+$0xFFFFFFA0];
	v4 =	vmax.f32 v4, $0.0e+00  }
0x153: {  	v8 =	vadd.f32 v8, v9;
	[tilespmem:s7+$0x90] =	vst v4;
	v4 =	vld [tilespmem:s7+$0xA0]  }
0x154: {  	v9 =	vld [tilespmem:s9+$0xA0]  }
0x155: {  	v8 =	vmax.f32 v8, $0.0e+00;
	v3 =	vadd.f32 v5, v3;
	v5 =	vld [tilespmem:s7+$0x20]  }
0x156: {  	v6 =	vadd.f32 v6, v11;
	v11 =	vld [tilespmem:s7+$0xFFFFFF30];
	[tilespmem:s7+$0xFFFFFF90] =	vst v8  }
0x157: {  	v8 =	vld [tilespmem:s9+$0xFFFFFFA0];
	v3 =	vmax.f32 v3, $0.0e+00  }
0x158: {  	v6 =	vmax.f32 v6, $0.0e+00;
	v12 =	vld [tilespmem:s7+$0xFFFFFFB0];
	[tilespmem:s7+$0x10] =	vst v3  }
0x159: {  	[tilespmem:s7+$0xFFFFFF10] =	vst v6;
	v3 =	vld [tilespmem:s9+$0x20];
	v4 =	vadd.f32 v9, v4  }
0x15a: {  	v6 =	vld [tilespmem:s9+$0xFFFFFF20]  }
0x15b: {  	v9 =	vld [tilespmem:s7+$0x30];
	v4 =	vmax.f32 v4, $0.0e+00  }
0x15c: {  	v7 =	vadd.f32 v8, v7;
	[tilespmem:s7+$0xA0] =	vst v4;
	v4 =	vld [tilespmem:s7+$0xB0]  }
0x15d: {  	v8 =	vld [tilespmem:s9+$0xB0]  }
0x15e: {  	v13 =	vld [tilespmem:s7+$0xFFFFFF40];
	v7 =	vmax.f32 v7, $0.0e+00;
	v3 =	vadd.f32 v3, v5  }
0x15f: {  	v5 =	vadd.f32 v6, v10;
	[tilespmem:s7+$0xFFFFFFA0] =	vst v7;
	v6 =	vld [tilespmem:s7+$0xFFFFFFC0]  }
0x160: {  	v7 =	vld [tilespmem:s9+$0xFFFFFFB0];
	v3 =	vmax.f32 v3, $0.0e+00  }
0x161: {  	v5 =	vmax.f32 v5, $0.0e+00;
	[tilespmem:s7+$0x20] =	vst v3;
	v10 =	vld [tilespmem:s7+$0x40]  }
0x162: {  	[tilespmem:s7+$0xFFFFFF20] =	vst v5;
	v3 =	vld [tilespmem:s9+$0x30];
	v4 =	vadd.f32 v8, v4  }
0x163: {  	v5 =	vld [tilespmem:s9+$0xFFFFFF30]  }
0x164: {  	v8 =	vld [tilespmem:s7+$0xFFFFFF50];
	v4 =	vmax.f32 v4, $0.0e+00  }
0x165: {  	v7 =	vadd.f32 v7, v12;
	[tilespmem:s7+$0xB0] =	vst v4;
	v4 =	vld [tilespmem:s7+$0xC0]  }
0x166: {  	v12 =	vld [tilespmem:s9+$0xC0]  }
0x167: {  	v7 =	vmax.f32 v7, $0.0e+00;
	v14 =	vld [tilespmem:s7+$0xFFFFFFD0];
	v3 =	vadd.f32 v3, v9  }
0x168: {  	v5 =	vadd.f32 v5, v11;
	[tilespmem:s7+$0xFFFFFFB0] =	vst v7;
	v7 =	vld [tilespmem:s7+$0x50]  }
0x169: {  	v9 =	vld [tilespmem:s9+$0xFFFFFFC0];
	v11 =	vmax.f32 v3, $0.0e+00  }
0x16a: {  	v5 =	vmax.f32 v5, $0.0e+00;
	v3 =	vld [tilespmem:s7+$0xFFFFFF60];
	[tilespmem:s7+$0x30] =	vst v11  }
0x16b: {  	[tilespmem:s7+$0xFFFFFF30] =	vst v5;
	v5 =	vld [tilespmem:s9+$0x40];
	v11 =	vadd.f32 v12, v4  }
0x16c: {  	v12 =	vld [tilespmem:s9+$0xFFFFFF40]  }
0x16d: {  	v4 =	vld [tilespmem:s7+$0xFFFFFFE0];
	v11 =	vmax.f32 v11, $0.0e+00  }
0x16e: {  	v6 =	vadd.f32 v9, v6;
	[tilespmem:s7+$0xC0] =	vst v11;
	v9 =	vld [tilespmem:s7+$0xD0]  }
0x16f: {  	v11 =	vld [tilespmem:s9+$0xD0]  }
0x170: {  	v6 =	vmax.f32 v6, $0.0e+00;
	v10 =	vadd.f32 v5, v10;
	v5 =	vld [tilespmem:s7+$0x60]  }
0x171: {  	v12 =	vadd.f32 v12, v13;
	[tilespmem:s7+$0xFFFFFFC0] =	vst v6;
	v6 =	vld [tilespmem:s28+$0xFFFFFF70]  }
0x172: {  	v13 =	vld [tilespmem:s9+$0xFFFFFFD0];
	v10 =	vmax.f32 v10, $0.0e+00  }
0x173: {  	v12 =	vmax.f32 v12, $0.0e+00;
	[tilespmem:s7+$0x40] =	vst v10;
	v10 =	vld [tilespmem:s28+$0xFFFFFFF0]  }
0x174: {  	[tilespmem:s7+$0xFFFFFF40] =	vst v12;
	v12 =	vld [tilespmem:s9+$0x50];
	v9 =	vadd.f32 v11, v9  }
0x175: {  	v11 =	vld [tilespmem:s9+$0xFFFFFF50]  }
0x176: {  	v9 =	vmax.f32 v9, $0.0e+00;
	v2 =	vadd.f32 v6, v2;
	v6 =	vld [tilespmem:s28+$0x70];
	s28 =	smov.u32 s9  }
0x177: {  	v13 =	vadd.f32 v13, v14;
	[tilespmem:s7+$0xD0] =	vst v9;
	v9 =	vld [tilespmem:s7+$0xE0]  }
0x178: {  	v14 =	vld [tilespmem:s9+$0xE0];
	v15 =	vmax.f32 v2, $0.0e+00;
	v10 =	vadd.f32 v10, v1  }
0x179: {  	v2 =	vld [tilespmem:s7+$0xFFFFFF70];
	v1 =	vmax.f32 v13, $0.0e+00;
	v12 =	vadd.f32 v12, v7;
	[tilespmem:s25+$0xFFFFFF70] =	vst v15  }
0x17a: {  	v8 =	vadd.f32 v11, v8;
	[tilespmem:s7+$0xFFFFFFD0] =	vst v1;
	v1 =	vld [tilespmem:s7+$0xFFFFFFF0];
	v10 =	vmax.f32 v10, $0.0e+00  }
.Ltmp3:
0x17b: {  	v7 =	vld [tilespmem:s9+$0xFFFFFFE0];
	v11 =	vmax.f32 v12, $0.0e+00;
	[tilespmem:s25+$0xFFFFFFF0] =	vst v10;
	v6 =	vadd.f32 v6, v0;
	(pc) =	sbr.rel @p1 .LBB2_5-.Ltmp3, $4  }
0x17c: {  	v8 =	vmax.f32 v8, $0.0e+00;
	[tilespmem:s7+$0x50] =	vst v11;
	v0 =	vld [tilespmem:s7+$0x70]  }
0x17d: {  	[tilespmem:s7+$0xFFFFFF50] =	vst v8;
	v8 =	vld [tilespmem:s9+$0x60];
	v10 =	vadd.f32 v14, v9;
	v6 =	vmax.f32 v6, $0.0e+00  }
0x17e: {  	v9 =	vld [tilespmem:s9+$0xFFFFFF60];
	[tilespmem:s25+$0x70] =	vst v6;
	s25 =	smov.u32 s7  }
0x17f: {  	s7 =	sadd.s32 $0x200, s7;
	v10 =	vmax.f32 v10, $0.0e+00;
	v6 =	vld [tilespmem:s25+$0xF0]  }
0x180: {  	_ = 	snop  }
0x181: {  	v4 =	vadd.f32 v7, v4  }
0x182: {  	v5 =	vadd.f32 v8, v5  }
0x183: {  	[tilespmem:s25+$0xE0] =	vst v10;
	v4 =	vmax.f32 v4, $0.0e+00;
	v3 =	vadd.f32 v9, v3  }
0x184: {  	v58 =	vld [tilespmem:s28+$0xF0];
	[tilespmem:s25+$0xFFFFFFE0] =	vst v4;
	v59 =	vmax.f32 v5, $0.0e+00  }
0x185: {  	v61 =	vld [tilespmem:s28+$0xFFFFFFF0];
	v3 =	vmax.f32 v3, $0.0e+00;
	[tilespmem:s25+$0x60] =	vst v59  }
0x186: {  	[tilespmem:s25+$0xFFFFFF60] =	vst v3;
	v62 =	vld [tilespmem:s28+$0x70]  }
0x187: {  	v60 =	vld [tilespmem:s28+$0xFFFFFF70];
	_ =	sdelay $0x1  }
0x188: {  	v6 =	vadd.f32 v58, v6  }
0x189: {  	v1 =	vadd.f32 v61, v1  }
0x18a: {  	v63 =	vmax.f32 v6, $0.0e+00;
	v0 =	vadd.f32 v62, v0  }
0x18b: {  	[tilespmem:s25+$0xF0] =	vst v63;
	v1 =	vmax.f32 v1, $0.0e+00;
	v2 =	vadd.f32 v60, v2  }
0x18c: {  	[tilespmem:s25+$0xFFFFFFF0] =	vst v1;
	v0 =	vmax.f32 v0, $0.0e+00  }
.Ltmp4:
0x18d: {  	v2 =	vmax.f32 v2, $0.0e+00;
	[tilespmem:s25+$0x70] =	vst v0;
	(pc) =	sbr.rel @p0 .LBB2_8-.Ltmp4, $4  }
0x18e: {  	[tilespmem:s25+$0xFFFFFF70] =	vst v2  }
0x18f: {  	_ =	swait.ge [sflag:s8], $0x3000  }
0x190: {  	[sflag:s8] =	ssyncset.done $0x0  }
0x191: {  	[sflag:s8] =	ssyncadd.s32 $0xFFFFD000  }
0x192: {  	_ =	swait.ge [sflag:s22], $0xC0  }
0x193: {  	[sflag:s22] =	ssyncset.done $0x0  }
0x194: {  	[sflag:s22] =	ssyncadd.s32 $0xFFFFFF40  }
0x195: {  	[tilespmem:s24], [sflag:$0x3] =	stream.indirect.gather [hbm4b:s1+s23], $0x80, s20, s23, $0xb8;
	[tilespmem:$0x1FF00] =	vst v63  }
0x196: {  	s2 =	simm.s32 $0x1FC30;
	s7 =	simm.s32 $0x15400;
	s26 =	sadd.s32 s26, s15  }
0x197: {  	[tilespmem:s7], [sflag:$0x3] =	stream.indirect.gather [hbm4b:s1+s23], $0x80, s2, s23, $0xb8;
	[tilespmem:$0x1FF00] =	vst v63  }
.Ltmp5:
0x198: {  	s2 =	sshll.u32 s26, $0x4;
	(pc) =	sbr.rel .LBB2_2-.Ltmp5, $4  }
0x199: {  	s28 =	simm.s32 $0x19C00;
	s2 =	sadd.s32 s5, s2  }
0x19a: {  	[tilespmem:s28], [sflag:$0x5] =	stream.linear.gather [hbm4b:s2+s4], $0x3000, $0x38;
	[tilespmem:$0x1FF00] =	vst v63  }
0x19b: {  	s19 =	sadd.s32 $0x1, s19  }
0x19c: {  	[spmem:s3] =	stream.indirect.scatter.add.f32 [tilespmem:s0], [sflag:$0x8], $0x80, s18, s10, $0xb8;
	[tilespmem:$0x1FF00] =	vst v63  }
.LBB2_9:
0x19d: {  	_ =	sfence.sel $0x180000  }
0x19e: {  	[bflag:$0x0] =	sbarrier.arrive $0xFFFF  }
0x19f: {  	_ =	strace $0x9000004A  }
0x1a0: {  	s0 =	stileid.u32;
	[bflag:$0x2] =	sbarrier.arrive $0xFFFF  }
0x1a1: {  	p0 =	sne.s32 s0, $0x0;
	s0 =	rddreg [dreg:$0x3]  }
0x1a2: {  	s0 =	sadd.s32 @!p0 $0x100000, s0  }
0x1a3: {  	[sflag:s0] =	ssyncadd.tile.s32 @!p0 $0x1;
	_ =	shalt  }
.Lfunc_end2:
_tile_overlayer_lowered:
.L_overlay_start_2:
0x1a4: {  	(tag) =	ssettag $0x2  }
0x1a5: {  	s0 =	rddreg [dreg:$0x0];
	s2 =	stileid.u32  }
0x1a6: {  	s1 =	rddreg [dreg:$0x1];
	p0 =	sne.s32 s2, $0x0  }
0x1a7: {  	s3 =	rddreg [dreg:$0x2];
	[bflag:$0x3] =	sbarrier.arrive $0xFFFF;
	s2 =	simm.s32 @!p0 $0x1C09  }
0x1a8: {  	[timem:s3], [sflag:s2] =	dma.local @!p0 [hbm:s0], s1  }
0x1a9: {  	s0 =	simm.s32 @!p0 $0x9  }
0x1aa: {  	_ =	swait.ge @!p0 [sflag:s0], s1  }
0x1ab: {  	s1 =	ssub.s32 @!p0 $0x0, s1;
	[sflag:s0] =	ssyncset.done @!p0 $0x0  }
0x1ac: {  	[sflag:s0] =	ssyncadd.s32 @!p0 s1  }
0x1ad: {  	[bflag:$0x3] =	sbarrier.arrive $0xFFFF  }
0x1ae: {  	_ =	shalt  }

// kernel: kernel.17.cloned.1.call-start
scs
__scs_entry_jumppad:
0x0: {  	(pc) =	sbr.rel $0x88, $3  }
0x1: {  	(tag) =	ssettag $0x0;
	lr =	simm.s32 $0x1  }
0x2: {  	[smem:$0x3F98] =	sst lr;
	_ =	strace $0xD0000000  }
0x3: {  	_ = 	snop  }
0x4: {  	_ = 	snop  }
0x5: {  	_ = 	snop  }
0x6: {  	_ = 	snop  }
0x7: {  	_ = 	snop  }
__scs_overlays_trampoline_lowered:
0x8: {  	[smem:$0x3FA7] =	sst s0  }
0x9: {  	[smem:$0x3FA8] =	sst s1  }
0xa: {  	[smem:$0x3FA9] =	sst s2  }
0xb: {  	[smem:$0x3FAA] =	sst s3  }
0xc: {  	[smem:$0x3FAB] =	sst s4  }
0xd: {  	[smem:$0x3FAC] =	sst s5  }
0xe: {  	[smem:$0x3FAD] =	sst s6  }
0xf: {  	[smem:$0x3FAE] =	sst s7  }
0x10: {  	[smem:$0x3FAF] =	sst s8  }
0x11: {  	[smem:$0x3FB0] =	sst s9;
	s0 =	simm.s32 @!p0 $0x0  }
0x12: {  	s1 =	sld [smem:$0x3F96];
	s0 =	simm.s32 @p0 $0x1  }
0x13: {  	[smem:$0x3FB1] =	sst s0;
	s0 =	simm.s32 @!p1 $0x0  }
0x14: {  	s2 =	sld [smem:$0x3F95];
	s0 =	simm.s32 @p1 $0x1  }
0x15: {  	[smem:$0x3FB2] =	sst s0;
	s0 =	simm.s32 @!p2 $0x0  }
0x16: {  	s3 =	sld [smem:$0x3FDB];
	s0 =	simm.s32 @p2 $0x1  }
0x17: {  	s4 =	simm.s32 $0x1BF5;
	[smem:$0x3FB4] =	sst s0  }
0x18: {  	s0 =	sld [smem:$0x3F97];
	_ =	swait.ge [sflag:s4], $0x0  }
0x19: {  	s7 =	sld [smem:$0x3F98]  }
0x1a: {  	s8 =	sadd.s32 $0xFFFFE003, lr  }
0x1b: {  	s9 =	sadd.s32 $0xFFFFFEF7, lr;
	s5 =	simm.s32 $0xFFFFFFFF;
	p2 =	slt.u32 s8, $0xFFFFF086  }
0x1c: {  	p1 =	slt.u32 s9, $0xF7A;
	s5 =	simm.s32 @!p2 $0x0  }
0x1d: {  	s5 =	simm.s32 @p1 $0x1;
	p0 =	seq.s32 s7, s2  }
0x1e: {  	s7 =	smul.u32 @!p0 $0xF7A, s2;
	p2 =	seq.s32 @!p0 s5, $0x0  }
0x1f: {  	s9 =	smul.u32 $0xF7A, s1;
	s8 =	simm.s32 @!p0 $0x1BF5;
	p2 =	por !p2, p0  }
0x20: {  	[sflag:s8] =	ssyncset.s32 @!p0 $0xFFFFF086;
	s6 =	sadd.s32 @!p0 s3, s7;
	s7 =	simm.s32 @!p0 $0x108  }
0x21: {  	s3 =	sadd.s32 s3, s9;
	s6 =	sadd.s32 @!p0 $0x88, s6;
	s7 =	simm.s32 @p2 $0x1082  }
0x22: {  	[simem:s7], [sflag:s8] =	dma.local @!p0 [hbm:s6], $0xF7A  }
0x23: {  	s9 =	sor.u32 $0xD0000000, s2;
	s6 =	simm.s32 $0x108;
	_ =	swait.ge @!p0 [sflag:s8], $0x0  }
0x24: {  	s3 =	sadd.s32 $0x88, s3;
	s6 =	simm.s32 @!p1 $0x1082;
	[sflag:s4] =	ssyncset.s32 $0xFFFFF086  }
0x25: {  	[simem:s6], [sflag:s4] =	dma.local [hbm:s3], $0xF7A  }
0x26: {  	[smem:$0x3F98] =	sst s1;
	(tag) =	ssettag s2;
	_ =	strace s9  }
0x27: {  	s1 =	sld [smem:$0x3FA8]  }
0x28: {  	s2 =	sld [smem:$0x3FA9]  }
0x29: {  	s4 =	sld [smem:$0x3FAB]  }
0x2a: {  	p0 =	seq.s32 s5, $0x0;
	s5 =	sld [smem:$0x3FAC]  }
0x2b: {  	s6 =	sld [smem:$0x3FAD]  }
0x2c: {  	s7 =	sld [smem:$0x3FAE]  }
0x2d: {  	s3 =	simm.s32 $0x108;
	s8 =	sld [smem:$0x3FAF]  }
0x2e: {  	s3 =	simm.s32 @!p0 $0x1082;
	s9 =	sld [smem:$0x3FB0]  }
0x2f: {  	lr =	sadd.s32 s0, s3;
	s0 =	sld [smem:$0x3FA7]  }
0x30: {  	s3 =	sld [smem:$0x3FAA]  }
0x31: {  	[smem:$0x3FB3] =	sst s10  }
0x32: {  	s10 =	sld [smem:$0x3FB1];
	_ =	sdelay $0x3  }
0x33: {  	p0 =	seq.s32 s10, $0x1;
	s10 =	sld [smem:$0x3FB3];
	_ =	sdelay $0x3  }
0x34: {  	[smem:$0x3FB3] =	sst s10  }
0x35: {  	s10 =	sld [smem:$0x3FB2];
	_ =	sdelay $0x3  }
0x36: {  	p1 =	seq.s32 s10, $0x1;
	s10 =	sld [smem:$0x3FB3];
	_ =	sdelay $0x3  }
0x37: {  	[smem:$0x3FB3] =	sst s10  }
0x38: {  	s10 =	sld [smem:$0x3FB4]  }
0x39: {  	_ = 	snop;
	(pc) =	sbr.ind lr, $3  }
0x3a: {  	_ = 	snop  }
0x3b: {  	_ = 	snop  }
0x3c: {  	p2 =	seq.s32 s10, $0x1;
	s10 =	sld [smem:$0x3FB3]  }
0x3d: {  	_ =	shalt  }
0x3e: {  	_ =	shalt  }
0x3f: {  	_ =	shalt  }
0x40: {  	_ =	shalt  }
0x41: {  	_ =	shalt  }
0x42: {  	_ =	shalt  }
0x43: {  	_ =	shalt  }
0x44: {  	_ =	shalt  }
0x45: {  	_ =	shalt  }
0x46: {  	_ =	shalt  }
0x47: {  	_ =	shalt  }
0x48: {  	_ =	shalt  }
0x49: {  	_ =	shalt  }
0x4a: {  	_ =	shalt  }
0x4b: {  	_ =	shalt  }
0x4c: {  	_ =	shalt  }
0x4d: {  	_ =	shalt  }
0x4e: {  	_ =	shalt  }
0x4f: {  	_ =	shalt  }
0x50: {  	_ =	shalt  }
0x51: {  	_ =	shalt  }
0x52: {  	_ =	shalt  }
0x53: {  	_ =	shalt  }
0x54: {  	_ =	shalt  }
0x55: {  	_ =	shalt  }
0x56: {  	_ =	shalt  }
0x57: {  	_ =	shalt  }
0x58: {  	_ =	shalt  }
0x59: {  	_ =	shalt  }
0x5a: {  	_ =	shalt  }
0x5b: {  	_ =	shalt  }
0x5c: {  	_ =	shalt  }
0x5d: {  	_ =	shalt  }
0x5e: {  	_ =	shalt  }
0x5f: {  	_ =	shalt  }
0x60: {  	_ =	shalt  }
0x61: {  	_ =	shalt  }
0x62: {  	_ =	shalt  }
0x63: {  	_ =	shalt  }
0x64: {  	_ =	shalt  }
0x65: {  	_ =	shalt  }
0x66: {  	_ =	shalt  }
0x67: {  	_ =	shalt  }
0x68: {  	_ =	shalt  }
0x69: {  	_ =	shalt  }
0x6a: {  	_ =	shalt  }
0x6b: {  	_ =	shalt  }
0x6c: {  	_ =	shalt  }
0x6d: {  	_ =	shalt  }
0x6e: {  	_ =	shalt  }
0x6f: {  	_ =	shalt  }
0x70: {  	_ =	shalt  }
0x71: {  	_ =	shalt  }
0x72: {  	_ =	shalt  }
0x73: {  	_ =	shalt  }
0x74: {  	_ =	shalt  }
0x75: {  	_ =	shalt  }
0x76: {  	_ =	shalt  }
0x77: {  	_ =	shalt  }
0x78: {  	_ =	shalt  }
0x79: {  	_ =	shalt  }
0x7a: {  	_ =	shalt  }
0x7b: {  	_ =	shalt  }
0x7c: {  	_ =	shalt  }
0x7d: {  	_ =	shalt  }
0x7e: {  	_ =	shalt  }
0x7f: {  	_ =	shalt  }
0x80: {  	_ =	shalt  }
0x81: {  	_ =	shalt  }
0x82: {  	_ =	shalt  }
0x83: {  	_ =	shalt  }
0x84: {  	_ =	shalt  }
0x85: {  	_ =	shalt  }
0x86: {  	_ =	shalt  }
0x87: {  	_ =	shalt  }
.Lfunc_end0:
.L_simem_size_0:
called_computation.2_lowered:
.L_overlay_start_0:
0x88: {  	s2 =	sld [smem:$0x3FD9]  }
0x89: {  	s3 =	sld [smem:$0x3FFE];
	_ =	sdelay $0x1  }
0x8a: {  	s1 =	srdreg.scid  }
0x8b: {  	s0 =	sand.u32 $0x1, s1  }
0x8c: {  	s17 =	sshll.u32 s0, $0xA;
	s2 =	sadd.s32 s3, s2  }
0x8d: {  	s2 =	sadd.s32 s2, s17  }
0x8e: {  	[smem:$0x3FBF] =	sst s2  }
0x8f: {  	_ = 	snop  }
0x90: {  	s2 =	sld [smem:$0x3FD0];
	(tm) =	ssettm $0x1  }
0x91: {  	s18 =	sld [smem:$0x3FFB];
	_ =	sdelay $0x3  }
0x92: {  	_ =	strace s18  }
0x93: {  	s3 =	sld [smem:$0x3FFC];
	_ =	sdelay $0x3  }
0x94: {  	_ =	strace s3  }
0x95: {  	s3 =	sld [smem:$0x3FFD];
	_ =	sdelay $0x3  }
0x96: {  	_ =	strace s3  }
0x97: {  	_ =	strace $0x8FFFFFFF  }
0x98: {  	s19 =	sld [smem:$0x3FDB];
	_ =	sdelay $0x1  }
0x99: {  	s4 =	simm.s32 $_scs_section_size  }
0x9a: {  	s5 =	simm.s32 $_size__tile_overlayer_lowered;
	s6 =	simm.s32 $_tile_overlayer_lowered  }
0x9b: {  	s22 =	simm.s32 $0x1BFF;
	s21 =	sshll.u32 s6, $0x1;
	s3 =	sadd.s32 s4, s19  }
0x9c: {  	s7 =	simm.s32 $0x0;
	s20 =	sshll.u32 s5, $0x1;
	s5 =	sadd.s32 s21, s3  }
0x9d: {  	[timem:s7], [sflag:s22] =	dma.local [hbm:s5], s20  }
0x9e: {  	_ =	swait.ge [sflag:s22], s20  }
0x9f: {  	s4 =	ssub.s32 $0x0, s20;
	[sflag:s22] =	ssyncset.done $0x0  }
0xa0: {  	[sflag:s22] =	ssyncadd.s32 s4;
	_ =	sdelay $0x1  }
0xa1: {  	s23 =	simm.s32 $0x1B8B  }
0xa2: {  	_ =	swait.ge [sflag:s23], $0x1  }
0xa3: {  	[sflag:s23] =	ssyncset.done $0x0  }
0xa4: {  	s25 =	simm.s32 $0x1B8E;
	s24 =	sld [smem:$0x3FFE];
	[sflag:s23] =	ssyncadd.s32 $0xFFFFFFFF  }
0xa5: {  	s26 =	simm.s32 $execute0_lowered;
	[smem:$0x3FD2] =	sst s25  }
0xa6: {  	s5 =	sshll.u32 s26, $0x1;
	_ =	strace $0x8000004C;
	[dreg:$0x1] =	wrdreg $0xFFFFFFFF  }
0xa7: {  	s28 =	simm.s32 $_size_execute0_lowered;
	s3 =	sadd.s32 s3, s5;
	[dreg:$0x0] =	wrdreg $0x0  }
0xa8: {  	s5 =	sshll.u32 s28, $0x1;
	[dreg:$0x2] =	wrdreg s3  }
0xa9: {  	[dreg:$0x3] =	wrdreg s5  }
0xaa: {  	[dreg:$0x4] =	wrdreg $0xC0  }
0xab: {  	_ =	task [dreg:s7], $0x5FFFF  }
0xac: {  	[dreg:$0x1] =	wrdreg $0xFFFFFFFF  }
0xad: {  	[dreg:$0x0] =	wrdreg $0x60  }
0xae: {  	[dreg:$0x2] =	wrdreg s2  }
0xaf: {  	[dreg:$0x3] =	wrdreg s24  }
0xb0: {  	[dreg:$0x4] =	wrdreg $0x0  }
0xb1: {  	[dreg:$0x5] =	wrdreg $0x9  }
0xb2: {  	_ =	task.clear_ibuf [dreg:s7], $0x6FFFF;
	_ =	strace $0x9000004C  }
0xb3: {  	s29 =	simm.s32 $0x9;
	_ =	strace $0x8000004E  }
0xb4: {  	_ =	swait.ge [sflag:s29], $0x1  }
0xb5: {  	[sflag:s29] =	ssyncadd.s32 $0xFFFFFFFF  }
0xb6: {  	_ =	strace $0x9000004E  }
0xb7: {  	_ =	sfence  }
0xb8: {  	s30 =	sld [smem:$0x0];
	_ =	sdelay $0x2  }
0xb9: {  	s31 =	sshll.u32 s1, $0xD;
	s1 =	sshrl.u32 s1, $0x2  }
0xba: {  	s3 =	sand.u32 $0x4000, s31;
	s1 =	sadd.s32 s1, s30  }
0xbb: {  	s0 =	sor.u32 s3, s0;
	s1 =	sshll.u32 s1, $0x11  }
0xbc: {  	s0 =	sor.u32 s1, s0  }
0xbd: {  	s0 =	sadd.s32 $0x8F2B, s0  }
0xbe: {  	[sflag:s0] =	ssyncadd.remote.s32 $0x1  }
0xbf: {  	_ =	sfence.sel $0xFFFF  }
0xc0: {  	[dreg:$0x0] =	wrdreg $0xFFFFFFFF;
	(pc) =	sbr.abs _section_cstart, $3  }
0xc1: {  	[dreg:$0x1] =	wrdreg $0xFFFFFFFF  }
0xc2: {  	_ =	task.clear_ibuf [dreg:s7], $0x2FFFF;
	_ =	strace $0x9FFFFFFF  }
0xc3: {  	(tm) =	ssettm $0x7FFFFFFF  }
tec
execute0_lowered:
.L_overlay_start_1:
0x0: {  	(tag) =	ssettag $0x1  }
0x1: {  	s1 =	rddreg [dreg:$0x0]  }
0x2: {  	s0 =	rddreg [dreg:$0x1]  }
0x3: {  	s3 =	rddreg [dreg:$0x2]  }
0x4: {  	s4 =	simm.s32 $0x0;
	s13 =	stileid.u32;
	s2 =	srdreg.scid  }
0x5: {  	s20 =	simm.s32 $0x1FC00;
	s21 =	simm.s32 $0x1FD00;
	s29 =	simm.s32 $0x3  }
0x6: {  	s30 =	simm.s32 $0x5;
	s31 =	simm.s32 $0x2;
	s16 =	simm.s32 $0x4  }
0x7: {  	s17 =	simm.s32 $0x6;
	s18 =	simm.s32 $0x1FE80;
	s7 =	smul.u32 $0x13C00, s13  }
0x8: {  	s2 =	sand.u32 $0x1, s2;
	s9 =	sshll.u32 s13, $0x1;
	s11 =	smul.u32 $0x4F000, s13  }
0x9: {  	s5 =	sadd.s32 $0x9F2C00, s0;
	s8 =	smul.u32 $0x13C000, s2;
	s9 =	sor.u32 s2, s9  }
0xa: {  	[smem:$0x7FF] =	sst s4;
	s6 =	sadd.s32 $0x4E6E00, s0;
	s22 =	smul.u32 $0x27C0, s9  }
0xb: {  	s13 =	sshll.u32 s13, $0x6;
	_ =	strace $0x8000004D;
	s12 =	smul.u32 $0x9F0, s9  }
0xc: {  	s2 =	ssub.s32 $0x2, s2;
	s19 =	sor.u32 $0x1C09, s13;
	s25 =	smul.u32 $0x4F80, s9  }
0xd: {  	s10 =	sshrl.u32 s7, $0x3;
	s23 =	sshrl.u32 s2, $0x1;
	s26 =	smul.u32 $0x6A, s9  }
0xe: {  	s24 =	sshrl.u32 s11, $0x2;
	s9 =	smul.u32 $0x27C00, s9;
	[dreg:$0x5] =	wrdreg s19  }
0xf: {  	s10 =	sadd.s32 s10, s0;
	s7 =	sadd.s32 s7, s8;
	s2 =	ssub.s32 s2, s23  }
0x10: {  	s23 =	simm.s32 $0x30;
	s8 =	simm.s32 $0x7;
	s7 =	sshrl.u32 s7, $0x3  }
0x11: {  	s10 =	sadd.s32 $0x4800, s10;
	s11 =	sshrl.u32 s25, $0x3;
	s12 =	sadd.s32 s6, s12  }
0x12: {  	s9 =	sadd.s32 s5, s9;
	s13 =	sadd.s32 $0x60, s22;
	s14 =	sadd.s32 $0x3, s26  }
0x13: {  	s15 =	sadd.s32 $0xC0, s22;
	s28 =	smax.u32 s2, $0x1;
	s22 =	simm.s32 $0x1  }
0x14: {  	s25 =	simm.s32 $0x0;
	s0 =	sadd.s32 s7, s0;
	[dreg:$0x4] =	wrdreg s10  }
0x15: {  	s7 =	sadd.s32 s24, s3;
	[dreg:$0x6] =	wrdreg s12;
	s11 =	sadd.s32 s6, s11  }
.Ltmp0:
0x16: {  	[dreg:$0x8] =	wrdreg s9;
	s12 =	sadd.s32 $0x2, s26;
	(pc) =	sbr.rel .LBB2_1-.Ltmp0, $4  }
0x17: {  	[dreg:$0xa] =	wrdreg s28;
	s9 =	simm.s32 $0x9;
	s11 =	sadd.s32 $0x18, s11  }
0x18: {  	s24 =	simm.s32 $0x13C00;
	s0 =	sadd.s32 $0x2C000, s0;
	[dreg:$0x7] =	wrdreg s11  }
0x19: {  	s10 =	simm.s32 $0x60;
	s7 =	sshrl.u32 s7, $0x3;
	[dreg:$0x9] =	wrdreg s0  }
0x1a: {  	s0 =	simm.s32 $0x16C00;
	s11 =	simm.s32 $0x1FE00;
	[dreg:$0xb] =	wrdreg s7  }
.LBB2_8:
0x1b: {  	[spmem:s3] =	stream.indirect.scatter.add.f32 [tilespmem:s0], [sflag:$0x8], $0x80, s18, s10, $0xb8;
	[tilespmem:$0x1FF00] =	vst v63  }
0x1c: {  	s2 =	simm.s32 $0x8  }
0x1d: {  	_ =	swait.ge [sflag:s2], $0x3000  }
0x1e: {  	[sflag:s2] =	ssyncset.done $0x0  }
0x1f: {  	[sflag:s2] =	ssyncadd.s32 $0xFFFFD000  }
0x20: {  	[bflag:$0x0] =	sbarrier.arrive $0xFFFF  }
0x21: {  	s19 =	rddreg [dreg:$0x5]  }
0x22: {  	s26 =	rddreg [dreg:$0x9]  }
0x23: {  	s9 =	simm.s32 $0x9;
	s7 =	rddreg [dreg:$0xb]  }
0x24: {  	[hbm:s26], [sflag:s19] =	dma.local [spmem:s7], $0x2780  }
0x25: {  	_ =	swait.ge [sflag:s9], $0x2780  }
0x26: {  	s25 =	rddreg [dreg:$0xc]  }
0x27: {  	s28 =	rddreg [dreg:$0xa];
	s25 =	sadd.s32 $0x1, s25  }
0x28: {  	p0 =	sne.s32 s25, s28  }
.Ltmp1:
0x29: {  	_ = 	snop;
	(pc) =	sbr.rel @!p0 .LBB2_9-.Ltmp1, $3  }
0x2a: {  	_ =	sdelay $0x1  }
0x2b: {  	[sflag:s9] =	ssyncset.done $0x0  }
0x2c: {  	[sflag:s9] =	ssyncadd.s32 $0xFFFFD880  }
.LBB2_1:
0x2d: {  	[dreg:$0xc] =	wrdreg s25  }
0x2e: {  	s2 =	rddreg [dreg:$0x4]  }
0x2f: {  	[spmem:s7], [sflag:s19] =	dma.local [hbm:s2], $0x2780  }
0x30: {  	_ =	swait.ge [sflag:s9], $0x2780  }
0x31: {  	[sflag:s9] =	ssyncset.done $0x0  }
0x32: {  	[sflag:s9] =	ssyncadd.s32 $0xFFFFD880  }
0x33: {  	[bflag:$0x0] =	sbarrier.arrive $0xFFFF  }
0x34: {  	s7 =	rddreg [dreg:$0x6]  }
0x35: {  	[tilespmem:s20], [sflag:$0x1] =	stream.linear.gather [hbm4b:s7+s4], $0xC0, $0x38;
	[tilespmem:$0x1FF00] =	vst v63  }
0x36: {  	s9 =	rddreg [dreg:$0x7]  }
0x37: {  	[tilespmem:s21], [sflag:$0x2] =	stream.linear.gather [hbm4b:s9+s4], $0xC0, $0x38;
	[tilespmem:$0x1FF00] =	vst v63  }
0x38: {  	_ =	swait.ge [sflag:s22], $0xC0  }
0x39: {  	[sflag:s22] =	ssyncset.done $0x0  }
0x3a: {  	[sflag:s22] =	ssyncadd.s32 $0xFFFFFF40  }
0x3b: {  	[tilespmem:s24], [sflag:$0x3] =	stream.indirect.gather [hbm4b:s1+s23], $0x80, s20, s23, $0xb8;
	[tilespmem:$0x1FF00] =	vst v63  }
0x3c: {  	s25 =	simm.s32 $0x15400;
	s19 =	simm.s32 $0x1FC30  }
0x3d: {  	[tilespmem:s25], [sflag:$0x3] =	stream.indirect.gather [hbm4b:s1+s23], $0x80, s19, s23, $0xb8;
	[tilespmem:$0x1FF00] =	vst v63  }
0x3e: {  	s28 =	simm.s32 $0x19C00;
	s26 =	rddreg [dreg:$0x8];
	s19 =	simm.s32 $0x0  }
0x3f: {  	[tilespmem:s28], [sflag:$0x5] =	stream.linear.gather [hbm4b:s26+s4], $0x3000, $0x38;
	[tilespmem:$0x1FF00] =	vst v63  }
.LBB2_2:
0x40: {  	_ =	swait.ge [sflag:s29], $0x3000  }
0x41: {  	[sflag:s29] =	ssyncset.done $0x0  }
0x42: {  	[sflag:s29] =	ssyncadd.s32 $0xFFFFD000  }
0x43: {  	_ =	swait.ge [sflag:s30], $0x3000  }
0x44: {  	[sflag:s30] =	ssyncset.done $0x0  }
0x45: {  	[sflag:s30] =	ssyncadd.s32 $0xFFFFD000  }
0x46: {  	v0 =	vld [tilespmem:$0x1FC60]  }
0x47: {  	v1 =	vld [tilespmem:$0x1FC70]  }
0x48: {  	v2 =	vld [tilespmem:$0x1FC80]  }
0x49: {  	v3 =	vld [tilespmem:$0x1FC90]  }
0x4a: {  	v4 =	vld [tilespmem:$0x1FCA0]  }
0x4b: {  	[tilespmem:$0x1FE00] =	vst v0;
	v0 =	vld [tilespmem:$0x1FCB0]  }
0x4c: {  	s25 =	sshll.u32 s19, $0x1;
	p0 =	seq.s32 s19, $0x34;
	[tilespmem:$0x1FE10] =	vst v1  }
0x4d: {  	s2 =	sadd.s32 @!p0 s25, s12;
	[tilespmem:$0x1FE20] =	vst v2  }
0x4e: {  	s2 =	smul.u32 @!p0 $0x18, s2;
	[tilespmem:$0x1FE30] =	vst v3  }
0x4f: {  	s26 =	simm.s32 $0x13D00;
	[tilespmem:$0x1FE40] =	vst v4  }
0x50: {  	s7 =	simm.s32 @!p0 $0x0;
	s9 =	simm.s32 @!p0 $0x1FC00;
	s2 =	sadd.s32 @!p0 s6, s2;
	[tilespmem:$0x1FE50] =	vst v0  }
0x51: {  	[tilespmem:s9], [sflag:$0x1] =	stream.linear.gather @!p0 [hbm4b:s2+s7], $0xC0, $0x38;
	[tilespmem:$0x1FF00] =	vst v63  }
0x52: {  	s28 =	simm.s32 $0x19D00;
	v0 =	vld [tilespmem:s26+$0x80]  }
0x53: {  	v1 =	vld [tilespmem:s28+$0x80]  }
0x54: {  	v2 =	vld [tilespmem:s28+$0xFFFFFF00]  }
0x55: {  	v3 =	vld [tilespmem:s26+$0xFFFFFF80]  }
0x56: {  	v4 =	vld [tilespmem:s28+$0xFFFFFF80]  }
0x57: {  	v5 =	vld [tilespmem:s28+$0x0]  }
0x58: {  	v0 =	vadd.f32 v1, v0;
	v1 =	vld [tilespmem:s26+$0x0]  }
0x59: {  	v6 =	vld [tilespmem:s26+$0xFFFFFF00]  }
0x5a: {  	v0 =	vmax.f32 v0, $0.0e+00  }
0x5b: {  	v3 =	vadd.f32 v4, v3;
	[tilespmem:s26+$0x80] =	vst v0;
	v0 =	vld [tilespmem:s26+$0x90]  }
0x5c: {  	v7 =	vld [tilespmem:s28+$0x90]  }
0x5d: {  	v8 =	vld [tilespmem:s26+$0xFFFFFF90];
	v3 =	vmax.f32 v3, $0.0e+00;
	v1 =	vadd.f32 v5, v1  }
0x5e: {  	v4 =	vld [tilespmem:s26+$0xFFFFFF10];
	v2 =	vadd.f32 v2, v6;
	[tilespmem:s26+$0xFFFFFF80] =	vst v3  }
0x5f: {  	v5 =	vld [tilespmem:s28+$0xFFFFFF90];
	v1 =	vmax.f32 v1, $0.0e+00  }
0x60: {  	v2 =	vmax.f32 v2, $0.0e+00;
	v3 =	vld [tilespmem:s26+$0x10];
	[tilespmem:s26+$0x0] =	vst v1  }
0x61: {  	[tilespmem:s26+$0xFFFFFF00] =	vst v2;
	v0 =	vadd.f32 v7, v0;
	v1 =	vld [tilespmem:s28+$0x10]  }
0x62: {  	v2 =	vld [tilespmem:s28+$0xFFFFFF10]  }
0x63: {  	v0 =	vmax.f32 v0, $0.0e+00  }
0x64: {  	v5 =	vadd.f32 v5, v8;
	[tilespmem:s26+$0x90] =	vst v0;
	v0 =	vld [tilespmem:s26+$0xA0]  }
0x65: {  	v7 =	vld [tilespmem:s28+$0xA0]  }
0x66: {  	v6 =	vld [tilespmem:s26+$0xFFFFFF20];
	v5 =	vmax.f32 v5, $0.0e+00;
	v1 =	vadd.f32 v1, v3  }
0x67: {  	v2 =	vadd.f32 v2, v4;
	v8 =	vld [tilespmem:s26+$0xFFFFFFA0];
	[tilespmem:s26+$0xFFFFFF90] =	vst v5  }
0x68: {  	v4 =	vld [tilespmem:s28+$0xFFFFFFA0];
	v1 =	vmax.f32 v1, $0.0e+00  }
0x69: {  	v2 =	vmax.f32 v2, $0.0e+00;
	v3 =	vld [tilespmem:s26+$0x20];
	[tilespmem:s26+$0x10] =	vst v1  }
0x6a: {  	[tilespmem:s26+$0xFFFFFF10] =	vst v2;
	v0 =	vadd.f32 v7, v0;
	v1 =	vld [tilespmem:s28+$0x20]  }
0x6b: {  	v2 =	vld [tilespmem:s28+$0xFFFFFF20]  }
0x6c: {  	v0 =	vmax.f32 v0, $0.0e+00  }
0x6d: {  	v4 =	vadd.f32 v4, v8;
	[tilespmem:s26+$0xA0] =	vst v0;
	v0 =	vld [tilespmem:s26+$0xB0]  }
0x6e: {  	v7 =	vld [tilespmem:s28+$0xB0]  }
0x6f: {  	v9 =	vld [tilespmem:s26+$0x30];
	v4 =	vmax.f32 v4, $0.0e+00;
	v1 =	vadd.f32 v1, v3  }
0x70: {  	v2 =	vadd.f32 v2, v6;
	v8 =	vld [tilespmem:s26+$0xFFFFFFB0];
	[tilespmem:s26+$0xFFFFFFA0] =	vst v4  }
0x71: {  	v3 =	vld [tilespmem:s28+$0xFFFFFFB0];
	v1 =	vmax.f32 v1, $0.0e+00  }
0x72: {  	v5 =	vld [tilespmem:s26+$0xFFFFFF30];
	[tilespmem:s26+$0x20] =	vst v1;
	v1 =	vmax.f32 v2, $0.0e+00  }
0x73: {  	v0 =	vadd.f32 v7, v0;
	[tilespmem:s26+$0xFFFFFF20] =	vst v1;
	v1 =	vld [tilespmem:s28+$0x30]  }
0x74: {  	v6 =	vld [tilespmem:s28+$0xFFFFFF30]  }
0x75: {  	v10 =	vld [tilespmem:s26+$0xFFFFFF40];
	v0 =	vmax.f32 v0, $0.0e+00  }
0x76: {  	v3 =	vadd.f32 v3, v8;
	[tilespmem:s26+$0xB0] =	vst v0;
	v0 =	vld [tilespmem:s26+$0xC0]  }
0x77: {  	v7 =	vld [tilespmem:s28+$0xC0]  }
0x78: {  	v11 =	vld [tilespmem:s26+$0xFFFFFFD0];
	v3 =	vmax.f32 v3, $0.0e+00;
	v1 =	vadd.f32 v1, v9  }
0x79: {  	v4 =	vld [tilespmem:s26+$0xFFFFFFC0];
	[tilespmem:s26+$0xFFFFFFB0] =	vst v3;
	v5 =	vadd.f32 v6, v5  }
0x7a: {  	v6 =	vld [tilespmem:s28+$0xFFFFFFC0];
	v1 =	vmax.f32 v1, $0.0e+00  }
0x7b: {  	v2 =	vld [tilespmem:s26+$0x40];
	[tilespmem:s26+$0x30] =	vst v1;
	v1 =	vmax.f32 v5, $0.0e+00  }
0x7c: {  	v0 =	vadd.f32 v7, v0;
	v5 =	vld [tilespmem:s28+$0x40];
	[tilespmem:s26+$0xFFFFFF30] =	vst v1  }
0x7d: {  	v1 =	vld [tilespmem:s28+$0xFFFFFF40]  }
0x7e: {  	v8 =	vld [tilespmem:s26+$0xFFFFFF50];
	v0 =	vmax.f32 v0, $0.0e+00  }
0x7f: {  	[tilespmem:s26+$0xC0] =	vst v0;
	v0 =	vadd.f32 v6, v4;
	v6 =	vld [tilespmem:s26+$0xD0]  }
0x80: {  	v7 =	vld [tilespmem:s28+$0xD0]  }
0x81: {  	v3 =	vld [tilespmem:s26+$0xFFFFFF60];
	v0 =	vmax.f32 v0, $0.0e+00;
	v2 =	vadd.f32 v5, v2  }
0x82: {  	v9 =	vld [tilespmem:s26+$0x50];
	[tilespmem:s26+$0xFFFFFFC0] =	vst v0;
	v0 =	vadd.f32 v1, v10  }
0x83: {  	v1 =	vld [tilespmem:s28+$0xFFFFFFD0];
	v2 =	vmax.f32 v2, $0.0e+00  }
0x84: {  	v4 =	vld [tilespmem:s26+$0xFFFFFFE0];
	[tilespmem:s26+$0x40] =	vst v2;
	v0 =	vmax.f32 v0, $0.0e+00  }
0x85: {  	v2 =	vld [tilespmem:s28+$0x50];
	v6 =	vadd.f32 v7, v6;
	[tilespmem:s26+$0xFFFFFF40] =	vst v0  }
0x86: {  	v0 =	vld [tilespmem:s28+$0xFFFFFF50]  }
0x87: {  	v5 =	vld [tilespmem:s26+$0x60];
	v6 =	vmax.f32 v6, $0.0e+00  }
0x88: {  	v1 =	vadd.f32 v1, v11;
	[tilespmem:s26+$0xD0] =	vst v6;
	v6 =	vld [tilespmem:s26+$0xE0]  }
0x89: {  	v10 =	vld [tilespmem:s28+$0xE0]  }
0x8a: {  	v1 =	vmax.f32 v1, $0.0e+00;
	v7 =	vadd.f32 v2, v9;
	v2 =	vld [tilespmem:s26+$0xFFFFFF70]  }
0x8b: {  	[tilespmem:s26+$0xFFFFFFD0] =	vst v1;
	v0 =	vadd.f32 v0, v8;
	v1 =	vld [tilespmem:s26+$0xFFFFFFF0]  }
0x8c: {  	v8 =	vmax.f32 v7, $0.0e+00;
	v7 =	vld [tilespmem:s28+$0xFFFFFFE0]  }
0x8d: {  	[tilespmem:s26+$0x50] =	vst v8;
	v8 =	vmax.f32 v0, $0.0e+00;
	v0 =	vld [tilespmem:s26+$0x70]  }
0x8e: {  	[tilespmem:s26+$0xFFFFFF50] =	vst v8;
	v8 =	vld [tilespmem:s28+$0x60];
	v6 =	vadd.f32 v10, v6  }
0x8f: {  	v9 =	vld [tilespmem:s28+$0xFFFFFF60]  }
0x90: {  	s2 =	simm.s32 $0x0;
	s7 =	simm.s32 $0x13F00;
	s9 =	simm.s32 $0x19D00;
	v10 =	vmax.f32 v6, $0.0e+00;
	v6 =	vld [tilespmem:s26+$0xF0]  }
.LBB2_3:
0x91: {  	v11 =	vld [tilespmem:s7+$0x80];
	v4 =	vadd.f32 v7, v4;
	[tilespmem:s26+$0xE0] =	vst v10  }
0x92: {  	s9 =	sadd.s32 $0x200, s9;
	v7 =	vld [tilespmem:s28+$0xF0]  }
0x93: {  	s2 =	sadd.s32 $0x4, s2;
	v10 =	vld [tilespmem:s9+$0x80];
	v4 =	vmax.f32 v4, $0.0e+00;
	v5 =	vadd.f32 v8, v5  }
0x94: {  	p1 =	slt.u32 s2, $0x5C;
	v8 =	vld [tilespmem:s9+$0xFFFFFF00];
	v3 =	vadd.f32 v9, v3;
	[tilespmem:s26+$0xFFFFFFE0] =	vst v4  }
0x95: {  	v4 =	vld [tilespmem:s7+$0xFFFFFF80];
	v5 =	vmax.f32 v5, $0.0e+00  }
0x96: {  	v9 =	vld [tilespmem:s9+$0xFFFFFF80];
	v3 =	vmax.f32 v3, $0.0e+00;
	[tilespmem:s26+$0x60] =	vst v5  }
0x97: {  	v5 =	vld [tilespmem:s7+$0x0];
	[tilespmem:s26+$0xFFFFFF60] =	vst v3;
	v3 =	vadd.f32 v7, v6  }
0x98: {  	v6 =	vld [tilespmem:s9+$0x0];
	v7 =	vadd.f32 v10, v11  }
0x99: {  	v10 =	vld [tilespmem:s7+$0xFFFFFF00];
	v3 =	vmax.f32 v3, $0.0e+00  }
0x9a: {  	v11 =	vld [tilespmem:s7+$0xFFFFFF10];
	v7 =	vmax.f32 v7, $0.0e+00;
	[tilespmem:s26+$0xF0] =	vst v3  }
0x9b: {  	v3 =	vadd.f32 v9, v4;
	[tilespmem:s7+$0x80] =	vst v7;
	v4 =	vld [tilespmem:s7+$0x90]  }
0x9c: {  	v7 =	vld [tilespmem:s9+$0x90]  }
0x9d: {  	v3 =	vmax.f32 v3, $0.0e+00;
	v9 =	vld [tilespmem:s7+$0xFFFFFF90];
	v5 =	vadd.f32 v6, v5  }
0x9e: {  	v6 =	vadd.f32 v8, v10;
	[tilespmem:s7+$0xFFFFFF80] =	vst v3;
	v3 =	vld [tilespmem:s7+$0x10]  }
0x9f: {  	v8 =	vld [tilespmem:s9+$0xFFFFFF90];
	v5 =	vmax.f32 v5, $0.0e+00  }
0xa0: {  	v6 =	vmax.f32 v6, $0.0e+00;
	v10 =	vld [tilespmem:s7+$0xFFFFFF20];
	[tilespmem:s7+$0x0] =	vst v5  }
0xa1: {  	[tilespmem:s7+$0xFFFFFF00] =	vst v6;
	v5 =	vld [tilespmem:s9+$0x10];
	v4 =	vadd.f32 v7, v4  }
0xa2: {  	v6 =	vld [tilespmem:s9+$0xFFFFFF10]  }
0xa3: {  	v7 =	vld [tilespmem:s7+$0xFFFFFFA0];
	v4 =	vmax.f32 v4, $0.0e+00  }
0xa4: {  	v8 =	vadd.f32 v8, v9;
	[tilespmem:s7+$0x90] =	vst v4;
	v4 =	vld [tilespmem:s7+$0xA0]  }
0xa5: {  	v9 =	vld [tilespmem:s9+$0xA0]  }
0xa6: {  	v8 =	vmax.f32 v8, $0.0e+00;
	v3 =	vadd.f32 v5, v3;
	v5 =	vld [tilespmem:s7+$0x20]  }
0xa7: {  	v6 =	vadd.f32 v6, v11;
	v11 =	vld [tilespmem:s7+$0xFFFFFF30];
	[tilespmem:s7+$0xFFFFFF90] =	vst v8  }
0xa8: {  	v8 =	vld [tilespmem:s9+$0xFFFFFFA0];
	v3 =	vmax.f32 v3, $0.0e+00  }
0xa9: {  	v6 =	vmax.f32 v6, $0.0e+00;
	v12 =	vld [tilespmem:s7+$0xFFFFFFB0];
	[tilespmem:s7+$0x10] =	vst v3  }
0xaa: {  	[tilespmem:s7+$0xFFFFFF10] =	vst v6;
	v3 =	vld [tilespmem:s9+$0x20];
	v4 =	vadd.f32 v9, v4  }
0xab: {  	v6 =	vld [tilespmem:s9+$0xFFFFFF20]  }
0xac: {  	v9 =	vld [tilespmem:s7+$0x30];
	v4 =	vmax.f32 v4, $0.0e+00  }
0xad: {  	v7 =	vadd.f32 v8, v7;
	[tilespmem:s7+$0xA0] =	vst v4;
	v4 =	vld [tilespmem:s7+$0xB0]  }
0xae: {  	v8 =	vld [tilespmem:s9+$0xB0]  }
0xaf: {  	v13 =	vld [tilespmem:s7+$0xFFFFFF40];
	v7 =	vmax.f32 v7, $0.0e+00;
	v3 =	vadd.f32 v3, v5  }
0xb0: {  	v5 =	vadd.f32 v6, v10;
	[tilespmem:s7+$0xFFFFFFA0] =	vst v7;
	v6 =	vld [tilespmem:s7+$0xFFFFFFC0]  }
0xb1: {  	v7 =	vld [tilespmem:s9+$0xFFFFFFB0];
	v3 =	vmax.f32 v3, $0.0e+00  }
0xb2: {  	v5 =	vmax.f32 v5, $0.0e+00;
	[tilespmem:s7+$0x20] =	vst v3;
	v10 =	vld [tilespmem:s7+$0x40]  }
0xb3: {  	[tilespmem:s7+$0xFFFFFF20] =	vst v5;
	v3 =	vld [tilespmem:s9+$0x30];
	v4 =	vadd.f32 v8, v4  }
0xb4: {  	v5 =	vld [tilespmem:s9+$0xFFFFFF30]  }
0xb5: {  	v8 =	vld [tilespmem:s7+$0xFFFFFF50];
	v4 =	vmax.f32 v4, $0.0e+00  }
0xb6: {  	v7 =	vadd.f32 v7, v12;
	[tilespmem:s7+$0xB0] =	vst v4;
	v4 =	vld [tilespmem:s7+$0xC0]  }
0xb7: {  	v12 =	vld [tilespmem:s9+$0xC0]  }
0xb8: {  	v7 =	vmax.f32 v7, $0.0e+00;
	v14 =	vld [tilespmem:s7+$0xFFFFFFD0];
	v3 =	vadd.f32 v3, v9  }
0xb9: {  	v5 =	vadd.f32 v5, v11;
	[tilespmem:s7+$0xFFFFFFB0] =	vst v7;
	v7 =	vld [tilespmem:s7+$0x50]  }
0xba: {  	v9 =	vld [tilespmem:s9+$0xFFFFFFC0];
	v11 =	vmax.f32 v3, $0.0e+00  }
0xbb: {  	v5 =	vmax.f32 v5, $0.0e+00;
	v3 =	vld [tilespmem:s7+$0xFFFFFF60];
	[tilespmem:s7+$0x30] =	vst v11  }
0xbc: {  	[tilespmem:s7+$0xFFFFFF30] =	vst v5;
	v5 =	vld [tilespmem:s9+$0x40];
	v11 =	vadd.f32 v12, v4  }
0xbd: {  	v12 =	vld [tilespmem:s9+$0xFFFFFF40]  }
0xbe: {  	v4 =	vld [tilespmem:s7+$0xFFFFFFE0];
	v11 =	vmax.f32 v11, $0.0e+00  }
0xbf: {  	v6 =	vadd.f32 v9, v6;
	[tilespmem:s7+$0xC0] =	vst v11;
	v9 =	vld [tilespmem:s7+$0xD0]  }
0xc0: {  	v11 =	vld [tilespmem:s9+$0xD0]  }
0xc1: {  	v6 =	vmax.f32 v6, $0.0e+00;
	v10 =	vadd.f32 v5, v10;
	v5 =	vld [tilespmem:s7+$0x60]  }
0xc2: {  	v12 =	vadd.f32 v12, v13;
	[tilespmem:s7+$0xFFFFFFC0] =	vst v6;
	v6 =	vld [tilespmem:s28+$0xFFFFFF70]  }
0xc3: {  	v13 =	vld [tilespmem:s9+$0xFFFFFFD0];
	v10 =	vmax.f32 v10, $0.0e+00  }
0xc4: {  	v12 =	vmax.f32 v12, $0.0e+00;
	[tilespmem:s7+$0x40] =	vst v10;
	v10 =	vld [tilespmem:s28+$0xFFFFFFF0]  }
0xc5: {  	[tilespmem:s7+$0xFFFFFF40] =	vst v12;
	v12 =	vld [tilespmem:s9+$0x50];
	v9 =	vadd.f32 v11, v9  }
0xc6: {  	v11 =	vld [tilespmem:s9+$0xFFFFFF50]  }
0xc7: {  	v9 =	vmax.f32 v9, $0.0e+00;
	v2 =	vadd.f32 v6, v2;
	v6 =	vld [tilespmem:s28+$0x70];
	s28 =	smov.u32 s9  }
0xc8: {  	v13 =	vadd.f32 v13, v14;
	[tilespmem:s7+$0xD0] =	vst v9;
	v9 =	vld [tilespmem:s7+$0xE0]  }
0xc9: {  	v14 =	vld [tilespmem:s9+$0xE0];
	v15 =	vmax.f32 v2, $0.0e+00;
	v10 =	vadd.f32 v10, v1  }
0xca: {  	v2 =	vld [tilespmem:s7+$0xFFFFFF70];
	v1 =	vmax.f32 v13, $0.0e+00;
	v12 =	vadd.f32 v12, v7;
	[tilespmem:s26+$0xFFFFFF70] =	vst v15  }
0xcb: {  	v8 =	vadd.f32 v11, v8;
	[tilespmem:s7+$0xFFFFFFD0] =	vst v1;
	v1 =	vld [tilespmem:s7+$0xFFFFFFF0];
	v10 =	vmax.f32 v10, $0.0e+00  }
.Ltmp2:
0xcc: {  	v7 =	vld [tilespmem:s9+$0xFFFFFFE0];
	v11 =	vmax.f32 v12, $0.0e+00;
	[tilespmem:s26+$0xFFFFFFF0] =	vst v10;
	v6 =	vadd.f32 v6, v0;
	(pc) =	sbr.rel @p1 .LBB2_3-.Ltmp2, $4  }
0xcd: {  	v8 =	vmax.f32 v8, $0.0e+00;
	[tilespmem:s7+$0x50] =	vst v11;
	v0 =	vld [tilespmem:s7+$0x70]  }
0xce: {  	[tilespmem:s7+$0xFFFFFF50] =	vst v8;
	v8 =	vld [tilespmem:s9+$0x60];
	v10 =	vadd.f32 v14, v9;
	v6 =	vmax.f32 v6, $0.0e+00  }
0xcf: {  	v9 =	vld [tilespmem:s9+$0xFFFFFF60];
	[tilespmem:s26+$0x70] =	vst v6;
	s26 =	smov.u32 s7  }
0xd0: {  	s7 =	sadd.s32 $0x200, s7;
	v10 =	vmax.f32 v10, $0.0e+00;
	v6 =	vld [tilespmem:s26+$0xF0]  }
0xd1: {  	_ =	sdelay $0x2  }
0xd2: {  	v3 =	vadd.f32 v9, v3  }
0xd3: {  	v4 =	vadd.f32 v7, v4  }
0xd4: {  	[tilespmem:s26+$0xE0] =	vst v10;
	v5 =	vadd.f32 v8, v5;
	v3 =	vmax.f32 v3, $0.0e+00  }
0xd5: {  	v7 =	vld [tilespmem:s28+$0xF0];
	v4 =	vmax.f32 v4, $0.0e+00;
	[tilespmem:s26+$0xFFFFFF60] =	vst v3  }
0xd6: {  	[tilespmem:s26+$0xFFFFFFE0] =	vst v4;
	v3 =	vmax.f32 v5, $0.0e+00;
	v4 =	vld [tilespmem:s28+$0xFFFFFF70]  }
0xd7: {  	[tilespmem:s26+$0x60] =	vst v3;
	v3 =	vld [tilespmem:s28+$0xFFFFFFF0]  }
0xd8: {  	v5 =	vld [tilespmem:s28+$0x70];
	_ =	sdelay $0x1  }
0xd9: {  	v6 =	vadd.f32 v7, v6  }
0xda: {  	v2 =	vadd.f32 v4, v2  }
0xdb: {  	v4 =	vmax.f32 v6, $0.0e+00;
	v1 =	vadd.f32 v3, v1  }
0xdc: {  	[tilespmem:s26+$0xF0] =	vst v4;
	v0 =	vadd.f32 v5, v0;
	v2 =	vmax.f32 v2, $0.0e+00  }
0xdd: {  	v1 =	vmax.f32 v1, $0.0e+00;
	[tilespmem:s26+$0xFFFFFF70] =	vst v2  }
0xde: {  	p1 =	seq.s32 s19, $0x0;
	[tilespmem:s26+$0xFFFFFFF0] =	vst v1;
	v0 =	vmax.f32 v0, $0.0e+00  }
0xdf: {  	s2 =	simm.s32 @!p1 $0x8;
	[tilespmem:s26+$0x70] =	vst v0  }
0xe0: {  	_ =	swait.ge @!p1 [sflag:s2], $0x3000  }
0xe1: {  	[sflag:s2] =	ssyncset.done @!p1 $0x0  }
0xe2: {  	[sflag:s2] =	ssyncadd.s32 @!p1 $0xFFFFD000  }
0xe3: {  	_ =	swait.ge [sflag:s31], $0xC0  }
0xe4: {  	[sflag:s31] =	ssyncset.done $0x0  }
0xe5: {  	[sflag:s31] =	ssyncadd.s32 $0xFFFFFF40  }
0xe6: {  	[tilespmem:s0], [sflag:$0x4] =	stream.indirect.gather [hbm4b:s1+s23], $0x80, s21, s23, $0xb8;
	[tilespmem:$0x1FF00] =	vst v63  }
0xe7: {  	s9 =	simm.s32 $0x1FD30;
	s7 =	simm.s32 $0x18400;
	s26 =	smul.u32 $0xC0, s19  }
0xe8: {  	[tilespmem:s7], [sflag:$0x4] =	stream.indirect.gather [hbm4b:s1+s23], $0x80, s9, s23, $0xb8;
	[tilespmem:$0x1FF00] =	vst v63  }
0xe9: {  	s7 =	sadd.s32 s26, s13  }
0xea: {  	s2 =	sshll.u32 s7, $0x4  }
0xeb: {  	s9 =	simm.s32 $0x1CC00;
	s2 =	sadd.s32 s5, s2  }
0xec: {  	[tilespmem:s9], [sflag:$0x6] =	stream.linear.gather [hbm4b:s2+s4], $0x3000, $0x38;
	[tilespmem:$0x1FF00] =	vst v63  }
0xed: {  	_ = 	snop  }
0xee: {  	[spmem:s3] =	stream.indirect.scatter.add.f32 [tilespmem:s24], [sflag:$0x7], $0x80, s11, s10, $0xb8;
	[tilespmem:$0x1FF00] =	vst v63  }
0xef: {  	_ =	swait.ge [sflag:s16], $0x3000  }
0xf0: {  	[sflag:s16] =	ssyncset.done $0x0  }
0xf1: {  	[sflag:s16] =	ssyncadd.s32 $0xFFFFD000  }
0xf2: {  	_ =	swait.ge [sflag:s17], $0x3000  }
0xf3: {  	[sflag:s17] =	ssyncset.done $0x0  }
0xf4: {  	[sflag:s17] =	ssyncadd.s32 $0xFFFFD000  }
0xf5: {  	v0 =	vld [tilespmem:$0x1FD60]  }
0xf6: {  	v1 =	vld [tilespmem:$0x1FD70]  }
0xf7: {  	v2 =	vld [tilespmem:$0x1FD80]  }
0xf8: {  	v3 =	vld [tilespmem:$0x1FD90]  }
0xf9: {  	v4 =	vld [tilespmem:$0x1FDA0]  }
0xfa: {  	[tilespmem:$0x1FE80] =	vst v0;
	v0 =	vld [tilespmem:$0x1FDB0]  }
0xfb: {  	[tilespmem:$0x1FE90] =	vst v1  }
0xfc: {  	s2 =	sadd.s32 @!p0 s25, s14;
	[tilespmem:$0x1FEA0] =	vst v2  }
0xfd: {  	s2 =	smul.u32 @!p0 $0x18, s2;
	[tilespmem:$0x1FEB0] =	vst v3  }
0xfe: {  	s7 =	simm.s32 @!p0 $0x0;
	[tilespmem:$0x1FEC0] =	vst v4  }
0xff: {  	s9 =	simm.s32 @!p0 $0x1FD00;
	s25 =	simm.s32 $0x16D00;
	s2 =	sadd.s32 @!p0 s6, s2;
	[tilespmem:$0x1FED0] =	vst v0  }
0x100: {  	[tilespmem:s9], [sflag:$0x2] =	stream.linear.gather @!p0 [hbm4b:s2+s7], $0xC0, $0x38;
	[tilespmem:$0x1FF00] =	vst v63  }
0x101: {  	s28 =	simm.s32 $0x1CD00;
	v0 =	vld [tilespmem:s25+$0x80]  }
0x102: {  	v1 =	vld [tilespmem:s28+$0x80]  }
0x103: {  	v2 =	vld [tilespmem:s28+$0xFFFFFF00]  }
0x104: {  	v3 =	vld [tilespmem:s25+$0xFFFFFF80]  }
0x105: {  	v4 =	vld [tilespmem:s28+$0xFFFFFF80]  }
0x106: {  	v5 =	vld [tilespmem:s28+$0x0]  }
0x107: {  	v0 =	vadd.f32 v1, v0;
	v1 =	vld [tilespmem:s25+$0x0]  }
0x108: {  	v6 =	vld [tilespmem:s25+$0xFFFFFF00]  }
0x109: {  	v0 =	vmax.f32 v0, $0.0e+00  }
0x10a: {  	v3 =	vadd.f32 v4, v3;
	[tilespmem:s25+$0x80] =	vst v0;
	v0 =	vld [tilespmem:s25+$0x90]  }
0x10b: {  	v7 =	vld [tilespmem:s28+$0x90]  }
0x10c: {  	v8 =	vld [tilespmem:s25+$0xFFFFFF90];
	v3 =	vmax.f32 v3, $0.0e+00;
	v1 =	vadd.f32 v5, v1  }
0x10d: {  	v4 =	vld [tilespmem:s25+$0xFFFFFF10];
	v2 =	vadd.f32 v2, v6;
	[tilespmem:s25+$0xFFFFFF80] =	vst v3  }
0x10e: {  	v5 =	vld [tilespmem:s28+$0xFFFFFF90];
	v1 =	vmax.f32 v1, $0.0e+00  }
0x10f: {  	v2 =	vmax.f32 v2, $0.0e+00;
	v3 =	vld [tilespmem:s25+$0x10];
	[tilespmem:s25+$0x0] =	vst v1  }
0x110: {  	[tilespmem:s25+$0xFFFFFF00] =	vst v2;
	v0 =	vadd.f32 v7, v0;
	v1 =	vld [tilespmem:s28+$0x10]  }
0x111: {  	v2 =	vld [tilespmem:s28+$0xFFFFFF10]  }
0x112: {  	v0 =	vmax.f32 v0, $0.0e+00  }
0x113: {  	v5 =	vadd.f32 v5, v8;
	[tilespmem:s25+$0x90] =	vst v0;
	v0 =	vld [tilespmem:s25+$0xA0]  }
0x114: {  	v7 =	vld [tilespmem:s28+$0xA0]  }
0x115: {  	v6 =	vld [tilespmem:s25+$0xFFFFFF20];
	v5 =	vmax.f32 v5, $0.0e+00;
	v1 =	vadd.f32 v1, v3  }
0x116: {  	v2 =	vadd.f32 v2, v4;
	v8 =	vld [tilespmem:s25+$0xFFFFFFA0];
	[tilespmem:s25+$0xFFFFFF90] =	vst v5  }
0x117: {  	v4 =	vld [tilespmem:s28+$0xFFFFFFA0];
	v1 =	vmax.f32 v1, $0.0e+00  }
0x118: {  	v2 =	vmax.f32 v2, $0.0e+00;
	v3 =	vld [tilespmem:s25+$0x20];
	[tilespmem:s25+$0x10] =	vst v1  }
0x119: {  	[tilespmem:s25+$0xFFFFFF10] =	vst v2;
	v0 =	vadd.f32 v7, v0;
	v1 =	vld [tilespmem:s28+$0x20]  }
0x11a: {  	v2 =	vld [tilespmem:s28+$0xFFFFFF20]  }
0x11b: {  	v0 =	vmax.f32 v0, $0.0e+00  }
0x11c: {  	v4 =	vadd.f32 v4, v8;
	[tilespmem:s25+$0xA0] =	vst v0;
	v0 =	vld [tilespmem:s25+$0xB0]  }
0x11d: {  	v7 =	vld [tilespmem:s28+$0xB0]  }
0x11e: {  	v9 =	vld [tilespmem:s25+$0x30];
	v4 =	vmax.f32 v4, $0.0e+00;
	v1 =	vadd.f32 v1, v3  }
0x11f: {  	v2 =	vadd.f32 v2, v6;
	v8 =	vld [tilespmem:s25+$0xFFFFFFB0];
	[tilespmem:s25+$0xFFFFFFA0] =	vst v4  }
0x120: {  	v3 =	vld [tilespmem:s28+$0xFFFFFFB0];
	v1 =	vmax.f32 v1, $0.0e+00  }
0x121: {  	v5 =	vld [tilespmem:s25+$0xFFFFFF30];
	[tilespmem:s25+$0x20] =	vst v1;
	v1 =	vmax.f32 v2, $0.0e+00  }
0x122: {  	v0 =	vadd.f32 v7, v0;
	[tilespmem:s25+$0xFFFFFF20] =	vst v1;
	v1 =	vld [tilespmem:s28+$0x30]  }
0x123: {  	v6 =	vld [tilespmem:s28+$0xFFFFFF30]  }
0x124: {  	v10 =	vld [tilespmem:s25+$0xFFFFFF40];
	v0 =	vmax.f32 v0, $0.0e+00  }
0x125: {  	v3 =	vadd.f32 v3, v8;
	[tilespmem:s25+$0xB0] =	vst v0;
	v0 =	vld [tilespmem:s25+$0xC0]  }
0x126: {  	v7 =	vld [tilespmem:s28+$0xC0]  }
0x127: {  	v11 =	vld [tilespmem:s25+$0xFFFFFFD0];
	v3 =	vmax.f32 v3, $0.0e+00;
	v1 =	vadd.f32 v1, v9  }
0x128: {  	v4 =	vld [tilespmem:s25+$0xFFFFFFC0];
	[tilespmem:s25+$0xFFFFFFB0] =	vst v3;
	v5 =	vadd.f32 v6, v5  }
0x129: {  	v6 =	vld [tilespmem:s28+$0xFFFFFFC0];
	v1 =	vmax.f32 v1, $0.0e+00  }
0x12a: {  	v2 =	vld [tilespmem:s25+$0x40];
	[tilespmem:s25+$0x30] =	vst v1;
	v1 =	vmax.f32 v5, $0.0e+00  }
0x12b: {  	v0 =	vadd.f32 v7, v0;
	v5 =	vld [tilespmem:s28+$0x40];
	[tilespmem:s25+$0xFFFFFF30] =	vst v1  }
0x12c: {  	v1 =	vld [tilespmem:s28+$0xFFFFFF40]  }
0x12d: {  	v8 =	vld [tilespmem:s25+$0xFFFFFF50];
	v0 =	vmax.f32 v0, $0.0e+00  }
0x12e: {  	[tilespmem:s25+$0xC0] =	vst v0;
	v0 =	vadd.f32 v6, v4;
	v6 =	vld [tilespmem:s25+$0xD0]  }
0x12f: {  	v7 =	vld [tilespmem:s28+$0xD0]  }
0x130: {  	v3 =	vld [tilespmem:s25+$0xFFFFFF60];
	v0 =	vmax.f32 v0, $0.0e+00;
	v2 =	vadd.f32 v5, v2  }
0x131: {  	v9 =	vld [tilespmem:s25+$0x50];
	[tilespmem:s25+$0xFFFFFFC0] =	vst v0;
	v0 =	vadd.f32 v1, v10  }
0x132: {  	v1 =	vld [tilespmem:s28+$0xFFFFFFD0];
	v2 =	vmax.f32 v2, $0.0e+00  }
0x133: {  	v4 =	vld [tilespmem:s25+$0xFFFFFFE0];
	[tilespmem:s25+$0x40] =	vst v2;
	v0 =	vmax.f32 v0, $0.0e+00  }
0x134: {  	v2 =	vld [tilespmem:s28+$0x50];
	v6 =	vadd.f32 v7, v6;
	[tilespmem:s25+$0xFFFFFF40] =	vst v0  }
0x135: {  	v0 =	vld [tilespmem:s28+$0xFFFFFF50]  }
0x136: {  	v5 =	vld [tilespmem:s25+$0x60];
	v6 =	vmax.f32 v6, $0.0e+00  }
0x137: {  	v1 =	vadd.f32 v1, v11;
	[tilespmem:s25+$0xD0] =	vst v6;
	v6 =	vld [tilespmem:s25+$0xE0]  }
0x138: {  	v10 =	vld [tilespmem:s28+$0xE0]  }
0x139: {  	v1 =	vmax.f32 v1, $0.0e+00;
	v7 =	vadd.f32 v2, v9;
	v2 =	vld [tilespmem:s25+$0xFFFFFF70]  }
0x13a: {  	[tilespmem:s25+$0xFFFFFFD0] =	vst v1;
	v0 =	vadd.f32 v0, v8;
	v1 =	vld [tilespmem:s25+$0xFFFFFFF0]  }
0x13b: {  	v8 =	vmax.f32 v7, $0.0e+00;
	v7 =	vld [tilespmem:s28+$0xFFFFFFE0]  }
0x13c: {  	[tilespmem:s25+$0x50] =	vst v8;
	v8 =	vmax.f32 v0, $0.0e+00;
	v0 =	vld [tilespmem:s25+$0x70]  }
0x13d: {  	[tilespmem:s25+$0xFFFFFF50] =	vst v8;
	v8 =	vld [tilespmem:s28+$0x60];
	v6 =	vadd.f32 v10, v6  }
0x13e: {  	v9 =	vld [tilespmem:s28+$0xFFFFFF60]  }
0x13f: {  	s2 =	simm.s32 $0x0;
	s7 =	simm.s32 $0x16F00;
	s9 =	simm.s32 $0x1CD00;
	v10 =	vmax.f32 v6, $0.0e+00;
	v6 =	vld [tilespmem:s25+$0xF0]  }
.LBB2_5:
0x140: {  	v11 =	vld [tilespmem:s7+$0x80];
	v4 =	vadd.f32 v7, v4;
	[tilespmem:s25+$0xE0] =	vst v10  }
0x141: {  	s9 =	sadd.s32 $0x200, s9;
	v7 =	vld [tilespmem:s28+$0xF0]  }
0x142: {  	s2 =	sadd.s32 $0x4, s2;
	v10 =	vld [tilespmem:s9+$0x80];
	v4 =	vmax.f32 v4, $0.0e+00;
	v5 =	vadd.f32 v8, v5  }
0x143: {  	p1 =	slt.u32 s2, $0x5C;
	v8 =	vld [tilespmem:s9+$0xFFFFFF00];
	v3 =	vadd.f32 v9, v3;
	[tilespmem:s25+$0xFFFFFFE0] =	vst v4  }
0x144: {  	v4 =	vld [tilespmem:s7+$0xFFFFFF80];
	v5 =	vmax.f32 v5, $0.0e+00  }
0x145: {  	v9 =	vld [tilespmem:s9+$0xFFFFFF80];
	v3 =	vmax.f32 v3, $0.0e+00;
	[tilespmem:s25+$0x60] =	vst v5  }
0x146: {  	v5 =	vld [tilespmem:s7+$0x0];
	[tilespmem:s25+$0xFFFFFF60] =	vst v3;
	v3 =	vadd.f32 v7, v6  }
0x147: {  	v6 =	vld [tilespmem:s9+$0x0];
	v7 =	vadd.f32 v10, v11  }
0x148: {  	v10 =	vld [tilespmem:s7+$0xFFFFFF00];
	v3 =	vmax.f32 v3, $0.0e+00  }
0x149: {  	v11 =	vld [tilespmem:s7+$0xFFFFFF10];
	v7 =	vmax.f32 v7, $0.0e+00;
	[tilespmem:s25+$0xF0] =	vst v3  }
0x14a: {  	v3 =	vadd.f32 v9, v4;
	[tilespmem:s7+$0x80] =	vst v7;
	v4 =	vld [tilespmem:s7+$0x90]  }
0x14b: {  	v7 =	vld [tilespmem:s9+$0x90]  }
0x14c: {  	v3 =	vmax.f32 v3, $0.0e+00;
	v9 =	vld [tilespmem:s7+$0xFFFFFF90];
	v5 =	vadd.f32 v6, v5  }
0x14d: {  	v6 =	vadd.f32 v8, v10;
	[tilespmem:s7+$0xFFFFFF80] =	vst v3;
	v3 =	vld [tilespmem:s7+$0x10]  }
0x14e: {  	v8 =	vld [tilespmem:s9+$0xFFFFFF90];
	v5 =	vmax.f32 v5, $0.0e+00  }
0x14f: {  	v6 =	vmax.f32 v6, $0.0e+00;
	v10 =	vld [tilespmem:s7+$0xFFFFFF20];
	[tilespmem:s7+$0x0] =	vst v5  }
0x150: {  	[tilespmem:s7+$0xFFFFFF00] =	vst v6;
	v5 =	vld [tilespmem:s9+$0x10];
	v4 =	vadd.f32 v7, v4  }
0x151: {  	v6 =	vld [tilespmem:s9+$0xFFFFFF10]  }
0x152: {  	v7 =	vld [tilespmem:s7+$0xFFFFFFA0];
	v4 =	vmax.f32 v4, $0.0e+00  }
0x153: {  	v8 =	vadd.f32 v8, v9;
	[tilespmem:s7+$0x90] =	vst v4;
	v4 =	vld [tilespmem:s7+$0xA0]  }
0x154: {  	v9 =	vld [tilespmem:s9+$0xA0]  }
0x155: {  	v8 =	vmax.f32 v8, $0.0e+00;
	v3 =	vadd.f32 v5, v3;
	v5 =	vld [tilespmem:s7+$0x20]  }
0x156: {  	v6 =	vadd.f32 v6, v11;
	v11 =	vld [tilespmem:s7+$0xFFFFFF30];
	[tilespmem:s7+$0xFFFFFF90] =	vst v8  }
0x157: {  	v8 =	vld [tilespmem:s9+$0xFFFFFFA0];
	v3 =	vmax.f32 v3, $0.0e+00  }
0x158: {  	v6 =	vmax.f32 v6, $0.0e+00;
	v12 =	vld [tilespmem:s7+$0xFFFFFFB0];
	[tilespmem:s7+$0x10] =	vst v3  }
0x159: {  	[tilespmem:s7+$0xFFFFFF10] =	vst v6;
	v3 =	vld [tilespmem:s9+$0x20];
	v4 =	vadd.f32 v9, v4  }
0x15a: {  	v6 =	vld [tilespmem:s9+$0xFFFFFF20]  }
0x15b: {  	v9 =	vld [tilespmem:s7+$0x30];
	v4 =	vmax.f32 v4, $0.0e+00  }
0x15c: {  	v7 =	vadd.f32 v8, v7;
	[tilespmem:s7+$0xA0] =	vst v4;
	v4 =	vld [tilespmem:s7+$0xB0]  }
0x15d: {  	v8 =	vld [tilespmem:s9+$0xB0]  }
0x15e: {  	v13 =	vld [tilespmem:s7+$0xFFFFFF40];
	v7 =	vmax.f32 v7, $0.0e+00;
	v3 =	vadd.f32 v3, v5  }
0x15f: {  	v5 =	vadd.f32 v6, v10;
	[tilespmem:s7+$0xFFFFFFA0] =	vst v7;
	v6 =	vld [tilespmem:s7+$0xFFFFFFC0]  }
0x160: {  	v7 =	vld [tilespmem:s9+$0xFFFFFFB0];
	v3 =	vmax.f32 v3, $0.0e+00  }
0x161: {  	v5 =	vmax.f32 v5, $0.0e+00;
	[tilespmem:s7+$0x20] =	vst v3;
	v10 =	vld [tilespmem:s7+$0x40]  }
0x162: {  	[tilespmem:s7+$0xFFFFFF20] =	vst v5;
	v3 =	vld [tilespmem:s9+$0x30];
	v4 =	vadd.f32 v8, v4  }
0x163: {  	v5 =	vld [tilespmem:s9+$0xFFFFFF30]  }
0x164: {  	v8 =	vld [tilespmem:s7+$0xFFFFFF50];
	v4 =	vmax.f32 v4, $0.0e+00  }
0x165: {  	v7 =	vadd.f32 v7, v12;
	[tilespmem:s7+$0xB0] =	vst v4;
	v4 =	vld [tilespmem:s7+$0xC0]  }
0x166: {  	v12 =	vld [tilespmem:s9+$0xC0]  }
0x167: {  	v7 =	vmax.f32 v7, $0.0e+00;
	v14 =	vld [tilespmem:s7+$0xFFFFFFD0];
	v3 =	vadd.f32 v3, v9  }
0x168: {  	v5 =	vadd.f32 v5, v11;
	[tilespmem:s7+$0xFFFFFFB0] =	vst v7;
	v7 =	vld [tilespmem:s7+$0x50]  }
0x169: {  	v9 =	vld [tilespmem:s9+$0xFFFFFFC0];
	v11 =	vmax.f32 v3, $0.0e+00  }
0x16a: {  	v5 =	vmax.f32 v5, $0.0e+00;
	v3 =	vld [tilespmem:s7+$0xFFFFFF60];
	[tilespmem:s7+$0x30] =	vst v11  }
0x16b: {  	[tilespmem:s7+$0xFFFFFF30] =	vst v5;
	v5 =	vld [tilespmem:s9+$0x40];
	v11 =	vadd.f32 v12, v4  }
0x16c: {  	v12 =	vld [tilespmem:s9+$0xFFFFFF40]  }
0x16d: {  	v4 =	vld [tilespmem:s7+$0xFFFFFFE0];
	v11 =	vmax.f32 v11, $0.0e+00  }
0x16e: {  	v6 =	vadd.f32 v9, v6;
	[tilespmem:s7+$0xC0] =	vst v11;
	v9 =	vld [tilespmem:s7+$0xD0]  }
0x16f: {  	v11 =	vld [tilespmem:s9+$0xD0]  }
0x170: {  	v6 =	vmax.f32 v6, $0.0e+00;
	v10 =	vadd.f32 v5, v10;
	v5 =	vld [tilespmem:s7+$0x60]  }
0x171: {  	v12 =	vadd.f32 v12, v13;
	[tilespmem:s7+$0xFFFFFFC0] =	vst v6;
	v6 =	vld [tilespmem:s28+$0xFFFFFF70]  }
0x172: {  	v13 =	vld [tilespmem:s9+$0xFFFFFFD0];
	v10 =	vmax.f32 v10, $0.0e+00  }
0x173: {  	v12 =	vmax.f32 v12, $0.0e+00;
	[tilespmem:s7+$0x40] =	vst v10;
	v10 =	vld [tilespmem:s28+$0xFFFFFFF0]  }
0x174: {  	[tilespmem:s7+$0xFFFFFF40] =	vst v12;
	v12 =	vld [tilespmem:s9+$0x50];
	v9 =	vadd.f32 v11, v9  }
0x175: {  	v11 =	vld [tilespmem:s9+$0xFFFFFF50]  }
0x176: {  	v9 =	vmax.f32 v9, $0.0e+00;
	v2 =	vadd.f32 v6, v2;
	v6 =	vld [tilespmem:s28+$0x70];
	s28 =	smov.u32 s9  }
0x177: {  	v13 =	vadd.f32 v13, v14;
	[tilespmem:s7+$0xD0] =	vst v9;
	v9 =	vld [tilespmem:s7+$0xE0]  }
0x178: {  	v14 =	vld [tilespmem:s9+$0xE0];
	v15 =	vmax.f32 v2, $0.0e+00;
	v10 =	vadd.f32 v10, v1  }
0x179: {  	v2 =	vld [tilespmem:s7+$0xFFFFFF70];
	v1 =	vmax.f32 v13, $0.0e+00;
	v12 =	vadd.f32 v12, v7;
	[tilespmem:s25+$0xFFFFFF70] =	vst v15  }
0x17a: {  	v8 =	vadd.f32 v11, v8;
	[tilespmem:s7+$0xFFFFFFD0] =	vst v1;
	v1 =	vld [tilespmem:s7+$0xFFFFFFF0];
	v10 =	vmax.f32 v10, $0.0e+00  }
.Ltmp3:
0x17b: {  	v7 =	vld [tilespmem:s9+$0xFFFFFFE0];
	v11 =	vmax.f32 v12, $0.0e+00;
	[tilespmem:s25+$0xFFFFFFF0] =	vst v10;
	v6 =	vadd.f32 v6, v0;
	(pc) =	sbr.rel @p1 .LBB2_5-.Ltmp3, $4  }
0x17c: {  	v8 =	vmax.f32 v8, $0.0e+00;
	[tilespmem:s7+$0x50] =	vst v11;
	v0 =	vld [tilespmem:s7+$0x70]  }
0x17d: {  	[tilespmem:s7+$0xFFFFFF50] =	vst v8;
	v8 =	vld [tilespmem:s9+$0x60];
	v10 =	vadd.f32 v14, v9;
	v6 =	vmax.f32 v6, $0.0e+00  }
0x17e: {  	v9 =	vld [tilespmem:s9+$0xFFFFFF60];
	[tilespmem:s25+$0x70] =	vst v6;
	s25 =	smov.u32 s7  }
0x17f: {  	s7 =	sadd.s32 $0x200, s7;
	v10 =	vmax.f32 v10, $0.0e+00;
	v6 =	vld [tilespmem:s25+$0xF0]  }
0x180: {  	_ = 	snop  }
0x181: {  	v4 =	vadd.f32 v7, v4  }
0x182: {  	v5 =	vadd.f32 v8, v5  }
0x183: {  	[tilespmem:s25+$0xE0] =	vst v10;
	v4 =	vmax.f32 v4, $0.0e+00;
	v3 =	vadd.f32 v9, v3  }
0x184: {  	v58 =	vld [tilespmem:s28+$0xF0];
	[tilespmem:s25+$0xFFFFFFE0] =	vst v4;
	v59 =	vmax.f32 v5, $0.0e+00  }
0x185: {  	v61 =	vld [tilespmem:s28+$0xFFFFFFF0];
	v3 =	vmax.f32 v3, $0.0e+00;
	[tilespmem:s25+$0x60] =	vst v59  }
0x186: {  	[tilespmem:s25+$0xFFFFFF60] =	vst v3;
	v62 =	vld [tilespmem:s28+$0x70]  }
0x187: {  	v60 =	vld [tilespmem:s28+$0xFFFFFF70];
	_ =	sdelay $0x1  }
0x188: {  	v6 =	vadd.f32 v58, v6  }
0x189: {  	v1 =	vadd.f32 v61, v1  }
0x18a: {  	v63 =	vmax.f32 v6, $0.0e+00;
	v0 =	vadd.f32 v62, v0  }
0x18b: {  	[tilespmem:s25+$0xF0] =	vst v63;
	v1 =	vmax.f32 v1, $0.0e+00;
	v2 =	vadd.f32 v60, v2  }
0x18c: {  	[tilespmem:s25+$0xFFFFFFF0] =	vst v1;
	v0 =	vmax.f32 v0, $0.0e+00  }
.Ltmp4:
0x18d: {  	v2 =	vmax.f32 v2, $0.0e+00;
	[tilespmem:s25+$0x70] =	vst v0;
	(pc) =	sbr.rel @p0 .LBB2_8-.Ltmp4, $4  }
0x18e: {  	[tilespmem:s25+$0xFFFFFF70] =	vst v2  }
0x18f: {  	_ =	swait.ge [sflag:s8], $0x3000  }
0x190: {  	[sflag:s8] =	ssyncset.done $0x0  }
0x191: {  	[sflag:s8] =	ssyncadd.s32 $0xFFFFD000  }
0x192: {  	_ =	swait.ge [sflag:s22], $0xC0  }
0x193: {  	[sflag:s22] =	ssyncset.done $0x0  }
0x194: {  	[sflag:s22] =	ssyncadd.s32 $0xFFFFFF40  }
0x195: {  	[tilespmem:s24], [sflag:$0x3] =	stream.indirect.gather [hbm4b:s1+s23], $0x80, s20, s23, $0xb8;
	[tilespmem:$0x1FF00] =	vst v63  }
0x196: {  	s2 =	simm.s32 $0x1FC30;
	s7 =	simm.s32 $0x15400;
	s26 =	sadd.s32 s26, s15  }
0x197: {  	[tilespmem:s7], [sflag:$0x3] =	stream.indirect.gather [hbm4b:s1+s23], $0x80, s2, s23, $0xb8;
	[tilespmem:$0x1FF00] =	vst v63  }
.Ltmp5:
0x198: {  	s2 =	sshll.u32 s26, $0x4;
	(pc) =	sbr.rel .LBB2_2-.Ltmp5, $4  }
0x199: {  	s28 =	simm.s32 $0x19C00;
	s2 =	sadd.s32 s5, s2  }
0x19a: {  	[tilespmem:s28], [sflag:$0x5] =	stream.linear.gather [hbm4b:s2+s4], $0x3000, $0x38;
	[tilespmem:$0x1FF00] =	vst v63  }
0x19b: {  	s19 =	sadd.s32 $0x1, s19  }
0x19c: {  	[spmem:s3] =	stream.indirect.scatter.add.f32 [tilespmem:s0], [sflag:$0x8], $0x80, s18, s10, $0xb8;
	[tilespmem:$0x1FF00] =	vst v63  }
.LBB2_9:
0x19d: {  	_ =	sfence.sel $0x180000  }
0x19e: {  	[bflag:$0x0] =	sbarrier.arrive $0xFFFF  }
0x19f: {  	_ =	strace $0x9000004D  }
0x1a0: {  	s0 =	stileid.u32;
	[bflag:$0x2] =	sbarrier.arrive $0xFFFF  }
0x1a1: {  	p0 =	sne.s32 s0, $0x0;
	s0 =	rddreg [dreg:$0x3]  }
0x1a2: {  	s0 =	sadd.s32 @!p0 $0x100000, s0  }
0x1a3: {  	[sflag:s0] =	ssyncadd.tile.s32 @!p0 $0x1;
	_ =	shalt  }
.Lfunc_end2:
_tile_overlayer_lowered:
.L_overlay_start_2:
0x1a4: {  	(tag) =	ssettag $0x2  }
0x1a5: {  	s0 =	rddreg [dreg:$0x0];
	s2 =	stileid.u32  }
0x1a6: {  	s1 =	rddreg [dreg:$0x1];
	p0 =	sne.s32 s2, $0x0  }
0x1a7: {  	s3 =	rddreg [dreg:$0x2];
	[bflag:$0x3] =	sbarrier.arrive $0xFFFF;
	s2 =	simm.s32 @!p0 $0x1C09  }
0x1a8: {  	[timem:s3], [sflag:s2] =	dma.local @!p0 [hbm:s0], s1  }
0x1a9: {  	s0 =	simm.s32 @!p0 $0x9  }
0x1aa: {  	_ =	swait.ge @!p0 [sflag:s0], s1  }
0x1ab: {  	s1 =	ssub.s32 @!p0 $0x0, s1;
	[sflag:s0] =	ssyncset.done @!p0 $0x0  }
0x1ac: {  	[sflag:s0] =	ssyncadd.s32 @!p0 s1  }
0x1ad: {  	[bflag:$0x3] =	sbarrier.arrive $0xFFFF  }
0x1ae: {  	_ =	shalt  }

</sc_bundles>
